<compile_context>
chip_gen: v7x
topology: tpu7x:2x2x1
jax: 0.10.2.dev20260603
libtpu: 0.0.44.dev20260713+nightly
codegen_flags: <defaults>
</compile_context>

<pallas_src>
import functools

import jax
import jax.numpy as jnp
from jax import lax
from jax.experimental import pallas as pl
from jax.experimental.pallas import tpu as pltpu
from jax.experimental.pallas import tpu_sc as plsc

N = 10000
E = 320000
D = 128
NPAD = 10240
NW = 32
EW = E // NW

EBA = 100
NBA = EW // EBA
EBG = 125
NCHUNK = 4
EC = E // NCHUNK
EWC = EC // NW
NBG = EWC // EBG
ROWS_PER_SUB = NPAD // 16

_MESH = plsc.VectorSubcoreMesh(core_axis_name="c", subcore_axis_name="s")
_SC_PARAMS = pltpu.CompilerParams(
    needs_layout_passes=False, use_tc_tiling_on_sc=False
)




@functools.partial(
    pl.kernel,
    mesh=_MESH,
    out_type=jax.ShapeDtypeStruct((NW, NPAD), jnp.float32),
    compiler_params=_SC_PARAMS,
    scratch_types=[
        pltpu.VMEM((EW,), jnp.int32),
        pltpu.VMEM((NPAD,), jnp.float32),
    ],
)
def _deg_sc(dst_hbm, out_hbm, dst_v, hist_v):
    wid = lax.axis_index("s") * 2 + lax.axis_index("c")
    pltpu.sync_copy(dst_hbm.at[pl.ds(wid * EW, EW)], dst_v)

    def zero_body(i, carry):
        hist_v[pl.ds(i * 16, 16)] = jnp.zeros((16,), jnp.float32)
        return carry

    lax.fori_loop(0, NPAD // 16, zero_body, 0)
    ones = jnp.full((16,), 1.0, jnp.float32)

    def body(g, carry):
        idx = dst_v[pl.ds(g * 16, 16)]
        plsc.addupdate_scatter(hist_v, [idx], ones)
        return carry

    lax.fori_loop(0, EW // 16, body, 0)
    pltpu.sync_copy(hist_v, out_hbm.at[wid])


@functools.partial(
    pl.kernel,
    mesh=_MESH,
    out_type=jax.ShapeDtypeStruct((2, NPAD, D), jnp.float32),
    compiler_params=_SC_PARAMS,
    scratch_types=[
        pltpu.VMEM((NBA, EBA), jnp.int32),
        pltpu.VMEM((NBA, EBA), jnp.int32),
        pltpu.VMEM((2, EBA, D), jnp.float32),
        pltpu.VMEM_SHARED((NPAD, D), jnp.float32),
        pltpu.SemaphoreType.DMA,
        pltpu.SemaphoreType.DMA,
        pltpu.SemaphoreType.DMA,
        pltpu.SemaphoreType.DMA,
    ],
)
def _edge_acc_sc(y_hbm, src_hbm, dst_hbm, out_hbm, src_v, dst_v, rows2_v, acc_sh, g0, g1, s0, s1):
    cid = lax.axis_index("c")
    sid = lax.axis_index("s")
    wid = sid * 2 + cid
    sem_g = (g0, g1)
    sem_s = (s0, s1)
    pltpu.sync_copy(src_hbm.at[pl.ds(wid * NBA, NBA)], src_v)
    pltpu.sync_copy(dst_hbm.at[pl.ds(wid * NBA, NBA)], dst_v)

    def zero_row(i, carry):
        def zcol(j, c2):
            rows2_v[0, i, pl.ds(j * 16, 16)] = jnp.zeros((16,), jnp.float32)
            return c2

        return lax.fori_loop(0, D // 16, zcol, carry)

    lax.fori_loop(0, 64, zero_row, 0)

    def zero_copy(i, carry):
        pltpu.sync_copy(
            rows2_v.at[0, pl.ds(0, 64)],
            acc_sh.at[pl.ds(sid * ROWS_PER_SUB + i * 64, 64)],
        )
        return carry

    lax.fori_loop(0, ROWS_PER_SUB // 64, zero_copy, 0)
    plsc.subcore_barrier()

    def g_start(b, buf):
        pltpu.async_copy(y_hbm.at[src_v.at[b]], rows2_v.at[buf], sem_g[buf])

    def g_wait(b, buf):
        pltpu.make_async_copy(
            y_hbm.at[src_v.at[b]], rows2_v.at[buf], sem_g[buf]
        ).wait()

    def s_start(b, buf):
        pltpu.async_copy(
            rows2_v.at[buf], acc_sh.at[dst_v.at[b]], sem_s[buf], add=True
        )

    def s_wait(b, buf):
        pltpu.make_async_copy(
            rows2_v.at[buf], acc_sh.at[dst_v.at[b]], sem_s[buf]
        ).wait()

    g_start(0, 0)

    def edge_body(i, carry):
        for buf in range(2):
            b = i * 2 + buf
            g_wait(b, buf)

            @pl.when(b + 1 < NBA)
            def _():
                @pl.when(b >= 1)
                def _():
                    s_wait(b - 1, 1 - buf)

                g_start(b + 1, 1 - buf)

            s_start(b, buf)
        return carry

    lax.fori_loop(0, NBA // 2, edge_body, 0)
    s_wait(NBA - 2, 0)
    s_wait(NBA - 1, 1)
    plsc.subcore_barrier()

    def out_body(i, carry):
        r0 = sid * ROWS_PER_SUB + i * 64
        pltpu.sync_copy(acc_sh.at[pl.ds(r0, 64)], rows2_v.at[0, pl.ds(0, 64)])
        pltpu.sync_copy(rows2_v.at[0, pl.ds(0, 64)], out_hbm.at[cid, pl.ds(r0, 64)])
        return carry

    lax.fori_loop(0, ROWS_PER_SUB // 64, out_body, 0)


@functools.partial(
    pl.kernel,
    mesh=_MESH,
    out_type=(
        jax.ShapeDtypeStruct((EC, D), jnp.float32),
        jax.ShapeDtypeStruct((EC, D), jnp.float32),
    ),
    compiler_params=_SC_PARAMS,
    scratch_types=[
        pltpu.VMEM((NBG, EBG), jnp.int32),
        pltpu.VMEM((NBG, EBG), jnp.int32),
        pltpu.VMEM((2, EBG, D), jnp.float32),
        pltpu.VMEM((2, EBG, D), jnp.float32),
        pltpu.SemaphoreType.DMA,
        pltpu.SemaphoreType.DMA,
        pltpu.SemaphoreType.DMA,
        pltpu.SemaphoreType.DMA,
        pltpu.SemaphoreType.DMA,
        pltpu.SemaphoreType.DMA,
        pltpu.SemaphoreType.DMA,
        pltpu.SemaphoreType.DMA,
    ],
)
def _gather_pair_sc(
    z_hbm, src_hbm, dst_hbm, sg_hbm, dg_hbm,
    src_v, dst_v, sb_v, db_v,
    gs0, gs1, gd0, gd1, ws0, ws1, wd0, wd1,
):
    cid = lax.axis_index("c")
    sid = lax.axis_index("s")
    wid = sid * 2 + cid
    sem_gs = (gs0, gs1)
    sem_gd = (gd0, gd1)
    sem_ws = (ws0, ws1)
    sem_wd = (wd0, wd1)
    pltpu.sync_copy(src_hbm.at[pl.ds(wid * NBG, NBG)], src_v)
    pltpu.sync_copy(dst_hbm.at[pl.ds(wid * NBG, NBG)], dst_v)

    def g_start(b, buf):
        pltpu.async_copy(z_hbm.at[src_v.at[b]], sb_v.at[buf], sem_gs[buf])
        pltpu.async_copy(z_hbm.at[dst_v.at[b]], db_v.at[buf], sem_gd[buf])

    def g_wait(b, buf):
        pltpu.make_async_copy(z_hbm.at[src_v.at[b]], sb_v.at[buf], sem_gs[buf]).wait()
        pltpu.make_async_copy(z_hbm.at[dst_v.at[b]], db_v.at[buf], sem_gd[buf]).wait()

    def w_start(b, buf):
        off = wid * EWC + b * EBG
        pltpu.async_copy(sb_v.at[buf], sg_hbm.at[pl.ds(off, EBG)], sem_ws[buf])
        pltpu.async_copy(db_v.at[buf], dg_hbm.at[pl.ds(off, EBG)], sem_wd[buf])

    def w_wait(b, buf):
        off = wid * EWC + b * EBG
        pltpu.make_async_copy(sb_v.at[buf], sg_hbm.at[pl.ds(off, EBG)], sem_ws[buf]).wait()
        pltpu.make_async_copy(db_v.at[buf], dg_hbm.at[pl.ds(off, EBG)], sem_wd[buf]).wait()

    g_start(0, 0)

    def block_body(i, carry):
        for buf in range(2):
            b = i * 2 + buf
            g_wait(b, buf)

            @pl.when(b + 1 < NBG)
            def _():
                @pl.when(b >= 1)
                def _():
                    w_wait(b - 1, 1 - buf)

                g_start(b + 1, 1 - buf)

            w_start(b, buf)
        return carry

    lax.fori_loop(0, NBG // 2, block_body, 0)
    w_wait(NBG - 2, 0)
    w_wait(NBG - 1, 1)




def _dinv_body(parts_ref, o_ref):
    deg = jnp.sum(parts_ref[...], axis=0) + 1.0
    o_ref[...] = jax.lax.rsqrt(deg)


def _dinv_from_parts(parts):
    P = parts.shape[0]
    return pl.pallas_call(
        _dinv_body,
        grid=(NPAD // 1024,),
        in_specs=[pl.BlockSpec((P, 1024), lambda i: (0, i))],
        out_specs=pl.BlockSpec((1024,), lambda i: (i,)),
        out_shape=jax.ShapeDtypeStruct((NPAD,), jnp.float32),
    )(parts)


def _y_body(x_ref, w_ref, dinv_ref, o_ref):
    o_ref[...] = (x_ref[...] @ w_ref[...]) * dinv_ref[...]


def _scaled_matmul(x, w, dinv_col):
    B = 400
    return pl.pallas_call(
        _y_body,
        grid=(N // B,),
        in_specs=[
            pl.BlockSpec((B, D), lambda i: (i, 0)),
            pl.BlockSpec((D, D), lambda i: (0, 0)),
            pl.BlockSpec((B, 1), lambda i: (i, 0)),
        ],
        out_specs=pl.BlockSpec((B, D), lambda i: (i, 0)),
        out_shape=jax.ShapeDtypeStruct((N, D), jnp.float32),
    )(x, w, dinv_col)


def _layer1_body(acc_ref, y_ref, dinv_ref, b_ref, w_ref, o_ref):
    a = acc_ref[0] + acc_ref[1]
    h = jax.nn.relu(dinv_ref[...] * (a + y_ref[...]) + b_ref[...])
    o_ref[...] = (h @ w_ref[...]) * dinv_ref[...]


def _layer1_finish(acc_parts, y1, dinv_col, b1_row, w2):
    B = 400
    return pl.pallas_call(
        _layer1_body,
        grid=(N // B,),
        in_specs=[
            pl.BlockSpec((2, B, D), lambda i: (0, i, 0)),
            pl.BlockSpec((B, D), lambda i: (i, 0)),
            pl.BlockSpec((B, 1), lambda i: (i, 0)),
            pl.BlockSpec((1, D), lambda i: (0, 0)),
            pl.BlockSpec((D, D), lambda i: (0, 0)),
        ],
        out_specs=pl.BlockSpec((B, D), lambda i: (i, 0)),
        out_shape=jax.ShapeDtypeStruct((N, D), jnp.float32),
    )(acc_parts, y1, dinv_col, b1_row, w2)


def _layer2_body(acc_ref, y_ref, dinv_ref, b_ref, o_ref):
    a = acc_ref[0] + acc_ref[1]
    o_ref[...] = dinv_ref[...] * (a + y_ref[...]) + b_ref[...]


def _layer2_finish(acc_parts, y2, dinv_col, b2_row):
    B = 400
    return pl.pallas_call(
        _layer2_body,
        grid=(N // B,),
        in_specs=[
            pl.BlockSpec((2, B, D), lambda i: (0, i, 0)),
            pl.BlockSpec((B, D), lambda i: (i, 0)),
            pl.BlockSpec((B, 1), lambda i: (i, 0)),
            pl.BlockSpec((1, D), lambda i: (0, 0)),
        ],
        out_specs=pl.BlockSpec((B, D), lambda i: (i, 0)),
        out_shape=jax.ShapeDtypeStruct((N, D), jnp.float32),
    )(acc_parts, y2, dinv_col, b2_row)


def _rowdot_body(s_ref, d_ref, o_ref):
    o_ref[...] = jnp.sum(s_ref[...] * d_ref[...], axis=1)


def _rowdot_tc(sg, dg):
    B = 2048
    n = sg.shape[0]
    return pl.pallas_call(
        _rowdot_body,
        grid=(pl.cdiv(n, B),),
        in_specs=[
            pl.BlockSpec((B, D), lambda i: (i, 0)),
            pl.BlockSpec((B, D), lambda i: (i, 0)),
        ],
        out_specs=pl.BlockSpec((B,), lambda i: (i,)),
        out_shape=jax.ShapeDtypeStruct((n,), jnp.float32),
    )(sg, dg)




def kernel(x, edge_index, W1, b1, W2, b2):
    src = edge_index[0]
    dst = edge_index[1]
    src_a = src.reshape(E // EBA, EBA)
    dst_a = dst.reshape(E // EBA, EBA)
    src_g = src.reshape(E // EBG, EBG)
    dst_g = dst.reshape(E // EBG, EBG)
    nrows_c = EC // EBG
    parts = _deg_sc(dst)
    dinv = _dinv_from_parts(parts)
    dinv_col = dinv[:N].reshape(N, 1)
    y1 = _scaled_matmul(x, W1, dinv_col)
    acc1 = _edge_acc_sc(y1, src_a, dst_a)
    y2 = _layer1_finish(acc1, y1, dinv_col, b1.reshape(1, D), W2)
    acc2 = _edge_acc_sc(y2, src_a, dst_a)
    z = _layer2_finish(acc2, y2, dinv_col, b2.reshape(1, D))
    res = []
    for h in range(NCHUNK):
        rows = slice(h * nrows_c, (h + 1) * nrows_c)
        sg, dg = _gather_pair_sc(z, src_g[rows], dst_g[rows])
        res.append(_rowdot_tc(sg, dg))
    return jnp.concatenate(res)

# --- scband reference (transcript-rebuilt; emitter-appended) ---
"""Pipeline reference for scband-gcnlink-predictor-54030688584262 (READ-ONLY COPY).

The authoritative reference and input builder live on the scoring server;
editing this copy changes nothing except your own understanding.
"""

import jax, jax.numpy as jnp
import numpy as np

N = 10000
E = 320000
D = 128
H = 128


def setup_inputs(seed: int = 0) -> dict:
    key = jax.random.key(seed)
    k1, k2, k3, k4 = jax.random.split(key, 4)
    x = jax.random.normal(k1, (N, D), dtype=jnp.float32)
    edge_index = jax.random.randint(k2, (2, E), 0, N)
    # GCNConv learned parameters (glorot-ish scale), bias zeros like PyG default
    W1 = jax.random.normal(k3, (D, H), dtype=jnp.float32) * (1.0 / np.sqrt(D))
    b1 = jnp.zeros((H,), dtype=jnp.float32)
    W2 = jax.random.normal(k4, (H, H), dtype=jnp.float32) * (1.0 / np.sqrt(H))
    b2 = jnp.zeros((H,), dtype=jnp.float32)
    return {"x": x, "edge_index": edge_index, "W1": W1, "b1": b1, "W2": W2, "b2": b2}


def _gcn_conv(x, edge_index, W, b):
    # PyG GCNConv: add self-loops, symmetric normalization D^-1/2 (A+I) D^-1/2 X W + b
    xw = x @ W
    loop = jnp.arange(N)
    src = jnp.concatenate([edge_index[0], loop])
    dst = jnp.concatenate([edge_index[1], loop])
    deg = jax.ops.segment_sum(jnp.ones_like(src, dtype=xw.dtype), dst, num_segments=N)
    dinv = jnp.where(deg > 0, jax.lax.rsqrt(jnp.maximum(deg, 1e-12)), 0.0)
    norm = dinv[src] * dinv[dst]
    msg = xw[src] * norm[:, None]
    out = jax.ops.segment_sum(msg, dst, num_segments=N)
    return out + b


def reference(x, edge_index, W1, b1, W2, b2):
    z = jax.nn.relu(_gcn_conv(x, edge_index, W1, b1))
    z = _gcn_conv(z, edge_index, W2, b2)
    s = z[edge_index[0]]
    d = z[edge_index[1]]
    return (s * d).sum(axis=1)

if __name__ == "__main__":
    import jax
    _d = setup_inputs()
    print(jax.jit(kernel)(*tuple(_d.values())))

</pallas_src>

<mosaic_0001>
#map = affine_map<(d0, d1) -> (0)>
#map1 = affine_map<(d0, d1) -> (0, 0)>
module attributes {stable_mosaic.version = 14 : i64} {
  func.func @_deg_sc(%arg0: i32, %arg1: i32, %arg2: memref<320000xi32, #tpu.memory_space<hbm>>, %arg3: memref<32x10240xf32, #tpu.memory_space<hbm>>, %arg4: memref<10000xi32, #tpu.memory_space<vmem>>, %arg5: memref<10240xf32, #tpu.memory_space<vmem>>) attributes {dimension_semantics = [#tpu.dimension_semantics<core_parallel>, #tpu.dimension_semantics<subcore_parallel>], iteration_bounds = array<i64: 2, 16>, scalar_prefetch = 0 : i64, scratch_operands = 2 : i64, tpu.core_type = #tpu.core_type<sc_vector_subcore>, window_params = [{transform_indices = #map}, {transform_indices = #map1}]} {
    %mul3A = arith.constant 2 : i32
    %mul3A_0 = arith.muli %arg1, %mul3A : i32
    %add3A = arith.addi %mul3A_0, %arg0 : i32
    %mul3A_1 = arith.constant 10000 : i32
    %mul3A_2 = arith.muli %add3A, %mul3A_1 : i32
    "tpu.region"() ({
      %run_scoped3A = tpu.sem_alloc : memref<!tpu.dma_semaphore, #tpu.memory_space<semaphore_mem>>
      %dma_start3A = tpu.memref_slice %arg2[%mul3A_2] : memref<320000xi32, #tpu.memory_space<hbm>> -> memref<10000xi32, #tpu.memory_space<hbm>>
      %dma_start3A_15 = tpu.memref_slice %arg2[%mul3A_2] : memref<320000xi32, #tpu.memory_space<hbm>> -> memref<10000xi32, #tpu.memory_space<hbm>>
      tpu.enqueue_dma source(%dma_start3A_15 : memref<10000xi32, #tpu.memory_space<hbm>>) target(%arg4 : memref<10000xi32, #tpu.memory_space<vmem>>) target_semaphore(%run_scoped3A : memref<!tpu.dma_semaphore, #tpu.memory_space<semaphore_mem>>)
      %dma_wait3A = tpu.memref_slice %arg2[%mul3A_2] : memref<320000xi32, #tpu.memory_space<hbm>> -> memref<10000xi32, #tpu.memory_space<hbm>>
      %dma_wait3A_16 = tpu.memref_slice %arg2[%mul3A_2] : memref<320000xi32, #tpu.memory_space<hbm>> -> memref<10000xi32, #tpu.memory_space<hbm>>
      tpu.wait_dma2 semaphore(%run_scoped3A : memref<!tpu.dma_semaphore, #tpu.memory_space<semaphore_mem>>) src(%dma_wait3A_16 : memref<10000xi32, #tpu.memory_space<hbm>>) dst(%arg4 : memref<10000xi32, #tpu.memory_space<vmem>>)
      tpu.yield
    }) : () -> ()
    %scan3A = arith.constant 0 : i32
    %scan3A_3 = arith.constant 0 : i32
    %scan3A_4 = arith.constant 640 : i32
    %scan3A_5 = arith.addi %scan3A_3, %scan3A_4 : i32
    %scan3A_6 = arith.constant 1 : i32
    scf.for %scan3A_15 = %scan3A_3 to %scan3A_5 step %scan3A_6  : i32 {
      %broadcast_in_dim3A_16 = arith.constant 0.000000e+00 : f32
      %broadcast_in_dim3A_17 = vector.broadcast %broadcast_in_dim3A_16 : f32 to vector<16xf32>
      %mul3A_18 = arith.constant 16 : i32
      %mul3A_19 = arith.muli %scan3A_15, %mul3A_18 : i32
      %swap3A = arith.index_cast %mul3A_19 : i32 to index
      %swap3A_20 = tpu.vector_load %arg5[%swap3A] {strides = array<i32>} : memref<10240xf32, #tpu.memory_space<vmem>>, vector<16xf32>,
      tpu.vector_store %arg5[%swap3A], %broadcast_in_dim3A_17 {strides = array<i32>} : memref<10240xf32, #tpu.memory_space<vmem>>, vector<16xf32>,
    }
    %scan3A_7 = arith.constant 640 : i32
    %broadcast_in_dim3A = arith.constant 1.000000e+00 : f32
    %broadcast_in_dim3A_8 = vector.broadcast %broadcast_in_dim3A : f32 to vector<16xf32>
    %scan3A_9 = arith.constant 0 : i32
    %scan3A_10 = arith.constant 0 : i32
    %scan3A_11 = arith.constant 625 : i32
    %scan3A_12 = arith.addi %scan3A_10, %scan3A_11 : i32
    %scan3A_13 = arith.constant 1 : i32
    scf.for %scan3A_15 = %scan3A_10 to %scan3A_12 step %scan3A_13  : i32 {
      %mul3A_16 = arith.constant 16 : i32
      %mul3A_17 = arith.muli %scan3A_15, %mul3A_16 : i32
      %get3A = arith.index_cast %mul3A_17 : i32 to index
      %get3A_18 = tpu.vector_load %arg4[%get3A] {strides = array<i32>} : memref<10000xi32, #tpu.memory_space<vmem>>, vector<16xi32>,
      tpu.vector_store_idx %arg5[%get3A_18], %broadcast_in_dim3A_8 {add = true} : memref<10240xf32, #tpu.memory_space<vmem>>[vector<16xi32>], vector<16xf32>,
    }
    %scan3A_14 = arith.constant 625 : i32
    "tpu.region"() ({
      %run_scoped3A = tpu.sem_alloc : memref<!tpu.dma_semaphore, #tpu.memory_space<semaphore_mem>>
      %dma_start3A = arith.constant 0 : i32
      %dma_start3A_15 = tpu.memref_slice %arg3[%add3A, %dma_start3A] : memref<32x10240xf32, #tpu.memory_space<hbm>> -> memref<1x10240xf32, #tpu.memory_space<hbm>>
      %dma_start3A_16 = tpu.memref_squeeze %dma_start3A_15 : memref<1x10240xf32, #tpu.memory_space<hbm>> -> memref<10240xf32, #tpu.memory_space<hbm>>
      %dma_start3A_17 = arith.constant 0 : i32
      %dma_start3A_18 = tpu.memref_slice %arg3[%add3A, %dma_start3A_17] : memref<32x10240xf32, #tpu.memory_space<hbm>> -> memref<1x10240xf32, #tpu.memory_space<hbm>>
      %dma_start3A_19 = tpu.memref_squeeze %dma_start3A_18 : memref<1x10240xf32, #tpu.memory_space<hbm>> -> memref<10240xf32, #tpu.memory_space<hbm>>
      tpu.enqueue_dma source(%arg5 : memref<10240xf32, #tpu.memory_space<vmem>>) target(%dma_start3A_19 : memref<10240xf32, #tpu.memory_space<hbm>>) target_semaphore(%run_scoped3A : memref<!tpu.dma_semaphore, #tpu.memory_space<semaphore_mem>>)
      %dma_wait3A = arith.constant 0 : i32
      %dma_wait3A_20 = tpu.memref_slice %arg3[%add3A, %dma_wait3A] : memref<32x10240xf32, #tpu.memory_space<hbm>> -> memref<1x10240xf32, #tpu.memory_space<hbm>>
      %dma_wait3A_21 = tpu.memref_squeeze %dma_wait3A_20 : memref<1x10240xf32, #tpu.memory_space<hbm>> -> memref<10240xf32, #tpu.memory_space<hbm>>
      %dma_wait3A_22 = arith.constant 0 : i32
      %dma_wait3A_23 = tpu.memref_slice %arg3[%add3A, %dma_wait3A_22] : memref<32x10240xf32, #tpu.memory_space<hbm>> -> memref<1x10240xf32, #tpu.memory_space<hbm>>
      %dma_wait3A_24 = tpu.memref_squeeze %dma_wait3A_23 : memref<1x10240xf32, #tpu.memory_space<hbm>> -> memref<10240xf32, #tpu.memory_space<hbm>>
      tpu.wait_dma2 semaphore(%run_scoped3A : memref<!tpu.dma_semaphore, #tpu.memory_space<semaphore_mem>>) src(%arg5 : memref<10240xf32, #tpu.memory_space<vmem>>) dst(%dma_wait3A_24 : memref<10240xf32, #tpu.memory_space<hbm>>)
      tpu.yield
    }) : () -> ()
    return
  }
}

#map = affine_map<(d0, d1) -> (0, 0)>
module attributes {stable_mosaic.version = 14 : i64} {
  func.func @_gather_pair_sc(%arg0: i32, %arg1: i32, %arg2: memref<10000x128xf32, #tpu.memory_space<hbm>>, %arg3: memref<640x125xi32, #tpu.memory_space<hbm>>, %arg4: memref<640x125xi32, #tpu.memory_space<hbm>>, %arg5: memref<80000x128xf32, #tpu.memory_space<hbm>>, %arg6: memref<80000x128xf32, #tpu.memory_space<hbm>>, %arg7: memref<20x125xi32, #tpu.memory_space<vmem>>, %arg8: memref<20x125xi32, #tpu.memory_space<vmem>>, %arg9: memref<2x125x128xf32, #tpu.memory_space<vmem>>, %arg10: memref<2x125x128xf32, #tpu.memory_space<vmem>>, %arg11: memref<!tpu.dma_semaphore, #tpu.memory_space<semaphore_mem>>, %arg12: memref<!tpu.dma_semaphore, #tpu.memory_space<semaphore_mem>>, %arg13: memref<!tpu.dma_semaphore, #tpu.memory_space<semaphore_mem>>, %arg14: memref<!tpu.dma_semaphore, #tpu.memory_space<semaphore_mem>>, %arg15: memref<!tpu.dma_semaphore, #tpu.memory_space<semaphore_mem>>, %arg16: memref<!tpu.dma_semaphore, #tpu.memory_space<semaphore_mem>>, %arg17: memref<!tpu.dma_semaphore, #tpu.memory_space<semaphore_mem>>, %arg18: memref<!tpu.dma_semaphore, #tpu.memory_space<semaphore_mem>>) attributes {dimension_semantics = [#tpu.dimension_semantics<core_parallel>, #tpu.dimension_semantics<subcore_parallel>], iteration_bounds = array<i64: 2, 16>, scalar_prefetch = 0 : i64, scratch_operands = 12 : i64, tpu.core_type = #tpu.core_type<sc_vector_subcore>, window_params = [{transform_indices = #map}, {transform_indices = #map}, {transform_indices = #map}, {transform_indices = #map}, {transform_indices = #map}]} {
    %mul3A = arith.constant 2 : i32
    %mul3A_0 = arith.muli %arg1, %mul3A : i32
    %add3A = arith.addi %mul3A_0, %arg0 : i32
    %mul3A_1 = arith.constant 20 : i32
    %mul3A_2 = arith.muli %add3A, %mul3A_1 : i32
    "tpu.region"() ({
      %run_scoped3A = tpu.sem_alloc : memref<!tpu.dma_semaphore, #tpu.memory_space<semaphore_mem>>
      %dma_start3A_92 = arith.constant 0 : i32
      %dma_start3A_93 = tpu.memref_slice %arg3[%mul3A_2, %dma_start3A_92] : memref<640x125xi32, #tpu.memory_space<hbm>> -> memref<20x125xi32, #tpu.memory_space<hbm>>
      %dma_start3A_94 = arith.constant 0 : i32
      %dma_start3A_95 = tpu.memref_slice %arg3[%mul3A_2, %dma_start3A_94] : memref<640x125xi32, #tpu.memory_space<hbm>> -> memref<20x125xi32, #tpu.memory_space<hbm>>
      tpu.enqueue_dma source(%dma_start3A_95 : memref<20x125xi32, #tpu.memory_space<hbm>>) target(%arg7 : memref<20x125xi32, #tpu.memory_space<vmem>>) target_semaphore(%run_scoped3A : memref<!tpu.dma_semaphore, #tpu.memory_space<semaphore_mem>>)
      %dma_wait3A_96 = arith.constant 0 : i32
      %dma_wait3A_97 = tpu.memref_slice %arg3[%mul3A_2, %dma_wait3A_96] : memref<640x125xi32, #tpu.memory_space<hbm>> -> memref<20x125xi32, #tpu.memory_space<hbm>>
      %dma_wait3A_98 = arith.constant 0 : i32
      %dma_wait3A_99 = tpu.memref_slice %arg3[%mul3A_2, %dma_wait3A_98] : memref<640x125xi32, #tpu.memory_space<hbm>> -> memref<20x125xi32, #tpu.memory_space<hbm>>
      tpu.wait_dma2 semaphore(%run_scoped3A : memref<!tpu.dma_semaphore, #tpu.memory_space<semaphore_mem>>) src(%dma_wait3A_99 : memref<20x125xi32, #tpu.memory_space<hbm>>) dst(%arg7 : memref<20x125xi32, #tpu.memory_space<vmem>>)
      tpu.yield
    }) : () -> ()
    %mul3A_3 = arith.constant 20 : i32
    %mul3A_4 = arith.muli %add3A, %mul3A_3 : i32
    "tpu.region"() ({
      %run_scoped3A = tpu.sem_alloc : memref<!tpu.dma_semaphore, #tpu.memory_space<semaphore_mem>>
      %dma_start3A_92 = arith.constant 0 : i32
      %dma_start3A_93 = tpu.memref_slice %arg4[%mul3A_4, %dma_start3A_92] : memref<640x125xi32, #tpu.memory_space<hbm>> -> memref<20x125xi32, #tpu.memory_space<hbm>>
      %dma_start3A_94 = arith.constant 0 : i32
      %dma_start3A_95 = tpu.memref_slice %arg4[%mul3A_4, %dma_start3A_94] : memref<640x125xi32, #tpu.memory_space<hbm>> -> memref<20x125xi32, #tpu.memory_space<hbm>>
      tpu.enqueue_dma source(%dma_start3A_95 : memref<20x125xi32, #tpu.memory_space<hbm>>) target(%arg8 : memref<20x125xi32, #tpu.memory_space<vmem>>) target_semaphore(%run_scoped3A : memref<!tpu.dma_semaphore, #tpu.memory_space<semaphore_mem>>)
      %dma_wait3A_96 = arith.constant 0 : i32
      %dma_wait3A_97 = tpu.memref_slice %arg4[%mul3A_4, %dma_wait3A_96] : memref<640x125xi32, #tpu.memory_space<hbm>> -> memref<20x125xi32, #tpu.memory_space<hbm>>
      %dma_wait3A_98 = arith.constant 0 : i32
      %dma_wait3A_99 = tpu.memref_slice %arg4[%mul3A_4, %dma_wait3A_98] : memref<640x125xi32, #tpu.memory_space<hbm>> -> memref<20x125xi32, #tpu.memory_space<hbm>>
      tpu.wait_dma2 semaphore(%run_scoped3A : memref<!tpu.dma_semaphore, #tpu.memory_space<semaphore_mem>>) src(%dma_wait3A_99 : memref<20x125xi32, #tpu.memory_space<hbm>>) dst(%arg8 : memref<20x125xi32, #tpu.memory_space<vmem>>)
      tpu.yield
    }) : () -> ()
    %dma_start3A = arith.constant 0 : i32
    %dma_start3A_5 = arith.constant 0 : i32
    %dma_start3A_6 = arith.constant 0 : i32
    %dma_start3A_7 = arith.constant 0 : i32
    %dma_start3A_8 = tpu.memref_slice %arg9[%dma_start3A_5, %dma_start3A_6, %dma_start3A_7] : memref<2x125x128xf32, #tpu.memory_space<vmem>> -> memref<1x125x128xf32, #tpu.memory_space<vmem>>
    %dma_start3A_9 = tpu.memref_squeeze %dma_start3A_8 : memref<1x125x128xf32, #tpu.memory_space<vmem>> -> memref<125x128xf32, #tpu.memory_space<vmem>>
    %dma_start3A_10 = arith.constant 0 : i32
    %dma_start3A_11 = tpu.memref_slice %arg7[%dma_start3A, %dma_start3A_10] : memref<20x125xi32, #tpu.memory_space<vmem>> -> memref<1x125xi32, #tpu.memory_space<vmem>>
    %dma_start3A_12 = tpu.memref_squeeze %dma_start3A_11 : memref<1x125xi32, #tpu.memory_space<vmem>> -> memref<125xi32, #tpu.memory_space<vmem>>
    %dma_start3A_13 = arith.constant 0 : i32
    %dma_start3A_14 = arith.constant 0 : i32
    %dma_start3A_15 = tpu.memref_slice %arg2[%dma_start3A_13, %dma_start3A_14] : memref<10000x128xf32, #tpu.memory_space<hbm>> -> memref<10000x128xf32, #tpu.memory_space<hbm>>
    tpu.enqueue_indirect_dma source(%dma_start3A_15 : memref<10000x128xf32, #tpu.memory_space<hbm>>) target(%dma_start3A_9 : memref<125x128xf32, #tpu.memory_space<vmem>>) offsets(%dma_start3A_12 : memref<125xi32, #tpu.memory_space<vmem>>) semaphore(%arg11 : memref<!tpu.dma_semaphore, #tpu.memory_space<semaphore_mem>>)
    %dma_start3A_16 = arith.constant 0 : i32
    %dma_start3A_17 = arith.constant 0 : i32
    %dma_start3A_18 = arith.constant 0 : i32
    %dma_start3A_19 = arith.constant 0 : i32
    %dma_start3A_20 = tpu.memref_slice %arg10[%dma_start3A_17, %dma_start3A_18, %dma_start3A_19] : memref<2x125x128xf32, #tpu.memory_space<vmem>> -> memref<1x125x128xf32, #tpu.memory_space<vmem>>
    %dma_start3A_21 = tpu.memref_squeeze %dma_start3A_20 : memref<1x125x128xf32, #tpu.memory_space<vmem>> -> memref<125x128xf32, #tpu.memory_space<vmem>>
    %dma_start3A_22 = arith.constant 0 : i32
    %dma_start3A_23 = tpu.memref_slice %arg8[%dma_start3A_16, %dma_start3A_22] : memref<20x125xi32, #tpu.memory_space<vmem>> -> memref<1x125xi32, #tpu.memory_space<vmem>>
    %dma_start3A_24 = tpu.memref_squeeze %dma_start3A_23 : memref<1x125xi32, #tpu.memory_space<vmem>> -> memref<125xi32, #tpu.memory_space<vmem>>
    %dma_start3A_25 = arith.constant 0 : i32
    %dma_start3A_26 = arith.constant 0 : i32
    %dma_start3A_27 = tpu.memref_slice %arg2[%dma_start3A_25, %dma_start3A_26] : memref<10000x128xf32, #tpu.memory_space<hbm>> -> memref<10000x128xf32, #tpu.memory_space<hbm>>
    tpu.enqueue_indirect_dma source(%dma_start3A_27 : memref<10000x128xf32, #tpu.memory_space<hbm>>) target(%dma_start3A_21 : memref<125x128xf32, #tpu.memory_space<vmem>>) offsets(%dma_start3A_24 : memref<125xi32, #tpu.memory_space<vmem>>) semaphore(%arg13 : memref<!tpu.dma_semaphore, #tpu.memory_space<semaphore_mem>>)
    %scan3A = arith.constant 0 : i32
    %scan3A_28 = arith.constant 0 : i32
    %scan3A_29 = arith.constant 10 : i32
    %scan3A_30 = arith.addi %scan3A_28, %scan3A_29 : i32
    %scan3A_31 = arith.constant 1 : i32
    scf.for %scan3A_92 = %scan3A_28 to %scan3A_30 step %scan3A_31  : i32 {
      %mul3A_93 = arith.constant 2 : i32
      %mul3A_94 = arith.muli %scan3A_92, %mul3A_93 : i32
      %add3A_95 = arith.constant 0 : i32
      %add3A_96 = arith.addi %mul3A_94, %add3A_95 : i32
      %dma_wait3A_97 = arith.constant 0 : i32
      %dma_wait3A_98 = arith.constant 0 : i32
      %dma_wait3A_99 = arith.constant 0 : i32
      %dma_wait3A_100 = tpu.memref_slice %arg9[%dma_wait3A_97, %dma_wait3A_98, %dma_wait3A_99] : memref<2x125x128xf32, #tpu.memory_space<vmem>> -> memref<1x125x128xf32, #tpu.memory_space<vmem>>
      %dma_wait3A_101 = tpu.memref_squeeze %dma_wait3A_100 : memref<1x125x128xf32, #tpu.memory_space<vmem>> -> memref<125x128xf32, #tpu.memory_space<vmem>>
      %dma_wait3A_102 = arith.constant 0 : i32
      %dma_wait3A_103 = tpu.memref_slice %arg7[%add3A_96, %dma_wait3A_102] : memref<20x125xi32, #tpu.memory_space<vmem>> -> memref<1x125xi32, #tpu.memory_space<vmem>>
      %dma_wait3A_104 = tpu.memref_squeeze %dma_wait3A_103 : memref<1x125xi32, #tpu.memory_space<vmem>> -> memref<125xi32, #tpu.memory_space<vmem>>
      %dma_wait3A_105 = arith.constant 0 : i32
      %dma_wait3A_106 = arith.constant 0 : i32
      %dma_wait3A_107 = tpu.memref_slice %arg2[%dma_wait3A_105, %dma_wait3A_106] : memref<10000x128xf32, #tpu.memory_space<hbm>> -> memref<10000x128xf32, #tpu.memory_space<hbm>>
      tpu.wait_indirect_dma semaphore(%arg11 : memref<!tpu.dma_semaphore, #tpu.memory_space<semaphore_mem>>) src(%dma_wait3A_107 : memref<10000x128xf32, #tpu.memory_space<hbm>>) dst(%dma_wait3A_101 : memref<125x128xf32, #tpu.memory_space<vmem>>)
      %dma_wait3A_108 = arith.constant 0 : i32
      %dma_wait3A_109 = arith.constant 0 : i32
      %dma_wait3A_110 = arith.constant 0 : i32
      %dma_wait3A_111 = tpu.memref_slice %arg10[%dma_wait3A_108, %dma_wait3A_109, %dma_wait3A_110] : memref<2x125x128xf32, #tpu.memory_space<vmem>> -> memref<1x125x128xf32, #tpu.memory_space<vmem>>
      %dma_wait3A_112 = tpu.memref_squeeze %dma_wait3A_111 : memref<1x125x128xf32, #tpu.memory_space<vmem>> -> memref<125x128xf32, #tpu.memory_space<vmem>>
      %dma_wait3A_113 = arith.constant 0 : i32
      %dma_wait3A_114 = tpu.memref_slice %arg8[%add3A_96, %dma_wait3A_113] : memref<20x125xi32, #tpu.memory_space<vmem>> -> memref<1x125xi32, #tpu.memory_space<vmem>>
      %dma_wait3A_115 = tpu.memref_squeeze %dma_wait3A_114 : memref<1x125xi32, #tpu.memory_space<vmem>> -> memref<125xi32, #tpu.memory_space<vmem>>
      %dma_wait3A_116 = arith.constant 0 : i32
      %dma_wait3A_117 = arith.constant 0 : i32
      %dma_wait3A_118 = tpu.memref_slice %arg2[%dma_wait3A_116, %dma_wait3A_117] : memref<10000x128xf32, #tpu.memory_space<hbm>> -> memref<10000x128xf32, #tpu.memory_space<hbm>>
      tpu.wait_indirect_dma semaphore(%arg13 : memref<!tpu.dma_semaphore, #tpu.memory_space<semaphore_mem>>) src(%dma_wait3A_118 : memref<10000x128xf32, #tpu.memory_space<hbm>>) dst(%dma_wait3A_112 : memref<125x128xf32, #tpu.memory_space<vmem>>)
      %add3A_119 = arith.constant 1 : i32
      %add3A_120 = arith.addi %add3A_96, %add3A_119 : i32
      %lt3A = arith.constant 20 : i32
      %lt3A_121 = arith.cmpi slt, %add3A_120, %lt3A : i32
      %convert_element_type3A = arith.extui %lt3A_121 : i1 to i32
      %cond3A = arith.constant 0 : i32
      %cond3A_122 = arith.cmpi ne, %convert_element_type3A, %cond3A : i32
      scf.if %cond3A_122 {
        %ge3A = arith.constant 1 : i32
        %ge3A_218 = arith.cmpi sge, %add3A_96, %ge3A : i32
        %convert_element_type3A_219 = arith.extui %ge3A_218 : i1 to i32
        %cond3A_220 = arith.constant 0 : i32
        %cond3A_221 = arith.cmpi ne, %convert_element_type3A_219, %cond3A_220 : i32
        scf.if %cond3A_221 {
          %sub3A = arith.constant 1 : i32
          %sub3A_246 = arith.subi %add3A_96, %sub3A : i32
          %mul3A_247 = arith.constant 2500 : i32
          %mul3A_248 = arith.muli %add3A, %mul3A_247 : i32
          %mul3A_249 = arith.constant 125 : i32
          %mul3A_250 = arith.muli %sub3A_246, %mul3A_249 : i32
          %add3A_251 = arith.addi %mul3A_248, %mul3A_250 : i32
          %dma_wait3A_252 = arith.constant 1 : i32
          %dma_wait3A_253 = arith.constant 0 : i32
          %dma_wait3A_254 = arith.constant 0 : i32
          %dma_wait3A_255 = tpu.memref_slice %arg9[%dma_wait3A_252, %dma_wait3A_253, %dma_wait3A_254] : memref<2x125x128xf32, #tpu.memory_space<vmem>> -> memref<1x125x128xf32, #tpu.memory_space<vmem>>
          %dma_wait3A_256 = tpu.memref_squeeze %dma_wait3A_255 : memref<1x125x128xf32, #tpu.memory_space<vmem>> -> memref<125x128xf32, #tpu.memory_space<vmem>>
          %dma_wait3A_257 = arith.constant 0 : i32
          %dma_wait3A_258 = tpu.memref_slice %arg5[%add3A_251, %dma_wait3A_257] : memref<80000x128xf32, #tpu.memory_space<hbm>> -> memref<125x128xf32, #tpu.memory_space<hbm>>
          %dma_wait3A_259 = arith.constant 0 : i32
          %dma_wait3A_260 = tpu.memref_slice %arg5[%add3A_251, %dma_wait3A_259] : memref<80000x128xf32, #tpu.memory_space<hbm>> -> memref<125x128xf32, #tpu.memory_space<hbm>>
          %dma_wait3A_261 = arith.constant 0 : i32
          %dma_wait3A_262 = arith.constant 0 : i32
          %dma_wait3A_263 = tpu.memref_slice %arg9[%dma_wait3A_252, %dma_wait3A_261, %dma_wait3A_262] : memref<2x125x128xf32, #tpu.memory_space<vmem>> -> memref<1x125x128xf32, #tpu.memory_space<vmem>>
          %dma_wait3A_264 = tpu.memref_squeeze %dma_wait3A_263 : memref<1x125x128xf32, #tpu.memory_space<vmem>> -> memref<125x128xf32, #tpu.memory_space<vmem>>
          tpu.wait_dma2 semaphore(%arg16 : memref<!tpu.dma_semaphore, #tpu.memory_space<semaphore_mem>>) src(%dma_wait3A_264 : memref<125x128xf32, #tpu.memory_space<vmem>>) dst(%dma_wait3A_260 : memref<125x128xf32, #tpu.memory_space<hbm>>)
          %dma_wait3A_265 = arith.constant 1 : i32
          %dma_wait3A_266 = arith.constant 0 : i32
          %dma_wait3A_267 = arith.constant 0 : i32
          %dma_wait3A_268 = tpu.memref_slice %arg10[%dma_wait3A_265, %dma_wait3A_266, %dma_wait3A_267] : memref<2x125x128xf32, #tpu.memory_space<vmem>> -> memref<1x125x128xf32, #tpu.memory_space<vmem>>
          %dma_wait3A_269 = tpu.memref_squeeze %dma_wait3A_268 : memref<1x125x128xf32, #tpu.memory_space<vmem>> -> memref<125x128xf32, #tpu.memory_space<vmem>>
          %dma_wait3A_270 = arith.constant 0 : i32
          %dma_wait3A_271 = tpu.memref_slice %arg6[%add3A_251, %dma_wait3A_270] : memref<80000x128xf32, #tpu.memory_space<hbm>> -> memref<125x128xf32, #tpu.memory_space<hbm>>
          %dma_wait3A_272 = arith.constant 0 : i32
          %dma_wait3A_273 = tpu.memref_slice %arg6[%add3A_251, %dma_wait3A_272] : memref<80000x128xf32, #tpu.memory_space<hbm>> -> memref<125x128xf32, #tpu.memory_space<hbm>>
          %dma_wait3A_274 = arith.constant 0 : i32
          %dma_wait3A_275 = arith.constant 0 : i32
          %dma_wait3A_276 = tpu.memref_slice %arg10[%dma_wait3A_265, %dma_wait3A_274, %dma_wait3A_275] : memref<2x125x128xf32, #tpu.memory_space<vmem>> -> memref<1x125x128xf32, #tpu.memory_space<vmem>>
          %dma_wait3A_277 = tpu.memref_squeeze %dma_wait3A_276 : memref<1x125x128xf32, #tpu.memory_space<vmem>> -> memref<125x128xf32, #tpu.memory_space<vmem>>
          tpu.wait_dma2 semaphore(%arg18 : memref<!tpu.dma_semaphore, #tpu.memory_space<semaphore_mem>>) src(%dma_wait3A_277 : memref<125x128xf32, #tpu.memory_space<vmem>>) dst(%dma_wait3A_273 : memref<125x128xf32, #tpu.memory_space<hbm>>)
        } else {
        }
        %add3A_222 = arith.constant 1 : i32
        %add3A_223 = arith.addi %add3A_96, %add3A_222 : i32
        %dma_start3A_224 = arith.constant 1 : i32
        %dma_start3A_225 = arith.constant 0 : i32
        %dma_start3A_226 = arith.constant 0 : i32
        %dma_start3A_227 = tpu.memref_slice %arg9[%dma_start3A_224, %dma_start3A_225, %dma_start3A_226] : memref<2x125x128xf32, #tpu.memory_space<vmem>> -> memref<1x125x128xf32, #tpu.memory_space<vmem>>
        %dma_start3A_228 = tpu.memref_squeeze %dma_start3A_227 : memref<1x125x128xf32, #tpu.memory_space<vmem>> -> memref<125x128xf32, #tpu.memory_space<vmem>>
        %dma_start3A_229 = arith.constant 0 : i32
        %dma_start3A_230 = tpu.memref_slice %arg7[%add3A_223, %dma_start3A_229] : memref<20x125xi32, #tpu.memory_space<vmem>> -> memref<1x125xi32, #tpu.memory_space<vmem>>
        %dma_start3A_231 = tpu.memref_squeeze %dma_start3A_230 : memref<1x125xi32, #tpu.memory_space<vmem>> -> memref<125xi32, #tpu.memory_space<vmem>>
        %dma_start3A_232 = arith.constant 0 : i32
        %dma_start3A_233 = arith.constant 0 : i32
        %dma_start3A_234 = tpu.memref_slice %arg2[%dma_start3A_232, %dma_start3A_233] : memref<10000x128xf32, #tpu.memory_space<hbm>> -> memref<10000x128xf32, #tpu.memory_space<hbm>>
        tpu.enqueue_indirect_dma source(%dma_start3A_234 : memref<10000x128xf32, #tpu.memory_space<hbm>>) target(%dma_start3A_228 : memref<125x128xf32, #tpu.memory_space<vmem>>) offsets(%dma_start3A_231 : memref<125xi32, #tpu.memory_space<vmem>>) semaphore(%arg12 : memref<!tpu.dma_semaphore, #tpu.memory_space<semaphore_mem>>)
        %dma_start3A_235 = arith.constant 1 : i32
        %dma_start3A_236 = arith.constant 0 : i32
        %dma_start3A_237 = arith.constant 0 : i32
        %dma_start3A_238 = tpu.memref_slice %arg10[%dma_start3A_235, %dma_start3A_236, %dma_start3A_237] : memref<2x125x128xf32, #tpu.memory_space<vmem>> -> memref<1x125x128xf32, #tpu.memory_space<vmem>>
        %dma_start3A_239 = tpu.memref_squeeze %dma_start3A_238 : memref<1x125x128xf32, #tpu.memory_space<vmem>> -> memref<125x128xf32, #tpu.memory_space<vmem>>
        %dma_start3A_240 = arith.constant 0 : i32
        %dma_start3A_241 = tpu.memref_slice %arg8[%add3A_223, %dma_start3A_240] : memref<20x125xi32, #tpu.memory_space<vmem>> -> memref<1x125xi32, #tpu.memory_space<vmem>>
        %dma_start3A_242 = tpu.memref_squeeze %dma_start3A_241 : memref<1x125xi32, #tpu.memory_space<vmem>> -> memref<125xi32, #tpu.memory_space<vmem>>
        %dma_start3A_243 = arith.constant 0 : i32
        %dma_start3A_244 = arith.constant 0 : i32
        %dma_start3A_245 = tpu.memref_slice %arg2[%dma_start3A_243, %dma_start3A_244] : memref<10000x128xf32, #tpu.memory_space<hbm>> -> memref<10000x128xf32, #tpu.memory_space<hbm>>
        tpu.enqueue_indirect_dma source(%dma_start3A_245 : memref<10000x128xf32, #tpu.memory_space<hbm>>) target(%dma_start3A_239 : memref<125x128xf32, #tpu.memory_space<vmem>>) offsets(%dma_start3A_242 : memref<125xi32, #tpu.memory_space<vmem>>) semaphore(%arg14 : memref<!tpu.dma_semaphore, #tpu.memory_space<semaphore_mem>>)
      } else {
      }
      %mul3A_123 = arith.constant 2500 : i32
      %mul3A_124 = arith.muli %add3A, %mul3A_123 : i32
      %mul3A_125 = arith.constant 125 : i32
      %mul3A_126 = arith.muli %add3A_96, %mul3A_125 : i32
      %add3A_127 = arith.addi %mul3A_124, %mul3A_126 : i32
      %dma_start3A_128 = arith.constant 0 : i32
      %dma_start3A_129 = arith.constant 0 : i32
      %dma_start3A_130 = arith.constant 0 : i32
      %dma_start3A_131 = tpu.memref_slice %arg9[%dma_start3A_128, %dma_start3A_129, %dma_start3A_130] : memref<2x125x128xf32, #tpu.memory_space<vmem>> -> memref<1x125x128xf32, #tpu.memory_space<vmem>>
      %dma_start3A_132 = tpu.memref_squeeze %dma_start3A_131 : memref<1x125x128xf32, #tpu.memory_space<vmem>> -> memref<125x128xf32, #tpu.memory_space<vmem>>
      %dma_start3A_133 = arith.constant 0 : i32
      %dma_start3A_134 = tpu.memref_slice %arg5[%add3A_127, %dma_start3A_133] : memref<80000x128xf32, #tpu.memory_space<hbm>> -> memref<125x128xf32, #tpu.memory_space<hbm>>
      %dma_start3A_135 = arith.constant 0 : i32
      %dma_start3A_136 = tpu.memref_slice %arg5[%add3A_127, %dma_start3A_135] : memref<80000x128xf32, #tpu.memory_space<hbm>> -> memref<125x128xf32, #tpu.memory_space<hbm>>
      %dma_start3A_137 = arith.constant 0 : i32
      %dma_start3A_138 = arith.constant 0 : i32
      %dma_start3A_139 = tpu.memref_slice %arg9[%dma_start3A_128, %dma_start3A_137, %dma_start3A_138] : memref<2x125x128xf32, #tpu.memory_space<vmem>> -> memref<1x125x128xf32, #tpu.memory_space<vmem>>
      %dma_start3A_140 = tpu.memref_squeeze %dma_start3A_139 : memref<1x125x128xf32, #tpu.memory_space<vmem>> -> memref<125x128xf32, #tpu.memory_space<vmem>>
      tpu.enqueue_dma source(%dma_start3A_140 : memref<125x128xf32, #tpu.memory_space<vmem>>) target(%dma_start3A_136 : memref<125x128xf32, #tpu.memory_space<hbm>>) target_semaphore(%arg15 : memref<!tpu.dma_semaphore, #tpu.memory_space<semaphore_mem>>)
      %dma_start3A_141 = arith.constant 0 : i32
      %dma_start3A_142 = arith.constant 0 : i32
      %dma_start3A_143 = arith.constant 0 : i32
      %dma_start3A_144 = tpu.memref_slice %arg10[%dma_start3A_141, %dma_start3A_142, %dma_start3A_143] : memref<2x125x128xf32, #tpu.memory_space<vmem>> -> memref<1x125x128xf32, #tpu.memory_space<vmem>>
      %dma_start3A_145 = tpu.memref_squeeze %dma_start3A_144 : memref<1x125x128xf32, #tpu.memory_space<vmem>> -> memref<125x128xf32, #tpu.memory_space<vmem>>
      %dma_start3A_146 = arith.constant 0 : i32
      %dma_start3A_147 = tpu.memref_slice %arg6[%add3A_127, %dma_start3A_146] : memref<80000x128xf32, #tpu.memory_space<hbm>> -> memref<125x128xf32, #tpu.memory_space<hbm>>
      %dma_start3A_148 = arith.constant 0 : i32
      %dma_start3A_149 = tpu.memref_slice %arg6[%add3A_127, %dma_start3A_148] : memref<80000x128xf32, #tpu.memory_space<hbm>> -> memref<125x128xf32, #tpu.memory_space<hbm>>
      %dma_start3A_150 = arith.constant 0 : i32
      %dma_start3A_151 = arith.constant 0 : i32
      %dma_start3A_152 = tpu.memref_slice %arg10[%dma_start3A_141, %dma_start3A_150, %dma_start3A_151] : memref<2x125x128xf32, #tpu.memory_space<vmem>> -> memref<1x125x128xf32, #tpu.memory_space<vmem>>
      %dma_start3A_153 = tpu.memref_squeeze %dma_start3A_152 : memref<1x125x128xf32, #tpu.memory_space<vmem>> -> memref<125x128xf32, #tpu.memory_space<vmem>>
      tpu.enqueue_dma source(%dma_start3A_153 : memref<125x128xf32, #tpu.memory_space<vmem>>) target(%dma_start3A_149 : memref<125x128xf32, #tpu.memory_space<hbm>>) target_semaphore(%arg17 : memref<!tpu.dma_semaphore, #tpu.memory_space<semaphore_mem>>)
      %mul3A_154 = arith.constant 2 : i32
      %mul3A_155 = arith.muli %scan3A_92, %mul3A_154 : i32
      %add3A_156 = arith.constant 1 : i32
      %add3A_157 = arith.addi %mul3A_155, %add3A_156 : i32
      %dma_wait3A_158 = arith.constant 1 : i32
      %dma_wait3A_159 = arith.constant 0 : i32
      %dma_wait3A_160 = arith.constant 0 : i32
      %dma_wait3A_161 = tpu.memref_slice %arg9[%dma_wait3A_158, %dma_wait3A_159, %dma_wait3A_160] : memref<2x125x128xf32, #tpu.memory_space<vmem>> -> memref<1x125x128xf32, #tpu.memory_space<vmem>>
      %dma_wait3A_162 = tpu.memref_squeeze %dma_wait3A_161 : memref<1x125x128xf32, #tpu.memory_space<vmem>> -> memref<125x128xf32, #tpu.memory_space<vmem>>
      %dma_wait3A_163 = arith.constant 0 : i32
      %dma_wait3A_164 = tpu.memref_slice %arg7[%add3A_157, %dma_wait3A_163] : memref<20x125xi32, #tpu.memory_space<vmem>> -> memref<1x125xi32, #tpu.memory_space<vmem>>
      %dma_wait3A_165 = tpu.memref_squeeze %dma_wait3A_164 : memref<1x125xi32, #tpu.memory_space<vmem>> -> memref<125xi32, #tpu.memory_space<vmem>>
      %dma_wait3A_166 = arith.constant 0 : i32
      %dma_wait3A_167 = arith.constant 0 : i32
      %dma_wait3A_168 = tpu.memref_slice %arg2[%dma_wait3A_166, %dma_wait3A_167] : memref<10000x128xf32, #tpu.memory_space<hbm>> -> memref<10000x128xf32, #tpu.memory_space<hbm>>
      tpu.wait_indirect_dma semaphore(%arg12 : memref<!tpu.dma_semaphore, #tpu.memory_space<semaphore_mem>>) src(%dma_wait3A_168 : memref<10000x128xf32, #tpu.memory_space<hbm>>) dst(%dma_wait3A_162 : memref<125x128xf32, #tpu.memory_space<vmem>>)
      %dma_wait3A_169 = arith.constant 1 : i32
      %dma_wait3A_170 = arith.constant 0 : i32
      %dma_wait3A_171 = arith.constant 0 : i32
      %dma_wait3A_172 = tpu.memref_slice %arg10[%dma_wait3A_169, %dma_wait3A_170, %dma_wait3A_171] : memref<2x125x128xf32, #tpu.memory_space<vmem>> -> memref<1x125x128xf32, #tpu.memory_space<vmem>>
      %dma_wait3A_173 = tpu.memref_squeeze %dma_wait3A_172 : memref<1x125x128xf32, #tpu.memory_space<vmem>> -> memref<125x128xf32, #tpu.memory_space<vmem>>
      %dma_wait3A_174 = arith.constant 0 : i32
      %dma_wait3A_175 = tpu.memref_slice %arg8[%add3A_157, %dma_wait3A_174] : memref<20x125xi32, #tpu.memory_space<vmem>> -> memref<1x125xi32, #tpu.memory_space<vmem>>
      %dma_wait3A_176 = tpu.memref_squeeze %dma_wait3A_175 : memref<1x125xi32, #tpu.memory_space<vmem>> -> memref<125xi32, #tpu.memory_space<vmem>>
      %dma_wait3A_177 = arith.constant 0 : i32
      %dma_wait3A_178 = arith.constant 0 : i32
      %dma_wait3A_179 = tpu.memref_slice %arg2[%dma_wait3A_177, %dma_wait3A_178] : memref<10000x128xf32, #tpu.memory_space<hbm>> -> memref<10000x128xf32, #tpu.memory_space<hbm>>
      tpu.wait_indirect_dma semaphore(%arg14 : memref<!tpu.dma_semaphore, #tpu.memory_space<semaphore_mem>>) src(%dma_wait3A_179 : memref<10000x128xf32, #tpu.memory_space<hbm>>) dst(%dma_wait3A_173 : memref<125x128xf32, #tpu.memory_space<vmem>>)
      %add3A_180 = arith.constant 1 : i32
      %add3A_181 = arith.addi %add3A_157, %add3A_180 : i32
      %lt3A_182 = arith.constant 20 : i32
      %lt3A_183 = arith.cmpi slt, %add3A_181, %lt3A_182 : i32
      %convert_element_type3A_184 = arith.extui %lt3A_183 : i1 to i32
      %cond3A_185 = arith.constant 0 : i32
      %cond3A_186 = arith.cmpi ne, %convert_element_type3A_184, %cond3A_185 : i32
      scf.if %cond3A_186 {
        %ge3A = arith.constant 1 : i32
        %ge3A_218 = arith.cmpi sge, %add3A_157, %ge3A : i32
        %convert_element_type3A_219 = arith.extui %ge3A_218 : i1 to i32
        %cond3A_220 = arith.constant 0 : i32
        %cond3A_221 = arith.cmpi ne, %convert_element_type3A_219, %cond3A_220 : i32
        scf.if %cond3A_221 {
          %sub3A = arith.constant 1 : i32
          %sub3A_246 = arith.subi %add3A_157, %sub3A : i32
          %mul3A_247 = arith.constant 2500 : i32
          %mul3A_248 = arith.muli %add3A, %mul3A_247 : i32
          %mul3A_249 = arith.constant 125 : i32
          %mul3A_250 = arith.muli %sub3A_246, %mul3A_249 : i32
          %add3A_251 = arith.addi %mul3A_248, %mul3A_250 : i32
          %dma_wait3A_252 = arith.constant 0 : i32
          %dma_wait3A_253 = arith.constant 0 : i32
          %dma_wait3A_254 = arith.constant 0 : i32
          %dma_wait3A_255 = tpu.memref_slice %arg9[%dma_wait3A_252, %dma_wait3A_253, %dma_wait3A_254] : memref<2x125x128xf32, #tpu.memory_space<vmem>> -> memref<1x125x128xf32, #tpu.memory_space<vmem>>
          %dma_wait3A_256 = tpu.memref_squeeze %dma_wait3A_255 : memref<1x125x128xf32, #tpu.memory_space<vmem>> -> memref<125x128xf32, #tpu.memory_space<vmem>>
          %dma_wait3A_257 = arith.constant 0 : i32
          %dma_wait3A_258 = tpu.memref_slice %arg5[%add3A_251, %dma_wait3A_257] : memref<80000x128xf32, #tpu.memory_space<hbm>> -> memref<125x128xf32, #tpu.memory_space<hbm>>
          %dma_wait3A_259 = arith.constant 0 : i32
          %dma_wait3A_260 = tpu.memref_slice %arg5[%add3A_251, %dma_wait3A_259] : memref<80000x128xf32, #tpu.memory_space<hbm>> -> memref<125x128xf32, #tpu.memory_space<hbm>>
          %dma_wait3A_261 = arith.constant 0 : i32
          %dma_wait3A_262 = arith.constant 0 : i32
          %dma_wait3A_263 = tpu.memref_slice %arg9[%dma_wait3A_252, %dma_wait3A_261, %dma_wait3A_262] : memref<2x125x128xf32, #tpu.memory_space<vmem>> -> memref<1x125x128xf32, #tpu.memory_space<vmem>>
          %dma_wait3A_264 = tpu.memref_squeeze %dma_wait3A_263 : memref<1x125x128xf32, #tpu.memory_space<vmem>> -> memref<125x128xf32, #tpu.memory_space<vmem>>
          tpu.wait_dma2 semaphore(%arg15 : memref<!tpu.dma_semaphore, #tpu.memory_space<semaphore_mem>>) src(%dma_wait3A_264 : memref<125x128xf32, #tpu.memory_space<vmem>>) dst(%dma_wait3A_260 : memref<125x128xf32, #tpu.memory_space<hbm>>)
          %dma_wait3A_265 = arith.constant 0 : i32
          %dma_wait3A_266 = arith.constant 0 : i32
          %dma_wait3A_267 = arith.constant 0 : i32
          %dma_wait3A_268 = tpu.memref_slice %arg10[%dma_wait3A_265, %dma_wait3A_266, %dma_wait3A_267] : memref<2x125x128xf32, #tpu.memory_space<vmem>> -> memref<1x125x128xf32, #tpu.memory_space<vmem>>
          %dma_wait3A_269 = tpu.memref_squeeze %dma_wait3A_268 : memref<1x125x128xf32, #tpu.memory_space<vmem>> -> memref<125x128xf32, #tpu.memory_space<vmem>>
          %dma_wait3A_270 = arith.constant 0 : i32
          %dma_wait3A_271 = tpu.memref_slice %arg6[%add3A_251, %dma_wait3A_270] : memref<80000x128xf32, #tpu.memory_space<hbm>> -> memref<125x128xf32, #tpu.memory_space<hbm>>
          %dma_wait3A_272 = arith.constant 0 : i32
          %dma_wait3A_273 = tpu.memref_slice %arg6[%add3A_251, %dma_wait3A_272] : memref<80000x128xf32, #tpu.memory_space<hbm>> -> memref<125x128xf32, #tpu.memory_space<hbm>>
          %dma_wait3A_274 = arith.constant 0 : i32
          %dma_wait3A_275 = arith.constant 0 : i32
          %dma_wait3A_276 = tpu.memref_slice %arg10[%dma_wait3A_265, %dma_wait3A_274, %dma_wait3A_275] : memref<2x125x128xf32, #tpu.memory_space<vmem>> -> memref<1x125x128xf32, #tpu.memory_space<vmem>>
          %dma_wait3A_277 = tpu.memref_squeeze %dma_wait3A_276 : memref<1x125x128xf32, #tpu.memory_space<vmem>> -> memref<125x128xf32, #tpu.memory_space<vmem>>
          tpu.wait_dma2 semaphore(%arg17 : memref<!tpu.dma_semaphore, #tpu.memory_space<semaphore_mem>>) src(%dma_wait3A_277 : memref<125x128xf32, #tpu.memory_space<vmem>>) dst(%dma_wait3A_273 : memref<125x128xf32, #tpu.memory_space<hbm>>)
        } else {
        }
        %add3A_222 = arith.constant 1 : i32
        %add3A_223 = arith.addi %add3A_157, %add3A_222 : i32
        %dma_start3A_224 = arith.constant 0 : i32
        %dma_start3A_225 = arith.constant 0 : i32
        %dma_start3A_226 = arith.constant 0 : i32
        %dma_start3A_227 = tpu.memref_slice %arg9[%dma_start3A_224, %dma_start3A_225, %dma_start3A_226] : memref<2x125x128xf32, #tpu.memory_space<vmem>> -> memref<1x125x128xf32, #tpu.memory_space<vmem>>
        %dma_start3A_228 = tpu.memref_squeeze %dma_start3A_227 : memref<1x125x128xf32, #tpu.memory_space<vmem>> -> memref<125x128xf32, #tpu.memory_space<vmem>>
        %dma_start3A_229 = arith.constant 0 : i32
        %dma_start3A_230 = tpu.memref_slice %arg7[%add3A_223, %dma_start3A_229] : memref<20x125xi32, #tpu.memory_space<vmem>> -> memref<1x125xi32, #tpu.memory_space<vmem>>
        %dma_start3A_231 = tpu.memref_squeeze %dma_start3A_230 : memref<1x125xi32, #tpu.memory_space<vmem>> -> memref<125xi32, #tpu.memory_space<vmem>>
        %dma_start3A_232 = arith.constant 0 : i32
        %dma_start3A_233 = arith.constant 0 : i32
        %dma_start3A_234 = tpu.memref_slice %arg2[%dma_start3A_232, %dma_start3A_233] : memref<10000x128xf32, #tpu.memory_space<hbm>> -> memref<10000x128xf32, #tpu.memory_space<hbm>>
        tpu.enqueue_indirect_dma source(%dma_start3A_234 : memref<10000x128xf32, #tpu.memory_space<hbm>>) target(%dma_start3A_228 : memref<125x128xf32, #tpu.memory_space<vmem>>) offsets(%dma_start3A_231 : memref<125xi32, #tpu.memory_space<vmem>>) semaphore(%arg11 : memref<!tpu.dma_semaphore, #tpu.memory_space<semaphore_mem>>)
        %dma_start3A_235 = arith.constant 0 : i32
        %dma_start3A_236 = arith.constant 0 : i32
        %dma_start3A_237 = arith.constant 0 : i32
        %dma_start3A_238 = tpu.memref_slice %arg10[%dma_start3A_235, %dma_start3A_236, %dma_start3A_237] : memref<2x125x128xf32, #tpu.memory_space<vmem>> -> memref<1x125x128xf32, #tpu.memory_space<vmem>>
        %dma_start3A_239 = tpu.memref_squeeze %dma_start3A_238 : memref<1x125x128xf32, #tpu.memory_space<vmem>> -> memref<125x128xf32, #tpu.memory_space<vmem>>
        %dma_start3A_240 = arith.constant 0 : i32
        %dma_start3A_241 = tpu.memref_slice %arg8[%add3A_223, %dma_start3A_240] : memref<20x125xi32, #tpu.memory_space<vmem>> -> memref<1x125xi32, #tpu.memory_space<vmem>>
        %dma_start3A_242 = tpu.memref_squeeze %dma_start3A_241 : memref<1x125xi32, #tpu.memory_space<vmem>> -> memref<125xi32, #tpu.memory_space<vmem>>
        %dma_start3A_243 = arith.constant 0 : i32
        %dma_start3A_244 = arith.constant 0 : i32
        %dma_start3A_245 = tpu.memref_slice %arg2[%dma_start3A_243, %dma_start3A_244] : memref<10000x128xf32, #tpu.memory_space<hbm>> -> memref<10000x128xf32, #tpu.memory_space<hbm>>
        tpu.enqueue_indirect_dma source(%dma_start3A_245 : memref<10000x128xf32, #tpu.memory_space<hbm>>) target(%dma_start3A_239 : memref<125x128xf32, #tpu.memory_space<vmem>>) offsets(%dma_start3A_242 : memref<125xi32, #tpu.memory_space<vmem>>) semaphore(%arg13 : memref<!tpu.dma_semaphore, #tpu.memory_space<semaphore_mem>>)
      } else {
      }
      %mul3A_187 = arith.constant 2500 : i32
      %mul3A_188 = arith.muli %add3A, %mul3A_187 : i32
      %mul3A_189 = arith.constant 125 : i32
      %mul3A_190 = arith.muli %add3A_157, %mul3A_189 : i32
      %add3A_191 = arith.addi %mul3A_188, %mul3A_190 : i32
      %dma_start3A_192 = arith.constant 1 : i32
      %dma_start3A_193 = arith.constant 0 : i32
      %dma_start3A_194 = arith.constant 0 : i32
      %dma_start3A_195 = tpu.memref_slice %arg9[%dma_start3A_192, %dma_start3A_193, %dma_start3A_194] : memref<2x125x128xf32, #tpu.memory_space<vmem>> -> memref<1x125x128xf32, #tpu.memory_space<vmem>>
      %dma_start3A_196 = tpu.memref_squeeze %dma_start3A_195 : memref<1x125x128xf32, #tpu.memory_space<vmem>> -> memref<125x128xf32, #tpu.memory_space<vmem>>
      %dma_start3A_197 = arith.constant 0 : i32
      %dma_start3A_198 = tpu.memref_slice %arg5[%add3A_191, %dma_start3A_197] : memref<80000x128xf32, #tpu.memory_space<hbm>> -> memref<125x128xf32, #tpu.memory_space<hbm>>
      %dma_start3A_199 = arith.constant 0 : i32
      %dma_start3A_200 = tpu.memref_slice %arg5[%add3A_191, %dma_start3A_199] : memref<80000x128xf32, #tpu.memory_space<hbm>> -> memref<125x128xf32, #tpu.memory_space<hbm>>
      %dma_start3A_201 = arith.constant 0 : i32
      %dma_start3A_202 = arith.constant 0 : i32
      %dma_start3A_203 = tpu.memref_slice %arg9[%dma_start3A_192, %dma_start3A_201, %dma_start3A_202] : memref<2x125x128xf32, #tpu.memory_space<vmem>> -> memref<1x125x128xf32, #tpu.memory_space<vmem>>
      %dma_start3A_204 = tpu.memref_squeeze %dma_start3A_203 : memref<1x125x128xf32, #tpu.memory_space<vmem>> -> memref<125x128xf32, #tpu.memory_space<vmem>>
      tpu.enqueue_dma source(%dma_start3A_204 : memref<125x128xf32, #tpu.memory_space<vmem>>) target(%dma_start3A_200 : memref<125x128xf32, #tpu.memory_space<hbm>>) target_semaphore(%arg16 : memref<!tpu.dma_semaphore, #tpu.memory_space<semaphore_mem>>)
      %dma_start3A_205 = arith.constant 1 : i32
      %dma_start3A_206 = arith.constant 0 : i32
      %dma_start3A_207 = arith.constant 0 : i32
      %dma_start3A_208 = tpu.memref_slice %arg10[%dma_start3A_205, %dma_start3A_206, %dma_start3A_207] : memref<2x125x128xf32, #tpu.memory_space<vmem>> -> memref<1x125x128xf32, #tpu.memory_space<vmem>>
      %dma_start3A_209 = tpu.memref_squeeze %dma_start3A_208 : memref<1x125x128xf32, #tpu.memory_space<vmem>> -> memref<125x128xf32, #tpu.memory_space<vmem>>
      %dma_start3A_210 = arith.constant 0 : i32
      %dma_start3A_211 = tpu.memref_slice %arg6[%add3A_191, %dma_start3A_210] : memref<80000x128xf32, #tpu.memory_space<hbm>> -> memref<125x128xf32, #tpu.memory_space<hbm>>
      %dma_start3A_212 = arith.constant 0 : i32
      %dma_start3A_213 = tpu.memref_slice %arg6[%add3A_191, %dma_start3A_212] : memref<80000x128xf32, #tpu.memory_space<hbm>> -> memref<125x128xf32, #tpu.memory_space<hbm>>
      %dma_start3A_214 = arith.constant 0 : i32
      %dma_start3A_215 = arith.constant 0 : i32
      %dma_start3A_216 = tpu.memref_slice %arg10[%dma_start3A_205, %dma_start3A_214, %dma_start3A_215] : memref<2x125x128xf32, #tpu.memory_space<vmem>> -> memref<1x125x128xf32, #tpu.memory_space<vmem>>
      %dma_start3A_217 = tpu.memref_squeeze %dma_start3A_216 : memref<1x125x128xf32, #tpu.memory_space<vmem>> -> memref<125x128xf32, #tpu.memory_space<vmem>>
      tpu.enqueue_dma source(%dma_start3A_217 : memref<125x128xf32, #tpu.memory_space<vmem>>) target(%dma_start3A_213 : memref<125x128xf32, #tpu.memory_space<hbm>>) target_semaphore(%arg18 : memref<!tpu.dma_semaphore, #tpu.memory_space<semaphore_mem>>)
    }
    %scan3A_32 = arith.constant 10 : i32
    %mul3A_33 = arith.constant 2500 : i32
    %mul3A_34 = arith.muli %add3A, %mul3A_33 : i32
    %add3A_35 = arith.constant 2250 : i32
    %add3A_36 = arith.addi %mul3A_34, %add3A_35 : i32
    %dma_wait3A = arith.constant 0 : i32
    %dma_wait3A_37 = arith.constant 0 : i32
    %dma_wait3A_38 = arith.constant 0 : i32
    %dma_wait3A_39 = tpu.memref_slice %arg9[%dma_wait3A, %dma_wait3A_37, %dma_wait3A_38] : memref<2x125x128xf32, #tpu.memory_space<vmem>> -> memref<1x125x128xf32, #tpu.memory_space<vmem>>
    %dma_wait3A_40 = tpu.memref_squeeze %dma_wait3A_39 : memref<1x125x128xf32, #tpu.memory_space<vmem>> -> memref<125x128xf32, #tpu.memory_space<vmem>>
    %dma_wait3A_41 = arith.constant 0 : i32
    %dma_wait3A_42 = tpu.memref_slice %arg5[%add3A_36, %dma_wait3A_41] : memref<80000x128xf32, #tpu.memory_space<hbm>> -> memref<125x128xf32, #tpu.memory_space<hbm>>
    %dma_wait3A_43 = arith.constant 0 : i32
    %dma_wait3A_44 = tpu.memref_slice %arg5[%add3A_36, %dma_wait3A_43] : memref<80000x128xf32, #tpu.memory_space<hbm>> -> memref<125x128xf32, #tpu.memory_space<hbm>>
    %dma_wait3A_45 = arith.constant 0 : i32
    %dma_wait3A_46 = arith.constant 0 : i32
    %dma_wait3A_47 = tpu.memref_slice %arg9[%dma_wait3A, %dma_wait3A_45, %dma_wait3A_46] : memref<2x125x128xf32, #tpu.memory_space<vmem>> -> memref<1x125x128xf32, #tpu.memory_space<vmem>>
    %dma_wait3A_48 = tpu.memref_squeeze %dma_wait3A_47 : memref<1x125x128xf32, #tpu.memory_space<vmem>> -> memref<125x128xf32, #tpu.memory_space<vmem>>
    tpu.wait_dma2 semaphore(%arg15 : memref<!tpu.dma_semaphore, #tpu.memory_space<semaphore_mem>>) src(%dma_wait3A_48 : memref<125x128xf32, #tpu.memory_space<vmem>>) dst(%dma_wait3A_44 : memref<125x128xf32, #tpu.memory_space<hbm>>)
    %dma_wait3A_49 = arith.constant 0 : i32
    %dma_wait3A_50 = arith.constant 0 : i32
    %dma_wait3A_51 = arith.constant 0 : i32
    %dma_wait3A_52 = tpu.memref_slice %arg10[%dma_wait3A_49, %dma_wait3A_50, %dma_wait3A_51] : memref<2x125x128xf32, #tpu.memory_space<vmem>> -> memref<1x125x128xf32, #tpu.memory_space<vmem>>
    %dma_wait3A_53 = tpu.memref_squeeze %dma_wait3A_52 : memref<1x125x128xf32, #tpu.memory_space<vmem>> -> memref<125x128xf32, #tpu.memory_space<vmem>>
    %dma_wait3A_54 = arith.constant 0 : i32
    %dma_wait3A_55 = tpu.memref_slice %arg6[%add3A_36, %dma_wait3A_54] : memref<80000x128xf32, #tpu.memory_space<hbm>> -> memref<125x128xf32, #tpu.memory_space<hbm>>
    %dma_wait3A_56 = arith.constant 0 : i32
    %dma_wait3A_57 = tpu.memref_slice %arg6[%add3A_36, %dma_wait3A_56] : memref<80000x128xf32, #tpu.memory_space<hbm>> -> memref<125x128xf32, #tpu.memory_space<hbm>>
    %dma_wait3A_58 = arith.constant 0 : i32
    %dma_wait3A_59 = arith.constant 0 : i32
    %dma_wait3A_60 = tpu.memref_slice %arg10[%dma_wait3A_49, %dma_wait3A_58, %dma_wait3A_59] : memref<2x125x128xf32, #tpu.memory_space<vmem>> -> memref<1x125x128xf32, #tpu.memory_space<vmem>>
    %dma_wait3A_61 = tpu.memref_squeeze %dma_wait3A_60 : memref<1x125x128xf32, #tpu.memory_space<vmem>> -> memref<125x128xf32, #tpu.memory_space<vmem>>
    tpu.wait_dma2 semaphore(%arg17 : memref<!tpu.dma_semaphore, #tpu.memory_space<semaphore_mem>>) src(%dma_wait3A_61 : memref<125x128xf32, #tpu.memory_space<vmem>>) dst(%dma_wait3A_57 : memref<125x128xf32, #tpu.memory_space<hbm>>)
    %mul3A_62 = arith.constant 2500 : i32
    %mul3A_63 = arith.muli %add3A, %mul3A_62 : i32
    %add3A_64 = arith.constant 2375 : i32
    %add3A_65 = arith.addi %mul3A_63, %add3A_64 : i32
    %dma_wait3A_66 = arith.constant 1 : i32
    %dma_wait3A_67 = arith.constant 0 : i32
    %dma_wait3A_68 = arith.constant 0 : i32
    %dma_wait3A_69 = tpu.memref_slice %arg9[%dma_wait3A_66, %dma_wait3A_67, %dma_wait3A_68] : memref<2x125x128xf32, #tpu.memory_space<vmem>> -> memref<1x125x128xf32, #tpu.memory_space<vmem>>
    %dma_wait3A_70 = tpu.memref_squeeze %dma_wait3A_69 : memref<1x125x128xf32, #tpu.memory_space<vmem>> -> memref<125x128xf32, #tpu.memory_space<vmem>>
    %dma_wait3A_71 = arith.constant 0 : i32
    %dma_wait3A_72 = tpu.memref_slice %arg5[%add3A_65, %dma_wait3A_71] : memref<80000x128xf32, #tpu.memory_space<hbm>> -> memref<125x128xf32, #tpu.memory_space<hbm>>
    %dma_wait3A_73 = arith.constant 0 : i32
    %dma_wait3A_74 = tpu.memref_slice %arg5[%add3A_65, %dma_wait3A_73] : memref<80000x128xf32, #tpu.memory_space<hbm>> -> memref<125x128xf32, #tpu.memory_space<hbm>>
    %dma_wait3A_75 = arith.constant 0 : i32
    %dma_wait3A_76 = arith.constant 0 : i32
    %dma_wait3A_77 = tpu.memref_slice %arg9[%dma_wait3A_66, %dma_wait3A_75, %dma_wait3A_76] : memref<2x125x128xf32, #tpu.memory_space<vmem>> -> memref<1x125x128xf32, #tpu.memory_space<vmem>>
    %dma_wait3A_78 = tpu.memref_squeeze %dma_wait3A_77 : memref<1x125x128xf32, #tpu.memory_space<vmem>> -> memref<125x128xf32, #tpu.memory_space<vmem>>
    tpu.wait_dma2 semaphore(%arg16 : memref<!tpu.dma_semaphore, #tpu.memory_space<semaphore_mem>>) src(%dma_wait3A_78 : memref<125x128xf32, #tpu.memory_space<vmem>>) dst(%dma_wait3A_74 : memref<125x128xf32, #tpu.memory_space<hbm>>)
    %dma_wait3A_79 = arith.constant 1 : i32
    %dma_wait3A_80 = arith.constant 0 : i32
    %dma_wait3A_81 = arith.constant 0 : i32
    %dma_wait3A_82 = tpu.memref_slice %arg10[%dma_wait3A_79, %dma_wait3A_80, %dma_wait3A_81] : memref<2x125x128xf32, #tpu.memory_space<vmem>> -> memref<1x125x128xf32, #tpu.memory_space<vmem>>
    %dma_wait3A_83 = tpu.memref_squeeze %dma_wait3A_82 : memref<1x125x128xf32, #tpu.memory_space<vmem>> -> memref<125x128xf32, #tpu.memory_space<vmem>>
    %dma_wait3A_84 = arith.constant 0 : i32
    %dma_wait3A_85 = tpu.memref_slice %arg6[%add3A_65, %dma_wait3A_84] : memref<80000x128xf32, #tpu.memory_space<hbm>> -> memref<125x128xf32, #tpu.memory_space<hbm>>
    %dma_wait3A_86 = arith.constant 0 : i32
    %dma_wait3A_87 = tpu.memref_slice %arg6[%add3A_65, %dma_wait3A_86] : memref<80000x128xf32, #tpu.memory_space<hbm>> -> memref<125x128xf32, #tpu.memory_space<hbm>>
    %dma_wait3A_88 = arith.constant 0 : i32
    %dma_wait3A_89 = arith.constant 0 : i32
    %dma_wait3A_90 = tpu.memref_slice %arg10[%dma_wait3A_79, %dma_wait3A_88, %dma_wait3A_89] : memref<2x125x128xf32, #tpu.memory_space<vmem>> -> memref<1x125x128xf32, #tpu.memory_space<vmem>>
    %dma_wait3A_91 = tpu.memref_squeeze %dma_wait3A_90 : memref<1x125x128xf32, #tpu.memory_space<vmem>> -> memref<125x128xf32, #tpu.memory_space<vmem>>
    tpu.wait_dma2 semaphore(%arg18 : memref<!tpu.dma_semaphore, #tpu.memory_space<semaphore_mem>>) src(%dma_wait3A_91 : memref<125x128xf32, #tpu.memory_space<vmem>>) dst(%dma_wait3A_87 : memref<125x128xf32, #tpu.memory_space<hbm>>)
    return
  }
}

#map = affine_map<(d0, d1) -> (0, 0)>
#map1 = affine_map<(d0, d1) -> (0, 0, 0)>
module attributes {stable_mosaic.version = 14 : i64} {
  func.func @_edge_acc_sc(%arg0: i32, %arg1: i32, %arg2: memref<10000x128xf32, #tpu.memory_space<hbm>>, %arg3: memref<3200x100xi32, #tpu.memory_space<hbm>>, %arg4: memref<3200x100xi32, #tpu.memory_space<hbm>>, %arg5: memref<2x10240x128xf32, #tpu.memory_space<hbm>>, %arg6: memref<100x100xi32, #tpu.memory_space<vmem>>, %arg7: memref<100x100xi32, #tpu.memory_space<vmem>>, %arg8: memref<2x100x128xf32, #tpu.memory_space<vmem>>, %arg9: memref<10240x128xf32, #tpu.memory_space<vmem_shared>>, %arg10: memref<!tpu.dma_semaphore, #tpu.memory_space<semaphore_mem>>, %arg11: memref<!tpu.dma_semaphore, #tpu.memory_space<semaphore_mem>>, %arg12: memref<!tpu.dma_semaphore, #tpu.memory_space<semaphore_mem>>, %arg13: memref<!tpu.dma_semaphore, #tpu.memory_space<semaphore_mem>>) attributes {dimension_semantics = [#tpu.dimension_semantics<core_parallel>, #tpu.dimension_semantics<subcore_parallel>], iteration_bounds = array<i64: 2, 16>, scalar_prefetch = 0 : i64, scratch_operands = 8 : i64, tpu.core_type = #tpu.core_type<sc_vector_subcore>, window_params = [{transform_indices = #map}, {transform_indices = #map}, {transform_indices = #map}, {transform_indices = #map1}]} {
    %mul3A = arith.constant 2 : i32
    %mul3A_0 = arith.muli %arg1, %mul3A : i32
    %add3A = arith.addi %mul3A_0, %arg0 : i32
    %mul3A_1 = arith.constant 100 : i32
    %mul3A_2 = arith.muli %add3A, %mul3A_1 : i32
    "tpu.region"() ({
      %run_scoped3A = tpu.sem_alloc : memref<!tpu.dma_semaphore, #tpu.memory_space<semaphore_mem>>
      %dma_start3A_63 = arith.constant 0 : i32
      %dma_start3A_64 = tpu.memref_slice %arg3[%mul3A_2, %dma_start3A_63] : memref<3200x100xi32, #tpu.memory_space<hbm>> -> memref<100x100xi32, #tpu.memory_space<hbm>>
      %dma_start3A_65 = arith.constant 0 : i32
      %dma_start3A_66 = tpu.memref_slice %arg3[%mul3A_2, %dma_start3A_65] : memref<3200x100xi32, #tpu.memory_space<hbm>> -> memref<100x100xi32, #tpu.memory_space<hbm>>
      tpu.enqueue_dma source(%dma_start3A_66 : memref<100x100xi32, #tpu.memory_space<hbm>>) target(%arg6 : memref<100x100xi32, #tpu.memory_space<vmem>>) target_semaphore(%run_scoped3A : memref<!tpu.dma_semaphore, #tpu.memory_space<semaphore_mem>>)
      %dma_wait3A_67 = arith.constant 0 : i32
      %dma_wait3A_68 = tpu.memref_slice %arg3[%mul3A_2, %dma_wait3A_67] : memref<3200x100xi32, #tpu.memory_space<hbm>> -> memref<100x100xi32, #tpu.memory_space<hbm>>
      %dma_wait3A_69 = arith.constant 0 : i32
      %dma_wait3A_70 = tpu.memref_slice %arg3[%mul3A_2, %dma_wait3A_69] : memref<3200x100xi32, #tpu.memory_space<hbm>> -> memref<100x100xi32, #tpu.memory_space<hbm>>
      tpu.wait_dma2 semaphore(%run_scoped3A : memref<!tpu.dma_semaphore, #tpu.memory_space<semaphore_mem>>) src(%dma_wait3A_70 : memref<100x100xi32, #tpu.memory_space<hbm>>) dst(%arg6 : memref<100x100xi32, #tpu.memory_space<vmem>>)
      tpu.yield
    }) : () -> ()
    %mul3A_3 = arith.constant 100 : i32
    %mul3A_4 = arith.muli %add3A, %mul3A_3 : i32
    "tpu.region"() ({
      %run_scoped3A = tpu.sem_alloc : memref<!tpu.dma_semaphore, #tpu.memory_space<semaphore_mem>>
      %dma_start3A_63 = arith.constant 0 : i32
      %dma_start3A_64 = tpu.memref_slice %arg4[%mul3A_4, %dma_start3A_63] : memref<3200x100xi32, #tpu.memory_space<hbm>> -> memref<100x100xi32, #tpu.memory_space<hbm>>
      %dma_start3A_65 = arith.constant 0 : i32
      %dma_start3A_66 = tpu.memref_slice %arg4[%mul3A_4, %dma_start3A_65] : memref<3200x100xi32, #tpu.memory_space<hbm>> -> memref<100x100xi32, #tpu.memory_space<hbm>>
      tpu.enqueue_dma source(%dma_start3A_66 : memref<100x100xi32, #tpu.memory_space<hbm>>) target(%arg7 : memref<100x100xi32, #tpu.memory_space<vmem>>) target_semaphore(%run_scoped3A : memref<!tpu.dma_semaphore, #tpu.memory_space<semaphore_mem>>)
      %dma_wait3A_67 = arith.constant 0 : i32
      %dma_wait3A_68 = tpu.memref_slice %arg4[%mul3A_4, %dma_wait3A_67] : memref<3200x100xi32, #tpu.memory_space<hbm>> -> memref<100x100xi32, #tpu.memory_space<hbm>>
      %dma_wait3A_69 = arith.constant 0 : i32
      %dma_wait3A_70 = tpu.memref_slice %arg4[%mul3A_4, %dma_wait3A_69] : memref<3200x100xi32, #tpu.memory_space<hbm>> -> memref<100x100xi32, #tpu.memory_space<hbm>>
      tpu.wait_dma2 semaphore(%run_scoped3A : memref<!tpu.dma_semaphore, #tpu.memory_space<semaphore_mem>>) src(%dma_wait3A_70 : memref<100x100xi32, #tpu.memory_space<hbm>>) dst(%arg7 : memref<100x100xi32, #tpu.memory_space<vmem>>)
      tpu.yield
    }) : () -> ()
    %scan3A = arith.constant 0 : i32
    %scan3A_5 = arith.constant 0 : i32
    %scan3A_6 = arith.constant 64 : i32
    %scan3A_7 = arith.addi %scan3A_5, %scan3A_6 : i32
    %scan3A_8 = arith.constant 1 : i32
    scf.for %scan3A_63 = %scan3A_5 to %scan3A_7 step %scan3A_8  : i32 {
      %scan3A_64 = arith.constant 0 : i32
      %scan3A_65 = arith.constant 8 : i32
      %scan3A_66 = arith.addi %scan3A_64, %scan3A_65 : i32
      %scan3A_67 = arith.constant 1 : i32
      scf.for %scan3A_69 = %scan3A_64 to %scan3A_66 step %scan3A_67  : i32 {
        %broadcast_in_dim3A = arith.constant 0.000000e+00 : f32
        %broadcast_in_dim3A_70 = vector.broadcast %broadcast_in_dim3A : f32 to vector<16xf32>
        %mul3A_71 = arith.constant 16 : i32
        %mul3A_72 = arith.muli %scan3A_69, %mul3A_71 : i32
        %swap3A = arith.constant 0 : i32
        %swap3A_73 = arith.index_cast %swap3A : i32 to index
        %swap3A_74 = arith.index_cast %scan3A_63 : i32 to index
        %swap3A_75 = arith.index_cast %mul3A_72 : i32 to index
        %swap3A_76 = tpu.vector_load %arg8[%swap3A_73, %swap3A_74, %swap3A_75] {strides = array<i32>} : memref<2x100x128xf32, #tpu.memory_space<vmem>>, vector<16xf32>,
        tpu.vector_store %arg8[%swap3A_73, %swap3A_74, %swap3A_75], %broadcast_in_dim3A_70 {strides = array<i32>} : memref<2x100x128xf32, #tpu.memory_space<vmem>>, vector<16xf32>,
      }
      %scan3A_68 = arith.constant 8 : i32
    }
    %scan3A_9 = arith.constant 64 : i32
    %scan3A_10 = arith.constant 0 : i32
    %scan3A_11 = arith.constant 0 : i32
    %scan3A_12 = arith.constant 10 : i32
    %scan3A_13 = arith.addi %scan3A_11, %scan3A_12 : i32
    %scan3A_14 = arith.constant 1 : i32
    scf.for %scan3A_63 = %scan3A_11 to %scan3A_13 step %scan3A_14  : i32 {
      %mul3A_64 = arith.constant 640 : i32
      %mul3A_65 = arith.muli %arg1, %mul3A_64 : i32
      %mul3A_66 = arith.constant 64 : i32
      %mul3A_67 = arith.muli %scan3A_63, %mul3A_66 : i32
      %add3A_68 = arith.addi %mul3A_65, %mul3A_67 : i32
      %run_scoped3A = arith.constant 0 : i32
      "tpu.region"() ({
        %run_scoped3A_69 = tpu.sem_alloc : memref<!tpu.dma_semaphore, #tpu.memory_space<semaphore_mem>>
        %dma_start3A_70 = arith.constant 0 : i32
        %dma_start3A_71 = arith.constant 0 : i32
        %dma_start3A_72 = tpu.memref_slice %arg8[%run_scoped3A, %dma_start3A_70, %dma_start3A_71] : memref<2x100x128xf32, #tpu.memory_space<vmem>> -> memref<1x64x128xf32, #tpu.memory_space<vmem>>
        %dma_start3A_73 = tpu.memref_squeeze %dma_start3A_72 : memref<1x64x128xf32, #tpu.memory_space<vmem>> -> memref<64x128xf32, #tpu.memory_space<vmem>>
        %dma_start3A_74 = arith.constant 0 : i32
        %dma_start3A_75 = tpu.memref_slice %arg9[%add3A_68, %dma_start3A_74] : memref<10240x128xf32, #tpu.memory_space<vmem_shared>> -> memref<64x128xf32, #tpu.memory_space<vmem_shared>>
        %dma_start3A_76 = arith.constant 0 : i32
        %dma_start3A_77 = tpu.memref_slice %arg9[%add3A_68, %dma_start3A_76] : memref<10240x128xf32, #tpu.memory_space<vmem_shared>> -> memref<64x128xf32, #tpu.memory_space<vmem_shared>>
        %dma_start3A_78 = arith.constant 0 : i32
        %dma_start3A_79 = arith.constant 0 : i32
        %dma_start3A_80 = tpu.memref_slice %arg8[%run_scoped3A, %dma_start3A_78, %dma_start3A_79] : memref<2x100x128xf32, #tpu.memory_space<vmem>> -> memref<1x64x128xf32, #tpu.memory_space<vmem>>
        %dma_start3A_81 = tpu.memref_squeeze %dma_start3A_80 : memref<1x64x128xf32, #tpu.memory_space<vmem>> -> memref<64x128xf32, #tpu.memory_space<vmem>>
        tpu.enqueue_dma source(%dma_start3A_81 : memref<64x128xf32, #tpu.memory_space<vmem>>) target(%dma_start3A_77 : memref<64x128xf32, #tpu.memory_space<vmem_shared>>) target_semaphore(%run_scoped3A_69 : memref<!tpu.dma_semaphore, #tpu.memory_space<semaphore_mem>>)
        %dma_wait3A_82 = arith.constant 0 : i32
        %dma_wait3A_83 = arith.constant 0 : i32
        %dma_wait3A_84 = tpu.memref_slice %arg8[%run_scoped3A, %dma_wait3A_82, %dma_wait3A_83] : memref<2x100x128xf32, #tpu.memory_space<vmem>> -> memref<1x64x128xf32, #tpu.memory_space<vmem>>
        %dma_wait3A_85 = tpu.memref_squeeze %dma_wait3A_84 : memref<1x64x128xf32, #tpu.memory_space<vmem>> -> memref<64x128xf32, #tpu.memory_space<vmem>>
        %dma_wait3A_86 = arith.constant 0 : i32
        %dma_wait3A_87 = tpu.memref_slice %arg9[%add3A_68, %dma_wait3A_86] : memref<10240x128xf32, #tpu.memory_space<vmem_shared>> -> memref<64x128xf32, #tpu.memory_space<vmem_shared>>
        %dma_wait3A_88 = arith.constant 0 : i32
        %dma_wait3A_89 = tpu.memref_slice %arg9[%add3A_68, %dma_wait3A_88] : memref<10240x128xf32, #tpu.memory_space<vmem_shared>> -> memref<64x128xf32, #tpu.memory_space<vmem_shared>>
        %dma_wait3A_90 = arith.constant 0 : i32
        %dma_wait3A_91 = arith.constant 0 : i32
        %dma_wait3A_92 = tpu.memref_slice %arg8[%run_scoped3A, %dma_wait3A_90, %dma_wait3A_91] : memref<2x100x128xf32, #tpu.memory_space<vmem>> -> memref<1x64x128xf32, #tpu.memory_space<vmem>>
        %dma_wait3A_93 = tpu.memref_squeeze %dma_wait3A_92 : memref<1x64x128xf32, #tpu.memory_space<vmem>> -> memref<64x128xf32, #tpu.memory_space<vmem>>
        tpu.wait_dma2 semaphore(%run_scoped3A_69 : memref<!tpu.dma_semaphore, #tpu.memory_space<semaphore_mem>>) src(%dma_wait3A_93 : memref<64x128xf32, #tpu.memory_space<vmem>>) dst(%dma_wait3A_89 : memref<64x128xf32, #tpu.memory_space<vmem_shared>>)
        tpu.yield
      }) : () -> ()
    }
    %scan3A_15 = arith.constant 10 : i32
    %barrier3A = arith.constant 0 : index
    tpu.barrier barrier_id(%barrier3A)
    %dma_start3A = arith.constant 0 : i32
    %dma_start3A_16 = arith.constant 0 : i32
    %dma_start3A_17 = arith.constant 0 : i32
    %dma_start3A_18 = arith.constant 0 : i32
    %dma_start3A_19 = tpu.memref_slice %arg8[%dma_start3A_16, %dma_start3A_17, %dma_start3A_18] : memref<2x100x128xf32, #tpu.memory_space<vmem>> -> memref<1x100x128xf32, #tpu.memory_space<vmem>>
    %dma_start3A_20 = tpu.memref_squeeze %dma_start3A_19 : memref<1x100x128xf32, #tpu.memory_space<vmem>> -> memref<100x128xf32, #tpu.memory_space<vmem>>
    %dma_start3A_21 = arith.constant 0 : i32
    %dma_start3A_22 = tpu.memref_slice %arg6[%dma_start3A, %dma_start3A_21] : memref<100x100xi32, #tpu.memory_space<vmem>> -> memref<1x100xi32, #tpu.memory_space<vmem>>
    %dma_start3A_23 = tpu.memref_squeeze %dma_start3A_22 : memref<1x100xi32, #tpu.memory_space<vmem>> -> memref<100xi32, #tpu.memory_space<vmem>>
    %dma_start3A_24 = arith.constant 0 : i32
    %dma_start3A_25 = arith.constant 0 : i32
    %dma_start3A_26 = tpu.memref_slice %arg2[%dma_start3A_24, %dma_start3A_25] : memref<10000x128xf32, #tpu.memory_space<hbm>> -> memref<10000x128xf32, #tpu.memory_space<hbm>>
    tpu.enqueue_indirect_dma source(%dma_start3A_26 : memref<10000x128xf32, #tpu.memory_space<hbm>>) target(%dma_start3A_20 : memref<100x128xf32, #tpu.memory_space<vmem>>) offsets(%dma_start3A_23 : memref<100xi32, #tpu.memory_space<vmem>>) semaphore(%arg10 : memref<!tpu.dma_semaphore, #tpu.memory_space<semaphore_mem>>)
    %scan3A_27 = arith.constant 0 : i32
    %scan3A_28 = arith.constant 0 : i32
    %scan3A_29 = arith.constant 50 : i32
    %scan3A_30 = arith.addi %scan3A_28, %scan3A_29 : i32
    %scan3A_31 = arith.constant 1 : i32
    scf.for %scan3A_63 = %scan3A_28 to %scan3A_30 step %scan3A_31  : i32 {
      %mul3A_64 = arith.constant 2 : i32
      %mul3A_65 = arith.muli %scan3A_63, %mul3A_64 : i32
      %add3A_66 = arith.constant 0 : i32
      %add3A_67 = arith.addi %mul3A_65, %add3A_66 : i32
      %dma_wait3A_68 = arith.constant 0 : i32
      %dma_wait3A_69 = arith.constant 0 : i32
      %dma_wait3A_70 = arith.constant 0 : i32
      %dma_wait3A_71 = tpu.memref_slice %arg8[%dma_wait3A_68, %dma_wait3A_69, %dma_wait3A_70] : memref<2x100x128xf32, #tpu.memory_space<vmem>> -> memref<1x100x128xf32, #tpu.memory_space<vmem>>
      %dma_wait3A_72 = tpu.memref_squeeze %dma_wait3A_71 : memref<1x100x128xf32, #tpu.memory_space<vmem>> -> memref<100x128xf32, #tpu.memory_space<vmem>>
      %dma_wait3A_73 = arith.constant 0 : i32
      %dma_wait3A_74 = tpu.memref_slice %arg6[%add3A_67, %dma_wait3A_73] : memref<100x100xi32, #tpu.memory_space<vmem>> -> memref<1x100xi32, #tpu.memory_space<vmem>>
      %dma_wait3A_75 = tpu.memref_squeeze %dma_wait3A_74 : memref<1x100xi32, #tpu.memory_space<vmem>> -> memref<100xi32, #tpu.memory_space<vmem>>
      %dma_wait3A_76 = arith.constant 0 : i32
      %dma_wait3A_77 = arith.constant 0 : i32
      %dma_wait3A_78 = tpu.memref_slice %arg2[%dma_wait3A_76, %dma_wait3A_77] : memref<10000x128xf32, #tpu.memory_space<hbm>> -> memref<10000x128xf32, #tpu.memory_space<hbm>>
      tpu.wait_indirect_dma semaphore(%arg10 : memref<!tpu.dma_semaphore, #tpu.memory_space<semaphore_mem>>) src(%dma_wait3A_78 : memref<10000x128xf32, #tpu.memory_space<hbm>>) dst(%dma_wait3A_72 : memref<100x128xf32, #tpu.memory_space<vmem>>)
      %add3A_79 = arith.constant 1 : i32
      %add3A_80 = arith.addi %add3A_67, %add3A_79 : i32
      %lt3A = arith.constant 100 : i32
      %lt3A_81 = arith.cmpi slt, %add3A_80, %lt3A : i32
      %convert_element_type3A = arith.extui %lt3A_81 : i1 to i32
      %cond3A = arith.constant 0 : i32
      %cond3A_82 = arith.cmpi ne, %convert_element_type3A, %cond3A : i32
      scf.if %cond3A_82 {
        %ge3A = arith.constant 1 : i32
        %ge3A_127 = arith.cmpi sge, %add3A_67, %ge3A : i32
        %convert_element_type3A_128 = arith.extui %ge3A_127 : i1 to i32
        %cond3A_129 = arith.constant 0 : i32
        %cond3A_130 = arith.cmpi ne, %convert_element_type3A_128, %cond3A_129 : i32
        scf.if %cond3A_130 {
          %sub3A = arith.constant 1 : i32
          %sub3A_144 = arith.subi %add3A_67, %sub3A : i32
          %dma_wait3A_145 = arith.constant 1 : i32
          %dma_wait3A_146 = arith.constant 0 : i32
          %dma_wait3A_147 = arith.constant 0 : i32
          %dma_wait3A_148 = tpu.memref_slice %arg8[%dma_wait3A_145, %dma_wait3A_146, %dma_wait3A_147] : memref<2x100x128xf32, #tpu.memory_space<vmem>> -> memref<1x100x128xf32, #tpu.memory_space<vmem>>
          %dma_wait3A_149 = tpu.memref_squeeze %dma_wait3A_148 : memref<1x100x128xf32, #tpu.memory_space<vmem>> -> memref<100x128xf32, #tpu.memory_space<vmem>>
          %dma_wait3A_150 = arith.constant 0 : i32
          %dma_wait3A_151 = tpu.memref_slice %arg7[%sub3A_144, %dma_wait3A_150] : memref<100x100xi32, #tpu.memory_space<vmem>> -> memref<1x100xi32, #tpu.memory_space<vmem>>
          %dma_wait3A_152 = tpu.memref_squeeze %dma_wait3A_151 : memref<1x100xi32, #tpu.memory_space<vmem>> -> memref<100xi32, #tpu.memory_space<vmem>>
          %dma_wait3A_153 = arith.constant 0 : i32
          %dma_wait3A_154 = arith.constant 0 : i32
          %dma_wait3A_155 = tpu.memref_slice %arg9[%dma_wait3A_153, %dma_wait3A_154] : memref<10240x128xf32, #tpu.memory_space<vmem_shared>> -> memref<10240x128xf32, #tpu.memory_space<vmem_shared>>
          tpu.wait_indirect_dma semaphore(%arg13 : memref<!tpu.dma_semaphore, #tpu.memory_space<semaphore_mem>>) src(%dma_wait3A_149 : memref<100x128xf32, #tpu.memory_space<vmem>>) dst(%dma_wait3A_155 : memref<10240x128xf32, #tpu.memory_space<vmem_shared>>)
        } else {
        }
        %add3A_131 = arith.constant 1 : i32
        %add3A_132 = arith.addi %add3A_67, %add3A_131 : i32
        %dma_start3A_133 = arith.constant 1 : i32
        %dma_start3A_134 = arith.constant 0 : i32
        %dma_start3A_135 = arith.constant 0 : i32
        %dma_start3A_136 = tpu.memref_slice %arg8[%dma_start3A_133, %dma_start3A_134, %dma_start3A_135] : memref<2x100x128xf32, #tpu.memory_space<vmem>> -> memref<1x100x128xf32, #tpu.memory_space<vmem>>
        %dma_start3A_137 = tpu.memref_squeeze %dma_start3A_136 : memref<1x100x128xf32, #tpu.memory_space<vmem>> -> memref<100x128xf32, #tpu.memory_space<vmem>>
        %dma_start3A_138 = arith.constant 0 : i32
        %dma_start3A_139 = tpu.memref_slice %arg6[%add3A_132, %dma_start3A_138] : memref<100x100xi32, #tpu.memory_space<vmem>> -> memref<1x100xi32, #tpu.memory_space<vmem>>
        %dma_start3A_140 = tpu.memref_squeeze %dma_start3A_139 : memref<1x100xi32, #tpu.memory_space<vmem>> -> memref<100xi32, #tpu.memory_space<vmem>>
        %dma_start3A_141 = arith.constant 0 : i32
        %dma_start3A_142 = arith.constant 0 : i32
        %dma_start3A_143 = tpu.memref_slice %arg2[%dma_start3A_141, %dma_start3A_142] : memref<10000x128xf32, #tpu.memory_space<hbm>> -> memref<10000x128xf32, #tpu.memory_space<hbm>>
        tpu.enqueue_indirect_dma source(%dma_start3A_143 : memref<10000x128xf32, #tpu.memory_space<hbm>>) target(%dma_start3A_137 : memref<100x128xf32, #tpu.memory_space<vmem>>) offsets(%dma_start3A_140 : memref<100xi32, #tpu.memory_space<vmem>>) semaphore(%arg11 : memref<!tpu.dma_semaphore, #tpu.memory_space<semaphore_mem>>)
      } else {
      }
      %dma_start3A_83 = arith.constant 0 : i32
      %dma_start3A_84 = arith.constant 0 : i32
      %dma_start3A_85 = arith.constant 0 : i32
      %dma_start3A_86 = tpu.memref_slice %arg8[%dma_start3A_83, %dma_start3A_84, %dma_start3A_85] : memref<2x100x128xf32, #tpu.memory_space<vmem>> -> memref<1x100x128xf32, #tpu.memory_space<vmem>>
      %dma_start3A_87 = tpu.memref_squeeze %dma_start3A_86 : memref<1x100x128xf32, #tpu.memory_space<vmem>> -> memref<100x128xf32, #tpu.memory_space<vmem>>
      %dma_start3A_88 = arith.constant 0 : i32
      %dma_start3A_89 = tpu.memref_slice %arg7[%add3A_67, %dma_start3A_88] : memref<100x100xi32, #tpu.memory_space<vmem>> -> memref<1x100xi32, #tpu.memory_space<vmem>>
      %dma_start3A_90 = tpu.memref_squeeze %dma_start3A_89 : memref<1x100xi32, #tpu.memory_space<vmem>> -> memref<100xi32, #tpu.memory_space<vmem>>
      %dma_start3A_91 = arith.constant 0 : i32
      %dma_start3A_92 = arith.constant 0 : i32
      %dma_start3A_93 = tpu.memref_slice %arg9[%dma_start3A_91, %dma_start3A_92] : memref<10240x128xf32, #tpu.memory_space<vmem_shared>> -> memref<10240x128xf32, #tpu.memory_space<vmem_shared>>
      tpu.enqueue_indirect_dma source(%dma_start3A_87 : memref<100x128xf32, #tpu.memory_space<vmem>>) target(%dma_start3A_93 : memref<10240x128xf32, #tpu.memory_space<vmem_shared>>) offsets(%dma_start3A_90 : memref<100xi32, #tpu.memory_space<vmem>>) semaphore(%arg12 : memref<!tpu.dma_semaphore, #tpu.memory_space<semaphore_mem>>) {add = true}
      %mul3A_94 = arith.constant 2 : i32
      %mul3A_95 = arith.muli %scan3A_63, %mul3A_94 : i32
      %add3A_96 = arith.constant 1 : i32
      %add3A_97 = arith.addi %mul3A_95, %add3A_96 : i32
      %dma_wait3A_98 = arith.constant 1 : i32
      %dma_wait3A_99 = arith.constant 0 : i32
      %dma_wait3A_100 = arith.constant 0 : i32
      %dma_wait3A_101 = tpu.memref_slice %arg8[%dma_wait3A_98, %dma_wait3A_99, %dma_wait3A_100] : memref<2x100x128xf32, #tpu.memory_space<vmem>> -> memref<1x100x128xf32, #tpu.memory_space<vmem>>
      %dma_wait3A_102 = tpu.memref_squeeze %dma_wait3A_101 : memref<1x100x128xf32, #tpu.memory_space<vmem>> -> memref<100x128xf32, #tpu.memory_space<vmem>>
      %dma_wait3A_103 = arith.constant 0 : i32
      %dma_wait3A_104 = tpu.memref_slice %arg6[%add3A_97, %dma_wait3A_103] : memref<100x100xi32, #tpu.memory_space<vmem>> -> memref<1x100xi32, #tpu.memory_space<vmem>>
      %dma_wait3A_105 = tpu.memref_squeeze %dma_wait3A_104 : memref<1x100xi32, #tpu.memory_space<vmem>> -> memref<100xi32, #tpu.memory_space<vmem>>
      %dma_wait3A_106 = arith.constant 0 : i32
      %dma_wait3A_107 = arith.constant 0 : i32
      %dma_wait3A_108 = tpu.memref_slice %arg2[%dma_wait3A_106, %dma_wait3A_107] : memref<10000x128xf32, #tpu.memory_space<hbm>> -> memref<10000x128xf32, #tpu.memory_space<hbm>>
      tpu.wait_indirect_dma semaphore(%arg11 : memref<!tpu.dma_semaphore, #tpu.memory_space<semaphore_mem>>) src(%dma_wait3A_108 : memref<10000x128xf32, #tpu.memory_space<hbm>>) dst(%dma_wait3A_102 : memref<100x128xf32, #tpu.memory_space<vmem>>)
      %add3A_109 = arith.constant 1 : i32
      %add3A_110 = arith.addi %add3A_97, %add3A_109 : i32
      %lt3A_111 = arith.constant 100 : i32
      %lt3A_112 = arith.cmpi slt, %add3A_110, %lt3A_111 : i32
      %convert_element_type3A_113 = arith.extui %lt3A_112 : i1 to i32
      %cond3A_114 = arith.constant 0 : i32
      %cond3A_115 = arith.cmpi ne, %convert_element_type3A_113, %cond3A_114 : i32
      scf.if %cond3A_115 {
        %ge3A = arith.constant 1 : i32
        %ge3A_127 = arith.cmpi sge, %add3A_97, %ge3A : i32
        %convert_element_type3A_128 = arith.extui %ge3A_127 : i1 to i32
        %cond3A_129 = arith.constant 0 : i32
        %cond3A_130 = arith.cmpi ne, %convert_element_type3A_128, %cond3A_129 : i32
        scf.if %cond3A_130 {
          %sub3A = arith.constant 1 : i32
          %sub3A_144 = arith.subi %add3A_97, %sub3A : i32
          %dma_wait3A_145 = arith.constant 0 : i32
          %dma_wait3A_146 = arith.constant 0 : i32
          %dma_wait3A_147 = arith.constant 0 : i32
          %dma_wait3A_148 = tpu.memref_slice %arg8[%dma_wait3A_145, %dma_wait3A_146, %dma_wait3A_147] : memref<2x100x128xf32, #tpu.memory_space<vmem>> -> memref<1x100x128xf32, #tpu.memory_space<vmem>>
          %dma_wait3A_149 = tpu.memref_squeeze %dma_wait3A_148 : memref<1x100x128xf32, #tpu.memory_space<vmem>> -> memref<100x128xf32, #tpu.memory_space<vmem>>
          %dma_wait3A_150 = arith.constant 0 : i32
          %dma_wait3A_151 = tpu.memref_slice %arg7[%sub3A_144, %dma_wait3A_150] : memref<100x100xi32, #tpu.memory_space<vmem>> -> memref<1x100xi32, #tpu.memory_space<vmem>>
          %dma_wait3A_152 = tpu.memref_squeeze %dma_wait3A_151 : memref<1x100xi32, #tpu.memory_space<vmem>> -> memref<100xi32, #tpu.memory_space<vmem>>
          %dma_wait3A_153 = arith.constant 0 : i32
          %dma_wait3A_154 = arith.constant 0 : i32
          %dma_wait3A_155 = tpu.memref_slice %arg9[%dma_wait3A_153, %dma_wait3A_154] : memref<10240x128xf32, #tpu.memory_space<vmem_shared>> -> memref<10240x128xf32, #tpu.memory_space<vmem_shared>>
          tpu.wait_indirect_dma semaphore(%arg12 : memref<!tpu.dma_semaphore, #tpu.memory_space<semaphore_mem>>) src(%dma_wait3A_149 : memref<100x128xf32, #tpu.memory_space<vmem>>) dst(%dma_wait3A_155 : memref<10240x128xf32, #tpu.memory_space<vmem_shared>>)
        } else {
        }
        %add3A_131 = arith.constant 1 : i32
        %add3A_132 = arith.addi %add3A_97, %add3A_131 : i32
        %dma_start3A_133 = arith.constant 0 : i32
        %dma_start3A_134 = arith.constant 0 : i32
        %dma_start3A_135 = arith.constant 0 : i32
        %dma_start3A_136 = tpu.memref_slice %arg8[%dma_start3A_133, %dma_start3A_134, %dma_start3A_135] : memref<2x100x128xf32, #tpu.memory_space<vmem>> -> memref<1x100x128xf32, #tpu.memory_space<vmem>>
        %dma_start3A_137 = tpu.memref_squeeze %dma_start3A_136 : memref<1x100x128xf32, #tpu.memory_space<vmem>> -> memref<100x128xf32, #tpu.memory_space<vmem>>
        %dma_start3A_138 = arith.constant 0 : i32
        %dma_start3A_139 = tpu.memref_slice %arg6[%add3A_132, %dma_start3A_138] : memref<100x100xi32, #tpu.memory_space<vmem>> -> memref<1x100xi32, #tpu.memory_space<vmem>>
        %dma_start3A_140 = tpu.memref_squeeze %dma_start3A_139 : memref<1x100xi32, #tpu.memory_space<vmem>> -> memref<100xi32, #tpu.memory_space<vmem>>
        %dma_start3A_141 = arith.constant 0 : i32
        %dma_start3A_142 = arith.constant 0 : i32
        %dma_start3A_143 = tpu.memref_slice %arg2[%dma_start3A_141, %dma_start3A_142] : memref<10000x128xf32, #tpu.memory_space<hbm>> -> memref<10000x128xf32, #tpu.memory_space<hbm>>
        tpu.enqueue_indirect_dma source(%dma_start3A_143 : memref<10000x128xf32, #tpu.memory_space<hbm>>) target(%dma_start3A_137 : memref<100x128xf32, #tpu.memory_space<vmem>>) offsets(%dma_start3A_140 : memref<100xi32, #tpu.memory_space<vmem>>) semaphore(%arg10 : memref<!tpu.dma_semaphore, #tpu.memory_space<semaphore_mem>>)
      } else {
      }
      %dma_start3A_116 = arith.constant 1 : i32
      %dma_start3A_117 = arith.constant 0 : i32
      %dma_start3A_118 = arith.constant 0 : i32
      %dma_start3A_119 = tpu.memref_slice %arg8[%dma_start3A_116, %dma_start3A_117, %dma_start3A_118] : memref<2x100x128xf32, #tpu.memory_space<vmem>> -> memref<1x100x128xf32, #tpu.memory_space<vmem>>
      %dma_start3A_120 = tpu.memref_squeeze %dma_start3A_119 : memref<1x100x128xf32, #tpu.memory_space<vmem>> -> memref<100x128xf32, #tpu.memory_space<vmem>>
      %dma_start3A_121 = arith.constant 0 : i32
      %dma_start3A_122 = tpu.memref_slice %arg7[%add3A_97, %dma_start3A_121] : memref<100x100xi32, #tpu.memory_space<vmem>> -> memref<1x100xi32, #tpu.memory_space<vmem>>
      %dma_start3A_123 = tpu.memref_squeeze %dma_start3A_122 : memref<1x100xi32, #tpu.memory_space<vmem>> -> memref<100xi32, #tpu.memory_space<vmem>>
      %dma_start3A_124 = arith.constant 0 : i32
      %dma_start3A_125 = arith.constant 0 : i32
      %dma_start3A_126 = tpu.memref_slice %arg9[%dma_start3A_124, %dma_start3A_125] : memref<10240x128xf32, #tpu.memory_space<vmem_shared>> -> memref<10240x128xf32, #tpu.memory_space<vmem_shared>>
      tpu.enqueue_indirect_dma source(%dma_start3A_120 : memref<100x128xf32, #tpu.memory_space<vmem>>) target(%dma_start3A_126 : memref<10240x128xf32, #tpu.memory_space<vmem_shared>>) offsets(%dma_start3A_123 : memref<100xi32, #tpu.memory_space<vmem>>) semaphore(%arg13 : memref<!tpu.dma_semaphore, #tpu.memory_space<semaphore_mem>>) {add = true}
    }
    %scan3A_32 = arith.constant 50 : i32
    %dma_wait3A = arith.constant 0 : i32
    %dma_wait3A_33 = arith.constant 98 : i32
    %dma_wait3A_34 = arith.constant 0 : i32
    %dma_wait3A_35 = arith.constant 0 : i32
    %dma_wait3A_36 = tpu.memref_slice %arg8[%dma_wait3A, %dma_wait3A_34, %dma_wait3A_35] : memref<2x100x128xf32, #tpu.memory_space<vmem>> -> memref<1x100x128xf32, #tpu.memory_space<vmem>>
    %dma_wait3A_37 = tpu.memref_squeeze %dma_wait3A_36 : memref<1x100x128xf32, #tpu.memory_space<vmem>> -> memref<100x128xf32, #tpu.memory_space<vmem>>
    %dma_wait3A_38 = arith.constant 0 : i32
    %dma_wait3A_39 = tpu.memref_slice %arg7[%dma_wait3A_33, %dma_wait3A_38] : memref<100x100xi32, #tpu.memory_space<vmem>> -> memref<1x100xi32, #tpu.memory_space<vmem>>
    %dma_wait3A_40 = tpu.memref_squeeze %dma_wait3A_39 : memref<1x100xi32, #tpu.memory_space<vmem>> -> memref<100xi32, #tpu.memory_space<vmem>>
    %dma_wait3A_41 = arith.constant 0 : i32
    %dma_wait3A_42 = arith.constant 0 : i32
    %dma_wait3A_43 = tpu.memref_slice %arg9[%dma_wait3A_41, %dma_wait3A_42] : memref<10240x128xf32, #tpu.memory_space<vmem_shared>> -> memref<10240x128xf32, #tpu.memory_space<vmem_shared>>
    tpu.wait_indirect_dma semaphore(%arg12 : memref<!tpu.dma_semaphore, #tpu.memory_space<semaphore_mem>>) src(%dma_wait3A_37 : memref<100x128xf32, #tpu.memory_space<vmem>>) dst(%dma_wait3A_43 : memref<10240x128xf32, #tpu.memory_space<vmem_shared>>)
    %dma_wait3A_44 = arith.constant 1 : i32
    %dma_wait3A_45 = arith.constant 99 : i32
    %dma_wait3A_46 = arith.constant 0 : i32
    %dma_wait3A_47 = arith.constant 0 : i32
    %dma_wait3A_48 = tpu.memref_slice %arg8[%dma_wait3A_44, %dma_wait3A_46, %dma_wait3A_47] : memref<2x100x128xf32, #tpu.memory_space<vmem>> -> memref<1x100x128xf32, #tpu.memory_space<vmem>>
    %dma_wait3A_49 = tpu.memref_squeeze %dma_wait3A_48 : memref<1x100x128xf32, #tpu.memory_space<vmem>> -> memref<100x128xf32, #tpu.memory_space<vmem>>
    %dma_wait3A_50 = arith.constant 0 : i32
    %dma_wait3A_51 = tpu.memref_slice %arg7[%dma_wait3A_45, %dma_wait3A_50] : memref<100x100xi32, #tpu.memory_space<vmem>> -> memref<1x100xi32, #tpu.memory_space<vmem>>
    %dma_wait3A_52 = tpu.memref_squeeze %dma_wait3A_51 : memref<1x100xi32, #tpu.memory_space<vmem>> -> memref<100xi32, #tpu.memory_space<vmem>>
    %dma_wait3A_53 = arith.constant 0 : i32
    %dma_wait3A_54 = arith.constant 0 : i32
    %dma_wait3A_55 = tpu.memref_slice %arg9[%dma_wait3A_53, %dma_wait3A_54] : memref<10240x128xf32, #tpu.memory_space<vmem_shared>> -> memref<10240x128xf32, #tpu.memory_space<vmem_shared>>
    tpu.wait_indirect_dma semaphore(%arg13 : memref<!tpu.dma_semaphore, #tpu.memory_space<semaphore_mem>>) src(%dma_wait3A_49 : memref<100x128xf32, #tpu.memory_space<vmem>>) dst(%dma_wait3A_55 : memref<10240x128xf32, #tpu.memory_space<vmem_shared>>)
    %barrier3A_56 = arith.constant 0 : index
    tpu.barrier barrier_id(%barrier3A_56)
    %scan3A_57 = arith.constant 0 : i32
    %scan3A_58 = arith.constant 0 : i32
    %scan3A_59 = arith.constant 10 : i32
    %scan3A_60 = arith.addi %scan3A_58, %scan3A_59 : i32
    %scan3A_61 = arith.constant 1 : i32
    scf.for %scan3A_63 = %scan3A_58 to %scan3A_60 step %scan3A_61  : i32 {
      %mul3A_64 = arith.constant 640 : i32
      %mul3A_65 = arith.muli %arg1, %mul3A_64 : i32
      %mul3A_66 = arith.constant 64 : i32
      %mul3A_67 = arith.muli %scan3A_63, %mul3A_66 : i32
      %add3A_68 = arith.addi %mul3A_65, %mul3A_67 : i32
      %run_scoped3A = arith.constant 0 : i32
      "tpu.region"() ({
        %run_scoped3A_70 = tpu.sem_alloc : memref<!tpu.dma_semaphore, #tpu.memory_space<semaphore_mem>>
        %dma_start3A_71 = arith.constant 0 : i32
        %dma_start3A_72 = arith.constant 0 : i32
        %dma_start3A_73 = tpu.memref_slice %arg8[%run_scoped3A, %dma_start3A_71, %dma_start3A_72] : memref<2x100x128xf32, #tpu.memory_space<vmem>> -> memref<1x64x128xf32, #tpu.memory_space<vmem>>
        %dma_start3A_74 = tpu.memref_squeeze %dma_start3A_73 : memref<1x64x128xf32, #tpu.memory_space<vmem>> -> memref<64x128xf32, #tpu.memory_space<vmem>>
        %dma_start3A_75 = arith.constant 0 : i32
        %dma_start3A_76 = tpu.memref_slice %arg9[%add3A_68, %dma_start3A_75] : memref<10240x128xf32, #tpu.memory_space<vmem_shared>> -> memref<64x128xf32, #tpu.memory_space<vmem_shared>>
        %dma_start3A_77 = arith.constant 0 : i32
        %dma_start3A_78 = arith.constant 0 : i32
        %dma_start3A_79 = tpu.memref_slice %arg8[%run_scoped3A, %dma_start3A_77, %dma_start3A_78] : memref<2x100x128xf32, #tpu.memory_space<vmem>> -> memref<1x64x128xf32, #tpu.memory_space<vmem>>
        %dma_start3A_80 = tpu.memref_squeeze %dma_start3A_79 : memref<1x64x128xf32, #tpu.memory_space<vmem>> -> memref<64x128xf32, #tpu.memory_space<vmem>>
        %dma_start3A_81 = arith.constant 0 : i32
        %dma_start3A_82 = tpu.memref_slice %arg9[%add3A_68, %dma_start3A_81] : memref<10240x128xf32, #tpu.memory_space<vmem_shared>> -> memref<64x128xf32, #tpu.memory_space<vmem_shared>>
        tpu.enqueue_dma source(%dma_start3A_82 : memref<64x128xf32, #tpu.memory_space<vmem_shared>>) target(%dma_start3A_80 : memref<64x128xf32, #tpu.memory_space<vmem>>) target_semaphore(%run_scoped3A_70 : memref<!tpu.dma_semaphore, #tpu.memory_space<semaphore_mem>>)
        %dma_wait3A_83 = arith.constant 0 : i32
        %dma_wait3A_84 = arith.constant 0 : i32
        %dma_wait3A_85 = tpu.memref_slice %arg8[%run_scoped3A, %dma_wait3A_83, %dma_wait3A_84] : memref<2x100x128xf32, #tpu.memory_space<vmem>> -> memref<1x64x128xf32, #tpu.memory_space<vmem>>
        %dma_wait3A_86 = tpu.memref_squeeze %dma_wait3A_85 : memref<1x64x128xf32, #tpu.memory_space<vmem>> -> memref<64x128xf32, #tpu.memory_space<vmem>>
        %dma_wait3A_87 = arith.constant 0 : i32
        %dma_wait3A_88 = tpu.memref_slice %arg9[%add3A_68, %dma_wait3A_87] : memref<10240x128xf32, #tpu.memory_space<vmem_shared>> -> memref<64x128xf32, #tpu.memory_space<vmem_shared>>
        %dma_wait3A_89 = arith.constant 0 : i32
        %dma_wait3A_90 = arith.constant 0 : i32
        %dma_wait3A_91 = tpu.memref_slice %arg8[%run_scoped3A, %dma_wait3A_89, %dma_wait3A_90] : memref<2x100x128xf32, #tpu.memory_space<vmem>> -> memref<1x64x128xf32, #tpu.memory_space<vmem>>
        %dma_wait3A_92 = tpu.memref_squeeze %dma_wait3A_91 : memref<1x64x128xf32, #tpu.memory_space<vmem>> -> memref<64x128xf32, #tpu.memory_space<vmem>>
        %dma_wait3A_93 = arith.constant 0 : i32
        %dma_wait3A_94 = tpu.memref_slice %arg9[%add3A_68, %dma_wait3A_93] : memref<10240x128xf32, #tpu.memory_space<vmem_shared>> -> memref<64x128xf32, #tpu.memory_space<vmem_shared>>
        tpu.wait_dma2 semaphore(%run_scoped3A_70 : memref<!tpu.dma_semaphore, #tpu.memory_space<semaphore_mem>>) src(%dma_wait3A_94 : memref<64x128xf32, #tpu.memory_space<vmem_shared>>) dst(%dma_wait3A_92 : memref<64x128xf32, #tpu.memory_space<vmem>>)
        tpu.yield
      }) : () -> ()
      %run_scoped3A_69 = arith.constant 0 : i32
      "tpu.region"() ({
        %run_scoped3A_70 = tpu.sem_alloc : memref<!tpu.dma_semaphore, #tpu.memory_space<semaphore_mem>>
        %dma_start3A_71 = arith.constant 0 : i32
        %dma_start3A_72 = arith.constant 0 : i32
        %dma_start3A_73 = tpu.memref_slice %arg8[%run_scoped3A_69, %dma_start3A_71, %dma_start3A_72] : memref<2x100x128xf32, #tpu.memory_space<vmem>> -> memref<1x64x128xf32, #tpu.memory_space<vmem>>
        %dma_start3A_74 = tpu.memref_squeeze %dma_start3A_73 : memref<1x64x128xf32, #tpu.memory_space<vmem>> -> memref<64x128xf32, #tpu.memory_space<vmem>>
        %dma_start3A_75 = arith.constant 0 : i32
        %dma_start3A_76 = tpu.memref_slice %arg5[%arg0, %add3A_68, %dma_start3A_75] : memref<2x10240x128xf32, #tpu.memory_space<hbm>> -> memref<1x64x128xf32, #tpu.memory_space<hbm>>
        %dma_start3A_77 = tpu.memref_squeeze %dma_start3A_76 : memref<1x64x128xf32, #tpu.memory_space<hbm>> -> memref<64x128xf32, #tpu.memory_space<hbm>>
        %dma_start3A_78 = arith.constant 0 : i32
        %dma_start3A_79 = tpu.memref_slice %arg5[%arg0, %add3A_68, %dma_start3A_78] : memref<2x10240x128xf32, #tpu.memory_space<hbm>> -> memref<1x64x128xf32, #tpu.memory_space<hbm>>
        %dma_start3A_80 = tpu.memref_squeeze %dma_start3A_79 : memref<1x64x128xf32, #tpu.memory_space<hbm>> -> memref<64x128xf32, #tpu.memory_space<hbm>>
        %dma_start3A_81 = arith.constant 0 : i32
        %dma_start3A_82 = arith.constant 0 : i32
        %dma_start3A_83 = tpu.memref_slice %arg8[%run_scoped3A_69, %dma_start3A_81, %dma_start3A_82] : memref<2x100x128xf32, #tpu.memory_space<vmem>> -> memref<1x64x128xf32, #tpu.memory_space<vmem>>
        %dma_start3A_84 = tpu.memref_squeeze %dma_start3A_83 : memref<1x64x128xf32, #tpu.memory_space<vmem>> -> memref<64x128xf32, #tpu.memory_space<vmem>>
        tpu.enqueue_dma source(%dma_start3A_84 : memref<64x128xf32, #tpu.memory_space<vmem>>) target(%dma_start3A_80 : memref<64x128xf32, #tpu.memory_space<hbm>>) target_semaphore(%run_scoped3A_70 : memref<!tpu.dma_semaphore, #tpu.memory_space<semaphore_mem>>)
        %dma_wait3A_85 = arith.constant 0 : i32
        %dma_wait3A_86 = arith.constant 0 : i32
        %dma_wait3A_87 = tpu.memref_slice %arg8[%run_scoped3A_69, %dma_wait3A_85, %dma_wait3A_86] : memref<2x100x128xf32, #tpu.memory_space<vmem>> -> memref<1x64x128xf32, #tpu.memory_space<vmem>>
        %dma_wait3A_88 = tpu.memref_squeeze %dma_wait3A_87 : memref<1x64x128xf32, #tpu.memory_space<vmem>> -> memref<64x128xf32, #tpu.memory_space<vmem>>
        %dma_wait3A_89 = arith.constant 0 : i32
        %dma_wait3A_90 = tpu.memref_slice %arg5[%arg0, %add3A_68, %dma_wait3A_89] : memref<2x10240x128xf32, #tpu.memory_space<hbm>> -> memref<1x64x128xf32, #tpu.memory_space<hbm>>
        %dma_wait3A_91 = tpu.memref_squeeze %dma_wait3A_90 : memref<1x64x128xf32, #tpu.memory_space<hbm>> -> memref<64x128xf32, #tpu.memory_space<hbm>>
        %dma_wait3A_92 = arith.constant 0 : i32
        %dma_wait3A_93 = tpu.memref_slice %arg5[%arg0, %add3A_68, %dma_wait3A_92] : memref<2x10240x128xf32, #tpu.memory_space<hbm>> -> memref<1x64x128xf32, #tpu.memory_space<hbm>>
        %dma_wait3A_94 = tpu.memref_squeeze %dma_wait3A_93 : memref<1x64x128xf32, #tpu.memory_space<hbm>> -> memref<64x128xf32, #tpu.memory_space<hbm>>
        %dma_wait3A_95 = arith.constant 0 : i32
        %dma_wait3A_96 = arith.constant 0 : i32
        %dma_wait3A_97 = tpu.memref_slice %arg8[%run_scoped3A_69, %dma_wait3A_95, %dma_wait3A_96] : memref<2x100x128xf32, #tpu.memory_space<vmem>> -> memref<1x64x128xf32, #tpu.memory_space<vmem>>
        %dma_wait3A_98 = tpu.memref_squeeze %dma_wait3A_97 : memref<1x64x128xf32, #tpu.memory_space<vmem>> -> memref<64x128xf32, #tpu.memory_space<vmem>>
        tpu.wait_dma2 semaphore(%run_scoped3A_70 : memref<!tpu.dma_semaphore, #tpu.memory_space<semaphore_mem>>) src(%dma_wait3A_98 : memref<64x128xf32, #tpu.memory_space<vmem>>) dst(%dma_wait3A_94 : memref<64x128xf32, #tpu.memory_space<hbm>>)
        tpu.yield
      }) : () -> ()
    }
    %scan3A_62 = arith.constant 10 : i32
    return
  }
}

#map = affine_map<(d0, d1) -> (0, 0)>
#map1 = affine_map<(d0, d1) -> (0, 0, 0)>
module attributes {stable_mosaic.version = 14 : i64} {
  func.func @_edge_acc_sc(%arg0: i32, %arg1: i32, %arg2: memref<10000x128xf32, #tpu.memory_space<hbm>>, %arg3: memref<3200x100xi32, #tpu.memory_space<hbm>>, %arg4: memref<3200x100xi32, #tpu.memory_space<hbm>>, %arg5: memref<2x10240x128xf32, #tpu.memory_space<hbm>>, %arg6: memref<100x100xi32, #tpu.memory_space<vmem>>, %arg7: memref<100x100xi32, #tpu.memory_space<vmem>>, %arg8: memref<2x100x128xf32, #tpu.memory_space<vmem>>, %arg9: memref<10240x128xf32, #tpu.memory_space<vmem_shared>>, %arg10: memref<!tpu.dma_semaphore, #tpu.memory_space<semaphore_mem>>, %arg11: memref<!tpu.dma_semaphore, #tpu.memory_space<semaphore_mem>>, %arg12: memref<!tpu.dma_semaphore, #tpu.memory_space<semaphore_mem>>, %arg13: memref<!tpu.dma_semaphore, #tpu.memory_space<semaphore_mem>>) attributes {dimension_semantics = [#tpu.dimension_semantics<core_parallel>, #tpu.dimension_semantics<subcore_parallel>], iteration_bounds = array<i64: 2, 16>, scalar_prefetch = 0 : i64, scratch_operands = 8 : i64, tpu.core_type = #tpu.core_type<sc_vector_subcore>, window_params = [{transform_indices = #map}, {transform_indices = #map}, {transform_indices = #map}, {transform_indices = #map1}]} {
    %mul3A = arith.constant 2 : i32
    %mul3A_0 = arith.muli %arg1, %mul3A : i32
    %add3A = arith.addi %mul3A_0, %arg0 : i32
    %mul3A_1 = arith.constant 100 : i32
    %mul3A_2 = arith.muli %add3A, %mul3A_1 : i32
    "tpu.region"() ({
      %run_scoped3A = tpu.sem_alloc : memref<!tpu.dma_semaphore, #tpu.memory_space<semaphore_mem>>
      %dma_start3A_63 = arith.constant 0 : i32
      %dma_start3A_64 = tpu.memref_slice %arg3[%mul3A_2, %dma_start3A_63] : memref<3200x100xi32, #tpu.memory_space<hbm>> -> memref<100x100xi32, #tpu.memory_space<hbm>>
      %dma_start3A_65 = arith.constant 0 : i32
      %dma_start3A_66 = tpu.memref_slice %arg3[%mul3A_2, %dma_start3A_65] : memref<3200x100xi32, #tpu.memory_space<hbm>> -> memref<100x100xi32, #tpu.memory_space<hbm>>
      tpu.enqueue_dma source(%dma_start3A_66 : memref<100x100xi32, #tpu.memory_space<hbm>>) target(%arg6 : memref<100x100xi32, #tpu.memory_space<vmem>>) target_semaphore(%run_scoped3A : memref<!tpu.dma_semaphore, #tpu.memory_space<semaphore_mem>>)
      %dma_wait3A_67 = arith.constant 0 : i32
      %dma_wait3A_68 = tpu.memref_slice %arg3[%mul3A_2, %dma_wait3A_67] : memref<3200x100xi32, #tpu.memory_space<hbm>> -> memref<100x100xi32, #tpu.memory_space<hbm>>
      %dma_wait3A_69 = arith.constant 0 : i32
      %dma_wait3A_70 = tpu.memref_slice %arg3[%mul3A_2, %dma_wait3A_69] : memref<3200x100xi32, #tpu.memory_space<hbm>> -> memref<100x100xi32, #tpu.memory_space<hbm>>
      tpu.wait_dma2 semaphore(%run_scoped3A : memref<!tpu.dma_semaphore, #tpu.memory_space<semaphore_mem>>) src(%dma_wait3A_70 : memref<100x100xi32, #tpu.memory_space<hbm>>) dst(%arg6 : memref<100x100xi32, #tpu.memory_space<vmem>>)
      tpu.yield
    }) : () -> ()
    %mul3A_3 = arith.constant 100 : i32
    %mul3A_4 = arith.muli %add3A, %mul3A_3 : i32
    "tpu.region"() ({
      %run_scoped3A = tpu.sem_alloc : memref<!tpu.dma_semaphore, #tpu.memory_space<semaphore_mem>>
      %dma_start3A_63 = arith.constant 0 : i32
      %dma_start3A_64 = tpu.memref_slice %arg4[%mul3A_4, %dma_start3A_63] : memref<3200x100xi32, #tpu.memory_space<hbm>> -> memref<100x100xi32, #tpu.memory_space<hbm>>
      %dma_start3A_65 = arith.constant 0 : i32
      %dma_start3A_66 = tpu.memref_slice %arg4[%mul3A_4, %dma_start3A_65] : memref<3200x100xi32, #tpu.memory_space<hbm>> -> memref<100x100xi32, #tpu.memory_space<hbm>>
      tpu.enqueue_dma source(%dma_start3A_66 : memref<100x100xi32, #tpu.memory_space<hbm>>) target(%arg7 : memref<100x100xi32, #tpu.memory_space<vmem>>) target_semaphore(%run_scoped3A : memref<!tpu.dma_semaphore, #tpu.memory_space<semaphore_mem>>)
      %dma_wait3A_67 = arith.constant 0 : i32
      %dma_wait3A_68 = tpu.memref_slice %arg4[%mul3A_4, %dma_wait3A_67] : memref<3200x100xi32, #tpu.memory_space<hbm>> -> memref<100x100xi32, #tpu.memory_space<hbm>>
      %dma_wait3A_69 = arith.constant 0 : i32
      %dma_wait3A_70 = tpu.memref_slice %arg4[%mul3A_4, %dma_wait3A_69] : memref<3200x100xi32, #tpu.memory_space<hbm>> -> memref<100x100xi32, #tpu.memory_space<hbm>>
      tpu.wait_dma2 semaphore(%run_scoped3A : memref<!tpu.dma_semaphore, #tpu.memory_space<semaphore_mem>>) src(%dma_wait3A_70 : memref<100x100xi32, #tpu.memory_space<hbm>>) dst(%arg7 : memref<100x100xi32, #tpu.memory_space<vmem>>)
      tpu.yield
    }) : () -> ()
    %scan3A = arith.constant 0 : i32
    %scan3A_5 = arith.constant 0 : i32
    %scan3A_6 = arith.constant 64 : i32
    %scan3A_7 = arith.addi %scan3A_5, %scan3A_6 : i32
    %scan3A_8 = arith.constant 1 : i32
    scf.for %scan3A_63 = %scan3A_5 to %scan3A_7 step %scan3A_8  : i32 {
      %scan3A_64 = arith.constant 0 : i32
      %scan3A_65 = arith.constant 8 : i32
      %scan3A_66 = arith.addi %scan3A_64, %scan3A_65 : i32
      %scan3A_67 = arith.constant 1 : i32
      scf.for %scan3A_69 = %scan3A_64 to %scan3A_66 step %scan3A_67  : i32 {
        %broadcast_in_dim3A = arith.constant 0.000000e+00 : f32
        %broadcast_in_dim3A_70 = vector.broadcast %broadcast_in_dim3A : f32 to vector<16xf32>
        %mul3A_71 = arith.constant 16 : i32
        %mul3A_72 = arith.muli %scan3A_69, %mul3A_71 : i32
        %swap3A = arith.constant 0 : i32
        %swap3A_73 = arith.index_cast %swap3A : i32 to index
        %swap3A_74 = arith.index_cast %scan3A_63 : i32 to index
        %swap3A_75 = arith.index_cast %mul3A_72 : i32 to index
        %swap3A_76 = tpu.vector_load %arg8[%swap3A_73, %swap3A_74, %swap3A_75] {strides = array<i32>} : memref<2x100x128xf32, #tpu.memory_space<vmem>>, vector<16xf32>,
        tpu.vector_store %arg8[%swap3A_73, %swap3A_74, %swap3A_75], %broadcast_in_dim3A_70 {strides = array<i32>} : memref<2x100x128xf32, #tpu.memory_space<vmem>>, vector<16xf32>,
      }
      %scan3A_68 = arith.constant 8 : i32
    }
    %scan3A_9 = arith.constant 64 : i32
    %scan3A_10 = arith.constant 0 : i32
    %scan3A_11 = arith.constant 0 : i32
    %scan3A_12 = arith.constant 10 : i32
    %scan3A_13 = arith.addi %scan3A_11, %scan3A_12 : i32
    %scan3A_14 = arith.constant 1 : i32
    scf.for %scan3A_63 = %scan3A_11 to %scan3A_13 step %scan3A_14  : i32 {
      %mul3A_64 = arith.constant 640 : i32
      %mul3A_65 = arith.muli %arg1, %mul3A_64 : i32
      %mul3A_66 = arith.constant 64 : i32
      %mul3A_67 = arith.muli %scan3A_63, %mul3A_66 : i32
      %add3A_68 = arith.addi %mul3A_65, %mul3A_67 : i32
      %run_scoped3A = arith.constant 0 : i32
      "tpu.region"() ({
        %run_scoped3A_69 = tpu.sem_alloc : memref<!tpu.dma_semaphore, #tpu.memory_space<semaphore_mem>>
        %dma_start3A_70 = arith.constant 0 : i32
        %dma_start3A_71 = arith.constant 0 : i32
        %dma_start3A_72 = tpu.memref_slice %arg8[%run_scoped3A, %dma_start3A_70, %dma_start3A_71] : memref<2x100x128xf32, #tpu.memory_space<vmem>> -> memref<1x64x128xf32, #tpu.memory_space<vmem>>
        %dma_start3A_73 = tpu.memref_squeeze %dma_start3A_72 : memref<1x64x128xf32, #tpu.memory_space<vmem>> -> memref<64x128xf32, #tpu.memory_space<vmem>>
        %dma_start3A_74 = arith.constant 0 : i32
        %dma_start3A_75 = tpu.memref_slice %arg9[%add3A_68, %dma_start3A_74] : memref<10240x128xf32, #tpu.memory_space<vmem_shared>> -> memref<64x128xf32, #tpu.memory_space<vmem_shared>>
        %dma_start3A_76 = arith.constant 0 : i32
        %dma_start3A_77 = tpu.memref_slice %arg9[%add3A_68, %dma_start3A_76] : memref<10240x128xf32, #tpu.memory_space<vmem_shared>> -> memref<64x128xf32, #tpu.memory_space<vmem_shared>>
        %dma_start3A_78 = arith.constant 0 : i32
        %dma_start3A_79 = arith.constant 0 : i32
        %dma_start3A_80 = tpu.memref_slice %arg8[%run_scoped3A, %dma_start3A_78, %dma_start3A_79] : memref<2x100x128xf32, #tpu.memory_space<vmem>> -> memref<1x64x128xf32, #tpu.memory_space<vmem>>
        %dma_start3A_81 = tpu.memref_squeeze %dma_start3A_80 : memref<1x64x128xf32, #tpu.memory_space<vmem>> -> memref<64x128xf32, #tpu.memory_space<vmem>>
        tpu.enqueue_dma source(%dma_start3A_81 : memref<64x128xf32, #tpu.memory_space<vmem>>) target(%dma_start3A_77 : memref<64x128xf32, #tpu.memory_space<vmem_shared>>) target_semaphore(%run_scoped3A_69 : memref<!tpu.dma_semaphore, #tpu.memory_space<semaphore_mem>>)
        %dma_wait3A_82 = arith.constant 0 : i32
        %dma_wait3A_83 = arith.constant 0 : i32
        %dma_wait3A_84 = tpu.memref_slice %arg8[%run_scoped3A, %dma_wait3A_82, %dma_wait3A_83] : memref<2x100x128xf32, #tpu.memory_space<vmem>> -> memref<1x64x128xf32, #tpu.memory_space<vmem>>
        %dma_wait3A_85 = tpu.memref_squeeze %dma_wait3A_84 : memref<1x64x128xf32, #tpu.memory_space<vmem>> -> memref<64x128xf32, #tpu.memory_space<vmem>>
        %dma_wait3A_86 = arith.constant 0 : i32
        %dma_wait3A_87 = tpu.memref_slice %arg9[%add3A_68, %dma_wait3A_86] : memref<10240x128xf32, #tpu.memory_space<vmem_shared>> -> memref<64x128xf32, #tpu.memory_space<vmem_shared>>
        %dma_wait3A_88 = arith.constant 0 : i32
        %dma_wait3A_89 = tpu.memref_slice %arg9[%add3A_68, %dma_wait3A_88] : memref<10240x128xf32, #tpu.memory_space<vmem_shared>> -> memref<64x128xf32, #tpu.memory_space<vmem_shared>>
        %dma_wait3A_90 = arith.constant 0 : i32
        %dma_wait3A_91 = arith.constant 0 : i32
        %dma_wait3A_92 = tpu.memref_slice %arg8[%run_scoped3A, %dma_wait3A_90, %dma_wait3A_91] : memref<2x100x128xf32, #tpu.memory_space<vmem>> -> memref<1x64x128xf32, #tpu.memory_space<vmem>>
        %dma_wait3A_93 = tpu.memref_squeeze %dma_wait3A_92 : memref<1x64x128xf32, #tpu.memory_space<vmem>> -> memref<64x128xf32, #tpu.memory_space<vmem>>
        tpu.wait_dma2 semaphore(%run_scoped3A_69 : memref<!tpu.dma_semaphore, #tpu.memory_space<semaphore_mem>>) src(%dma_wait3A_93 : memref<64x128xf32, #tpu.memory_space<vmem>>) dst(%dma_wait3A_89 : memref<64x128xf32, #tpu.memory_space<vmem_shared>>)
        tpu.yield
      }) : () -> ()
    }
    %scan3A_15 = arith.constant 10 : i32
    %barrier3A = arith.constant 0 : index
    tpu.barrier barrier_id(%barrier3A)
    %dma_start3A = arith.constant 0 : i32
    %dma_start3A_16 = arith.constant 0 : i32
    %dma_start3A_17 = arith.constant 0 : i32
    %dma_start3A_18 = arith.constant 0 : i32
    %dma_start3A_19 = tpu.memref_slice %arg8[%dma_start3A_16, %dma_start3A_17, %dma_start3A_18] : memref<2x100x128xf32, #tpu.memory_space<vmem>> -> memref<1x100x128xf32, #tpu.memory_space<vmem>>
    %dma_start3A_20 = tpu.memref_squeeze %dma_start3A_19 : memref<1x100x128xf32, #tpu.memory_space<vmem>> -> memref<100x128xf32, #tpu.memory_space<vmem>>
    %dma_start3A_21 = arith.constant 0 : i32
    %dma_start3A_22 = tpu.memref_slice %arg6[%dma_start3A, %dma_start3A_21] : memref<100x100xi32, #tpu.memory_space<vmem>> -> memref<1x100xi32, #tpu.memory_space<vmem>>
    %dma_start3A_23 = tpu.memref_squeeze %dma_start3A_22 : memref<1x100xi32, #tpu.memory_space<vmem>> -> memref<100xi32, #tpu.memory_space<vmem>>
    %dma_start3A_24 = arith.constant 0 : i32
    %dma_start3A_25 = arith.constant 0 : i32
    %dma_start3A_26 = tpu.memref_slice %arg2[%dma_start3A_24, %dma_start3A_25] : memref<10000x128xf32, #tpu.memory_space<hbm>> -> memref<10000x128xf32, #tpu.memory_space<hbm>>
    tpu.enqueue_indirect_dma source(%dma_start3A_26 : memref<10000x128xf32, #tpu.memory_space<hbm>>) target(%dma_start3A_20 : memref<100x128xf32, #tpu.memory_space<vmem>>) offsets(%dma_start3A_23 : memref<100xi32, #tpu.memory_space<vmem>>) semaphore(%arg10 : memref<!tpu.dma_semaphore, #tpu.memory_space<semaphore_mem>>)
    %scan3A_27 = arith.constant 0 : i32
    %scan3A_28 = arith.constant 0 : i32
    %scan3A_29 = arith.constant 50 : i32
    %scan3A_30 = arith.addi %scan3A_28, %scan3A_29 : i32
    %scan3A_31 = arith.constant 1 : i32
    scf.for %scan3A_63 = %scan3A_28 to %scan3A_30 step %scan3A_31  : i32 {
      %mul3A_64 = arith.constant 2 : i32
      %mul3A_65 = arith.muli %scan3A_63, %mul3A_64 : i32
      %add3A_66 = arith.constant 0 : i32
      %add3A_67 = arith.addi %mul3A_65, %add3A_66 : i32
      %dma_wait3A_68 = arith.constant 0 : i32
      %dma_wait3A_69 = arith.constant 0 : i32
      %dma_wait3A_70 = arith.constant 0 : i32
      %dma_wait3A_71 = tpu.memref_slice %arg8[%dma_wait3A_68, %dma_wait3A_69, %dma_wait3A_70] : memref<2x100x128xf32, #tpu.memory_space<vmem>> -> memref<1x100x128xf32, #tpu.memory_space<vmem>>
      %dma_wait3A_72 = tpu.memref_squeeze %dma_wait3A_71 : memref<1x100x128xf32, #tpu.memory_space<vmem>> -> memref<100x128xf32, #tpu.memory_space<vmem>>
      %dma_wait3A_73 = arith.constant 0 : i32
      %dma_wait3A_74 = tpu.memref_slice %arg6[%add3A_67, %dma_wait3A_73] : memref<100x100xi32, #tpu.memory_space<vmem>> -> memref<1x100xi32, #tpu.memory_space<vmem>>
      %dma_wait3A_75 = tpu.memref_squeeze %dma_wait3A_74 : memref<1x100xi32, #tpu.memory_space<vmem>> -> memref<100xi32, #tpu.memory_space<vmem>>
      %dma_wait3A_76 = arith.constant 0 : i32
      %dma_wait3A_77 = arith.constant 0 : i32
      %dma_wait3A_78 = tpu.memref_slice %arg2[%dma_wait3A_76, %dma_wait3A_77] : memref<10000x128xf32, #tpu.memory_space<hbm>> -> memref<10000x128xf32, #tpu.memory_space<hbm>>
      tpu.wait_indirect_dma semaphore(%arg10 : memref<!tpu.dma_semaphore, #tpu.memory_space<semaphore_mem>>) src(%dma_wait3A_78 : memref<10000x128xf32, #tpu.memory_space<hbm>>) dst(%dma_wait3A_72 : memref<100x128xf32, #tpu.memory_space<vmem>>)
      %add3A_79 = arith.constant 1 : i32
      %add3A_80 = arith.addi %add3A_67, %add3A_79 : i32
      %lt3A = arith.constant 100 : i32
      %lt3A_81 = arith.cmpi slt, %add3A_80, %lt3A : i32
      %convert_element_type3A = arith.extui %lt3A_81 : i1 to i32
      %cond3A = arith.constant 0 : i32
      %cond3A_82 = arith.cmpi ne, %convert_element_type3A, %cond3A : i32
      scf.if %cond3A_82 {
        %ge3A = arith.constant 1 : i32
        %ge3A_127 = arith.cmpi sge, %add3A_67, %ge3A : i32
        %convert_element_type3A_128 = arith.extui %ge3A_127 : i1 to i32
        %cond3A_129 = arith.constant 0 : i32
        %cond3A_130 = arith.cmpi ne, %convert_element_type3A_128, %cond3A_129 : i32
        scf.if %cond3A_130 {
          %sub3A = arith.constant 1 : i32
          %sub3A_144 = arith.subi %add3A_67, %sub3A : i32
          %dma_wait3A_145 = arith.constant 1 : i32
          %dma_wait3A_146 = arith.constant 0 : i32
          %dma_wait3A_147 = arith.constant 0 : i32
          %dma_wait3A_148 = tpu.memref_slice %arg8[%dma_wait3A_145, %dma_wait3A_146, %dma_wait3A_147] : memref<2x100x128xf32, #tpu.memory_space<vmem>> -> memref<1x100x128xf32, #tpu.memory_space<vmem>>
          %dma_wait3A_149 = tpu.memref_squeeze %dma_wait3A_148 : memref<1x100x128xf32, #tpu.memory_space<vmem>> -> memref<100x128xf32, #tpu.memory_space<vmem>>
          %dma_wait3A_150 = arith.constant 0 : i32
          %dma_wait3A_151 = tpu.memref_slice %arg7[%sub3A_144, %dma_wait3A_150] : memref<100x100xi32, #tpu.memory_space<vmem>> -> memref<1x100xi32, #tpu.memory_space<vmem>>
          %dma_wait3A_152 = tpu.memref_squeeze %dma_wait3A_151 : memref<1x100xi32, #tpu.memory_space<vmem>> -> memref<100xi32, #tpu.memory_space<vmem>>
          %dma_wait3A_153 = arith.constant 0 : i32
          %dma_wait3A_154 = arith.constant 0 : i32
          %dma_wait3A_155 = tpu.memref_slice %arg9[%dma_wait3A_153, %dma_wait3A_154] : memref<10240x128xf32, #tpu.memory_space<vmem_shared>> -> memref<10240x128xf32, #tpu.memory_space<vmem_shared>>
          tpu.wait_indirect_dma semaphore(%arg13 : memref<!tpu.dma_semaphore, #tpu.memory_space<semaphore_mem>>) src(%dma_wait3A_149 : memref<100x128xf32, #tpu.memory_space<vmem>>) dst(%dma_wait3A_155 : memref<10240x128xf32, #tpu.memory_space<vmem_shared>>)
        } else {
        }
        %add3A_131 = arith.constant 1 : i32
        %add3A_132 = arith.addi %add3A_67, %add3A_131 : i32
        %dma_start3A_133 = arith.constant 1 : i32
        %dma_start3A_134 = arith.constant 0 : i32
        %dma_start3A_135 = arith.constant 0 : i32
        %dma_start3A_136 = tpu.memref_slice %arg8[%dma_start3A_133, %dma_start3A_134, %dma_start3A_135] : memref<2x100x128xf32, #tpu.memory_space<vmem>> -> memref<1x100x128xf32, #tpu.memory_space<vmem>>
        %dma_start3A_137 = tpu.memref_squeeze %dma_start3A_136 : memref<1x100x128xf32, #tpu.memory_space<vmem>> -> memref<100x128xf32, #tpu.memory_space<vmem>>
        %dma_start3A_138 = arith.constant 0 : i32
        %dma_start3A_139 = tpu.memref_slice %arg6[%add3A_132, %dma_start3A_138] : memref<100x100xi32, #tpu.memory_space<vmem>> -> memref<1x100xi32, #tpu.memory_space<vmem>>
        %dma_start3A_140 = tpu.memref_squeeze %dma_start3A_139 : memref<1x100xi32, #tpu.memory_space<vmem>> -> memref<100xi32, #tpu.memory_space<vmem>>
        %dma_start3A_141 = arith.constant 0 : i32
        %dma_start3A_142 = arith.constant 0 : i32
        %dma_start3A_143 = tpu.memref_slice %arg2[%dma_start3A_141, %dma_start3A_142] : memref<10000x128xf32, #tpu.memory_space<hbm>> -> memref<10000x128xf32, #tpu.memory_space<hbm>>
        tpu.enqueue_indirect_dma source(%dma_start3A_143 : memref<10000x128xf32, #tpu.memory_space<hbm>>) target(%dma_start3A_137 : memref<100x128xf32, #tpu.memory_space<vmem>>) offsets(%dma_start3A_140 : memref<100xi32, #tpu.memory_space<vmem>>) semaphore(%arg11 : memref<!tpu.dma_semaphore, #tpu.memory_space<semaphore_mem>>)
      } else {
      }
      %dma_start3A_83 = arith.constant 0 : i32
      %dma_start3A_84 = arith.constant 0 : i32
      %dma_start3A_85 = arith.constant 0 : i32
      %dma_start3A_86 = tpu.memref_slice %arg8[%dma_start3A_83, %dma_start3A_84, %dma_start3A_85] : memref<2x100x128xf32, #tpu.memory_space<vmem>> -> memref<1x100x128xf32, #tpu.memory_space<vmem>>
      %dma_start3A_87 = tpu.memref_squeeze %dma_start3A_86 : memref<1x100x128xf32, #tpu.memory_space<vmem>> -> memref<100x128xf32, #tpu.memory_space<vmem>>
      %dma_start3A_88 = arith.constant 0 : i32
      %dma_start3A_89 = tpu.memref_slice %arg7[%add3A_67, %dma_start3A_88] : memref<100x100xi32, #tpu.memory_space<vmem>> -> memref<1x100xi32, #tpu.memory_space<vmem>>
      %dma_start3A_90 = tpu.memref_squeeze %dma_start3A_89 : memref<1x100xi32, #tpu.memory_space<vmem>> -> memref<100xi32, #tpu.memory_space<vmem>>
      %dma_start3A_91 = arith.constant 0 : i32
      %dma_start3A_92 = arith.constant 0 : i32
      %dma_start3A_93 = tpu.memref_slice %arg9[%dma_start3A_91, %dma_start3A_92] : memref<10240x128xf32, #tpu.memory_space<vmem_shared>> -> memref<10240x128xf32, #tpu.memory_space<vmem_shared>>
      tpu.enqueue_indirect_dma source(%dma_start3A_87 : memref<100x128xf32, #tpu.memory_space<vmem>>) target(%dma_start3A_93 : memref<10240x128xf32, #tpu.memory_space<vmem_shared>>) offsets(%dma_start3A_90 : memref<100xi32, #tpu.memory_space<vmem>>) semaphore(%arg12 : memref<!tpu.dma_semaphore, #tpu.memory_space<semaphore_mem>>) {add = true}
      %mul3A_94 = arith.constant 2 : i32
      %mul3A_95 = arith.muli %scan3A_63, %mul3A_94 : i32
      %add3A_96 = arith.constant 1 : i32
      %add3A_97 = arith.addi %mul3A_95, %add3A_96 : i32
      %dma_wait3A_98 = arith.constant 1 : i32
      %dma_wait3A_99 = arith.constant 0 : i32
      %dma_wait3A_100 = arith.constant 0 : i32
      %dma_wait3A_101 = tpu.memref_slice %arg8[%dma_wait3A_98, %dma_wait3A_99, %dma_wait3A_100] : memref<2x100x128xf32, #tpu.memory_space<vmem>> -> memref<1x100x128xf32, #tpu.memory_space<vmem>>
      %dma_wait3A_102 = tpu.memref_squeeze %dma_wait3A_101 : memref<1x100x128xf32, #tpu.memory_space<vmem>> -> memref<100x128xf32, #tpu.memory_space<vmem>>
      %dma_wait3A_103 = arith.constant 0 : i32
      %dma_wait3A_104 = tpu.memref_slice %arg6[%add3A_97, %dma_wait3A_103] : memref<100x100xi32, #tpu.memory_space<vmem>> -> memref<1x100xi32, #tpu.memory_space<vmem>>
      %dma_wait3A_105 = tpu.memref_squeeze %dma_wait3A_104 : memref<1x100xi32, #tpu.memory_space<vmem>> -> memref<100xi32, #tpu.memory_space<vmem>>
      %dma_wait3A_106 = arith.constant 0 : i32
      %dma_wait3A_107 = arith.constant 0 : i32
      %dma_wait3A_108 = tpu.memref_slice %arg2[%dma_wait3A_106, %dma_wait3A_107] : memref<10000x128xf32, #tpu.memory_space<hbm>> -> memref<10000x128xf32, #tpu.memory_space<hbm>>
      tpu.wait_indirect_dma semaphore(%arg11 : memref<!tpu.dma_semaphore, #tpu.memory_space<semaphore_mem>>) src(%dma_wait3A_108 : memref<10000x128xf32, #tpu.memory_space<hbm>>) dst(%dma_wait3A_102 : memref<100x128xf32, #tpu.memory_space<vmem>>)
      %add3A_109 = arith.constant 1 : i32
      %add3A_110 = arith.addi %add3A_97, %add3A_109 : i32
      %lt3A_111 = arith.constant 100 : i32
      %lt3A_112 = arith.cmpi slt, %add3A_110, %lt3A_111 : i32
      %convert_element_type3A_113 = arith.extui %lt3A_112 : i1 to i32
      %cond3A_114 = arith.constant 0 : i32
      %cond3A_115 = arith.cmpi ne, %convert_element_type3A_113, %cond3A_114 : i32
      scf.if %cond3A_115 {
        %ge3A = arith.constant 1 : i32
        %ge3A_127 = arith.cmpi sge, %add3A_97, %ge3A : i32
        %convert_element_type3A_128 = arith.extui %ge3A_127 : i1 to i32
        %cond3A_129 = arith.constant 0 : i32
        %cond3A_130 = arith.cmpi ne, %convert_element_type3A_128, %cond3A_129 : i32
        scf.if %cond3A_130 {
          %sub3A = arith.constant 1 : i32
          %sub3A_144 = arith.subi %add3A_97, %sub3A : i32
          %dma_wait3A_145 = arith.constant 0 : i32
          %dma_wait3A_146 = arith.constant 0 : i32
          %dma_wait3A_147 = arith.constant 0 : i32
          %dma_wait3A_148 = tpu.memref_slice %arg8[%dma_wait3A_145, %dma_wait3A_146, %dma_wait3A_147] : memref<2x100x128xf32, #tpu.memory_space<vmem>> -> memref<1x100x128xf32, #tpu.memory_space<vmem>>
          %dma_wait3A_149 = tpu.memref_squeeze %dma_wait3A_148 : memref<1x100x128xf32, #tpu.memory_space<vmem>> -> memref<100x128xf32, #tpu.memory_space<vmem>>
          %dma_wait3A_150 = arith.constant 0 : i32
          %dma_wait3A_151 = tpu.memref_slice %arg7[%sub3A_144, %dma_wait3A_150] : memref<100x100xi32, #tpu.memory_space<vmem>> -> memref<1x100xi32, #tpu.memory_space<vmem>>
          %dma_wait3A_152 = tpu.memref_squeeze %dma_wait3A_151 : memref<1x100xi32, #tpu.memory_space<vmem>> -> memref<100xi32, #tpu.memory_space<vmem>>
          %dma_wait3A_153 = arith.constant 0 : i32
          %dma_wait3A_154 = arith.constant 0 : i32
          %dma_wait3A_155 = tpu.memref_slice %arg9[%dma_wait3A_153, %dma_wait3A_154] : memref<10240x128xf32, #tpu.memory_space<vmem_shared>> -> memref<10240x128xf32, #tpu.memory_space<vmem_shared>>
          tpu.wait_indirect_dma semaphore(%arg12 : memref<!tpu.dma_semaphore, #tpu.memory_space<semaphore_mem>>) src(%dma_wait3A_149 : memref<100x128xf32, #tpu.memory_space<vmem>>) dst(%dma_wait3A_155 : memref<10240x128xf32, #tpu.memory_space<vmem_shared>>)
        } else {
        }
        %add3A_131 = arith.constant 1 : i32
        %add3A_132 = arith.addi %add3A_97, %add3A_131 : i32
        %dma_start3A_133 = arith.constant 0 : i32
        %dma_start3A_134 = arith.constant 0 : i32
        %dma_start3A_135 = arith.constant 0 : i32
        %dma_start3A_136 = tpu.memref_slice %arg8[%dma_start3A_133, %dma_start3A_134, %dma_start3A_135] : memref<2x100x128xf32, #tpu.memory_space<vmem>> -> memref<1x100x128xf32, #tpu.memory_space<vmem>>
        %dma_start3A_137 = tpu.memref_squeeze %dma_start3A_136 : memref<1x100x128xf32, #tpu.memory_space<vmem>> -> memref<100x128xf32, #tpu.memory_space<vmem>>
        %dma_start3A_138 = arith.constant 0 : i32
        %dma_start3A_139 = tpu.memref_slice %arg6[%add3A_132, %dma_start3A_138] : memref<100x100xi32, #tpu.memory_space<vmem>> -> memref<1x100xi32, #tpu.memory_space<vmem>>
        %dma_start3A_140 = tpu.memref_squeeze %dma_start3A_139 : memref<1x100xi32, #tpu.memory_space<vmem>> -> memref<100xi32, #tpu.memory_space<vmem>>
        %dma_start3A_141 = arith.constant 0 : i32
        %dma_start3A_142 = arith.constant 0 : i32
        %dma_start3A_143 = tpu.memref_slice %arg2[%dma_start3A_141, %dma_start3A_142] : memref<10000x128xf32, #tpu.memory_space<hbm>> -> memref<10000x128xf32, #tpu.memory_space<hbm>>
        tpu.enqueue_indirect_dma source(%dma_start3A_143 : memref<10000x128xf32, #tpu.memory_space<hbm>>) target(%dma_start3A_137 : memref<100x128xf32, #tpu.memory_space<vmem>>) offsets(%dma_start3A_140 : memref<100xi32, #tpu.memory_space<vmem>>) semaphore(%arg10 : memref<!tpu.dma_semaphore, #tpu.memory_space<semaphore_mem>>)
      } else {
      }
      %dma_start3A_116 = arith.constant 1 : i32
      %dma_start3A_117 = arith.constant 0 : i32
      %dma_start3A_118 = arith.constant 0 : i32
      %dma_start3A_119 = tpu.memref_slice %arg8[%dma_start3A_116, %dma_start3A_117, %dma_start3A_118] : memref<2x100x128xf32, #tpu.memory_space<vmem>> -> memref<1x100x128xf32, #tpu.memory_space<vmem>>
      %dma_start3A_120 = tpu.memref_squeeze %dma_start3A_119 : memref<1x100x128xf32, #tpu.memory_space<vmem>> -> memref<100x128xf32, #tpu.memory_space<vmem>>
      %dma_start3A_121 = arith.constant 0 : i32
      %dma_start3A_122 = tpu.memref_slice %arg7[%add3A_97, %dma_start3A_121] : memref<100x100xi32, #tpu.memory_space<vmem>> -> memref<1x100xi32, #tpu.memory_space<vmem>>
      %dma_start3A_123 = tpu.memref_squeeze %dma_start3A_122 : memref<1x100xi32, #tpu.memory_space<vmem>> -> memref<100xi32, #tpu.memory_space<vmem>>
      %dma_start3A_124 = arith.constant 0 : i32
      %dma_start3A_125 = arith.constant 0 : i32
      %dma_start3A_126 = tpu.memref_slice %arg9[%dma_start3A_124, %dma_start3A_125] : memref<10240x128xf32, #tpu.memory_space<vmem_shared>> -> memref<10240x128xf32, #tpu.memory_space<vmem_shared>>
      tpu.enqueue_indirect_dma source(%dma_start3A_120 : memref<100x128xf32, #tpu.memory_space<vmem>>) target(%dma_start3A_126 : memref<10240x128xf32, #tpu.memory_space<vmem_shared>>) offsets(%dma_start3A_123 : memref<100xi32, #tpu.memory_space<vmem>>) semaphore(%arg13 : memref<!tpu.dma_semaphore, #tpu.memory_space<semaphore_mem>>) {add = true}
    }
    %scan3A_32 = arith.constant 50 : i32
    %dma_wait3A = arith.constant 0 : i32
    %dma_wait3A_33 = arith.constant 98 : i32
    %dma_wait3A_34 = arith.constant 0 : i32
    %dma_wait3A_35 = arith.constant 0 : i32
    %dma_wait3A_36 = tpu.memref_slice %arg8[%dma_wait3A, %dma_wait3A_34, %dma_wait3A_35] : memref<2x100x128xf32, #tpu.memory_space<vmem>> -> memref<1x100x128xf32, #tpu.memory_space<vmem>>
    %dma_wait3A_37 = tpu.memref_squeeze %dma_wait3A_36 : memref<1x100x128xf32, #tpu.memory_space<vmem>> -> memref<100x128xf32, #tpu.memory_space<vmem>>
    %dma_wait3A_38 = arith.constant 0 : i32
    %dma_wait3A_39 = tpu.memref_slice %arg7[%dma_wait3A_33, %dma_wait3A_38] : memref<100x100xi32, #tpu.memory_space<vmem>> -> memref<1x100xi32, #tpu.memory_space<vmem>>
    %dma_wait3A_40 = tpu.memref_squeeze %dma_wait3A_39 : memref<1x100xi32, #tpu.memory_space<vmem>> -> memref<100xi32, #tpu.memory_space<vmem>>
    %dma_wait3A_41 = arith.constant 0 : i32
    %dma_wait3A_42 = arith.constant 0 : i32
    %dma_wait3A_43 = tpu.memref_slice %arg9[%dma_wait3A_41, %dma_wait3A_42] : memref<10240x128xf32, #tpu.memory_space<vmem_shared>> -> memref<10240x128xf32, #tpu.memory_space<vmem_shared>>
    tpu.wait_indirect_dma semaphore(%arg12 : memref<!tpu.dma_semaphore, #tpu.memory_space<semaphore_mem>>) src(%dma_wait3A_37 : memref<100x128xf32, #tpu.memory_space<vmem>>) dst(%dma_wait3A_43 : memref<10240x128xf32, #tpu.memory_space<vmem_shared>>)
    %dma_wait3A_44 = arith.constant 1 : i32
    %dma_wait3A_45 = arith.constant 99 : i32
    %dma_wait3A_46 = arith.constant 0 : i32
    %dma_wait3A_47 = arith.constant 0 : i32
    %dma_wait3A_48 = tpu.memref_slice %arg8[%dma_wait3A_44, %dma_wait3A_46, %dma_wait3A_47] : memref<2x100x128xf32, #tpu.memory_space<vmem>> -> memref<1x100x128xf32, #tpu.memory_space<vmem>>
    %dma_wait3A_49 = tpu.memref_squeeze %dma_wait3A_48 : memref<1x100x128xf32, #tpu.memory_space<vmem>> -> memref<100x128xf32, #tpu.memory_space<vmem>>
    %dma_wait3A_50 = arith.constant 0 : i32
    %dma_wait3A_51 = tpu.memref_slice %arg7[%dma_wait3A_45, %dma_wait3A_50] : memref<100x100xi32, #tpu.memory_space<vmem>> -> memref<1x100xi32, #tpu.memory_space<vmem>>
    %dma_wait3A_52 = tpu.memref_squeeze %dma_wait3A_51 : memref<1x100xi32, #tpu.memory_space<vmem>> -> memref<100xi32, #tpu.memory_space<vmem>>
    %dma_wait3A_53 = arith.constant 0 : i32
    %dma_wait3A_54 = arith.constant 0 : i32
    %dma_wait3A_55 = tpu.memref_slice %arg9[%dma_wait3A_53, %dma_wait3A_54] : memref<10240x128xf32, #tpu.memory_space<vmem_shared>> -> memref<10240x128xf32, #tpu.memory_space<vmem_shared>>
    tpu.wait_indirect_dma semaphore(%arg13 : memref<!tpu.dma_semaphore, #tpu.memory_space<semaphore_mem>>) src(%dma_wait3A_49 : memref<100x128xf32, #tpu.memory_space<vmem>>) dst(%dma_wait3A_55 : memref<10240x128xf32, #tpu.memory_space<vmem_shared>>)
    %barrier3A_56 = arith.constant 0 : index
    tpu.barrier barrier_id(%barrier3A_56)
    %scan3A_57 = arith.constant 0 : i32
    %scan3A_58 = arith.constant 0 : i32
    %scan3A_59 = arith.constant 10 : i32
    %scan3A_60 = arith.addi %scan3A_58, %scan3A_59 : i32
    %scan3A_61 = arith.constant 1 : i32
    scf.for %scan3A_63 = %scan3A_58 to %scan3A_60 step %scan3A_61  : i32 {
      %mul3A_64 = arith.constant 640 : i32
      %mul3A_65 = arith.muli %arg1, %mul3A_64 : i32
      %mul3A_66 = arith.constant 64 : i32
      %mul3A_67 = arith.muli %scan3A_63, %mul3A_66 : i32
      %add3A_68 = arith.addi %mul3A_65, %mul3A_67 : i32
      %run_scoped3A = arith.constant 0 : i32
      "tpu.region"() ({
        %run_scoped3A_70 = tpu.sem_alloc : memref<!tpu.dma_semaphore, #tpu.memory_space<semaphore_mem>>
        %dma_start3A_71 = arith.constant 0 : i32
        %dma_start3A_72 = arith.constant 0 : i32
        %dma_start3A_73 = tpu.memref_slice %arg8[%run_scoped3A, %dma_start3A_71, %dma_start3A_72] : memref<2x100x128xf32, #tpu.memory_space<vmem>> -> memref<1x64x128xf32, #tpu.memory_space<vmem>>
        %dma_start3A_74 = tpu.memref_squeeze %dma_start3A_73 : memref<1x64x128xf32, #tpu.memory_space<vmem>> -> memref<64x128xf32, #tpu.memory_space<vmem>>
        %dma_start3A_75 = arith.constant 0 : i32
        %dma_start3A_76 = tpu.memref_slice %arg9[%add3A_68, %dma_start3A_75] : memref<10240x128xf32, #tpu.memory_space<vmem_shared>> -> memref<64x128xf32, #tpu.memory_space<vmem_shared>>
        %dma_start3A_77 = arith.constant 0 : i32
        %dma_start3A_78 = arith.constant 0 : i32
        %dma_start3A_79 = tpu.memref_slice %arg8[%run_scoped3A, %dma_start3A_77, %dma_start3A_78] : memref<2x100x128xf32, #tpu.memory_space<vmem>> -> memref<1x64x128xf32, #tpu.memory_space<vmem>>
        %dma_start3A_80 = tpu.memref_squeeze %dma_start3A_79 : memref<1x64x128xf32, #tpu.memory_space<vmem>> -> memref<64x128xf32, #tpu.memory_space<vmem>>
        %dma_start3A_81 = arith.constant 0 : i32
        %dma_start3A_82 = tpu.memref_slice %arg9[%add3A_68, %dma_start3A_81] : memref<10240x128xf32, #tpu.memory_space<vmem_shared>> -> memref<64x128xf32, #tpu.memory_space<vmem_shared>>
        tpu.enqueue_dma source(%dma_start3A_82 : memref<64x128xf32, #tpu.memory_space<vmem_shared>>) target(%dma_start3A_80 : memref<64x128xf32, #tpu.memory_space<vmem>>) target_semaphore(%run_scoped3A_70 : memref<!tpu.dma_semaphore, #tpu.memory_space<semaphore_mem>>)
        %dma_wait3A_83 = arith.constant 0 : i32
        %dma_wait3A_84 = arith.constant 0 : i32
        %dma_wait3A_85 = tpu.memref_slice %arg8[%run_scoped3A, %dma_wait3A_83, %dma_wait3A_84] : memref<2x100x128xf32, #tpu.memory_space<vmem>> -> memref<1x64x128xf32, #tpu.memory_space<vmem>>
        %dma_wait3A_86 = tpu.memref_squeeze %dma_wait3A_85 : memref<1x64x128xf32, #tpu.memory_space<vmem>> -> memref<64x128xf32, #tpu.memory_space<vmem>>
        %dma_wait3A_87 = arith.constant 0 : i32
        %dma_wait3A_88 = tpu.memref_slice %arg9[%add3A_68, %dma_wait3A_87] : memref<10240x128xf32, #tpu.memory_space<vmem_shared>> -> memref<64x128xf32, #tpu.memory_space<vmem_shared>>
        %dma_wait3A_89 = arith.constant 0 : i32
        %dma_wait3A_90 = arith.constant 0 : i32
        %dma_wait3A_91 = tpu.memref_slice %arg8[%run_scoped3A, %dma_wait3A_89, %dma_wait3A_90] : memref<2x100x128xf32, #tpu.memory_space<vmem>> -> memref<1x64x128xf32, #tpu.memory_space<vmem>>
        %dma_wait3A_92 = tpu.memref_squeeze %dma_wait3A_91 : memref<1x64x128xf32, #tpu.memory_space<vmem>> -> memref<64x128xf32, #tpu.memory_space<vmem>>
        %dma_wait3A_93 = arith.constant 0 : i32
        %dma_wait3A_94 = tpu.memref_slice %arg9[%add3A_68, %dma_wait3A_93] : memref<10240x128xf32, #tpu.memory_space<vmem_shared>> -> memref<64x128xf32, #tpu.memory_space<vmem_shared>>
        tpu.wait_dma2 semaphore(%run_scoped3A_70 : memref<!tpu.dma_semaphore, #tpu.memory_space<semaphore_mem>>) src(%dma_wait3A_94 : memref<64x128xf32, #tpu.memory_space<vmem_shared>>) dst(%dma_wait3A_92 : memref<64x128xf32, #tpu.memory_space<vmem>>)
        tpu.yield
      }) : () -> ()
      %run_scoped3A_69 = arith.constant 0 : i32
      "tpu.region"() ({
        %run_scoped3A_70 = tpu.sem_alloc : memref<!tpu.dma_semaphore, #tpu.memory_space<semaphore_mem>>
        %dma_start3A_71 = arith.constant 0 : i32
        %dma_start3A_72 = arith.constant 0 : i32
        %dma_start3A_73 = tpu.memref_slice %arg8[%run_scoped3A_69, %dma_start3A_71, %dma_start3A_72] : memref<2x100x128xf32, #tpu.memory_space<vmem>> -> memref<1x64x128xf32, #tpu.memory_space<vmem>>
        %dma_start3A_74 = tpu.memref_squeeze %dma_start3A_73 : memref<1x64x128xf32, #tpu.memory_space<vmem>> -> memref<64x128xf32, #tpu.memory_space<vmem>>
        %dma_start3A_75 = arith.constant 0 : i32
        %dma_start3A_76 = tpu.memref_slice %arg5[%arg0, %add3A_68, %dma_start3A_75] : memref<2x10240x128xf32, #tpu.memory_space<hbm>> -> memref<1x64x128xf32, #tpu.memory_space<hbm>>
        %dma_start3A_77 = tpu.memref_squeeze %dma_start3A_76 : memref<1x64x128xf32, #tpu.memory_space<hbm>> -> memref<64x128xf32, #tpu.memory_space<hbm>>
        %dma_start3A_78 = arith.constant 0 : i32
        %dma_start3A_79 = tpu.memref_slice %arg5[%arg0, %add3A_68, %dma_start3A_78] : memref<2x10240x128xf32, #tpu.memory_space<hbm>> -> memref<1x64x128xf32, #tpu.memory_space<hbm>>
        %dma_start3A_80 = tpu.memref_squeeze %dma_start3A_79 : memref<1x64x128xf32, #tpu.memory_space<hbm>> -> memref<64x128xf32, #tpu.memory_space<hbm>>
        %dma_start3A_81 = arith.constant 0 : i32
        %dma_start3A_82 = arith.constant 0 : i32
        %dma_start3A_83 = tpu.memref_slice %arg8[%run_scoped3A_69, %dma_start3A_81, %dma_start3A_82] : memref<2x100x128xf32, #tpu.memory_space<vmem>> -> memref<1x64x128xf32, #tpu.memory_space<vmem>>
        %dma_start3A_84 = tpu.memref_squeeze %dma_start3A_83 : memref<1x64x128xf32, #tpu.memory_space<vmem>> -> memref<64x128xf32, #tpu.memory_space<vmem>>
        tpu.enqueue_dma source(%dma_start3A_84 : memref<64x128xf32, #tpu.memory_space<vmem>>) target(%dma_start3A_80 : memref<64x128xf32, #tpu.memory_space<hbm>>) target_semaphore(%run_scoped3A_70 : memref<!tpu.dma_semaphore, #tpu.memory_space<semaphore_mem>>)
        %dma_wait3A_85 = arith.constant 0 : i32
        %dma_wait3A_86 = arith.constant 0 : i32
        %dma_wait3A_87 = tpu.memref_slice %arg8[%run_scoped3A_69, %dma_wait3A_85, %dma_wait3A_86] : memref<2x100x128xf32, #tpu.memory_space<vmem>> -> memref<1x64x128xf32, #tpu.memory_space<vmem>>
        %dma_wait3A_88 = tpu.memref_squeeze %dma_wait3A_87 : memref<1x64x128xf32, #tpu.memory_space<vmem>> -> memref<64x128xf32, #tpu.memory_space<vmem>>
        %dma_wait3A_89 = arith.constant 0 : i32
        %dma_wait3A_90 = tpu.memref_slice %arg5[%arg0, %add3A_68, %dma_wait3A_89] : memref<2x10240x128xf32, #tpu.memory_space<hbm>> -> memref<1x64x128xf32, #tpu.memory_space<hbm>>
        %dma_wait3A_91 = tpu.memref_squeeze %dma_wait3A_90 : memref<1x64x128xf32, #tpu.memory_space<hbm>> -> memref<64x128xf32, #tpu.memory_space<hbm>>
        %dma_wait3A_92 = arith.constant 0 : i32
        %dma_wait3A_93 = tpu.memref_slice %arg5[%arg0, %add3A_68, %dma_wait3A_92] : memref<2x10240x128xf32, #tpu.memory_space<hbm>> -> memref<1x64x128xf32, #tpu.memory_space<hbm>>
        %dma_wait3A_94 = tpu.memref_squeeze %dma_wait3A_93 : memref<1x64x128xf32, #tpu.memory_space<hbm>> -> memref<64x128xf32, #tpu.memory_space<hbm>>
        %dma_wait3A_95 = arith.constant 0 : i32
        %dma_wait3A_96 = arith.constant 0 : i32
        %dma_wait3A_97 = tpu.memref_slice %arg8[%run_scoped3A_69, %dma_wait3A_95, %dma_wait3A_96] : memref<2x100x128xf32, #tpu.memory_space<vmem>> -> memref<1x64x128xf32, #tpu.memory_space<vmem>>
        %dma_wait3A_98 = tpu.memref_squeeze %dma_wait3A_97 : memref<1x64x128xf32, #tpu.memory_space<vmem>> -> memref<64x128xf32, #tpu.memory_space<vmem>>
        tpu.wait_dma2 semaphore(%run_scoped3A_70 : memref<!tpu.dma_semaphore, #tpu.memory_space<semaphore_mem>>) src(%dma_wait3A_98 : memref<64x128xf32, #tpu.memory_space<vmem>>) dst(%dma_wait3A_94 : memref<64x128xf32, #tpu.memory_space<hbm>>)
        tpu.yield
      }) : () -> ()
    }
    %scan3A_62 = arith.constant 10 : i32
    return
  }
}

#map = affine_map<(d0, d1) -> (0, 0)>
module attributes {stable_mosaic.version = 14 : i64} {
  func.func @_gather_pair_sc(%arg0: i32, %arg1: i32, %arg2: memref<10000x128xf32, #tpu.memory_space<hbm>>, %arg3: memref<640x125xi32, #tpu.memory_space<hbm>>, %arg4: memref<640x125xi32, #tpu.memory_space<hbm>>, %arg5: memref<80000x128xf32, #tpu.memory_space<hbm>>, %arg6: memref<80000x128xf32, #tpu.memory_space<hbm>>, %arg7: memref<20x125xi32, #tpu.memory_space<vmem>>, %arg8: memref<20x125xi32, #tpu.memory_space<vmem>>, %arg9: memref<2x125x128xf32, #tpu.memory_space<vmem>>, %arg10: memref<2x125x128xf32, #tpu.memory_space<vmem>>, %arg11: memref<!tpu.dma_semaphore, #tpu.memory_space<semaphore_mem>>, %arg12: memref<!tpu.dma_semaphore, #tpu.memory_space<semaphore_mem>>, %arg13: memref<!tpu.dma_semaphore, #tpu.memory_space<semaphore_mem>>, %arg14: memref<!tpu.dma_semaphore, #tpu.memory_space<semaphore_mem>>, %arg15: memref<!tpu.dma_semaphore, #tpu.memory_space<semaphore_mem>>, %arg16: memref<!tpu.dma_semaphore, #tpu.memory_space<semaphore_mem>>, %arg17: memref<!tpu.dma_semaphore, #tpu.memory_space<semaphore_mem>>, %arg18: memref<!tpu.dma_semaphore, #tpu.memory_space<semaphore_mem>>) attributes {dimension_semantics = [#tpu.dimension_semantics<core_parallel>, #tpu.dimension_semantics<subcore_parallel>], iteration_bounds = array<i64: 2, 16>, scalar_prefetch = 0 : i64, scratch_operands = 12 : i64, tpu.core_type = #tpu.core_type<sc_vector_subcore>, window_params = [{transform_indices = #map}, {transform_indices = #map}, {transform_indices = #map}, {transform_indices = #map}, {transform_indices = #map}]} {
    %mul3A = arith.constant 2 : i32
    %mul3A_0 = arith.muli %arg1, %mul3A : i32
    %add3A = arith.addi %mul3A_0, %arg0 : i32
    %mul3A_1 = arith.constant 20 : i32
    %mul3A_2 = arith.muli %add3A, %mul3A_1 : i32
    "tpu.region"() ({
      %run_scoped3A = tpu.sem_alloc : memref<!tpu.dma_semaphore, #tpu.memory_space<semaphore_mem>>
      %dma_start3A_92 = arith.constant 0 : i32
      %dma_start3A_93 = tpu.memref_slice %arg3[%mul3A_2, %dma_start3A_92] : memref<640x125xi32, #tpu.memory_space<hbm>> -> memref<20x125xi32, #tpu.memory_space<hbm>>
      %dma_start3A_94 = arith.constant 0 : i32
      %dma_start3A_95 = tpu.memref_slice %arg3[%mul3A_2, %dma_start3A_94] : memref<640x125xi32, #tpu.memory_space<hbm>> -> memref<20x125xi32, #tpu.memory_space<hbm>>
      tpu.enqueue_dma source(%dma_start3A_95 : memref<20x125xi32, #tpu.memory_space<hbm>>) target(%arg7 : memref<20x125xi32, #tpu.memory_space<vmem>>) target_semaphore(%run_scoped3A : memref<!tpu.dma_semaphore, #tpu.memory_space<semaphore_mem>>)
      %dma_wait3A_96 = arith.constant 0 : i32
      %dma_wait3A_97 = tpu.memref_slice %arg3[%mul3A_2, %dma_wait3A_96] : memref<640x125xi32, #tpu.memory_space<hbm>> -> memref<20x125xi32, #tpu.memory_space<hbm>>
      %dma_wait3A_98 = arith.constant 0 : i32
      %dma_wait3A_99 = tpu.memref_slice %arg3[%mul3A_2, %dma_wait3A_98] : memref<640x125xi32, #tpu.memory_space<hbm>> -> memref<20x125xi32, #tpu.memory_space<hbm>>
      tpu.wait_dma2 semaphore(%run_scoped3A : memref<!tpu.dma_semaphore, #tpu.memory_space<semaphore_mem>>) src(%dma_wait3A_99 : memref<20x125xi32, #tpu.memory_space<hbm>>) dst(%arg7 : memref<20x125xi32, #tpu.memory_space<vmem>>)
      tpu.yield
    }) : () -> ()
    %mul3A_3 = arith.constant 20 : i32
    %mul3A_4 = arith.muli %add3A, %mul3A_3 : i32
    "tpu.region"() ({
      %run_scoped3A = tpu.sem_alloc : memref<!tpu.dma_semaphore, #tpu.memory_space<semaphore_mem>>
      %dma_start3A_92 = arith.constant 0 : i32
      %dma_start3A_93 = tpu.memref_slice %arg4[%mul3A_4, %dma_start3A_92] : memref<640x125xi32, #tpu.memory_space<hbm>> -> memref<20x125xi32, #tpu.memory_space<hbm>>
      %dma_start3A_94 = arith.constant 0 : i32
      %dma_start3A_95 = tpu.memref_slice %arg4[%mul3A_4, %dma_start3A_94] : memref<640x125xi32, #tpu.memory_space<hbm>> -> memref<20x125xi32, #tpu.memory_space<hbm>>
      tpu.enqueue_dma source(%dma_start3A_95 : memref<20x125xi32, #tpu.memory_space<hbm>>) target(%arg8 : memref<20x125xi32, #tpu.memory_space<vmem>>) target_semaphore(%run_scoped3A : memref<!tpu.dma_semaphore, #tpu.memory_space<semaphore_mem>>)
      %dma_wait3A_96 = arith.constant 0 : i32
      %dma_wait3A_97 = tpu.memref_slice %arg4[%mul3A_4, %dma_wait3A_96] : memref<640x125xi32, #tpu.memory_space<hbm>> -> memref<20x125xi32, #tpu.memory_space<hbm>>
      %dma_wait3A_98 = arith.constant 0 : i32
      %dma_wait3A_99 = tpu.memref_slice %arg4[%mul3A_4, %dma_wait3A_98] : memref<640x125xi32, #tpu.memory_space<hbm>> -> memref<20x125xi32, #tpu.memory_space<hbm>>
      tpu.wait_dma2 semaphore(%run_scoped3A : memref<!tpu.dma_semaphore, #tpu.memory_space<semaphore_mem>>) src(%dma_wait3A_99 : memref<20x125xi32, #tpu.memory_space<hbm>>) dst(%arg8 : memref<20x125xi32, #tpu.memory_space<vmem>>)
      tpu.yield
    }) : () -> ()
    %dma_start3A = arith.constant 0 : i32
    %dma_start3A_5 = arith.constant 0 : i32
    %dma_start3A_6 = arith.constant 0 : i32
    %dma_start3A_7 = arith.constant 0 : i32
    %dma_start3A_8 = tpu.memref_slice %arg9[%dma_start3A_5, %dma_start3A_6, %dma_start3A_7] : memref<2x125x128xf32, #tpu.memory_space<vmem>> -> memref<1x125x128xf32, #tpu.memory_space<vmem>>
    %dma_start3A_9 = tpu.memref_squeeze %dma_start3A_8 : memref<1x125x128xf32, #tpu.memory_space<vmem>> -> memref<125x128xf32, #tpu.memory_space<vmem>>
    %dma_start3A_10 = arith.constant 0 : i32
    %dma_start3A_11 = tpu.memref_slice %arg7[%dma_start3A, %dma_start3A_10] : memref<20x125xi32, #tpu.memory_space<vmem>> -> memref<1x125xi32, #tpu.memory_space<vmem>>
    %dma_start3A_12 = tpu.memref_squeeze %dma_start3A_11 : memref<1x125xi32, #tpu.memory_space<vmem>> -> memref<125xi32, #tpu.memory_space<vmem>>
    %dma_start3A_13 = arith.constant 0 : i32
    %dma_start3A_14 = arith.constant 0 : i32
    %dma_start3A_15 = tpu.memref_slice %arg2[%dma_start3A_13, %dma_start3A_14] : memref<10000x128xf32, #tpu.memory_space<hbm>> -> memref<10000x128xf32, #tpu.memory_space<hbm>>
    tpu.enqueue_indirect_dma source(%dma_start3A_15 : memref<10000x128xf32, #tpu.memory_space<hbm>>) target(%dma_start3A_9 : memref<125x128xf32, #tpu.memory_space<vmem>>) offsets(%dma_start3A_12 : memref<125xi32, #tpu.memory_space<vmem>>) semaphore(%arg11 : memref<!tpu.dma_semaphore, #tpu.memory_space<semaphore_mem>>)
    %dma_start3A_16 = arith.constant 0 : i32
    %dma_start3A_17 = arith.constant 0 : i32
    %dma_start3A_18 = arith.constant 0 : i32
    %dma_start3A_19 = arith.constant 0 : i32
    %dma_start3A_20 = tpu.memref_slice %arg10[%dma_start3A_17, %dma_start3A_18, %dma_start3A_19] : memref<2x125x128xf32, #tpu.memory_space<vmem>> -> memref<1x125x128xf32, #tpu.memory_space<vmem>>
    %dma_start3A_21 = tpu.memref_squeeze %dma_start3A_20 : memref<1x125x128xf32, #tpu.memory_space<vmem>> -> memref<125x128xf32, #tpu.memory_space<vmem>>
    %dma_start3A_22 = arith.constant 0 : i32
    %dma_start3A_23 = tpu.memref_slice %arg8[%dma_start3A_16, %dma_start3A_22] : memref<20x125xi32, #tpu.memory_space<vmem>> -> memref<1x125xi32, #tpu.memory_space<vmem>>
    %dma_start3A_24 = tpu.memref_squeeze %dma_start3A_23 : memref<1x125xi32, #tpu.memory_space<vmem>> -> memref<125xi32, #tpu.memory_space<vmem>>
    %dma_start3A_25 = arith.constant 0 : i32
    %dma_start3A_26 = arith.constant 0 : i32
    %dma_start3A_27 = tpu.memref_slice %arg2[%dma_start3A_25, %dma_start3A_26] : memref<10000x128xf32, #tpu.memory_space<hbm>> -> memref<10000x128xf32, #tpu.memory_space<hbm>>
    tpu.enqueue_indirect_dma source(%dma_start3A_27 : memref<10000x128xf32, #tpu.memory_space<hbm>>) target(%dma_start3A_21 : memref<125x128xf32, #tpu.memory_space<vmem>>) offsets(%dma_start3A_24 : memref<125xi32, #tpu.memory_space<vmem>>) semaphore(%arg13 : memref<!tpu.dma_semaphore, #tpu.memory_space<semaphore_mem>>)
    %scan3A = arith.constant 0 : i32
    %scan3A_28 = arith.constant 0 : i32
    %scan3A_29 = arith.constant 10 : i32
    %scan3A_30 = arith.addi %scan3A_28, %scan3A_29 : i32
    %scan3A_31 = arith.constant 1 : i32
    scf.for %scan3A_92 = %scan3A_28 to %scan3A_30 step %scan3A_31  : i32 {
      %mul3A_93 = arith.constant 2 : i32
      %mul3A_94 = arith.muli %scan3A_92, %mul3A_93 : i32
      %add3A_95 = arith.constant 0 : i32
      %add3A_96 = arith.addi %mul3A_94, %add3A_95 : i32
      %dma_wait3A_97 = arith.constant 0 : i32
      %dma_wait3A_98 = arith.constant 0 : i32
      %dma_wait3A_99 = arith.constant 0 : i32
      %dma_wait3A_100 = tpu.memref_slice %arg9[%dma_wait3A_97, %dma_wait3A_98, %dma_wait3A_99] : memref<2x125x128xf32, #tpu.memory_space<vmem>> -> memref<1x125x128xf32, #tpu.memory_space<vmem>>
      %dma_wait3A_101 = tpu.memref_squeeze %dma_wait3A_100 : memref<1x125x128xf32, #tpu.memory_space<vmem>> -> memref<125x128xf32, #tpu.memory_space<vmem>>
      %dma_wait3A_102 = arith.constant 0 : i32
      %dma_wait3A_103 = tpu.memref_slice %arg7[%add3A_96, %dma_wait3A_102] : memref<20x125xi32, #tpu.memory_space<vmem>> -> memref<1x125xi32, #tpu.memory_space<vmem>>
      %dma_wait3A_104 = tpu.memref_squeeze %dma_wait3A_103 : memref<1x125xi32, #tpu.memory_space<vmem>> -> memref<125xi32, #tpu.memory_space<vmem>>
      %dma_wait3A_105 = arith.constant 0 : i32
      %dma_wait3A_106 = arith.constant 0 : i32
      %dma_wait3A_107 = tpu.memref_slice %arg2[%dma_wait3A_105, %dma_wait3A_106] : memref<10000x128xf32, #tpu.memory_space<hbm>> -> memref<10000x128xf32, #tpu.memory_space<hbm>>
      tpu.wait_indirect_dma semaphore(%arg11 : memref<!tpu.dma_semaphore, #tpu.memory_space<semaphore_mem>>) src(%dma_wait3A_107 : memref<10000x128xf32, #tpu.memory_space<hbm>>) dst(%dma_wait3A_101 : memref<125x128xf32, #tpu.memory_space<vmem>>)
      %dma_wait3A_108 = arith.constant 0 : i32
      %dma_wait3A_109 = arith.constant 0 : i32
      %dma_wait3A_110 = arith.constant 0 : i32
      %dma_wait3A_111 = tpu.memref_slice %arg10[%dma_wait3A_108, %dma_wait3A_109, %dma_wait3A_110] : memref<2x125x128xf32, #tpu.memory_space<vmem>> -> memref<1x125x128xf32, #tpu.memory_space<vmem>>
      %dma_wait3A_112 = tpu.memref_squeeze %dma_wait3A_111 : memref<1x125x128xf32, #tpu.memory_space<vmem>> -> memref<125x128xf32, #tpu.memory_space<vmem>>
      %dma_wait3A_113 = arith.constant 0 : i32
      %dma_wait3A_114 = tpu.memref_slice %arg8[%add3A_96, %dma_wait3A_113] : memref<20x125xi32, #tpu.memory_space<vmem>> -> memref<1x125xi32, #tpu.memory_space<vmem>>
      %dma_wait3A_115 = tpu.memref_squeeze %dma_wait3A_114 : memref<1x125xi32, #tpu.memory_space<vmem>> -> memref<125xi32, #tpu.memory_space<vmem>>
      %dma_wait3A_116 = arith.constant 0 : i32
      %dma_wait3A_117 = arith.constant 0 : i32
      %dma_wait3A_118 = tpu.memref_slice %arg2[%dma_wait3A_116, %dma_wait3A_117] : memref<10000x128xf32, #tpu.memory_space<hbm>> -> memref<10000x128xf32, #tpu.memory_space<hbm>>
      tpu.wait_indirect_dma semaphore(%arg13 : memref<!tpu.dma_semaphore, #tpu.memory_space<semaphore_mem>>) src(%dma_wait3A_118 : memref<10000x128xf32, #tpu.memory_space<hbm>>) dst(%dma_wait3A_112 : memref<125x128xf32, #tpu.memory_space<vmem>>)
      %add3A_119 = arith.constant 1 : i32
      %add3A_120 = arith.addi %add3A_96, %add3A_119 : i32
      %lt3A = arith.constant 20 : i32
      %lt3A_121 = arith.cmpi slt, %add3A_120, %lt3A : i32
      %convert_element_type3A = arith.extui %lt3A_121 : i1 to i32
      %cond3A = arith.constant 0 : i32
      %cond3A_122 = arith.cmpi ne, %convert_element_type3A, %cond3A : i32
      scf.if %cond3A_122 {
        %ge3A = arith.constant 1 : i32
        %ge3A_218 = arith.cmpi sge, %add3A_96, %ge3A : i32
        %convert_element_type3A_219 = arith.extui %ge3A_218 : i1 to i32
        %cond3A_220 = arith.constant 0 : i32
        %cond3A_221 = arith.cmpi ne, %convert_element_type3A_219, %cond3A_220 : i32
        scf.if %cond3A_221 {
          %sub3A = arith.constant 1 : i32
          %sub3A_246 = arith.subi %add3A_96, %sub3A : i32
          %mul3A_247 = arith.constant 2500 : i32
          %mul3A_248 = arith.muli %add3A, %mul3A_247 : i32
          %mul3A_249 = arith.constant 125 : i32
          %mul3A_250 = arith.muli %sub3A_246, %mul3A_249 : i32
          %add3A_251 = arith.addi %mul3A_248, %mul3A_250 : i32
          %dma_wait3A_252 = arith.constant 1 : i32
          %dma_wait3A_253 = arith.constant 0 : i32
          %dma_wait3A_254 = arith.constant 0 : i32
          %dma_wait3A_255 = tpu.memref_slice %arg9[%dma_wait3A_252, %dma_wait3A_253, %dma_wait3A_254] : memref<2x125x128xf32, #tpu.memory_space<vmem>> -> memref<1x125x128xf32, #tpu.memory_space<vmem>>
          %dma_wait3A_256 = tpu.memref_squeeze %dma_wait3A_255 : memref<1x125x128xf32, #tpu.memory_space<vmem>> -> memref<125x128xf32, #tpu.memory_space<vmem>>
          %dma_wait3A_257 = arith.constant 0 : i32
          %dma_wait3A_258 = tpu.memref_slice %arg5[%add3A_251, %dma_wait3A_257] : memref<80000x128xf32, #tpu.memory_space<hbm>> -> memref<125x128xf32, #tpu.memory_space<hbm>>
          %dma_wait3A_259 = arith.constant 0 : i32
          %dma_wait3A_260 = tpu.memref_slice %arg5[%add3A_251, %dma_wait3A_259] : memref<80000x128xf32, #tpu.memory_space<hbm>> -> memref<125x128xf32, #tpu.memory_space<hbm>>
          %dma_wait3A_261 = arith.constant 0 : i32
          %dma_wait3A_262 = arith.constant 0 : i32
          %dma_wait3A_263 = tpu.memref_slice %arg9[%dma_wait3A_252, %dma_wait3A_261, %dma_wait3A_262] : memref<2x125x128xf32, #tpu.memory_space<vmem>> -> memref<1x125x128xf32, #tpu.memory_space<vmem>>
          %dma_wait3A_264 = tpu.memref_squeeze %dma_wait3A_263 : memref<1x125x128xf32, #tpu.memory_space<vmem>> -> memref<125x128xf32, #tpu.memory_space<vmem>>
          tpu.wait_dma2 semaphore(%arg16 : memref<!tpu.dma_semaphore, #tpu.memory_space<semaphore_mem>>) src(%dma_wait3A_264 : memref<125x128xf32, #tpu.memory_space<vmem>>) dst(%dma_wait3A_260 : memref<125x128xf32, #tpu.memory_space<hbm>>)
          %dma_wait3A_265 = arith.constant 1 : i32
          %dma_wait3A_266 = arith.constant 0 : i32
          %dma_wait3A_267 = arith.constant 0 : i32
          %dma_wait3A_268 = tpu.memref_slice %arg10[%dma_wait3A_265, %dma_wait3A_266, %dma_wait3A_267] : memref<2x125x128xf32, #tpu.memory_space<vmem>> -> memref<1x125x128xf32, #tpu.memory_space<vmem>>
          %dma_wait3A_269 = tpu.memref_squeeze %dma_wait3A_268 : memref<1x125x128xf32, #tpu.memory_space<vmem>> -> memref<125x128xf32, #tpu.memory_space<vmem>>
          %dma_wait3A_270 = arith.constant 0 : i32
          %dma_wait3A_271 = tpu.memref_slice %arg6[%add3A_251, %dma_wait3A_270] : memref<80000x128xf32, #tpu.memory_space<hbm>> -> memref<125x128xf32, #tpu.memory_space<hbm>>
          %dma_wait3A_272 = arith.constant 0 : i32
          %dma_wait3A_273 = tpu.memref_slice %arg6[%add3A_251, %dma_wait3A_272] : memref<80000x128xf32, #tpu.memory_space<hbm>> -> memref<125x128xf32, #tpu.memory_space<hbm>>
          %dma_wait3A_274 = arith.constant 0 : i32
          %dma_wait3A_275 = arith.constant 0 : i32
          %dma_wait3A_276 = tpu.memref_slice %arg10[%dma_wait3A_265, %dma_wait3A_274, %dma_wait3A_275] : memref<2x125x128xf32, #tpu.memory_space<vmem>> -> memref<1x125x128xf32, #tpu.memory_space<vmem>>
          %dma_wait3A_277 = tpu.memref_squeeze %dma_wait3A_276 : memref<1x125x128xf32, #tpu.memory_space<vmem>> -> memref<125x128xf32, #tpu.memory_space<vmem>>
          tpu.wait_dma2 semaphore(%arg18 : memref<!tpu.dma_semaphore, #tpu.memory_space<semaphore_mem>>) src(%dma_wait3A_277 : memref<125x128xf32, #tpu.memory_space<vmem>>) dst(%dma_wait3A_273 : memref<125x128xf32, #tpu.memory_space<hbm>>)
        } else {
        }
        %add3A_222 = arith.constant 1 : i32
        %add3A_223 = arith.addi %add3A_96, %add3A_222 : i32
        %dma_start3A_224 = arith.constant 1 : i32
        %dma_start3A_225 = arith.constant 0 : i32
        %dma_start3A_226 = arith.constant 0 : i32
        %dma_start3A_227 = tpu.memref_slice %arg9[%dma_start3A_224, %dma_start3A_225, %dma_start3A_226] : memref<2x125x128xf32, #tpu.memory_space<vmem>> -> memref<1x125x128xf32, #tpu.memory_space<vmem>>
        %dma_start3A_228 = tpu.memref_squeeze %dma_start3A_227 : memref<1x125x128xf32, #tpu.memory_space<vmem>> -> memref<125x128xf32, #tpu.memory_space<vmem>>
        %dma_start3A_229 = arith.constant 0 : i32
        %dma_start3A_230 = tpu.memref_slice %arg7[%add3A_223, %dma_start3A_229] : memref<20x125xi32, #tpu.memory_space<vmem>> -> memref<1x125xi32, #tpu.memory_space<vmem>>
        %dma_start3A_231 = tpu.memref_squeeze %dma_start3A_230 : memref<1x125xi32, #tpu.memory_space<vmem>> -> memref<125xi32, #tpu.memory_space<vmem>>
        %dma_start3A_232 = arith.constant 0 : i32
        %dma_start3A_233 = arith.constant 0 : i32
        %dma_start3A_234 = tpu.memref_slice %arg2[%dma_start3A_232, %dma_start3A_233] : memref<10000x128xf32, #tpu.memory_space<hbm>> -> memref<10000x128xf32, #tpu.memory_space<hbm>>
        tpu.enqueue_indirect_dma source(%dma_start3A_234 : memref<10000x128xf32, #tpu.memory_space<hbm>>) target(%dma_start3A_228 : memref<125x128xf32, #tpu.memory_space<vmem>>) offsets(%dma_start3A_231 : memref<125xi32, #tpu.memory_space<vmem>>) semaphore(%arg12 : memref<!tpu.dma_semaphore, #tpu.memory_space<semaphore_mem>>)
        %dma_start3A_235 = arith.constant 1 : i32
        %dma_start3A_236 = arith.constant 0 : i32
        %dma_start3A_237 = arith.constant 0 : i32
        %dma_start3A_238 = tpu.memref_slice %arg10[%dma_start3A_235, %dma_start3A_236, %dma_start3A_237] : memref<2x125x128xf32, #tpu.memory_space<vmem>> -> memref<1x125x128xf32, #tpu.memory_space<vmem>>
        %dma_start3A_239 = tpu.memref_squeeze %dma_start3A_238 : memref<1x125x128xf32, #tpu.memory_space<vmem>> -> memref<125x128xf32, #tpu.memory_space<vmem>>
        %dma_start3A_240 = arith.constant 0 : i32
        %dma_start3A_241 = tpu.memref_slice %arg8[%add3A_223, %dma_start3A_240] : memref<20x125xi32, #tpu.memory_space<vmem>> -> memref<1x125xi32, #tpu.memory_space<vmem>>
        %dma_start3A_242 = tpu.memref_squeeze %dma_start3A_241 : memref<1x125xi32, #tpu.memory_space<vmem>> -> memref<125xi32, #tpu.memory_space<vmem>>
        %dma_start3A_243 = arith.constant 0 : i32
        %dma_start3A_244 = arith.constant 0 : i32
        %dma_start3A_245 = tpu.memref_slice %arg2[%dma_start3A_243, %dma_start3A_244] : memref<10000x128xf32, #tpu.memory_space<hbm>> -> memref<10000x128xf32, #tpu.memory_space<hbm>>
        tpu.enqueue_indirect_dma source(%dma_start3A_245 : memref<10000x128xf32, #tpu.memory_space<hbm>>) target(%dma_start3A_239 : memref<125x128xf32, #tpu.memory_space<vmem>>) offsets(%dma_start3A_242 : memref<125xi32, #tpu.memory_space<vmem>>) semaphore(%arg14 : memref<!tpu.dma_semaphore, #tpu.memory_space<semaphore_mem>>)
      } else {
      }
      %mul3A_123 = arith.constant 2500 : i32
      %mul3A_124 = arith.muli %add3A, %mul3A_123 : i32
      %mul3A_125 = arith.constant 125 : i32
      %mul3A_126 = arith.muli %add3A_96, %mul3A_125 : i32
      %add3A_127 = arith.addi %mul3A_124, %mul3A_126 : i32
      %dma_start3A_128 = arith.constant 0 : i32
      %dma_start3A_129 = arith.constant 0 : i32
      %dma_start3A_130 = arith.constant 0 : i32
      %dma_start3A_131 = tpu.memref_slice %arg9[%dma_start3A_128, %dma_start3A_129, %dma_start3A_130] : memref<2x125x128xf32, #tpu.memory_space<vmem>> -> memref<1x125x128xf32, #tpu.memory_space<vmem>>
      %dma_start3A_132 = tpu.memref_squeeze %dma_start3A_131 : memref<1x125x128xf32, #tpu.memory_space<vmem>> -> memref<125x128xf32, #tpu.memory_space<vmem>>
      %dma_start3A_133 = arith.constant 0 : i32
      %dma_start3A_134 = tpu.memref_slice %arg5[%add3A_127, %dma_start3A_133] : memref<80000x128xf32, #tpu.memory_space<hbm>> -> memref<125x128xf32, #tpu.memory_space<hbm>>
      %dma_start3A_135 = arith.constant 0 : i32
      %dma_start3A_136 = tpu.memref_slice %arg5[%add3A_127, %dma_start3A_135] : memref<80000x128xf32, #tpu.memory_space<hbm>> -> memref<125x128xf32, #tpu.memory_space<hbm>>
      %dma_start3A_137 = arith.constant 0 : i32
      %dma_start3A_138 = arith.constant 0 : i32
      %dma_start3A_139 = tpu.memref_slice %arg9[%dma_start3A_128, %dma_start3A_137, %dma_start3A_138] : memref<2x125x128xf32, #tpu.memory_space<vmem>> -> memref<1x125x128xf32, #tpu.memory_space<vmem>>
      %dma_start3A_140 = tpu.memref_squeeze %dma_start3A_139 : memref<1x125x128xf32, #tpu.memory_space<vmem>> -> memref<125x128xf32, #tpu.memory_space<vmem>>
      tpu.enqueue_dma source(%dma_start3A_140 : memref<125x128xf32, #tpu.memory_space<vmem>>) target(%dma_start3A_136 : memref<125x128xf32, #tpu.memory_space<hbm>>) target_semaphore(%arg15 : memref<!tpu.dma_semaphore, #tpu.memory_space<semaphore_mem>>)
      %dma_start3A_141 = arith.constant 0 : i32
      %dma_start3A_142 = arith.constant 0 : i32
      %dma_start3A_143 = arith.constant 0 : i32
      %dma_start3A_144 = tpu.memref_slice %arg10[%dma_start3A_141, %dma_start3A_142, %dma_start3A_143] : memref<2x125x128xf32, #tpu.memory_space<vmem>> -> memref<1x125x128xf32, #tpu.memory_space<vmem>>
      %dma_start3A_145 = tpu.memref_squeeze %dma_start3A_144 : memref<1x125x128xf32, #tpu.memory_space<vmem>> -> memref<125x128xf32, #tpu.memory_space<vmem>>
      %dma_start3A_146 = arith.constant 0 : i32
      %dma_start3A_147 = tpu.memref_slice %arg6[%add3A_127, %dma_start3A_146] : memref<80000x128xf32, #tpu.memory_space<hbm>> -> memref<125x128xf32, #tpu.memory_space<hbm>>
      %dma_start3A_148 = arith.constant 0 : i32
      %dma_start3A_149 = tpu.memref_slice %arg6[%add3A_127, %dma_start3A_148] : memref<80000x128xf32, #tpu.memory_space<hbm>> -> memref<125x128xf32, #tpu.memory_space<hbm>>
      %dma_start3A_150 = arith.constant 0 : i32
      %dma_start3A_151 = arith.constant 0 : i32
      %dma_start3A_152 = tpu.memref_slice %arg10[%dma_start3A_141, %dma_start3A_150, %dma_start3A_151] : memref<2x125x128xf32, #tpu.memory_space<vmem>> -> memref<1x125x128xf32, #tpu.memory_space<vmem>>
      %dma_start3A_153 = tpu.memref_squeeze %dma_start3A_152 : memref<1x125x128xf32, #tpu.memory_space<vmem>> -> memref<125x128xf32, #tpu.memory_space<vmem>>
      tpu.enqueue_dma source(%dma_start3A_153 : memref<125x128xf32, #tpu.memory_space<vmem>>) target(%dma_start3A_149 : memref<125x128xf32, #tpu.memory_space<hbm>>) target_semaphore(%arg17 : memref<!tpu.dma_semaphore, #tpu.memory_space<semaphore_mem>>)
      %mul3A_154 = arith.constant 2 : i32
      %mul3A_155 = arith.muli %scan3A_92, %mul3A_154 : i32
      %add3A_156 = arith.constant 1 : i32
      %add3A_157 = arith.addi %mul3A_155, %add3A_156 : i32
      %dma_wait3A_158 = arith.constant 1 : i32
      %dma_wait3A_159 = arith.constant 0 : i32
      %dma_wait3A_160 = arith.constant 0 : i32
      %dma_wait3A_161 = tpu.memref_slice %arg9[%dma_wait3A_158, %dma_wait3A_159, %dma_wait3A_160] : memref<2x125x128xf32, #tpu.memory_space<vmem>> -> memref<1x125x128xf32, #tpu.memory_space<vmem>>
      %dma_wait3A_162 = tpu.memref_squeeze %dma_wait3A_161 : memref<1x125x128xf32, #tpu.memory_space<vmem>> -> memref<125x128xf32, #tpu.memory_space<vmem>>
      %dma_wait3A_163 = arith.constant 0 : i32
      %dma_wait3A_164 = tpu.memref_slice %arg7[%add3A_157, %dma_wait3A_163] : memref<20x125xi32, #tpu.memory_space<vmem>> -> memref<1x125xi32, #tpu.memory_space<vmem>>
      %dma_wait3A_165 = tpu.memref_squeeze %dma_wait3A_164 : memref<1x125xi32, #tpu.memory_space<vmem>> -> memref<125xi32, #tpu.memory_space<vmem>>
      %dma_wait3A_166 = arith.constant 0 : i32
      %dma_wait3A_167 = arith.constant 0 : i32
      %dma_wait3A_168 = tpu.memref_slice %arg2[%dma_wait3A_166, %dma_wait3A_167] : memref<10000x128xf32, #tpu.memory_space<hbm>> -> memref<10000x128xf32, #tpu.memory_space<hbm>>
      tpu.wait_indirect_dma semaphore(%arg12 : memref<!tpu.dma_semaphore, #tpu.memory_space<semaphore_mem>>) src(%dma_wait3A_168 : memref<10000x128xf32, #tpu.memory_space<hbm>>) dst(%dma_wait3A_162 : memref<125x128xf32, #tpu.memory_space<vmem>>)
      %dma_wait3A_169 = arith.constant 1 : i32
      %dma_wait3A_170 = arith.constant 0 : i32
      %dma_wait3A_171 = arith.constant 0 : i32
      %dma_wait3A_172 = tpu.memref_slice %arg10[%dma_wait3A_169, %dma_wait3A_170, %dma_wait3A_171] : memref<2x125x128xf32, #tpu.memory_space<vmem>> -> memref<1x125x128xf32, #tpu.memory_space<vmem>>
      %dma_wait3A_173 = tpu.memref_squeeze %dma_wait3A_172 : memref<1x125x128xf32, #tpu.memory_space<vmem>> -> memref<125x128xf32, #tpu.memory_space<vmem>>
      %dma_wait3A_174 = arith.constant 0 : i32
      %dma_wait3A_175 = tpu.memref_slice %arg8[%add3A_157, %dma_wait3A_174] : memref<20x125xi32, #tpu.memory_space<vmem>> -> memref<1x125xi32, #tpu.memory_space<vmem>>
      %dma_wait3A_176 = tpu.memref_squeeze %dma_wait3A_175 : memref<1x125xi32, #tpu.memory_space<vmem>> -> memref<125xi32, #tpu.memory_space<vmem>>
      %dma_wait3A_177 = arith.constant 0 : i32
      %dma_wait3A_178 = arith.constant 0 : i32
      %dma_wait3A_179 = tpu.memref_slice %arg2[%dma_wait3A_177, %dma_wait3A_178] : memref<10000x128xf32, #tpu.memory_space<hbm>> -> memref<10000x128xf32, #tpu.memory_space<hbm>>
      tpu.wait_indirect_dma semaphore(%arg14 : memref<!tpu.dma_semaphore, #tpu.memory_space<semaphore_mem>>) src(%dma_wait3A_179 : memref<10000x128xf32, #tpu.memory_space<hbm>>) dst(%dma_wait3A_173 : memref<125x128xf32, #tpu.memory_space<vmem>>)
      %add3A_180 = arith.constant 1 : i32
      %add3A_181 = arith.addi %add3A_157, %add3A_180 : i32
      %lt3A_182 = arith.constant 20 : i32
      %lt3A_183 = arith.cmpi slt, %add3A_181, %lt3A_182 : i32
      %convert_element_type3A_184 = arith.extui %lt3A_183 : i1 to i32
      %cond3A_185 = arith.constant 0 : i32
      %cond3A_186 = arith.cmpi ne, %convert_element_type3A_184, %cond3A_185 : i32
      scf.if %cond3A_186 {
        %ge3A = arith.constant 1 : i32
        %ge3A_218 = arith.cmpi sge, %add3A_157, %ge3A : i32
        %convert_element_type3A_219 = arith.extui %ge3A_218 : i1 to i32
        %cond3A_220 = arith.constant 0 : i32
        %cond3A_221 = arith.cmpi ne, %convert_element_type3A_219, %cond3A_220 : i32
        scf.if %cond3A_221 {
          %sub3A = arith.constant 1 : i32
          %sub3A_246 = arith.subi %add3A_157, %sub3A : i32
          %mul3A_247 = arith.constant 2500 : i32
          %mul3A_248 = arith.muli %add3A, %mul3A_247 : i32
          %mul3A_249 = arith.constant 125 : i32
          %mul3A_250 = arith.muli %sub3A_246, %mul3A_249 : i32
          %add3A_251 = arith.addi %mul3A_248, %mul3A_250 : i32
          %dma_wait3A_252 = arith.constant 0 : i32
          %dma_wait3A_253 = arith.constant 0 : i32
          %dma_wait3A_254 = arith.constant 0 : i32
          %dma_wait3A_255 = tpu.memref_slice %arg9[%dma_wait3A_252, %dma_wait3A_253, %dma_wait3A_254] : memref<2x125x128xf32, #tpu.memory_space<vmem>> -> memref<1x125x128xf32, #tpu.memory_space<vmem>>
          %dma_wait3A_256 = tpu.memref_squeeze %dma_wait3A_255 : memref<1x125x128xf32, #tpu.memory_space<vmem>> -> memref<125x128xf32, #tpu.memory_space<vmem>>
          %dma_wait3A_257 = arith.constant 0 : i32
          %dma_wait3A_258 = tpu.memref_slice %arg5[%add3A_251, %dma_wait3A_257] : memref<80000x128xf32, #tpu.memory_space<hbm>> -> memref<125x128xf32, #tpu.memory_space<hbm>>
          %dma_wait3A_259 = arith.constant 0 : i32
          %dma_wait3A_260 = tpu.memref_slice %arg5[%add3A_251, %dma_wait3A_259] : memref<80000x128xf32, #tpu.memory_space<hbm>> -> memref<125x128xf32, #tpu.memory_space<hbm>>
          %dma_wait3A_261 = arith.constant 0 : i32
          %dma_wait3A_262 = arith.constant 0 : i32
          %dma_wait3A_263 = tpu.memref_slice %arg9[%dma_wait3A_252, %dma_wait3A_261, %dma_wait3A_262] : memref<2x125x128xf32, #tpu.memory_space<vmem>> -> memref<1x125x128xf32, #tpu.memory_space<vmem>>
          %dma_wait3A_264 = tpu.memref_squeeze %dma_wait3A_263 : memref<1x125x128xf32, #tpu.memory_space<vmem>> -> memref<125x128xf32, #tpu.memory_space<vmem>>
          tpu.wait_dma2 semaphore(%arg15 : memref<!tpu.dma_semaphore, #tpu.memory_space<semaphore_mem>>) src(%dma_wait3A_264 : memref<125x128xf32, #tpu.memory_space<vmem>>) dst(%dma_wait3A_260 : memref<125x128xf32, #tpu.memory_space<hbm>>)
          %dma_wait3A_265 = arith.constant 0 : i32
          %dma_wait3A_266 = arith.constant 0 : i32
          %dma_wait3A_267 = arith.constant 0 : i32
          %dma_wait3A_268 = tpu.memref_slice %arg10[%dma_wait3A_265, %dma_wait3A_266, %dma_wait3A_267] : memref<2x125x128xf32, #tpu.memory_space<vmem>> -> memref<1x125x128xf32, #tpu.memory_space<vmem>>
          %dma_wait3A_269 = tpu.memref_squeeze %dma_wait3A_268 : memref<1x125x128xf32, #tpu.memory_space<vmem>> -> memref<125x128xf32, #tpu.memory_space<vmem>>
          %dma_wait3A_270 = arith.constant 0 : i32
          %dma_wait3A_271 = tpu.memref_slice %arg6[%add3A_251, %dma_wait3A_270] : memref<80000x128xf32, #tpu.memory_space<hbm>> -> memref<125x128xf32, #tpu.memory_space<hbm>>
          %dma_wait3A_272 = arith.constant 0 : i32
          %dma_wait3A_273 = tpu.memref_slice %arg6[%add3A_251, %dma_wait3A_272] : memref<80000x128xf32, #tpu.memory_space<hbm>> -> memref<125x128xf32, #tpu.memory_space<hbm>>
          %dma_wait3A_274 = arith.constant 0 : i32
          %dma_wait3A_275 = arith.constant 0 : i32
          %dma_wait3A_276 = tpu.memref_slice %arg10[%dma_wait3A_265, %dma_wait3A_274, %dma_wait3A_275] : memref<2x125x128xf32, #tpu.memory_space<vmem>> -> memref<1x125x128xf32, #tpu.memory_space<vmem>>
          %dma_wait3A_277 = tpu.memref_squeeze %dma_wait3A_276 : memref<1x125x128xf32, #tpu.memory_space<vmem>> -> memref<125x128xf32, #tpu.memory_space<vmem>>
          tpu.wait_dma2 semaphore(%arg17 : memref<!tpu.dma_semaphore, #tpu.memory_space<semaphore_mem>>) src(%dma_wait3A_277 : memref<125x128xf32, #tpu.memory_space<vmem>>) dst(%dma_wait3A_273 : memref<125x128xf32, #tpu.memory_space<hbm>>)
        } else {
        }
        %add3A_222 = arith.constant 1 : i32
        %add3A_223 = arith.addi %add3A_157, %add3A_222 : i32
        %dma_start3A_224 = arith.constant 0 : i32
        %dma_start3A_225 = arith.constant 0 : i32
        %dma_start3A_226 = arith.constant 0 : i32
        %dma_start3A_227 = tpu.memref_slice %arg9[%dma_start3A_224, %dma_start3A_225, %dma_start3A_226] : memref<2x125x128xf32, #tpu.memory_space<vmem>> -> memref<1x125x128xf32, #tpu.memory_space<vmem>>
        %dma_start3A_228 = tpu.memref_squeeze %dma_start3A_227 : memref<1x125x128xf32, #tpu.memory_space<vmem>> -> memref<125x128xf32, #tpu.memory_space<vmem>>
        %dma_start3A_229 = arith.constant 0 : i32
        %dma_start3A_230 = tpu.memref_slice %arg7[%add3A_223, %dma_start3A_229] : memref<20x125xi32, #tpu.memory_space<vmem>> -> memref<1x125xi32, #tpu.memory_space<vmem>>
        %dma_start3A_231 = tpu.memref_squeeze %dma_start3A_230 : memref<1x125xi32, #tpu.memory_space<vmem>> -> memref<125xi32, #tpu.memory_space<vmem>>
        %dma_start3A_232 = arith.constant 0 : i32
        %dma_start3A_233 = arith.constant 0 : i32
        %dma_start3A_234 = tpu.memref_slice %arg2[%dma_start3A_232, %dma_start3A_233] : memref<10000x128xf32, #tpu.memory_space<hbm>> -> memref<10000x128xf32, #tpu.memory_space<hbm>>
        tpu.enqueue_indirect_dma source(%dma_start3A_234 : memref<10000x128xf32, #tpu.memory_space<hbm>>) target(%dma_start3A_228 : memref<125x128xf32, #tpu.memory_space<vmem>>) offsets(%dma_start3A_231 : memref<125xi32, #tpu.memory_space<vmem>>) semaphore(%arg11 : memref<!tpu.dma_semaphore, #tpu.memory_space<semaphore_mem>>)
        %dma_start3A_235 = arith.constant 0 : i32
        %dma_start3A_236 = arith.constant 0 : i32
        %dma_start3A_237 = arith.constant 0 : i32
        %dma_start3A_238 = tpu.memref_slice %arg10[%dma_start3A_235, %dma_start3A_236, %dma_start3A_237] : memref<2x125x128xf32, #tpu.memory_space<vmem>> -> memref<1x125x128xf32, #tpu.memory_space<vmem>>
        %dma_start3A_239 = tpu.memref_squeeze %dma_start3A_238 : memref<1x125x128xf32, #tpu.memory_space<vmem>> -> memref<125x128xf32, #tpu.memory_space<vmem>>
        %dma_start3A_240 = arith.constant 0 : i32
        %dma_start3A_241 = tpu.memref_slice %arg8[%add3A_223, %dma_start3A_240] : memref<20x125xi32, #tpu.memory_space<vmem>> -> memref<1x125xi32, #tpu.memory_space<vmem>>
        %dma_start3A_242 = tpu.memref_squeeze %dma_start3A_241 : memref<1x125xi32, #tpu.memory_space<vmem>> -> memref<125xi32, #tpu.memory_space<vmem>>
        %dma_start3A_243 = arith.constant 0 : i32
        %dma_start3A_244 = arith.constant 0 : i32
        %dma_start3A_245 = tpu.memref_slice %arg2[%dma_start3A_243, %dma_start3A_244] : memref<10000x128xf32, #tpu.memory_space<hbm>> -> memref<10000x128xf32, #tpu.memory_space<hbm>>
        tpu.enqueue_indirect_dma source(%dma_start3A_245 : memref<10000x128xf32, #tpu.memory_space<hbm>>) target(%dma_start3A_239 : memref<125x128xf32, #tpu.memory_space<vmem>>) offsets(%dma_start3A_242 : memref<125xi32, #tpu.memory_space<vmem>>) semaphore(%arg13 : memref<!tpu.dma_semaphore, #tpu.memory_space<semaphore_mem>>)
      } else {
      }
      %mul3A_187 = arith.constant 2500 : i32
      %mul3A_188 = arith.muli %add3A, %mul3A_187 : i32
      %mul3A_189 = arith.constant 125 : i32
      %mul3A_190 = arith.muli %add3A_157, %mul3A_189 : i32
      %add3A_191 = arith.addi %mul3A_188, %mul3A_190 : i32
      %dma_start3A_192 = arith.constant 1 : i32
      %dma_start3A_193 = arith.constant 0 : i32
      %dma_start3A_194 = arith.constant 0 : i32
      %dma_start3A_195 = tpu.memref_slice %arg9[%dma_start3A_192, %dma_start3A_193, %dma_start3A_194] : memref<2x125x128xf32, #tpu.memory_space<vmem>> -> memref<1x125x128xf32, #tpu.memory_space<vmem>>
      %dma_start3A_196 = tpu.memref_squeeze %dma_start3A_195 : memref<1x125x128xf32, #tpu.memory_space<vmem>> -> memref<125x128xf32, #tpu.memory_space<vmem>>
      %dma_start3A_197 = arith.constant 0 : i32
      %dma_start3A_198 = tpu.memref_slice %arg5[%add3A_191, %dma_start3A_197] : memref<80000x128xf32, #tpu.memory_space<hbm>> -> memref<125x128xf32, #tpu.memory_space<hbm>>
      %dma_start3A_199 = arith.constant 0 : i32
      %dma_start3A_200 = tpu.memref_slice %arg5[%add3A_191, %dma_start3A_199] : memref<80000x128xf32, #tpu.memory_space<hbm>> -> memref<125x128xf32, #tpu.memory_space<hbm>>
      %dma_start3A_201 = arith.constant 0 : i32
      %dma_start3A_202 = arith.constant 0 : i32
      %dma_start3A_203 = tpu.memref_slice %arg9[%dma_start3A_192, %dma_start3A_201, %dma_start3A_202] : memref<2x125x128xf32, #tpu.memory_space<vmem>> -> memref<1x125x128xf32, #tpu.memory_space<vmem>>
      %dma_start3A_204 = tpu.memref_squeeze %dma_start3A_203 : memref<1x125x128xf32, #tpu.memory_space<vmem>> -> memref<125x128xf32, #tpu.memory_space<vmem>>
      tpu.enqueue_dma source(%dma_start3A_204 : memref<125x128xf32, #tpu.memory_space<vmem>>) target(%dma_start3A_200 : memref<125x128xf32, #tpu.memory_space<hbm>>) target_semaphore(%arg16 : memref<!tpu.dma_semaphore, #tpu.memory_space<semaphore_mem>>)
      %dma_start3A_205 = arith.constant 1 : i32
      %dma_start3A_206 = arith.constant 0 : i32
      %dma_start3A_207 = arith.constant 0 : i32
      %dma_start3A_208 = tpu.memref_slice %arg10[%dma_start3A_205, %dma_start3A_206, %dma_start3A_207] : memref<2x125x128xf32, #tpu.memory_space<vmem>> -> memref<1x125x128xf32, #tpu.memory_space<vmem>>
      %dma_start3A_209 = tpu.memref_squeeze %dma_start3A_208 : memref<1x125x128xf32, #tpu.memory_space<vmem>> -> memref<125x128xf32, #tpu.memory_space<vmem>>
      %dma_start3A_210 = arith.constant 0 : i32
      %dma_start3A_211 = tpu.memref_slice %arg6[%add3A_191, %dma_start3A_210] : memref<80000x128xf32, #tpu.memory_space<hbm>> -> memref<125x128xf32, #tpu.memory_space<hbm>>
      %dma_start3A_212 = arith.constant 0 : i32
      %dma_start3A_213 = tpu.memref_slice %arg6[%add3A_191, %dma_start3A_212] : memref<80000x128xf32, #tpu.memory_space<hbm>> -> memref<125x128xf32, #tpu.memory_space<hbm>>
      %dma_start3A_214 = arith.constant 0 : i32
      %dma_start3A_215 = arith.constant 0 : i32
      %dma_start3A_216 = tpu.memref_slice %arg10[%dma_start3A_205, %dma_start3A_214, %dma_start3A_215] : memref<2x125x128xf32, #tpu.memory_space<vmem>> -> memref<1x125x128xf32, #tpu.memory_space<vmem>>
      %dma_start3A_217 = tpu.memref_squeeze %dma_start3A_216 : memref<1x125x128xf32, #tpu.memory_space<vmem>> -> memref<125x128xf32, #tpu.memory_space<vmem>>
      tpu.enqueue_dma source(%dma_start3A_217 : memref<125x128xf32, #tpu.memory_space<vmem>>) target(%dma_start3A_213 : memref<125x128xf32, #tpu.memory_space<hbm>>) target_semaphore(%arg18 : memref<!tpu.dma_semaphore, #tpu.memory_space<semaphore_mem>>)
    }
    %scan3A_32 = arith.constant 10 : i32
    %mul3A_33 = arith.constant 2500 : i32
    %mul3A_34 = arith.muli %add3A, %mul3A_33 : i32
    %add3A_35 = arith.constant 2250 : i32
    %add3A_36 = arith.addi %mul3A_34, %add3A_35 : i32
    %dma_wait3A = arith.constant 0 : i32
    %dma_wait3A_37 = arith.constant 0 : i32
    %dma_wait3A_38 = arith.constant 0 : i32
    %dma_wait3A_39 = tpu.memref_slice %arg9[%dma_wait3A, %dma_wait3A_37, %dma_wait3A_38] : memref<2x125x128xf32, #tpu.memory_space<vmem>> -> memref<1x125x128xf32, #tpu.memory_space<vmem>>
    %dma_wait3A_40 = tpu.memref_squeeze %dma_wait3A_39 : memref<1x125x128xf32, #tpu.memory_space<vmem>> -> memref<125x128xf32, #tpu.memory_space<vmem>>
    %dma_wait3A_41 = arith.constant 0 : i32
    %dma_wait3A_42 = tpu.memref_slice %arg5[%add3A_36, %dma_wait3A_41] : memref<80000x128xf32, #tpu.memory_space<hbm>> -> memref<125x128xf32, #tpu.memory_space<hbm>>
    %dma_wait3A_43 = arith.constant 0 : i32
    %dma_wait3A_44 = tpu.memref_slice %arg5[%add3A_36, %dma_wait3A_43] : memref<80000x128xf32, #tpu.memory_space<hbm>> -> memref<125x128xf32, #tpu.memory_space<hbm>>
    %dma_wait3A_45 = arith.constant 0 : i32
    %dma_wait3A_46 = arith.constant 0 : i32
    %dma_wait3A_47 = tpu.memref_slice %arg9[%dma_wait3A, %dma_wait3A_45, %dma_wait3A_46] : memref<2x125x128xf32, #tpu.memory_space<vmem>> -> memref<1x125x128xf32, #tpu.memory_space<vmem>>
    %dma_wait3A_48 = tpu.memref_squeeze %dma_wait3A_47 : memref<1x125x128xf32, #tpu.memory_space<vmem>> -> memref<125x128xf32, #tpu.memory_space<vmem>>
    tpu.wait_dma2 semaphore(%arg15 : memref<!tpu.dma_semaphore, #tpu.memory_space<semaphore_mem>>) src(%dma_wait3A_48 : memref<125x128xf32, #tpu.memory_space<vmem>>) dst(%dma_wait3A_44 : memref<125x128xf32, #tpu.memory_space<hbm>>)
    %dma_wait3A_49 = arith.constant 0 : i32
    %dma_wait3A_50 = arith.constant 0 : i32
    %dma_wait3A_51 = arith.constant 0 : i32
    %dma_wait3A_52 = tpu.memref_slice %arg10[%dma_wait3A_49, %dma_wait3A_50, %dma_wait3A_51] : memref<2x125x128xf32, #tpu.memory_space<vmem>> -> memref<1x125x128xf32, #tpu.memory_space<vmem>>
    %dma_wait3A_53 = tpu.memref_squeeze %dma_wait3A_52 : memref<1x125x128xf32, #tpu.memory_space<vmem>> -> memref<125x128xf32, #tpu.memory_space<vmem>>
    %dma_wait3A_54 = arith.constant 0 : i32
    %dma_wait3A_55 = tpu.memref_slice %arg6[%add3A_36, %dma_wait3A_54] : memref<80000x128xf32, #tpu.memory_space<hbm>> -> memref<125x128xf32, #tpu.memory_space<hbm>>
    %dma_wait3A_56 = arith.constant 0 : i32
    %dma_wait3A_57 = tpu.memref_slice %arg6[%add3A_36, %dma_wait3A_56] : memref<80000x128xf32, #tpu.memory_space<hbm>> -> memref<125x128xf32, #tpu.memory_space<hbm>>
    %dma_wait3A_58 = arith.constant 0 : i32
    %dma_wait3A_59 = arith.constant 0 : i32
    %dma_wait3A_60 = tpu.memref_slice %arg10[%dma_wait3A_49, %dma_wait3A_58, %dma_wait3A_59] : memref<2x125x128xf32, #tpu.memory_space<vmem>> -> memref<1x125x128xf32, #tpu.memory_space<vmem>>
    %dma_wait3A_61 = tpu.memref_squeeze %dma_wait3A_60 : memref<1x125x128xf32, #tpu.memory_space<vmem>> -> memref<125x128xf32, #tpu.memory_space<vmem>>
    tpu.wait_dma2 semaphore(%arg17 : memref<!tpu.dma_semaphore, #tpu.memory_space<semaphore_mem>>) src(%dma_wait3A_61 : memref<125x128xf32, #tpu.memory_space<vmem>>) dst(%dma_wait3A_57 : memref<125x128xf32, #tpu.memory_space<hbm>>)
    %mul3A_62 = arith.constant 2500 : i32
    %mul3A_63 = arith.muli %add3A, %mul3A_62 : i32
    %add3A_64 = arith.constant 2375 : i32
    %add3A_65 = arith.addi %mul3A_63, %add3A_64 : i32
    %dma_wait3A_66 = arith.constant 1 : i32
    %dma_wait3A_67 = arith.constant 0 : i32
    %dma_wait3A_68 = arith.constant 0 : i32
    %dma_wait3A_69 = tpu.memref_slice %arg9[%dma_wait3A_66, %dma_wait3A_67, %dma_wait3A_68] : memref<2x125x128xf32, #tpu.memory_space<vmem>> -> memref<1x125x128xf32, #tpu.memory_space<vmem>>
    %dma_wait3A_70 = tpu.memref_squeeze %dma_wait3A_69 : memref<1x125x128xf32, #tpu.memory_space<vmem>> -> memref<125x128xf32, #tpu.memory_space<vmem>>
    %dma_wait3A_71 = arith.constant 0 : i32
    %dma_wait3A_72 = tpu.memref_slice %arg5[%add3A_65, %dma_wait3A_71] : memref<80000x128xf32, #tpu.memory_space<hbm>> -> memref<125x128xf32, #tpu.memory_space<hbm>>
    %dma_wait3A_73 = arith.constant 0 : i32
    %dma_wait3A_74 = tpu.memref_slice %arg5[%add3A_65, %dma_wait3A_73] : memref<80000x128xf32, #tpu.memory_space<hbm>> -> memref<125x128xf32, #tpu.memory_space<hbm>>
    %dma_wait3A_75 = arith.constant 0 : i32
    %dma_wait3A_76 = arith.constant 0 : i32
    %dma_wait3A_77 = tpu.memref_slice %arg9[%dma_wait3A_66, %dma_wait3A_75, %dma_wait3A_76] : memref<2x125x128xf32, #tpu.memory_space<vmem>> -> memref<1x125x128xf32, #tpu.memory_space<vmem>>
    %dma_wait3A_78 = tpu.memref_squeeze %dma_wait3A_77 : memref<1x125x128xf32, #tpu.memory_space<vmem>> -> memref<125x128xf32, #tpu.memory_space<vmem>>
    tpu.wait_dma2 semaphore(%arg16 : memref<!tpu.dma_semaphore, #tpu.memory_space<semaphore_mem>>) src(%dma_wait3A_78 : memref<125x128xf32, #tpu.memory_space<vmem>>) dst(%dma_wait3A_74 : memref<125x128xf32, #tpu.memory_space<hbm>>)
    %dma_wait3A_79 = arith.constant 1 : i32
    %dma_wait3A_80 = arith.constant 0 : i32
    %dma_wait3A_81 = arith.constant 0 : i32
    %dma_wait3A_82 = tpu.memref_slice %arg10[%dma_wait3A_79, %dma_wait3A_80, %dma_wait3A_81] : memref<2x125x128xf32, #tpu.memory_space<vmem>> -> memref<1x125x128xf32, #tpu.memory_space<vmem>>
    %dma_wait3A_83 = tpu.memref_squeeze %dma_wait3A_82 : memref<1x125x128xf32, #tpu.memory_space<vmem>> -> memref<125x128xf32, #tpu.memory_space<vmem>>
    %dma_wait3A_84 = arith.constant 0 : i32
    %dma_wait3A_85 = tpu.memref_slice %arg6[%add3A_65, %dma_wait3A_84] : memref<80000x128xf32, #tpu.memory_space<hbm>> -> memref<125x128xf32, #tpu.memory_space<hbm>>
    %dma_wait3A_86 = arith.constant 0 : i32
    %dma_wait3A_87 = tpu.memref_slice %arg6[%add3A_65, %dma_wait3A_86] : memref<80000x128xf32, #tpu.memory_space<hbm>> -> memref<125x128xf32, #tpu.memory_space<hbm>>
    %dma_wait3A_88 = arith.constant 0 : i32
    %dma_wait3A_89 = arith.constant 0 : i32
    %dma_wait3A_90 = tpu.memref_slice %arg10[%dma_wait3A_79, %dma_wait3A_88, %dma_wait3A_89] : memref<2x125x128xf32, #tpu.memory_space<vmem>> -> memref<1x125x128xf32, #tpu.memory_space<vmem>>
    %dma_wait3A_91 = tpu.memref_squeeze %dma_wait3A_90 : memref<1x125x128xf32, #tpu.memory_space<vmem>> -> memref<125x128xf32, #tpu.memory_space<vmem>>
    tpu.wait_dma2 semaphore(%arg18 : memref<!tpu.dma_semaphore, #tpu.memory_space<semaphore_mem>>) src(%dma_wait3A_91 : memref<125x128xf32, #tpu.memory_space<vmem>>) dst(%dma_wait3A_87 : memref<125x128xf32, #tpu.memory_space<hbm>>)
    return
  }
}

#map = affine_map<(d0, d1) -> (0, 0)>
module attributes {stable_mosaic.version = 14 : i64} {
  func.func @_gather_pair_sc(%arg0: i32, %arg1: i32, %arg2: memref<10000x128xf32, #tpu.memory_space<hbm>>, %arg3: memref<640x125xi32, #tpu.memory_space<hbm>>, %arg4: memref<640x125xi32, #tpu.memory_space<hbm>>, %arg5: memref<80000x128xf32, #tpu.memory_space<hbm>>, %arg6: memref<80000x128xf32, #tpu.memory_space<hbm>>, %arg7: memref<20x125xi32, #tpu.memory_space<vmem>>, %arg8: memref<20x125xi32, #tpu.memory_space<vmem>>, %arg9: memref<2x125x128xf32, #tpu.memory_space<vmem>>, %arg10: memref<2x125x128xf32, #tpu.memory_space<vmem>>, %arg11: memref<!tpu.dma_semaphore, #tpu.memory_space<semaphore_mem>>, %arg12: memref<!tpu.dma_semaphore, #tpu.memory_space<semaphore_mem>>, %arg13: memref<!tpu.dma_semaphore, #tpu.memory_space<semaphore_mem>>, %arg14: memref<!tpu.dma_semaphore, #tpu.memory_space<semaphore_mem>>, %arg15: memref<!tpu.dma_semaphore, #tpu.memory_space<semaphore_mem>>, %arg16: memref<!tpu.dma_semaphore, #tpu.memory_space<semaphore_mem>>, %arg17: memref<!tpu.dma_semaphore, #tpu.memory_space<semaphore_mem>>, %arg18: memref<!tpu.dma_semaphore, #tpu.memory_space<semaphore_mem>>) attributes {dimension_semantics = [#tpu.dimension_semantics<core_parallel>, #tpu.dimension_semantics<subcore_parallel>], iteration_bounds = array<i64: 2, 16>, scalar_prefetch = 0 : i64, scratch_operands = 12 : i64, tpu.core_type = #tpu.core_type<sc_vector_subcore>, window_params = [{transform_indices = #map}, {transform_indices = #map}, {transform_indices = #map}, {transform_indices = #map}, {transform_indices = #map}]} {
    %mul3A = arith.constant 2 : i32
    %mul3A_0 = arith.muli %arg1, %mul3A : i32
    %add3A = arith.addi %mul3A_0, %arg0 : i32
    %mul3A_1 = arith.constant 20 : i32
    %mul3A_2 = arith.muli %add3A, %mul3A_1 : i32
    "tpu.region"() ({
      %run_scoped3A = tpu.sem_alloc : memref<!tpu.dma_semaphore, #tpu.memory_space<semaphore_mem>>
      %dma_start3A_92 = arith.constant 0 : i32
      %dma_start3A_93 = tpu.memref_slice %arg3[%mul3A_2, %dma_start3A_92] : memref<640x125xi32, #tpu.memory_space<hbm>> -> memref<20x125xi32, #tpu.memory_space<hbm>>
      %dma_start3A_94 = arith.constant 0 : i32
      %dma_start3A_95 = tpu.memref_slice %arg3[%mul3A_2, %dma_start3A_94] : memref<640x125xi32, #tpu.memory_space<hbm>> -> memref<20x125xi32, #tpu.memory_space<hbm>>
      tpu.enqueue_dma source(%dma_start3A_95 : memref<20x125xi32, #tpu.memory_space<hbm>>) target(%arg7 : memref<20x125xi32, #tpu.memory_space<vmem>>) target_semaphore(%run_scoped3A : memref<!tpu.dma_semaphore, #tpu.memory_space<semaphore_mem>>)
      %dma_wait3A_96 = arith.constant 0 : i32
      %dma_wait3A_97 = tpu.memref_slice %arg3[%mul3A_2, %dma_wait3A_96] : memref<640x125xi32, #tpu.memory_space<hbm>> -> memref<20x125xi32, #tpu.memory_space<hbm>>
      %dma_wait3A_98 = arith.constant 0 : i32
      %dma_wait3A_99 = tpu.memref_slice %arg3[%mul3A_2, %dma_wait3A_98] : memref<640x125xi32, #tpu.memory_space<hbm>> -> memref<20x125xi32, #tpu.memory_space<hbm>>
      tpu.wait_dma2 semaphore(%run_scoped3A : memref<!tpu.dma_semaphore, #tpu.memory_space<semaphore_mem>>) src(%dma_wait3A_99 : memref<20x125xi32, #tpu.memory_space<hbm>>) dst(%arg7 : memref<20x125xi32, #tpu.memory_space<vmem>>)
      tpu.yield
    }) : () -> ()
    %mul3A_3 = arith.constant 20 : i32
    %mul3A_4 = arith.muli %add3A, %mul3A_3 : i32
    "tpu.region"() ({
      %run_scoped3A = tpu.sem_alloc : memref<!tpu.dma_semaphore, #tpu.memory_space<semaphore_mem>>
      %dma_start3A_92 = arith.constant 0 : i32
      %dma_start3A_93 = tpu.memref_slice %arg4[%mul3A_4, %dma_start3A_92] : memref<640x125xi32, #tpu.memory_space<hbm>> -> memref<20x125xi32, #tpu.memory_space<hbm>>
      %dma_start3A_94 = arith.constant 0 : i32
      %dma_start3A_95 = tpu.memref_slice %arg4[%mul3A_4, %dma_start3A_94] : memref<640x125xi32, #tpu.memory_space<hbm>> -> memref<20x125xi32, #tpu.memory_space<hbm>>
      tpu.enqueue_dma source(%dma_start3A_95 : memref<20x125xi32, #tpu.memory_space<hbm>>) target(%arg8 : memref<20x125xi32, #tpu.memory_space<vmem>>) target_semaphore(%run_scoped3A : memref<!tpu.dma_semaphore, #tpu.memory_space<semaphore_mem>>)
      %dma_wait3A_96 = arith.constant 0 : i32
      %dma_wait3A_97 = tpu.memref_slice %arg4[%mul3A_4, %dma_wait3A_96] : memref<640x125xi32, #tpu.memory_space<hbm>> -> memref<20x125xi32, #tpu.memory_space<hbm>>
      %dma_wait3A_98 = arith.constant 0 : i32
      %dma_wait3A_99 = tpu.memref_slice %arg4[%mul3A_4, %dma_wait3A_98] : memref<640x125xi32, #tpu.memory_space<hbm>> -> memref<20x125xi32, #tpu.memory_space<hbm>>
      tpu.wait_dma2 semaphore(%run_scoped3A : memref<!tpu.dma_semaphore, #tpu.memory_space<semaphore_mem>>) src(%dma_wait3A_99 : memref<20x125xi32, #tpu.memory_space<hbm>>) dst(%arg8 : memref<20x125xi32, #tpu.memory_space<vmem>>)
      tpu.yield
    }) : () -> ()
    %dma_start3A = arith.constant 0 : i32
    %dma_start3A_5 = arith.constant 0 : i32
    %dma_start3A_6 = arith.constant 0 : i32
    %dma_start3A_7 = arith.constant 0 : i32
    %dma_start3A_8 = tpu.memref_slice %arg9[%dma_start3A_5, %dma_start3A_6, %dma_start3A_7] : memref<2x125x128xf32, #tpu.memory_space<vmem>> -> memref<1x125x128xf32, #tpu.memory_space<vmem>>
    %dma_start3A_9 = tpu.memref_squeeze %dma_start3A_8 : memref<1x125x128xf32, #tpu.memory_space<vmem>> -> memref<125x128xf32, #tpu.memory_space<vmem>>
    %dma_start3A_10 = arith.constant 0 : i32
    %dma_start3A_11 = tpu.memref_slice %arg7[%dma_start3A, %dma_start3A_10] : memref<20x125xi32, #tpu.memory_space<vmem>> -> memref<1x125xi32, #tpu.memory_space<vmem>>
    %dma_start3A_12 = tpu.memref_squeeze %dma_start3A_11 : memref<1x125xi32, #tpu.memory_space<vmem>> -> memref<125xi32, #tpu.memory_space<vmem>>
    %dma_start3A_13 = arith.constant 0 : i32
    %dma_start3A_14 = arith.constant 0 : i32
    %dma_start3A_15 = tpu.memref_slice %arg2[%dma_start3A_13, %dma_start3A_14] : memref<10000x128xf32, #tpu.memory_space<hbm>> -> memref<10000x128xf32, #tpu.memory_space<hbm>>
    tpu.enqueue_indirect_dma source(%dma_start3A_15 : memref<10000x128xf32, #tpu.memory_space<hbm>>) target(%dma_start3A_9 : memref<125x128xf32, #tpu.memory_space<vmem>>) offsets(%dma_start3A_12 : memref<125xi32, #tpu.memory_space<vmem>>) semaphore(%arg11 : memref<!tpu.dma_semaphore, #tpu.memory_space<semaphore_mem>>)
    %dma_start3A_16 = arith.constant 0 : i32
    %dma_start3A_17 = arith.constant 0 : i32
    %dma_start3A_18 = arith.constant 0 : i32
    %dma_start3A_19 = arith.constant 0 : i32
    %dma_start3A_20 = tpu.memref_slice %arg10[%dma_start3A_17, %dma_start3A_18, %dma_start3A_19] : memref<2x125x128xf32, #tpu.memory_space<vmem>> -> memref<1x125x128xf32, #tpu.memory_space<vmem>>
    %dma_start3A_21 = tpu.memref_squeeze %dma_start3A_20 : memref<1x125x128xf32, #tpu.memory_space<vmem>> -> memref<125x128xf32, #tpu.memory_space<vmem>>
    %dma_start3A_22 = arith.constant 0 : i32
    %dma_start3A_23 = tpu.memref_slice %arg8[%dma_start3A_16, %dma_start3A_22] : memref<20x125xi32, #tpu.memory_space<vmem>> -> memref<1x125xi32, #tpu.memory_space<vmem>>
    %dma_start3A_24 = tpu.memref_squeeze %dma_start3A_23 : memref<1x125xi32, #tpu.memory_space<vmem>> -> memref<125xi32, #tpu.memory_space<vmem>>
    %dma_start3A_25 = arith.constant 0 : i32
    %dma_start3A_26 = arith.constant 0 : i32
    %dma_start3A_27 = tpu.memref_slice %arg2[%dma_start3A_25, %dma_start3A_26] : memref<10000x128xf32, #tpu.memory_space<hbm>> -> memref<10000x128xf32, #tpu.memory_space<hbm>>
    tpu.enqueue_indirect_dma source(%dma_start3A_27 : memref<10000x128xf32, #tpu.memory_space<hbm>>) target(%dma_start3A_21 : memref<125x128xf32, #tpu.memory_space<vmem>>) offsets(%dma_start3A_24 : memref<125xi32, #tpu.memory_space<vmem>>) semaphore(%arg13 : memref<!tpu.dma_semaphore, #tpu.memory_space<semaphore_mem>>)
    %scan3A = arith.constant 0 : i32
    %scan3A_28 = arith.constant 0 : i32
    %scan3A_29 = arith.constant 10 : i32
    %scan3A_30 = arith.addi %scan3A_28, %scan3A_29 : i32
    %scan3A_31 = arith.constant 1 : i32
    scf.for %scan3A_92 = %scan3A_28 to %scan3A_30 step %scan3A_31  : i32 {
      %mul3A_93 = arith.constant 2 : i32
      %mul3A_94 = arith.muli %scan3A_92, %mul3A_93 : i32
      %add3A_95 = arith.constant 0 : i32
      %add3A_96 = arith.addi %mul3A_94, %add3A_95 : i32
      %dma_wait3A_97 = arith.constant 0 : i32
      %dma_wait3A_98 = arith.constant 0 : i32
      %dma_wait3A_99 = arith.constant 0 : i32
      %dma_wait3A_100 = tpu.memref_slice %arg9[%dma_wait3A_97, %dma_wait3A_98, %dma_wait3A_99] : memref<2x125x128xf32, #tpu.memory_space<vmem>> -> memref<1x125x128xf32, #tpu.memory_space<vmem>>
      %dma_wait3A_101 = tpu.memref_squeeze %dma_wait3A_100 : memref<1x125x128xf32, #tpu.memory_space<vmem>> -> memref<125x128xf32, #tpu.memory_space<vmem>>
      %dma_wait3A_102 = arith.constant 0 : i32
      %dma_wait3A_103 = tpu.memref_slice %arg7[%add3A_96, %dma_wait3A_102] : memref<20x125xi32, #tpu.memory_space<vmem>> -> memref<1x125xi32, #tpu.memory_space<vmem>>
      %dma_wait3A_104 = tpu.memref_squeeze %dma_wait3A_103 : memref<1x125xi32, #tpu.memory_space<vmem>> -> memref<125xi32, #tpu.memory_space<vmem>>
      %dma_wait3A_105 = arith.constant 0 : i32
      %dma_wait3A_106 = arith.constant 0 : i32
      %dma_wait3A_107 = tpu.memref_slice %arg2[%dma_wait3A_105, %dma_wait3A_106] : memref<10000x128xf32, #tpu.memory_space<hbm>> -> memref<10000x128xf32, #tpu.memory_space<hbm>>
      tpu.wait_indirect_dma semaphore(%arg11 : memref<!tpu.dma_semaphore, #tpu.memory_space<semaphore_mem>>) src(%dma_wait3A_107 : memref<10000x128xf32, #tpu.memory_space<hbm>>) dst(%dma_wait3A_101 : memref<125x128xf32, #tpu.memory_space<vmem>>)
      %dma_wait3A_108 = arith.constant 0 : i32
      %dma_wait3A_109 = arith.constant 0 : i32
      %dma_wait3A_110 = arith.constant 0 : i32
      %dma_wait3A_111 = tpu.memref_slice %arg10[%dma_wait3A_108, %dma_wait3A_109, %dma_wait3A_110] : memref<2x125x128xf32, #tpu.memory_space<vmem>> -> memref<1x125x128xf32, #tpu.memory_space<vmem>>
      %dma_wait3A_112 = tpu.memref_squeeze %dma_wait3A_111 : memref<1x125x128xf32, #tpu.memory_space<vmem>> -> memref<125x128xf32, #tpu.memory_space<vmem>>
      %dma_wait3A_113 = arith.constant 0 : i32
      %dma_wait3A_114 = tpu.memref_slice %arg8[%add3A_96, %dma_wait3A_113] : memref<20x125xi32, #tpu.memory_space<vmem>> -> memref<1x125xi32, #tpu.memory_space<vmem>>
      %dma_wait3A_115 = tpu.memref_squeeze %dma_wait3A_114 : memref<1x125xi32, #tpu.memory_space<vmem>> -> memref<125xi32, #tpu.memory_space<vmem>>
      %dma_wait3A_116 = arith.constant 0 : i32
      %dma_wait3A_117 = arith.constant 0 : i32
      %dma_wait3A_118 = tpu.memref_slice %arg2[%dma_wait3A_116, %dma_wait3A_117] : memref<10000x128xf32, #tpu.memory_space<hbm>> -> memref<10000x128xf32, #tpu.memory_space<hbm>>
      tpu.wait_indirect_dma semaphore(%arg13 : memref<!tpu.dma_semaphore, #tpu.memory_space<semaphore_mem>>) src(%dma_wait3A_118 : memref<10000x128xf32, #tpu.memory_space<hbm>>) dst(%dma_wait3A_112 : memref<125x128xf32, #tpu.memory_space<vmem>>)
      %add3A_119 = arith.constant 1 : i32
      %add3A_120 = arith.addi %add3A_96, %add3A_119 : i32
      %lt3A = arith.constant 20 : i32
      %lt3A_121 = arith.cmpi slt, %add3A_120, %lt3A : i32
      %convert_element_type3A = arith.extui %lt3A_121 : i1 to i32
      %cond3A = arith.constant 0 : i32
      %cond3A_122 = arith.cmpi ne, %convert_element_type3A, %cond3A : i32
      scf.if %cond3A_122 {
        %ge3A = arith.constant 1 : i32
        %ge3A_218 = arith.cmpi sge, %add3A_96, %ge3A : i32
        %convert_element_type3A_219 = arith.extui %ge3A_218 : i1 to i32
        %cond3A_220 = arith.constant 0 : i32
        %cond3A_221 = arith.cmpi ne, %convert_element_type3A_219, %cond3A_220 : i32
        scf.if %cond3A_221 {
          %sub3A = arith.constant 1 : i32
          %sub3A_246 = arith.subi %add3A_96, %sub3A : i32
          %mul3A_247 = arith.constant 2500 : i32
          %mul3A_248 = arith.muli %add3A, %mul3A_247 : i32
          %mul3A_249 = arith.constant 125 : i32
          %mul3A_250 = arith.muli %sub3A_246, %mul3A_249 : i32
          %add3A_251 = arith.addi %mul3A_248, %mul3A_250 : i32
          %dma_wait3A_252 = arith.constant 1 : i32
          %dma_wait3A_253 = arith.constant 0 : i32
          %dma_wait3A_254 = arith.constant 0 : i32
          %dma_wait3A_255 = tpu.memref_slice %arg9[%dma_wait3A_252, %dma_wait3A_253, %dma_wait3A_254] : memref<2x125x128xf32, #tpu.memory_space<vmem>> -> memref<1x125x128xf32, #tpu.memory_space<vmem>>
          %dma_wait3A_256 = tpu.memref_squeeze %dma_wait3A_255 : memref<1x125x128xf32, #tpu.memory_space<vmem>> -> memref<125x128xf32, #tpu.memory_space<vmem>>
          %dma_wait3A_257 = arith.constant 0 : i32
          %dma_wait3A_258 = tpu.memref_slice %arg5[%add3A_251, %dma_wait3A_257] : memref<80000x128xf32, #tpu.memory_space<hbm>> -> memref<125x128xf32, #tpu.memory_space<hbm>>
          %dma_wait3A_259 = arith.constant 0 : i32
          %dma_wait3A_260 = tpu.memref_slice %arg5[%add3A_251, %dma_wait3A_259] : memref<80000x128xf32, #tpu.memory_space<hbm>> -> memref<125x128xf32, #tpu.memory_space<hbm>>
          %dma_wait3A_261 = arith.constant 0 : i32
          %dma_wait3A_262 = arith.constant 0 : i32
          %dma_wait3A_263 = tpu.memref_slice %arg9[%dma_wait3A_252, %dma_wait3A_261, %dma_wait3A_262] : memref<2x125x128xf32, #tpu.memory_space<vmem>> -> memref<1x125x128xf32, #tpu.memory_space<vmem>>
          %dma_wait3A_264 = tpu.memref_squeeze %dma_wait3A_263 : memref<1x125x128xf32, #tpu.memory_space<vmem>> -> memref<125x128xf32, #tpu.memory_space<vmem>>
          tpu.wait_dma2 semaphore(%arg16 : memref<!tpu.dma_semaphore, #tpu.memory_space<semaphore_mem>>) src(%dma_wait3A_264 : memref<125x128xf32, #tpu.memory_space<vmem>>) dst(%dma_wait3A_260 : memref<125x128xf32, #tpu.memory_space<hbm>>)
          %dma_wait3A_265 = arith.constant 1 : i32
          %dma_wait3A_266 = arith.constant 0 : i32
          %dma_wait3A_267 = arith.constant 0 : i32
          %dma_wait3A_268 = tpu.memref_slice %arg10[%dma_wait3A_265, %dma_wait3A_266, %dma_wait3A_267] : memref<2x125x128xf32, #tpu.memory_space<vmem>> -> memref<1x125x128xf32, #tpu.memory_space<vmem>>
          %dma_wait3A_269 = tpu.memref_squeeze %dma_wait3A_268 : memref<1x125x128xf32, #tpu.memory_space<vmem>> -> memref<125x128xf32, #tpu.memory_space<vmem>>
          %dma_wait3A_270 = arith.constant 0 : i32
          %dma_wait3A_271 = tpu.memref_slice %arg6[%add3A_251, %dma_wait3A_270] : memref<80000x128xf32, #tpu.memory_space<hbm>> -> memref<125x128xf32, #tpu.memory_space<hbm>>
          %dma_wait3A_272 = arith.constant 0 : i32
          %dma_wait3A_273 = tpu.memref_slice %arg6[%add3A_251, %dma_wait3A_272] : memref<80000x128xf32, #tpu.memory_space<hbm>> -> memref<125x128xf32, #tpu.memory_space<hbm>>
          %dma_wait3A_274 = arith.constant 0 : i32
          %dma_wait3A_275 = arith.constant 0 : i32
          %dma_wait3A_276 = tpu.memref_slice %arg10[%dma_wait3A_265, %dma_wait3A_274, %dma_wait3A_275] : memref<2x125x128xf32, #tpu.memory_space<vmem>> -> memref<1x125x128xf32, #tpu.memory_space<vmem>>
          %dma_wait3A_277 = tpu.memref_squeeze %dma_wait3A_276 : memref<1x125x128xf32, #tpu.memory_space<vmem>> -> memref<125x128xf32, #tpu.memory_space<vmem>>
          tpu.wait_dma2 semaphore(%arg18 : memref<!tpu.dma_semaphore, #tpu.memory_space<semaphore_mem>>) src(%dma_wait3A_277 : memref<125x128xf32, #tpu.memory_space<vmem>>) dst(%dma_wait3A_273 : memref<125x128xf32, #tpu.memory_space<hbm>>)
        } else {
        }
        %add3A_222 = arith.constant 1 : i32
        %add3A_223 = arith.addi %add3A_96, %add3A_222 : i32
        %dma_start3A_224 = arith.constant 1 : i32
        %dma_start3A_225 = arith.constant 0 : i32
        %dma_start3A_226 = arith.constant 0 : i32
        %dma_start3A_227 = tpu.memref_slice %arg9[%dma_start3A_224, %dma_start3A_225, %dma_start3A_226] : memref<2x125x128xf32, #tpu.memory_space<vmem>> -> memref<1x125x128xf32, #tpu.memory_space<vmem>>
        %dma_start3A_228 = tpu.memref_squeeze %dma_start3A_227 : memref<1x125x128xf32, #tpu.memory_space<vmem>> -> memref<125x128xf32, #tpu.memory_space<vmem>>
        %dma_start3A_229 = arith.constant 0 : i32
        %dma_start3A_230 = tpu.memref_slice %arg7[%add3A_223, %dma_start3A_229] : memref<20x125xi32, #tpu.memory_space<vmem>> -> memref<1x125xi32, #tpu.memory_space<vmem>>
        %dma_start3A_231 = tpu.memref_squeeze %dma_start3A_230 : memref<1x125xi32, #tpu.memory_space<vmem>> -> memref<125xi32, #tpu.memory_space<vmem>>
        %dma_start3A_232 = arith.constant 0 : i32
        %dma_start3A_233 = arith.constant 0 : i32
        %dma_start3A_234 = tpu.memref_slice %arg2[%dma_start3A_232, %dma_start3A_233] : memref<10000x128xf32, #tpu.memory_space<hbm>> -> memref<10000x128xf32, #tpu.memory_space<hbm>>
        tpu.enqueue_indirect_dma source(%dma_start3A_234 : memref<10000x128xf32, #tpu.memory_space<hbm>>) target(%dma_start3A_228 : memref<125x128xf32, #tpu.memory_space<vmem>>) offsets(%dma_start3A_231 : memref<125xi32, #tpu.memory_space<vmem>>) semaphore(%arg12 : memref<!tpu.dma_semaphore, #tpu.memory_space<semaphore_mem>>)
        %dma_start3A_235 = arith.constant 1 : i32
        %dma_start3A_236 = arith.constant 0 : i32
        %dma_start3A_237 = arith.constant 0 : i32
        %dma_start3A_238 = tpu.memref_slice %arg10[%dma_start3A_235, %dma_start3A_236, %dma_start3A_237] : memref<2x125x128xf32, #tpu.memory_space<vmem>> -> memref<1x125x128xf32, #tpu.memory_space<vmem>>
        %dma_start3A_239 = tpu.memref_squeeze %dma_start3A_238 : memref<1x125x128xf32, #tpu.memory_space<vmem>> -> memref<125x128xf32, #tpu.memory_space<vmem>>
        %dma_start3A_240 = arith.constant 0 : i32
        %dma_start3A_241 = tpu.memref_slice %arg8[%add3A_223, %dma_start3A_240] : memref<20x125xi32, #tpu.memory_space<vmem>> -> memref<1x125xi32, #tpu.memory_space<vmem>>
        %dma_start3A_242 = tpu.memref_squeeze %dma_start3A_241 : memref<1x125xi32, #tpu.memory_space<vmem>> -> memref<125xi32, #tpu.memory_space<vmem>>
        %dma_start3A_243 = arith.constant 0 : i32
        %dma_start3A_244 = arith.constant 0 : i32
        %dma_start3A_245 = tpu.memref_slice %arg2[%dma_start3A_243, %dma_start3A_244] : memref<10000x128xf32, #tpu.memory_space<hbm>> -> memref<10000x128xf32, #tpu.memory_space<hbm>>
        tpu.enqueue_indirect_dma source(%dma_start3A_245 : memref<10000x128xf32, #tpu.memory_space<hbm>>) target(%dma_start3A_239 : memref<125x128xf32, #tpu.memory_space<vmem>>) offsets(%dma_start3A_242 : memref<125xi32, #tpu.memory_space<vmem>>) semaphore(%arg14 : memref<!tpu.dma_semaphore, #tpu.memory_space<semaphore_mem>>)
      } else {
      }
      %mul3A_123 = arith.constant 2500 : i32
      %mul3A_124 = arith.muli %add3A, %mul3A_123 : i32
      %mul3A_125 = arith.constant 125 : i32
      %mul3A_126 = arith.muli %add3A_96, %mul3A_125 : i32
      %add3A_127 = arith.addi %mul3A_124, %mul3A_126 : i32
      %dma_start3A_128 = arith.constant 0 : i32
      %dma_start3A_129 = arith.constant 0 : i32
      %dma_start3A_130 = arith.constant 0 : i32
      %dma_start3A_131 = tpu.memref_slice %arg9[%dma_start3A_128, %dma_start3A_129, %dma_start3A_130] : memref<2x125x128xf32, #tpu.memory_space<vmem>> -> memref<1x125x128xf32, #tpu.memory_space<vmem>>
      %dma_start3A_132 = tpu.memref_squeeze %dma_start3A_131 : memref<1x125x128xf32, #tpu.memory_space<vmem>> -> memref<125x128xf32, #tpu.memory_space<vmem>>
      %dma_start3A_133 = arith.constant 0 : i32
      %dma_start3A_134 = tpu.memref_slice %arg5[%add3A_127, %dma_start3A_133] : memref<80000x128xf32, #tpu.memory_space<hbm>> -> memref<125x128xf32, #tpu.memory_space<hbm>>
      %dma_start3A_135 = arith.constant 0 : i32
      %dma_start3A_136 = tpu.memref_slice %arg5[%add3A_127, %dma_start3A_135] : memref<80000x128xf32, #tpu.memory_space<hbm>> -> memref<125x128xf32, #tpu.memory_space<hbm>>
      %dma_start3A_137 = arith.constant 0 : i32
      %dma_start3A_138 = arith.constant 0 : i32
      %dma_start3A_139 = tpu.memref_slice %arg9[%dma_start3A_128, %dma_start3A_137, %dma_start3A_138] : memref<2x125x128xf32, #tpu.memory_space<vmem>> -> memref<1x125x128xf32, #tpu.memory_space<vmem>>
      %dma_start3A_140 = tpu.memref_squeeze %dma_start3A_139 : memref<1x125x128xf32, #tpu.memory_space<vmem>> -> memref<125x128xf32, #tpu.memory_space<vmem>>
      tpu.enqueue_dma source(%dma_start3A_140 : memref<125x128xf32, #tpu.memory_space<vmem>>) target(%dma_start3A_136 : memref<125x128xf32, #tpu.memory_space<hbm>>) target_semaphore(%arg15 : memref<!tpu.dma_semaphore, #tpu.memory_space<semaphore_mem>>)
      %dma_start3A_141 = arith.constant 0 : i32
      %dma_start3A_142 = arith.constant 0 : i32
      %dma_start3A_143 = arith.constant 0 : i32
      %dma_start3A_144 = tpu.memref_slice %arg10[%dma_start3A_141, %dma_start3A_142, %dma_start3A_143] : memref<2x125x128xf32, #tpu.memory_space<vmem>> -> memref<1x125x128xf32, #tpu.memory_space<vmem>>
      %dma_start3A_145 = tpu.memref_squeeze %dma_start3A_144 : memref<1x125x128xf32, #tpu.memory_space<vmem>> -> memref<125x128xf32, #tpu.memory_space<vmem>>
      %dma_start3A_146 = arith.constant 0 : i32
      %dma_start3A_147 = tpu.memref_slice %arg6[%add3A_127, %dma_start3A_146] : memref<80000x128xf32, #tpu.memory_space<hbm>> -> memref<125x128xf32, #tpu.memory_space<hbm>>
      %dma_start3A_148 = arith.constant 0 : i32
      %dma_start3A_149 = tpu.memref_slice %arg6[%add3A_127, %dma_start3A_148] : memref<80000x128xf32, #tpu.memory_space<hbm>> -> memref<125x128xf32, #tpu.memory_space<hbm>>
      %dma_start3A_150 = arith.constant 0 : i32
      %dma_start3A_151 = arith.constant 0 : i32
      %dma_start3A_152 = tpu.memref_slice %arg10[%dma_start3A_141, %dma_start3A_150, %dma_start3A_151] : memref<2x125x128xf32, #tpu.memory_space<vmem>> -> memref<1x125x128xf32, #tpu.memory_space<vmem>>
      %dma_start3A_153 = tpu.memref_squeeze %dma_start3A_152 : memref<1x125x128xf32, #tpu.memory_space<vmem>> -> memref<125x128xf32, #tpu.memory_space<vmem>>
      tpu.enqueue_dma source(%dma_start3A_153 : memref<125x128xf32, #tpu.memory_space<vmem>>) target(%dma_start3A_149 : memref<125x128xf32, #tpu.memory_space<hbm>>) target_semaphore(%arg17 : memref<!tpu.dma_semaphore, #tpu.memory_space<semaphore_mem>>)
      %mul3A_154 = arith.constant 2 : i32
      %mul3A_155 = arith.muli %scan3A_92, %mul3A_154 : i32
      %add3A_156 = arith.constant 1 : i32
      %add3A_157 = arith.addi %mul3A_155, %add3A_156 : i32
      %dma_wait3A_158 = arith.constant 1 : i32
      %dma_wait3A_159 = arith.constant 0 : i32
      %dma_wait3A_160 = arith.constant 0 : i32
      %dma_wait3A_161 = tpu.memref_slice %arg9[%dma_wait3A_158, %dma_wait3A_159, %dma_wait3A_160] : memref<2x125x128xf32, #tpu.memory_space<vmem>> -> memref<1x125x128xf32, #tpu.memory_space<vmem>>
      %dma_wait3A_162 = tpu.memref_squeeze %dma_wait3A_161 : memref<1x125x128xf32, #tpu.memory_space<vmem>> -> memref<125x128xf32, #tpu.memory_space<vmem>>
      %dma_wait3A_163 = arith.constant 0 : i32
      %dma_wait3A_164 = tpu.memref_slice %arg7[%add3A_157, %dma_wait3A_163] : memref<20x125xi32, #tpu.memory_space<vmem>> -> memref<1x125xi32, #tpu.memory_space<vmem>>
      %dma_wait3A_165 = tpu.memref_squeeze %dma_wait3A_164 : memref<1x125xi32, #tpu.memory_space<vmem>> -> memref<125xi32, #tpu.memory_space<vmem>>
      %dma_wait3A_166 = arith.constant 0 : i32
      %dma_wait3A_167 = arith.constant 0 : i32
      %dma_wait3A_168 = tpu.memref_slice %arg2[%dma_wait3A_166, %dma_wait3A_167] : memref<10000x128xf32, #tpu.memory_space<hbm>> -> memref<10000x128xf32, #tpu.memory_space<hbm>>
      tpu.wait_indirect_dma semaphore(%arg12 : memref<!tpu.dma_semaphore, #tpu.memory_space<semaphore_mem>>) src(%dma_wait3A_168 : memref<10000x128xf32, #tpu.memory_space<hbm>>) dst(%dma_wait3A_162 : memref<125x128xf32, #tpu.memory_space<vmem>>)
      %dma_wait3A_169 = arith.constant 1 : i32
      %dma_wait3A_170 = arith.constant 0 : i32
      %dma_wait3A_171 = arith.constant 0 : i32
      %dma_wait3A_172 = tpu.memref_slice %arg10[%dma_wait3A_169, %dma_wait3A_170, %dma_wait3A_171] : memref<2x125x128xf32, #tpu.memory_space<vmem>> -> memref<1x125x128xf32, #tpu.memory_space<vmem>>
      %dma_wait3A_173 = tpu.memref_squeeze %dma_wait3A_172 : memref<1x125x128xf32, #tpu.memory_space<vmem>> -> memref<125x128xf32, #tpu.memory_space<vmem>>
      %dma_wait3A_174 = arith.constant 0 : i32
      %dma_wait3A_175 = tpu.memref_slice %arg8[%add3A_157, %dma_wait3A_174] : memref<20x125xi32, #tpu.memory_space<vmem>> -> memref<1x125xi32, #tpu.memory_space<vmem>>
      %dma_wait3A_176 = tpu.memref_squeeze %dma_wait3A_175 : memref<1x125xi32, #tpu.memory_space<vmem>> -> memref<125xi32, #tpu.memory_space<vmem>>
      %dma_wait3A_177 = arith.constant 0 : i32
      %dma_wait3A_178 = arith.constant 0 : i32
      %dma_wait3A_179 = tpu.memref_slice %arg2[%dma_wait3A_177, %dma_wait3A_178] : memref<10000x128xf32, #tpu.memory_space<hbm>> -> memref<10000x128xf32, #tpu.memory_space<hbm>>
      tpu.wait_indirect_dma semaphore(%arg14 : memref<!tpu.dma_semaphore, #tpu.memory_space<semaphore_mem>>) src(%dma_wait3A_179 : memref<10000x128xf32, #tpu.memory_space<hbm>>) dst(%dma_wait3A_173 : memref<125x128xf32, #tpu.memory_space<vmem>>)
      %add3A_180 = arith.constant 1 : i32
      %add3A_181 = arith.addi %add3A_157, %add3A_180 : i32
      %lt3A_182 = arith.constant 20 : i32
      %lt3A_183 = arith.cmpi slt, %add3A_181, %lt3A_182 : i32
      %convert_element_type3A_184 = arith.extui %lt3A_183 : i1 to i32
      %cond3A_185 = arith.constant 0 : i32
      %cond3A_186 = arith.cmpi ne, %convert_element_type3A_184, %cond3A_185 : i32
      scf.if %cond3A_186 {
        %ge3A = arith.constant 1 : i32
        %ge3A_218 = arith.cmpi sge, %add3A_157, %ge3A : i32
        %convert_element_type3A_219 = arith.extui %ge3A_218 : i1 to i32
        %cond3A_220 = arith.constant 0 : i32
        %cond3A_221 = arith.cmpi ne, %convert_element_type3A_219, %cond3A_220 : i32
        scf.if %cond3A_221 {
          %sub3A = arith.constant 1 : i32
          %sub3A_246 = arith.subi %add3A_157, %sub3A : i32
          %mul3A_247 = arith.constant 2500 : i32
          %mul3A_248 = arith.muli %add3A, %mul3A_247 : i32
          %mul3A_249 = arith.constant 125 : i32
          %mul3A_250 = arith.muli %sub3A_246, %mul3A_249 : i32
          %add3A_251 = arith.addi %mul3A_248, %mul3A_250 : i32
          %dma_wait3A_252 = arith.constant 0 : i32
          %dma_wait3A_253 = arith.constant 0 : i32
          %dma_wait3A_254 = arith.constant 0 : i32
          %dma_wait3A_255 = tpu.memref_slice %arg9[%dma_wait3A_252, %dma_wait3A_253, %dma_wait3A_254] : memref<2x125x128xf32, #tpu.memory_space<vmem>> -> memref<1x125x128xf32, #tpu.memory_space<vmem>>
          %dma_wait3A_256 = tpu.memref_squeeze %dma_wait3A_255 : memref<1x125x128xf32, #tpu.memory_space<vmem>> -> memref<125x128xf32, #tpu.memory_space<vmem>>
          %dma_wait3A_257 = arith.constant 0 : i32
          %dma_wait3A_258 = tpu.memref_slice %arg5[%add3A_251, %dma_wait3A_257] : memref<80000x128xf32, #tpu.memory_space<hbm>> -> memref<125x128xf32, #tpu.memory_space<hbm>>
          %dma_wait3A_259 = arith.constant 0 : i32
          %dma_wait3A_260 = tpu.memref_slice %arg5[%add3A_251, %dma_wait3A_259] : memref<80000x128xf32, #tpu.memory_space<hbm>> -> memref<125x128xf32, #tpu.memory_space<hbm>>
          %dma_wait3A_261 = arith.constant 0 : i32
          %dma_wait3A_262 = arith.constant 0 : i32
          %dma_wait3A_263 = tpu.memref_slice %arg9[%dma_wait3A_252, %dma_wait3A_261, %dma_wait3A_262] : memref<2x125x128xf32, #tpu.memory_space<vmem>> -> memref<1x125x128xf32, #tpu.memory_space<vmem>>
          %dma_wait3A_264 = tpu.memref_squeeze %dma_wait3A_263 : memref<1x125x128xf32, #tpu.memory_space<vmem>> -> memref<125x128xf32, #tpu.memory_space<vmem>>
          tpu.wait_dma2 semaphore(%arg15 : memref<!tpu.dma_semaphore, #tpu.memory_space<semaphore_mem>>) src(%dma_wait3A_264 : memref<125x128xf32, #tpu.memory_space<vmem>>) dst(%dma_wait3A_260 : memref<125x128xf32, #tpu.memory_space<hbm>>)
          %dma_wait3A_265 = arith.constant 0 : i32
          %dma_wait3A_266 = arith.constant 0 : i32
          %dma_wait3A_267 = arith.constant 0 : i32
          %dma_wait3A_268 = tpu.memref_slice %arg10[%dma_wait3A_265, %dma_wait3A_266, %dma_wait3A_267] : memref<2x125x128xf32, #tpu.memory_space<vmem>> -> memref<1x125x128xf32, #tpu.memory_space<vmem>>
          %dma_wait3A_269 = tpu.memref_squeeze %dma_wait3A_268 : memref<1x125x128xf32, #tpu.memory_space<vmem>> -> memref<125x128xf32, #tpu.memory_space<vmem>>
          %dma_wait3A_270 = arith.constant 0 : i32
          %dma_wait3A_271 = tpu.memref_slice %arg6[%add3A_251, %dma_wait3A_270] : memref<80000x128xf32, #tpu.memory_space<hbm>> -> memref<125x128xf32, #tpu.memory_space<hbm>>
          %dma_wait3A_272 = arith.constant 0 : i32
          %dma_wait3A_273 = tpu.memref_slice %arg6[%add3A_251, %dma_wait3A_272] : memref<80000x128xf32, #tpu.memory_space<hbm>> -> memref<125x128xf32, #tpu.memory_space<hbm>>
          %dma_wait3A_274 = arith.constant 0 : i32
          %dma_wait3A_275 = arith.constant 0 : i32
          %dma_wait3A_276 = tpu.memref_slice %arg10[%dma_wait3A_265, %dma_wait3A_274, %dma_wait3A_275] : memref<2x125x128xf32, #tpu.memory_space<vmem>> -> memref<1x125x128xf32, #tpu.memory_space<vmem>>
          %dma_wait3A_277 = tpu.memref_squeeze %dma_wait3A_276 : memref<1x125x128xf32, #tpu.memory_space<vmem>> -> memref<125x128xf32, #tpu.memory_space<vmem>>
          tpu.wait_dma2 semaphore(%arg17 : memref<!tpu.dma_semaphore, #tpu.memory_space<semaphore_mem>>) src(%dma_wait3A_277 : memref<125x128xf32, #tpu.memory_space<vmem>>) dst(%dma_wait3A_273 : memref<125x128xf32, #tpu.memory_space<hbm>>)
        } else {
        }
        %add3A_222 = arith.constant 1 : i32
        %add3A_223 = arith.addi %add3A_157, %add3A_222 : i32
        %dma_start3A_224 = arith.constant 0 : i32
        %dma_start3A_225 = arith.constant 0 : i32
        %dma_start3A_226 = arith.constant 0 : i32
        %dma_start3A_227 = tpu.memref_slice %arg9[%dma_start3A_224, %dma_start3A_225, %dma_start3A_226] : memref<2x125x128xf32, #tpu.memory_space<vmem>> -> memref<1x125x128xf32, #tpu.memory_space<vmem>>
        %dma_start3A_228 = tpu.memref_squeeze %dma_start3A_227 : memref<1x125x128xf32, #tpu.memory_space<vmem>> -> memref<125x128xf32, #tpu.memory_space<vmem>>
        %dma_start3A_229 = arith.constant 0 : i32
        %dma_start3A_230 = tpu.memref_slice %arg7[%add3A_223, %dma_start3A_229] : memref<20x125xi32, #tpu.memory_space<vmem>> -> memref<1x125xi32, #tpu.memory_space<vmem>>
        %dma_start3A_231 = tpu.memref_squeeze %dma_start3A_230 : memref<1x125xi32, #tpu.memory_space<vmem>> -> memref<125xi32, #tpu.memory_space<vmem>>
        %dma_start3A_232 = arith.constant 0 : i32
        %dma_start3A_233 = arith.constant 0 : i32
        %dma_start3A_234 = tpu.memref_slice %arg2[%dma_start3A_232, %dma_start3A_233] : memref<10000x128xf32, #tpu.memory_space<hbm>> -> memref<10000x128xf32, #tpu.memory_space<hbm>>
        tpu.enqueue_indirect_dma source(%dma_start3A_234 : memref<10000x128xf32, #tpu.memory_space<hbm>>) target(%dma_start3A_228 : memref<125x128xf32, #tpu.memory_space<vmem>>) offsets(%dma_start3A_231 : memref<125xi32, #tpu.memory_space<vmem>>) semaphore(%arg11 : memref<!tpu.dma_semaphore, #tpu.memory_space<semaphore_mem>>)
        %dma_start3A_235 = arith.constant 0 : i32
        %dma_start3A_236 = arith.constant 0 : i32
        %dma_start3A_237 = arith.constant 0 : i32
        %dma_start3A_238 = tpu.memref_slice %arg10[%dma_start3A_235, %dma_start3A_236, %dma_start3A_237] : memref<2x125x128xf32, #tpu.memory_space<vmem>> -> memref<1x125x128xf32, #tpu.memory_space<vmem>>
        %dma_start3A_239 = tpu.memref_squeeze %dma_start3A_238 : memref<1x125x128xf32, #tpu.memory_space<vmem>> -> memref<125x128xf32, #tpu.memory_space<vmem>>
        %dma_start3A_240 = arith.constant 0 : i32
        %dma_start3A_241 = tpu.memref_slice %arg8[%add3A_223, %dma_start3A_240] : memref<20x125xi32, #tpu.memory_space<vmem>> -> memref<1x125xi32, #tpu.memory_space<vmem>>
        %dma_start3A_242 = tpu.memref_squeeze %dma_start3A_241 : memref<1x125xi32, #tpu.memory_space<vmem>> -> memref<125xi32, #tpu.memory_space<vmem>>
        %dma_start3A_243 = arith.constant 0 : i32
        %dma_start3A_244 = arith.constant 0 : i32
        %dma_start3A_245 = tpu.memref_slice %arg2[%dma_start3A_243, %dma_start3A_244] : memref<10000x128xf32, #tpu.memory_space<hbm>> -> memref<10000x128xf32, #tpu.memory_space<hbm>>
        tpu.enqueue_indirect_dma source(%dma_start3A_245 : memref<10000x128xf32, #tpu.memory_space<hbm>>) target(%dma_start3A_239 : memref<125x128xf32, #tpu.memory_space<vmem>>) offsets(%dma_start3A_242 : memref<125xi32, #tpu.memory_space<vmem>>) semaphore(%arg13 : memref<!tpu.dma_semaphore, #tpu.memory_space<semaphore_mem>>)
      } else {
      }
      %mul3A_187 = arith.constant 2500 : i32
      %mul3A_188 = arith.muli %add3A, %mul3A_187 : i32
      %mul3A_189 = arith.constant 125 : i32
      %mul3A_190 = arith.muli %add3A_157, %mul3A_189 : i32
      %add3A_191 = arith.addi %mul3A_188, %mul3A_190 : i32
      %dma_start3A_192 = arith.constant 1 : i32
      %dma_start3A_193 = arith.constant 0 : i32
      %dma_start3A_194 = arith.constant 0 : i32
      %dma_start3A_195 = tpu.memref_slice %arg9[%dma_start3A_192, %dma_start3A_193, %dma_start3A_194] : memref<2x125x128xf32, #tpu.memory_space<vmem>> -> memref<1x125x128xf32, #tpu.memory_space<vmem>>
      %dma_start3A_196 = tpu.memref_squeeze %dma_start3A_195 : memref<1x125x128xf32, #tpu.memory_space<vmem>> -> memref<125x128xf32, #tpu.memory_space<vmem>>
      %dma_start3A_197 = arith.constant 0 : i32
      %dma_start3A_198 = tpu.memref_slice %arg5[%add3A_191, %dma_start3A_197] : memref<80000x128xf32, #tpu.memory_space<hbm>> -> memref<125x128xf32, #tpu.memory_space<hbm>>
      %dma_start3A_199 = arith.constant 0 : i32
      %dma_start3A_200 = tpu.memref_slice %arg5[%add3A_191, %dma_start3A_199] : memref<80000x128xf32, #tpu.memory_space<hbm>> -> memref<125x128xf32, #tpu.memory_space<hbm>>
      %dma_start3A_201 = arith.constant 0 : i32
      %dma_start3A_202 = arith.constant 0 : i32
      %dma_start3A_203 = tpu.memref_slice %arg9[%dma_start3A_192, %dma_start3A_201, %dma_start3A_202] : memref<2x125x128xf32, #tpu.memory_space<vmem>> -> memref<1x125x128xf32, #tpu.memory_space<vmem>>
      %dma_start3A_204 = tpu.memref_squeeze %dma_start3A_203 : memref<1x125x128xf32, #tpu.memory_space<vmem>> -> memref<125x128xf32, #tpu.memory_space<vmem>>
      tpu.enqueue_dma source(%dma_start3A_204 : memref<125x128xf32, #tpu.memory_space<vmem>>) target(%dma_start3A_200 : memref<125x128xf32, #tpu.memory_space<hbm>>) target_semaphore(%arg16 : memref<!tpu.dma_semaphore, #tpu.memory_space<semaphore_mem>>)
      %dma_start3A_205 = arith.constant 1 : i32
      %dma_start3A_206 = arith.constant 0 : i32
      %dma_start3A_207 = arith.constant 0 : i32
      %dma_start3A_208 = tpu.memref_slice %arg10[%dma_start3A_205, %dma_start3A_206, %dma_start3A_207] : memref<2x125x128xf32, #tpu.memory_space<vmem>> -> memref<1x125x128xf32, #tpu.memory_space<vmem>>
      %dma_start3A_209 = tpu.memref_squeeze %dma_start3A_208 : memref<1x125x128xf32, #tpu.memory_space<vmem>> -> memref<125x128xf32, #tpu.memory_space<vmem>>
      %dma_start3A_210 = arith.constant 0 : i32
      %dma_start3A_211 = tpu.memref_slice %arg6[%add3A_191, %dma_start3A_210] : memref<80000x128xf32, #tpu.memory_space<hbm>> -> memref<125x128xf32, #tpu.memory_space<hbm>>
      %dma_start3A_212 = arith.constant 0 : i32
      %dma_start3A_213 = tpu.memref_slice %arg6[%add3A_191, %dma_start3A_212] : memref<80000x128xf32, #tpu.memory_space<hbm>> -> memref<125x128xf32, #tpu.memory_space<hbm>>
      %dma_start3A_214 = arith.constant 0 : i32
      %dma_start3A_215 = arith.constant 0 : i32
      %dma_start3A_216 = tpu.memref_slice %arg10[%dma_start3A_205, %dma_start3A_214, %dma_start3A_215] : memref<2x125x128xf32, #tpu.memory_space<vmem>> -> memref<1x125x128xf32, #tpu.memory_space<vmem>>
      %dma_start3A_217 = tpu.memref_squeeze %dma_start3A_216 : memref<1x125x128xf32, #tpu.memory_space<vmem>> -> memref<125x128xf32, #tpu.memory_space<vmem>>
      tpu.enqueue_dma source(%dma_start3A_217 : memref<125x128xf32, #tpu.memory_space<vmem>>) target(%dma_start3A_213 : memref<125x128xf32, #tpu.memory_space<hbm>>) target_semaphore(%arg18 : memref<!tpu.dma_semaphore, #tpu.memory_space<semaphore_mem>>)
    }
    %scan3A_32 = arith.constant 10 : i32
    %mul3A_33 = arith.constant 2500 : i32
    %mul3A_34 = arith.muli %add3A, %mul3A_33 : i32
    %add3A_35 = arith.constant 2250 : i32
    %add3A_36 = arith.addi %mul3A_34, %add3A_35 : i32
    %dma_wait3A = arith.constant 0 : i32
    %dma_wait3A_37 = arith.constant 0 : i32
    %dma_wait3A_38 = arith.constant 0 : i32
    %dma_wait3A_39 = tpu.memref_slice %arg9[%dma_wait3A, %dma_wait3A_37, %dma_wait3A_38] : memref<2x125x128xf32, #tpu.memory_space<vmem>> -> memref<1x125x128xf32, #tpu.memory_space<vmem>>
    %dma_wait3A_40 = tpu.memref_squeeze %dma_wait3A_39 : memref<1x125x128xf32, #tpu.memory_space<vmem>> -> memref<125x128xf32, #tpu.memory_space<vmem>>
    %dma_wait3A_41 = arith.constant 0 : i32
    %dma_wait3A_42 = tpu.memref_slice %arg5[%add3A_36, %dma_wait3A_41] : memref<80000x128xf32, #tpu.memory_space<hbm>> -> memref<125x128xf32, #tpu.memory_space<hbm>>
    %dma_wait3A_43 = arith.constant 0 : i32
    %dma_wait3A_44 = tpu.memref_slice %arg5[%add3A_36, %dma_wait3A_43] : memref<80000x128xf32, #tpu.memory_space<hbm>> -> memref<125x128xf32, #tpu.memory_space<hbm>>
    %dma_wait3A_45 = arith.constant 0 : i32
    %dma_wait3A_46 = arith.constant 0 : i32
    %dma_wait3A_47 = tpu.memref_slice %arg9[%dma_wait3A, %dma_wait3A_45, %dma_wait3A_46] : memref<2x125x128xf32, #tpu.memory_space<vmem>> -> memref<1x125x128xf32, #tpu.memory_space<vmem>>
    %dma_wait3A_48 = tpu.memref_squeeze %dma_wait3A_47 : memref<1x125x128xf32, #tpu.memory_space<vmem>> -> memref<125x128xf32, #tpu.memory_space<vmem>>
    tpu.wait_dma2 semaphore(%arg15 : memref<!tpu.dma_semaphore, #tpu.memory_space<semaphore_mem>>) src(%dma_wait3A_48 : memref<125x128xf32, #tpu.memory_space<vmem>>) dst(%dma_wait3A_44 : memref<125x128xf32, #tpu.memory_space<hbm>>)
    %dma_wait3A_49 = arith.constant 0 : i32
    %dma_wait3A_50 = arith.constant 0 : i32
    %dma_wait3A_51 = arith.constant 0 : i32
    %dma_wait3A_52 = tpu.memref_slice %arg10[%dma_wait3A_49, %dma_wait3A_50, %dma_wait3A_51] : memref<2x125x128xf32, #tpu.memory_space<vmem>> -> memref<1x125x128xf32, #tpu.memory_space<vmem>>
    %dma_wait3A_53 = tpu.memref_squeeze %dma_wait3A_52 : memref<1x125x128xf32, #tpu.memory_space<vmem>> -> memref<125x128xf32, #tpu.memory_space<vmem>>
    %dma_wait3A_54 = arith.constant 0 : i32
    %dma_wait3A_55 = tpu.memref_slice %arg6[%add3A_36, %dma_wait3A_54] : memref<80000x128xf32, #tpu.memory_space<hbm>> -> memref<125x128xf32, #tpu.memory_space<hbm>>
    %dma_wait3A_56 = arith.constant 0 : i32
    %dma_wait3A_57 = tpu.memref_slice %arg6[%add3A_36, %dma_wait3A_56] : memref<80000x128xf32, #tpu.memory_space<hbm>> -> memref<125x128xf32, #tpu.memory_space<hbm>>
    %dma_wait3A_58 = arith.constant 0 : i32
    %dma_wait3A_59 = arith.constant 0 : i32
    %dma_wait3A_60 = tpu.memref_slice %arg10[%dma_wait3A_49, %dma_wait3A_58, %dma_wait3A_59] : memref<2x125x128xf32, #tpu.memory_space<vmem>> -> memref<1x125x128xf32, #tpu.memory_space<vmem>>
    %dma_wait3A_61 = tpu.memref_squeeze %dma_wait3A_60 : memref<1x125x128xf32, #tpu.memory_space<vmem>> -> memref<125x128xf32, #tpu.memory_space<vmem>>
    tpu.wait_dma2 semaphore(%arg17 : memref<!tpu.dma_semaphore, #tpu.memory_space<semaphore_mem>>) src(%dma_wait3A_61 : memref<125x128xf32, #tpu.memory_space<vmem>>) dst(%dma_wait3A_57 : memref<125x128xf32, #tpu.memory_space<hbm>>)
    %mul3A_62 = arith.constant 2500 : i32
    %mul3A_63 = arith.muli %add3A, %mul3A_62 : i32
    %add3A_64 = arith.constant 2375 : i32
    %add3A_65 = arith.addi %mul3A_63, %add3A_64 : i32
    %dma_wait3A_66 = arith.constant 1 : i32
    %dma_wait3A_67 = arith.constant 0 : i32
    %dma_wait3A_68 = arith.constant 0 : i32
    %dma_wait3A_69 = tpu.memref_slice %arg9[%dma_wait3A_66, %dma_wait3A_67, %dma_wait3A_68] : memref<2x125x128xf32, #tpu.memory_space<vmem>> -> memref<1x125x128xf32, #tpu.memory_space<vmem>>
    %dma_wait3A_70 = tpu.memref_squeeze %dma_wait3A_69 : memref<1x125x128xf32, #tpu.memory_space<vmem>> -> memref<125x128xf32, #tpu.memory_space<vmem>>
    %dma_wait3A_71 = arith.constant 0 : i32
    %dma_wait3A_72 = tpu.memref_slice %arg5[%add3A_65, %dma_wait3A_71] : memref<80000x128xf32, #tpu.memory_space<hbm>> -> memref<125x128xf32, #tpu.memory_space<hbm>>
    %dma_wait3A_73 = arith.constant 0 : i32
    %dma_wait3A_74 = tpu.memref_slice %arg5[%add3A_65, %dma_wait3A_73] : memref<80000x128xf32, #tpu.memory_space<hbm>> -> memref<125x128xf32, #tpu.memory_space<hbm>>
    %dma_wait3A_75 = arith.constant 0 : i32
    %dma_wait3A_76 = arith.constant 0 : i32
    %dma_wait3A_77 = tpu.memref_slice %arg9[%dma_wait3A_66, %dma_wait3A_75, %dma_wait3A_76] : memref<2x125x128xf32, #tpu.memory_space<vmem>> -> memref<1x125x128xf32, #tpu.memory_space<vmem>>
    %dma_wait3A_78 = tpu.memref_squeeze %dma_wait3A_77 : memref<1x125x128xf32, #tpu.memory_space<vmem>> -> memref<125x128xf32, #tpu.memory_space<vmem>>
    tpu.wait_dma2 semaphore(%arg16 : memref<!tpu.dma_semaphore, #tpu.memory_space<semaphore_mem>>) src(%dma_wait3A_78 : memref<125x128xf32, #tpu.memory_space<vmem>>) dst(%dma_wait3A_74 : memref<125x128xf32, #tpu.memory_space<hbm>>)
    %dma_wait3A_79 = arith.constant 1 : i32
    %dma_wait3A_80 = arith.constant 0 : i32
    %dma_wait3A_81 = arith.constant 0 : i32
    %dma_wait3A_82 = tpu.memref_slice %arg10[%dma_wait3A_79, %dma_wait3A_80, %dma_wait3A_81] : memref<2x125x128xf32, #tpu.memory_space<vmem>> -> memref<1x125x128xf32, #tpu.memory_space<vmem>>
    %dma_wait3A_83 = tpu.memref_squeeze %dma_wait3A_82 : memref<1x125x128xf32, #tpu.memory_space<vmem>> -> memref<125x128xf32, #tpu.memory_space<vmem>>
    %dma_wait3A_84 = arith.constant 0 : i32
    %dma_wait3A_85 = tpu.memref_slice %arg6[%add3A_65, %dma_wait3A_84] : memref<80000x128xf32, #tpu.memory_space<hbm>> -> memref<125x128xf32, #tpu.memory_space<hbm>>
    %dma_wait3A_86 = arith.constant 0 : i32
    %dma_wait3A_87 = tpu.memref_slice %arg6[%add3A_65, %dma_wait3A_86] : memref<80000x128xf32, #tpu.memory_space<hbm>> -> memref<125x128xf32, #tpu.memory_space<hbm>>
    %dma_wait3A_88 = arith.constant 0 : i32
    %dma_wait3A_89 = arith.constant 0 : i32
    %dma_wait3A_90 = tpu.memref_slice %arg10[%dma_wait3A_79, %dma_wait3A_88, %dma_wait3A_89] : memref<2x125x128xf32, #tpu.memory_space<vmem>> -> memref<1x125x128xf32, #tpu.memory_space<vmem>>
    %dma_wait3A_91 = tpu.memref_squeeze %dma_wait3A_90 : memref<1x125x128xf32, #tpu.memory_space<vmem>> -> memref<125x128xf32, #tpu.memory_space<vmem>>
    tpu.wait_dma2 semaphore(%arg18 : memref<!tpu.dma_semaphore, #tpu.memory_space<semaphore_mem>>) src(%dma_wait3A_91 : memref<125x128xf32, #tpu.memory_space<vmem>>) dst(%dma_wait3A_87 : memref<125x128xf32, #tpu.memory_space<hbm>>)
    return
  }
}

#map = affine_map<(d0, d1) -> (0, 0)>
module attributes {stable_mosaic.version = 14 : i64} {
  func.func @_gather_pair_sc(%arg0: i32, %arg1: i32, %arg2: memref<10000x128xf32, #tpu.memory_space<hbm>>, %arg3: memref<640x125xi32, #tpu.memory_space<hbm>>, %arg4: memref<640x125xi32, #tpu.memory_space<hbm>>, %arg5: memref<80000x128xf32, #tpu.memory_space<hbm>>, %arg6: memref<80000x128xf32, #tpu.memory_space<hbm>>, %arg7: memref<20x125xi32, #tpu.memory_space<vmem>>, %arg8: memref<20x125xi32, #tpu.memory_space<vmem>>, %arg9: memref<2x125x128xf32, #tpu.memory_space<vmem>>, %arg10: memref<2x125x128xf32, #tpu.memory_space<vmem>>, %arg11: memref<!tpu.dma_semaphore, #tpu.memory_space<semaphore_mem>>, %arg12: memref<!tpu.dma_semaphore, #tpu.memory_space<semaphore_mem>>, %arg13: memref<!tpu.dma_semaphore, #tpu.memory_space<semaphore_mem>>, %arg14: memref<!tpu.dma_semaphore, #tpu.memory_space<semaphore_mem>>, %arg15: memref<!tpu.dma_semaphore, #tpu.memory_space<semaphore_mem>>, %arg16: memref<!tpu.dma_semaphore, #tpu.memory_space<semaphore_mem>>, %arg17: memref<!tpu.dma_semaphore, #tpu.memory_space<semaphore_mem>>, %arg18: memref<!tpu.dma_semaphore, #tpu.memory_space<semaphore_mem>>) attributes {dimension_semantics = [#tpu.dimension_semantics<core_parallel>, #tpu.dimension_semantics<subcore_parallel>], iteration_bounds = array<i64: 2, 16>, scalar_prefetch = 0 : i64, scratch_operands = 12 : i64, tpu.core_type = #tpu.core_type<sc_vector_subcore>, window_params = [{transform_indices = #map}, {transform_indices = #map}, {transform_indices = #map}, {transform_indices = #map}, {transform_indices = #map}]} {
    %mul3A = arith.constant 2 : i32
    %mul3A_0 = arith.muli %arg1, %mul3A : i32
    %add3A = arith.addi %mul3A_0, %arg0 : i32
    %mul3A_1 = arith.constant 20 : i32
    %mul3A_2 = arith.muli %add3A, %mul3A_1 : i32
    "tpu.region"() ({
      %run_scoped3A = tpu.sem_alloc : memref<!tpu.dma_semaphore, #tpu.memory_space<semaphore_mem>>
      %dma_start3A_92 = arith.constant 0 : i32
      %dma_start3A_93 = tpu.memref_slice %arg3[%mul3A_2, %dma_start3A_92] : memref<640x125xi32, #tpu.memory_space<hbm>> -> memref<20x125xi32, #tpu.memory_space<hbm>>
      %dma_start3A_94 = arith.constant 0 : i32
      %dma_start3A_95 = tpu.memref_slice %arg3[%mul3A_2, %dma_start3A_94] : memref<640x125xi32, #tpu.memory_space<hbm>> -> memref<20x125xi32, #tpu.memory_space<hbm>>
      tpu.enqueue_dma source(%dma_start3A_95 : memref<20x125xi32, #tpu.memory_space<hbm>>) target(%arg7 : memref<20x125xi32, #tpu.memory_space<vmem>>) target_semaphore(%run_scoped3A : memref<!tpu.dma_semaphore, #tpu.memory_space<semaphore_mem>>)
      %dma_wait3A_96 = arith.constant 0 : i32
      %dma_wait3A_97 = tpu.memref_slice %arg3[%mul3A_2, %dma_wait3A_96] : memref<640x125xi32, #tpu.memory_space<hbm>> -> memref<20x125xi32, #tpu.memory_space<hbm>>
      %dma_wait3A_98 = arith.constant 0 : i32
      %dma_wait3A_99 = tpu.memref_slice %arg3[%mul3A_2, %dma_wait3A_98] : memref<640x125xi32, #tpu.memory_space<hbm>> -> memref<20x125xi32, #tpu.memory_space<hbm>>
      tpu.wait_dma2 semaphore(%run_scoped3A : memref<!tpu.dma_semaphore, #tpu.memory_space<semaphore_mem>>) src(%dma_wait3A_99 : memref<20x125xi32, #tpu.memory_space<hbm>>) dst(%arg7 : memref<20x125xi32, #tpu.memory_space<vmem>>)
      tpu.yield
    }) : () -> ()
    %mul3A_3 = arith.constant 20 : i32
    %mul3A_4 = arith.muli %add3A, %mul3A_3 : i32
    "tpu.region"() ({
      %run_scoped3A = tpu.sem_alloc : memref<!tpu.dma_semaphore, #tpu.memory_space<semaphore_mem>>
      %dma_start3A_92 = arith.constant 0 : i32
      %dma_start3A_93 = tpu.memref_slice %arg4[%mul3A_4, %dma_start3A_92] : memref<640x125xi32, #tpu.memory_space<hbm>> -> memref<20x125xi32, #tpu.memory_space<hbm>>
      %dma_start3A_94 = arith.constant 0 : i32
      %dma_start3A_95 = tpu.memref_slice %arg4[%mul3A_4, %dma_start3A_94] : memref<640x125xi32, #tpu.memory_space<hbm>> -> memref<20x125xi32, #tpu.memory_space<hbm>>
      tpu.enqueue_dma source(%dma_start3A_95 : memref<20x125xi32, #tpu.memory_space<hbm>>) target(%arg8 : memref<20x125xi32, #tpu.memory_space<vmem>>) target_semaphore(%run_scoped3A : memref<!tpu.dma_semaphore, #tpu.memory_space<semaphore_mem>>)
      %dma_wait3A_96 = arith.constant 0 : i32
      %dma_wait3A_97 = tpu.memref_slice %arg4[%mul3A_4, %dma_wait3A_96] : memref<640x125xi32, #tpu.memory_space<hbm>> -> memref<20x125xi32, #tpu.memory_space<hbm>>
      %dma_wait3A_98 = arith.constant 0 : i32
      %dma_wait3A_99 = tpu.memref_slice %arg4[%mul3A_4, %dma_wait3A_98] : memref<640x125xi32, #tpu.memory_space<hbm>> -> memref<20x125xi32, #tpu.memory_space<hbm>>
      tpu.wait_dma2 semaphore(%run_scoped3A : memref<!tpu.dma_semaphore, #tpu.memory_space<semaphore_mem>>) src(%dma_wait3A_99 : memref<20x125xi32, #tpu.memory_space<hbm>>) dst(%arg8 : memref<20x125xi32, #tpu.memory_space<vmem>>)
      tpu.yield
    }) : () -> ()
    %dma_start3A = arith.constant 0 : i32
    %dma_start3A_5 = arith.constant 0 : i32
    %dma_start3A_6 = arith.constant 0 : i32
    %dma_start3A_7 = arith.constant 0 : i32
    %dma_start3A_8 = tpu.memref_slice %arg9[%dma_start3A_5, %dma_start3A_6, %dma_start3A_7] : memref<2x125x128xf32, #tpu.memory_space<vmem>> -> memref<1x125x128xf32, #tpu.memory_space<vmem>>
    %dma_start3A_9 = tpu.memref_squeeze %dma_start3A_8 : memref<1x125x128xf32, #tpu.memory_space<vmem>> -> memref<125x128xf32, #tpu.memory_space<vmem>>
    %dma_start3A_10 = arith.constant 0 : i32
    %dma_start3A_11 = tpu.memref_slice %arg7[%dma_start3A, %dma_start3A_10] : memref<20x125xi32, #tpu.memory_space<vmem>> -> memref<1x125xi32, #tpu.memory_space<vmem>>
    %dma_start3A_12 = tpu.memref_squeeze %dma_start3A_11 : memref<1x125xi32, #tpu.memory_space<vmem>> -> memref<125xi32, #tpu.memory_space<vmem>>
    %dma_start3A_13 = arith.constant 0 : i32
    %dma_start3A_14 = arith.constant 0 : i32
    %dma_start3A_15 = tpu.memref_slice %arg2[%dma_start3A_13, %dma_start3A_14] : memref<10000x128xf32, #tpu.memory_space<hbm>> -> memref<10000x128xf32, #tpu.memory_space<hbm>>
    tpu.enqueue_indirect_dma source(%dma_start3A_15 : memref<10000x128xf32, #tpu.memory_space<hbm>>) target(%dma_start3A_9 : memref<125x128xf32, #tpu.memory_space<vmem>>) offsets(%dma_start3A_12 : memref<125xi32, #tpu.memory_space<vmem>>) semaphore(%arg11 : memref<!tpu.dma_semaphore, #tpu.memory_space<semaphore_mem>>)
    %dma_start3A_16 = arith.constant 0 : i32
    %dma_start3A_17 = arith.constant 0 : i32
    %dma_start3A_18 = arith.constant 0 : i32
    %dma_start3A_19 = arith.constant 0 : i32
    %dma_start3A_20 = tpu.memref_slice %arg10[%dma_start3A_17, %dma_start3A_18, %dma_start3A_19] : memref<2x125x128xf32, #tpu.memory_space<vmem>> -> memref<1x125x128xf32, #tpu.memory_space<vmem>>
    %dma_start3A_21 = tpu.memref_squeeze %dma_start3A_20 : memref<1x125x128xf32, #tpu.memory_space<vmem>> -> memref<125x128xf32, #tpu.memory_space<vmem>>
    %dma_start3A_22 = arith.constant 0 : i32
    %dma_start3A_23 = tpu.memref_slice %arg8[%dma_start3A_16, %dma_start3A_22] : memref<20x125xi32, #tpu.memory_space<vmem>> -> memref<1x125xi32, #tpu.memory_space<vmem>>
    %dma_start3A_24 = tpu.memref_squeeze %dma_start3A_23 : memref<1x125xi32, #tpu.memory_space<vmem>> -> memref<125xi32, #tpu.memory_space<vmem>>
    %dma_start3A_25 = arith.constant 0 : i32
    %dma_start3A_26 = arith.constant 0 : i32
    %dma_start3A_27 = tpu.memref_slice %arg2[%dma_start3A_25, %dma_start3A_26] : memref<10000x128xf32, #tpu.memory_space<hbm>> -> memref<10000x128xf32, #tpu.memory_space<hbm>>
    tpu.enqueue_indirect_dma source(%dma_start3A_27 : memref<10000x128xf32, #tpu.memory_space<hbm>>) target(%dma_start3A_21 : memref<125x128xf32, #tpu.memory_space<vmem>>) offsets(%dma_start3A_24 : memref<125xi32, #tpu.memory_space<vmem>>) semaphore(%arg13 : memref<!tpu.dma_semaphore, #tpu.memory_space<semaphore_mem>>)
    %scan3A = arith.constant 0 : i32
    %scan3A_28 = arith.constant 0 : i32
    %scan3A_29 = arith.constant 10 : i32
    %scan3A_30 = arith.addi %scan3A_28, %scan3A_29 : i32
    %scan3A_31 = arith.constant 1 : i32
    scf.for %scan3A_92 = %scan3A_28 to %scan3A_30 step %scan3A_31  : i32 {
      %mul3A_93 = arith.constant 2 : i32
      %mul3A_94 = arith.muli %scan3A_92, %mul3A_93 : i32
      %add3A_95 = arith.constant 0 : i32
      %add3A_96 = arith.addi %mul3A_94, %add3A_95 : i32
      %dma_wait3A_97 = arith.constant 0 : i32
      %dma_wait3A_98 = arith.constant 0 : i32
      %dma_wait3A_99 = arith.constant 0 : i32
      %dma_wait3A_100 = tpu.memref_slice %arg9[%dma_wait3A_97, %dma_wait3A_98, %dma_wait3A_99] : memref<2x125x128xf32, #tpu.memory_space<vmem>> -> memref<1x125x128xf32, #tpu.memory_space<vmem>>
      %dma_wait3A_101 = tpu.memref_squeeze %dma_wait3A_100 : memref<1x125x128xf32, #tpu.memory_space<vmem>> -> memref<125x128xf32, #tpu.memory_space<vmem>>
      %dma_wait3A_102 = arith.constant 0 : i32
      %dma_wait3A_103 = tpu.memref_slice %arg7[%add3A_96, %dma_wait3A_102] : memref<20x125xi32, #tpu.memory_space<vmem>> -> memref<1x125xi32, #tpu.memory_space<vmem>>
      %dma_wait3A_104 = tpu.memref_squeeze %dma_wait3A_103 : memref<1x125xi32, #tpu.memory_space<vmem>> -> memref<125xi32, #tpu.memory_space<vmem>>
      %dma_wait3A_105 = arith.constant 0 : i32
      %dma_wait3A_106 = arith.constant 0 : i32
      %dma_wait3A_107 = tpu.memref_slice %arg2[%dma_wait3A_105, %dma_wait3A_106] : memref<10000x128xf32, #tpu.memory_space<hbm>> -> memref<10000x128xf32, #tpu.memory_space<hbm>>
      tpu.wait_indirect_dma semaphore(%arg11 : memref<!tpu.dma_semaphore, #tpu.memory_space<semaphore_mem>>) src(%dma_wait3A_107 : memref<10000x128xf32, #tpu.memory_space<hbm>>) dst(%dma_wait3A_101 : memref<125x128xf32, #tpu.memory_space<vmem>>)
      %dma_wait3A_108 = arith.constant 0 : i32
      %dma_wait3A_109 = arith.constant 0 : i32
      %dma_wait3A_110 = arith.constant 0 : i32
      %dma_wait3A_111 = tpu.memref_slice %arg10[%dma_wait3A_108, %dma_wait3A_109, %dma_wait3A_110] : memref<2x125x128xf32, #tpu.memory_space<vmem>> -> memref<1x125x128xf32, #tpu.memory_space<vmem>>
      %dma_wait3A_112 = tpu.memref_squeeze %dma_wait3A_111 : memref<1x125x128xf32, #tpu.memory_space<vmem>> -> memref<125x128xf32, #tpu.memory_space<vmem>>
      %dma_wait3A_113 = arith.constant 0 : i32
      %dma_wait3A_114 = tpu.memref_slice %arg8[%add3A_96, %dma_wait3A_113] : memref<20x125xi32, #tpu.memory_space<vmem>> -> memref<1x125xi32, #tpu.memory_space<vmem>>
      %dma_wait3A_115 = tpu.memref_squeeze %dma_wait3A_114 : memref<1x125xi32, #tpu.memory_space<vmem>> -> memref<125xi32, #tpu.memory_space<vmem>>
      %dma_wait3A_116 = arith.constant 0 : i32
      %dma_wait3A_117 = arith.constant 0 : i32
      %dma_wait3A_118 = tpu.memref_slice %arg2[%dma_wait3A_116, %dma_wait3A_117] : memref<10000x128xf32, #tpu.memory_space<hbm>> -> memref<10000x128xf32, #tpu.memory_space<hbm>>
      tpu.wait_indirect_dma semaphore(%arg13 : memref<!tpu.dma_semaphore, #tpu.memory_space<semaphore_mem>>) src(%dma_wait3A_118 : memref<10000x128xf32, #tpu.memory_space<hbm>>) dst(%dma_wait3A_112 : memref<125x128xf32, #tpu.memory_space<vmem>>)
      %add3A_119 = arith.constant 1 : i32
      %add3A_120 = arith.addi %add3A_96, %add3A_119 : i32
      %lt3A = arith.constant 20 : i32
      %lt3A_121 = arith.cmpi slt, %add3A_120, %lt3A : i32
      %convert_element_type3A = arith.extui %lt3A_121 : i1 to i32
      %cond3A = arith.constant 0 : i32
      %cond3A_122 = arith.cmpi ne, %convert_element_type3A, %cond3A : i32
      scf.if %cond3A_122 {
        %ge3A = arith.constant 1 : i32
        %ge3A_218 = arith.cmpi sge, %add3A_96, %ge3A : i32
        %convert_element_type3A_219 = arith.extui %ge3A_218 : i1 to i32
        %cond3A_220 = arith.constant 0 : i32
        %cond3A_221 = arith.cmpi ne, %convert_element_type3A_219, %cond3A_220 : i32
        scf.if %cond3A_221 {
          %sub3A = arith.constant 1 : i32
          %sub3A_246 = arith.subi %add3A_96, %sub3A : i32
          %mul3A_247 = arith.constant 2500 : i32
          %mul3A_248 = arith.muli %add3A, %mul3A_247 : i32
          %mul3A_249 = arith.constant 125 : i32
          %mul3A_250 = arith.muli %sub3A_246, %mul3A_249 : i32
          %add3A_251 = arith.addi %mul3A_248, %mul3A_250 : i32
          %dma_wait3A_252 = arith.constant 1 : i32
          %dma_wait3A_253 = arith.constant 0 : i32
          %dma_wait3A_254 = arith.constant 0 : i32
          %dma_wait3A_255 = tpu.memref_slice %arg9[%dma_wait3A_252, %dma_wait3A_253, %dma_wait3A_254] : memref<2x125x128xf32, #tpu.memory_space<vmem>> -> memref<1x125x128xf32, #tpu.memory_space<vmem>>
          %dma_wait3A_256 = tpu.memref_squeeze %dma_wait3A_255 : memref<1x125x128xf32, #tpu.memory_space<vmem>> -> memref<125x128xf32, #tpu.memory_space<vmem>>
          %dma_wait3A_257 = arith.constant 0 : i32
          %dma_wait3A_258 = tpu.memref_slice %arg5[%add3A_251, %dma_wait3A_257] : memref<80000x128xf32, #tpu.memory_space<hbm>> -> memref<125x128xf32, #tpu.memory_space<hbm>>
          %dma_wait3A_259 = arith.constant 0 : i32
          %dma_wait3A_260 = tpu.memref_slice %arg5[%add3A_251, %dma_wait3A_259] : memref<80000x128xf32, #tpu.memory_space<hbm>> -> memref<125x128xf32, #tpu.memory_space<hbm>>
          %dma_wait3A_261 = arith.constant 0 : i32
          %dma_wait3A_262 = arith.constant 0 : i32
          %dma_wait3A_263 = tpu.memref_slice %arg9[%dma_wait3A_252, %dma_wait3A_261, %dma_wait3A_262] : memref<2x125x128xf32, #tpu.memory_space<vmem>> -> memref<1x125x128xf32, #tpu.memory_space<vmem>>
          %dma_wait3A_264 = tpu.memref_squeeze %dma_wait3A_263 : memref<1x125x128xf32, #tpu.memory_space<vmem>> -> memref<125x128xf32, #tpu.memory_space<vmem>>
          tpu.wait_dma2 semaphore(%arg16 : memref<!tpu.dma_semaphore, #tpu.memory_space<semaphore_mem>>) src(%dma_wait3A_264 : memref<125x128xf32, #tpu.memory_space<vmem>>) dst(%dma_wait3A_260 : memref<125x128xf32, #tpu.memory_space<hbm>>)
          %dma_wait3A_265 = arith.constant 1 : i32
          %dma_wait3A_266 = arith.constant 0 : i32
          %dma_wait3A_267 = arith.constant 0 : i32
          %dma_wait3A_268 = tpu.memref_slice %arg10[%dma_wait3A_265, %dma_wait3A_266, %dma_wait3A_267] : memref<2x125x128xf32, #tpu.memory_space<vmem>> -> memref<1x125x128xf32, #tpu.memory_space<vmem>>
          %dma_wait3A_269 = tpu.memref_squeeze %dma_wait3A_268 : memref<1x125x128xf32, #tpu.memory_space<vmem>> -> memref<125x128xf32, #tpu.memory_space<vmem>>
          %dma_wait3A_270 = arith.constant 0 : i32
          %dma_wait3A_271 = tpu.memref_slice %arg6[%add3A_251, %dma_wait3A_270] : memref<80000x128xf32, #tpu.memory_space<hbm>> -> memref<125x128xf32, #tpu.memory_space<hbm>>
          %dma_wait3A_272 = arith.constant 0 : i32
          %dma_wait3A_273 = tpu.memref_slice %arg6[%add3A_251, %dma_wait3A_272] : memref<80000x128xf32, #tpu.memory_space<hbm>> -> memref<125x128xf32, #tpu.memory_space<hbm>>
          %dma_wait3A_274 = arith.constant 0 : i32
          %dma_wait3A_275 = arith.constant 0 : i32
          %dma_wait3A_276 = tpu.memref_slice %arg10[%dma_wait3A_265, %dma_wait3A_274, %dma_wait3A_275] : memref<2x125x128xf32, #tpu.memory_space<vmem>> -> memref<1x125x128xf32, #tpu.memory_space<vmem>>
          %dma_wait3A_277 = tpu.memref_squeeze %dma_wait3A_276 : memref<1x125x128xf32, #tpu.memory_space<vmem>> -> memref<125x128xf32, #tpu.memory_space<vmem>>
          tpu.wait_dma2 semaphore(%arg18 : memref<!tpu.dma_semaphore, #tpu.memory_space<semaphore_mem>>) src(%dma_wait3A_277 : memref<125x128xf32, #tpu.memory_space<vmem>>) dst(%dma_wait3A_273 : memref<125x128xf32, #tpu.memory_space<hbm>>)
        } else {
        }
        %add3A_222 = arith.constant 1 : i32
        %add3A_223 = arith.addi %add3A_96, %add3A_222 : i32
        %dma_start3A_224 = arith.constant 1 : i32
        %dma_start3A_225 = arith.constant 0 : i32
        %dma_start3A_226 = arith.constant 0 : i32
        %dma_start3A_227 = tpu.memref_slice %arg9[%dma_start3A_224, %dma_start3A_225, %dma_start3A_226] : memref<2x125x128xf32, #tpu.memory_space<vmem>> -> memref<1x125x128xf32, #tpu.memory_space<vmem>>
        %dma_start3A_228 = tpu.memref_squeeze %dma_start3A_227 : memref<1x125x128xf32, #tpu.memory_space<vmem>> -> memref<125x128xf32, #tpu.memory_space<vmem>>
        %dma_start3A_229 = arith.constant 0 : i32
        %dma_start3A_230 = tpu.memref_slice %arg7[%add3A_223, %dma_start3A_229] : memref<20x125xi32, #tpu.memory_space<vmem>> -> memref<1x125xi32, #tpu.memory_space<vmem>>
        %dma_start3A_231 = tpu.memref_squeeze %dma_start3A_230 : memref<1x125xi32, #tpu.memory_space<vmem>> -> memref<125xi32, #tpu.memory_space<vmem>>
        %dma_start3A_232 = arith.constant 0 : i32
        %dma_start3A_233 = arith.constant 0 : i32
        %dma_start3A_234 = tpu.memref_slice %arg2[%dma_start3A_232, %dma_start3A_233] : memref<10000x128xf32, #tpu.memory_space<hbm>> -> memref<10000x128xf32, #tpu.memory_space<hbm>>
        tpu.enqueue_indirect_dma source(%dma_start3A_234 : memref<10000x128xf32, #tpu.memory_space<hbm>>) target(%dma_start3A_228 : memref<125x128xf32, #tpu.memory_space<vmem>>) offsets(%dma_start3A_231 : memref<125xi32, #tpu.memory_space<vmem>>) semaphore(%arg12 : memref<!tpu.dma_semaphore, #tpu.memory_space<semaphore_mem>>)
        %dma_start3A_235 = arith.constant 1 : i32
        %dma_start3A_236 = arith.constant 0 : i32
        %dma_start3A_237 = arith.constant 0 : i32
        %dma_start3A_238 = tpu.memref_slice %arg10[%dma_start3A_235, %dma_start3A_236, %dma_start3A_237] : memref<2x125x128xf32, #tpu.memory_space<vmem>> -> memref<1x125x128xf32, #tpu.memory_space<vmem>>
        %dma_start3A_239 = tpu.memref_squeeze %dma_start3A_238 : memref<1x125x128xf32, #tpu.memory_space<vmem>> -> memref<125x128xf32, #tpu.memory_space<vmem>>
        %dma_start3A_240 = arith.constant 0 : i32
        %dma_start3A_241 = tpu.memref_slice %arg8[%add3A_223, %dma_start3A_240] : memref<20x125xi32, #tpu.memory_space<vmem>> -> memref<1x125xi32, #tpu.memory_space<vmem>>
        %dma_start3A_242 = tpu.memref_squeeze %dma_start3A_241 : memref<1x125xi32, #tpu.memory_space<vmem>> -> memref<125xi32, #tpu.memory_space<vmem>>
        %dma_start3A_243 = arith.constant 0 : i32
        %dma_start3A_244 = arith.constant 0 : i32
        %dma_start3A_245 = tpu.memref_slice %arg2[%dma_start3A_243, %dma_start3A_244] : memref<10000x128xf32, #tpu.memory_space<hbm>> -> memref<10000x128xf32, #tpu.memory_space<hbm>>
        tpu.enqueue_indirect_dma source(%dma_start3A_245 : memref<10000x128xf32, #tpu.memory_space<hbm>>) target(%dma_start3A_239 : memref<125x128xf32, #tpu.memory_space<vmem>>) offsets(%dma_start3A_242 : memref<125xi32, #tpu.memory_space<vmem>>) semaphore(%arg14 : memref<!tpu.dma_semaphore, #tpu.memory_space<semaphore_mem>>)
      } else {
      }
      %mul3A_123 = arith.constant 2500 : i32
      %mul3A_124 = arith.muli %add3A, %mul3A_123 : i32
      %mul3A_125 = arith.constant 125 : i32
      %mul3A_126 = arith.muli %add3A_96, %mul3A_125 : i32
      %add3A_127 = arith.addi %mul3A_124, %mul3A_126 : i32
      %dma_start3A_128 = arith.constant 0 : i32
      %dma_start3A_129 = arith.constant 0 : i32
      %dma_start3A_130 = arith.constant 0 : i32
      %dma_start3A_131 = tpu.memref_slice %arg9[%dma_start3A_128, %dma_start3A_129, %dma_start3A_130] : memref<2x125x128xf32, #tpu.memory_space<vmem>> -> memref<1x125x128xf32, #tpu.memory_space<vmem>>
      %dma_start3A_132 = tpu.memref_squeeze %dma_start3A_131 : memref<1x125x128xf32, #tpu.memory_space<vmem>> -> memref<125x128xf32, #tpu.memory_space<vmem>>
      %dma_start3A_133 = arith.constant 0 : i32
      %dma_start3A_134 = tpu.memref_slice %arg5[%add3A_127, %dma_start3A_133] : memref<80000x128xf32, #tpu.memory_space<hbm>> -> memref<125x128xf32, #tpu.memory_space<hbm>>
      %dma_start3A_135 = arith.constant 0 : i32
      %dma_start3A_136 = tpu.memref_slice %arg5[%add3A_127, %dma_start3A_135] : memref<80000x128xf32, #tpu.memory_space<hbm>> -> memref<125x128xf32, #tpu.memory_space<hbm>>
      %dma_start3A_137 = arith.constant 0 : i32
      %dma_start3A_138 = arith.constant 0 : i32
      %dma_start3A_139 = tpu.memref_slice %arg9[%dma_start3A_128, %dma_start3A_137, %dma_start3A_138] : memref<2x125x128xf32, #tpu.memory_space<vmem>> -> memref<1x125x128xf32, #tpu.memory_space<vmem>>
      %dma_start3A_140 = tpu.memref_squeeze %dma_start3A_139 : memref<1x125x128xf32, #tpu.memory_space<vmem>> -> memref<125x128xf32, #tpu.memory_space<vmem>>
      tpu.enqueue_dma source(%dma_start3A_140 : memref<125x128xf32, #tpu.memory_space<vmem>>) target(%dma_start3A_136 : memref<125x128xf32, #tpu.memory_space<hbm>>) target_semaphore(%arg15 : memref<!tpu.dma_semaphore, #tpu.memory_space<semaphore_mem>>)
      %dma_start3A_141 = arith.constant 0 : i32
      %dma_start3A_142 = arith.constant 0 : i32
      %dma_start3A_143 = arith.constant 0 : i32
      %dma_start3A_144 = tpu.memref_slice %arg10[%dma_start3A_141, %dma_start3A_142, %dma_start3A_143] : memref<2x125x128xf32, #tpu.memory_space<vmem>> -> memref<1x125x128xf32, #tpu.memory_space<vmem>>
      %dma_start3A_145 = tpu.memref_squeeze %dma_start3A_144 : memref<1x125x128xf32, #tpu.memory_space<vmem>> -> memref<125x128xf32, #tpu.memory_space<vmem>>
      %dma_start3A_146 = arith.constant 0 : i32
      %dma_start3A_147 = tpu.memref_slice %arg6[%add3A_127, %dma_start3A_146] : memref<80000x128xf32, #tpu.memory_space<hbm>> -> memref<125x128xf32, #tpu.memory_space<hbm>>
      %dma_start3A_148 = arith.constant 0 : i32
      %dma_start3A_149 = tpu.memref_slice %arg6[%add3A_127, %dma_start3A_148] : memref<80000x128xf32, #tpu.memory_space<hbm>> -> memref<125x128xf32, #tpu.memory_space<hbm>>
      %dma_start3A_150 = arith.constant 0 : i32
      %dma_start3A_151 = arith.constant 0 : i32
      %dma_start3A_152 = tpu.memref_slice %arg10[%dma_start3A_141, %dma_start3A_150, %dma_start3A_151] : memref<2x125x128xf32, #tpu.memory_space<vmem>> -> memref<1x125x128xf32, #tpu.memory_space<vmem>>
      %dma_start3A_153 = tpu.memref_squeeze %dma_start3A_152 : memref<1x125x128xf32, #tpu.memory_space<vmem>> -> memref<125x128xf32, #tpu.memory_space<vmem>>
      tpu.enqueue_dma source(%dma_start3A_153 : memref<125x128xf32, #tpu.memory_space<vmem>>) target(%dma_start3A_149 : memref<125x128xf32, #tpu.memory_space<hbm>>) target_semaphore(%arg17 : memref<!tpu.dma_semaphore, #tpu.memory_space<semaphore_mem>>)
      %mul3A_154 = arith.constant 2 : i32
      %mul3A_155 = arith.muli %scan3A_92, %mul3A_154 : i32
      %add3A_156 = arith.constant 1 : i32
      %add3A_157 = arith.addi %mul3A_155, %add3A_156 : i32
      %dma_wait3A_158 = arith.constant 1 : i32
      %dma_wait3A_159 = arith.constant 0 : i32
      %dma_wait3A_160 = arith.constant 0 : i32
      %dma_wait3A_161 = tpu.memref_slice %arg9[%dma_wait3A_158, %dma_wait3A_159, %dma_wait3A_160] : memref<2x125x128xf32, #tpu.memory_space<vmem>> -> memref<1x125x128xf32, #tpu.memory_space<vmem>>
      %dma_wait3A_162 = tpu.memref_squeeze %dma_wait3A_161 : memref<1x125x128xf32, #tpu.memory_space<vmem>> -> memref<125x128xf32, #tpu.memory_space<vmem>>
      %dma_wait3A_163 = arith.constant 0 : i32
      %dma_wait3A_164 = tpu.memref_slice %arg7[%add3A_157, %dma_wait3A_163] : memref<20x125xi32, #tpu.memory_space<vmem>> -> memref<1x125xi32, #tpu.memory_space<vmem>>
      %dma_wait3A_165 = tpu.memref_squeeze %dma_wait3A_164 : memref<1x125xi32, #tpu.memory_space<vmem>> -> memref<125xi32, #tpu.memory_space<vmem>>
      %dma_wait3A_166 = arith.constant 0 : i32
      %dma_wait3A_167 = arith.constant 0 : i32
      %dma_wait3A_168 = tpu.memref_slice %arg2[%dma_wait3A_166, %dma_wait3A_167] : memref<10000x128xf32, #tpu.memory_space<hbm>> -> memref<10000x128xf32, #tpu.memory_space<hbm>>
      tpu.wait_indirect_dma semaphore(%arg12 : memref<!tpu.dma_semaphore, #tpu.memory_space<semaphore_mem>>) src(%dma_wait3A_168 : memref<10000x128xf32, #tpu.memory_space<hbm>>) dst(%dma_wait3A_162 : memref<125x128xf32, #tpu.memory_space<vmem>>)
      %dma_wait3A_169 = arith.constant 1 : i32
      %dma_wait3A_170 = arith.constant 0 : i32
      %dma_wait3A_171 = arith.constant 0 : i32
      %dma_wait3A_172 = tpu.memref_slice %arg10[%dma_wait3A_169, %dma_wait3A_170, %dma_wait3A_171] : memref<2x125x128xf32, #tpu.memory_space<vmem>> -> memref<1x125x128xf32, #tpu.memory_space<vmem>>
      %dma_wait3A_173 = tpu.memref_squeeze %dma_wait3A_172 : memref<1x125x128xf32, #tpu.memory_space<vmem>> -> memref<125x128xf32, #tpu.memory_space<vmem>>
      %dma_wait3A_174 = arith.constant 0 : i32
      %dma_wait3A_175 = tpu.memref_slice %arg8[%add3A_157, %dma_wait3A_174] : memref<20x125xi32, #tpu.memory_space<vmem>> -> memref<1x125xi32, #tpu.memory_space<vmem>>
      %dma_wait3A_176 = tpu.memref_squeeze %dma_wait3A_175 : memref<1x125xi32, #tpu.memory_space<vmem>> -> memref<125xi32, #tpu.memory_space<vmem>>
      %dma_wait3A_177 = arith.constant 0 : i32
      %dma_wait3A_178 = arith.constant 0 : i32
      %dma_wait3A_179 = tpu.memref_slice %arg2[%dma_wait3A_177, %dma_wait3A_178] : memref<10000x128xf32, #tpu.memory_space<hbm>> -> memref<10000x128xf32, #tpu.memory_space<hbm>>
      tpu.wait_indirect_dma semaphore(%arg14 : memref<!tpu.dma_semaphore, #tpu.memory_space<semaphore_mem>>) src(%dma_wait3A_179 : memref<10000x128xf32, #tpu.memory_space<hbm>>) dst(%dma_wait3A_173 : memref<125x128xf32, #tpu.memory_space<vmem>>)
      %add3A_180 = arith.constant 1 : i32
      %add3A_181 = arith.addi %add3A_157, %add3A_180 : i32
      %lt3A_182 = arith.constant 20 : i32
      %lt3A_183 = arith.cmpi slt, %add3A_181, %lt3A_182 : i32
      %convert_element_type3A_184 = arith.extui %lt3A_183 : i1 to i32
      %cond3A_185 = arith.constant 0 : i32
      %cond3A_186 = arith.cmpi ne, %convert_element_type3A_184, %cond3A_185 : i32
      scf.if %cond3A_186 {
        %ge3A = arith.constant 1 : i32
        %ge3A_218 = arith.cmpi sge, %add3A_157, %ge3A : i32
        %convert_element_type3A_219 = arith.extui %ge3A_218 : i1 to i32
        %cond3A_220 = arith.constant 0 : i32
        %cond3A_221 = arith.cmpi ne, %convert_element_type3A_219, %cond3A_220 : i32
        scf.if %cond3A_221 {
          %sub3A = arith.constant 1 : i32
          %sub3A_246 = arith.subi %add3A_157, %sub3A : i32
          %mul3A_247 = arith.constant 2500 : i32
          %mul3A_248 = arith.muli %add3A, %mul3A_247 : i32
          %mul3A_249 = arith.constant 125 : i32
          %mul3A_250 = arith.muli %sub3A_246, %mul3A_249 : i32
          %add3A_251 = arith.addi %mul3A_248, %mul3A_250 : i32
          %dma_wait3A_252 = arith.constant 0 : i32
          %dma_wait3A_253 = arith.constant 0 : i32
          %dma_wait3A_254 = arith.constant 0 : i32
          %dma_wait3A_255 = tpu.memref_slice %arg9[%dma_wait3A_252, %dma_wait3A_253, %dma_wait3A_254] : memref<2x125x128xf32, #tpu.memory_space<vmem>> -> memref<1x125x128xf32, #tpu.memory_space<vmem>>
          %dma_wait3A_256 = tpu.memref_squeeze %dma_wait3A_255 : memref<1x125x128xf32, #tpu.memory_space<vmem>> -> memref<125x128xf32, #tpu.memory_space<vmem>>
          %dma_wait3A_257 = arith.constant 0 : i32
          %dma_wait3A_258 = tpu.memref_slice %arg5[%add3A_251, %dma_wait3A_257] : memref<80000x128xf32, #tpu.memory_space<hbm>> -> memref<125x128xf32, #tpu.memory_space<hbm>>
          %dma_wait3A_259 = arith.constant 0 : i32
          %dma_wait3A_260 = tpu.memref_slice %arg5[%add3A_251, %dma_wait3A_259] : memref<80000x128xf32, #tpu.memory_space<hbm>> -> memref<125x128xf32, #tpu.memory_space<hbm>>
          %dma_wait3A_261 = arith.constant 0 : i32
          %dma_wait3A_262 = arith.constant 0 : i32
          %dma_wait3A_263 = tpu.memref_slice %arg9[%dma_wait3A_252, %dma_wait3A_261, %dma_wait3A_262] : memref<2x125x128xf32, #tpu.memory_space<vmem>> -> memref<1x125x128xf32, #tpu.memory_space<vmem>>
          %dma_wait3A_264 = tpu.memref_squeeze %dma_wait3A_263 : memref<1x125x128xf32, #tpu.memory_space<vmem>> -> memref<125x128xf32, #tpu.memory_space<vmem>>
          tpu.wait_dma2 semaphore(%arg15 : memref<!tpu.dma_semaphore, #tpu.memory_space<semaphore_mem>>) src(%dma_wait3A_264 : memref<125x128xf32, #tpu.memory_space<vmem>>) dst(%dma_wait3A_260 : memref<125x128xf32, #tpu.memory_space<hbm>>)
          %dma_wait3A_265 = arith.constant 0 : i32
          %dma_wait3A_266 = arith.constant 0 : i32
          %dma_wait3A_267 = arith.constant 0 : i32
          %dma_wait3A_268 = tpu.memref_slice %arg10[%dma_wait3A_265, %dma_wait3A_266, %dma_wait3A_267] : memref<2x125x128xf32, #tpu.memory_space<vmem>> -> memref<1x125x128xf32, #tpu.memory_space<vmem>>
          %dma_wait3A_269 = tpu.memref_squeeze %dma_wait3A_268 : memref<1x125x128xf32, #tpu.memory_space<vmem>> -> memref<125x128xf32, #tpu.memory_space<vmem>>
          %dma_wait3A_270 = arith.constant 0 : i32
          %dma_wait3A_271 = tpu.memref_slice %arg6[%add3A_251, %dma_wait3A_270] : memref<80000x128xf32, #tpu.memory_space<hbm>> -> memref<125x128xf32, #tpu.memory_space<hbm>>
          %dma_wait3A_272 = arith.constant 0 : i32
          %dma_wait3A_273 = tpu.memref_slice %arg6[%add3A_251, %dma_wait3A_272] : memref<80000x128xf32, #tpu.memory_space<hbm>> -> memref<125x128xf32, #tpu.memory_space<hbm>>
          %dma_wait3A_274 = arith.constant 0 : i32
          %dma_wait3A_275 = arith.constant 0 : i32
          %dma_wait3A_276 = tpu.memref_slice %arg10[%dma_wait3A_265, %dma_wait3A_274, %dma_wait3A_275] : memref<2x125x128xf32, #tpu.memory_space<vmem>> -> memref<1x125x128xf32, #tpu.memory_space<vmem>>
          %dma_wait3A_277 = tpu.memref_squeeze %dma_wait3A_276 : memref<1x125x128xf32, #tpu.memory_space<vmem>> -> memref<125x128xf32, #tpu.memory_space<vmem>>
          tpu.wait_dma2 semaphore(%arg17 : memref<!tpu.dma_semaphore, #tpu.memory_space<semaphore_mem>>) src(%dma_wait3A_277 : memref<125x128xf32, #tpu.memory_space<vmem>>) dst(%dma_wait3A_273 : memref<125x128xf32, #tpu.memory_space<hbm>>)
        } else {
        }
        %add3A_222 = arith.constant 1 : i32
        %add3A_223 = arith.addi %add3A_157, %add3A_222 : i32
        %dma_start3A_224 = arith.constant 0 : i32
        %dma_start3A_225 = arith.constant 0 : i32
        %dma_start3A_226 = arith.constant 0 : i32
        %dma_start3A_227 = tpu.memref_slice %arg9[%dma_start3A_224, %dma_start3A_225, %dma_start3A_226] : memref<2x125x128xf32, #tpu.memory_space<vmem>> -> memref<1x125x128xf32, #tpu.memory_space<vmem>>
        %dma_start3A_228 = tpu.memref_squeeze %dma_start3A_227 : memref<1x125x128xf32, #tpu.memory_space<vmem>> -> memref<125x128xf32, #tpu.memory_space<vmem>>
        %dma_start3A_229 = arith.constant 0 : i32
        %dma_start3A_230 = tpu.memref_slice %arg7[%add3A_223, %dma_start3A_229] : memref<20x125xi32, #tpu.memory_space<vmem>> -> memref<1x125xi32, #tpu.memory_space<vmem>>
        %dma_start3A_231 = tpu.memref_squeeze %dma_start3A_230 : memref<1x125xi32, #tpu.memory_space<vmem>> -> memref<125xi32, #tpu.memory_space<vmem>>
        %dma_start3A_232 = arith.constant 0 : i32
        %dma_start3A_233 = arith.constant 0 : i32
        %dma_start3A_234 = tpu.memref_slice %arg2[%dma_start3A_232, %dma_start3A_233] : memref<10000x128xf32, #tpu.memory_space<hbm>> -> memref<10000x128xf32, #tpu.memory_space<hbm>>
        tpu.enqueue_indirect_dma source(%dma_start3A_234 : memref<10000x128xf32, #tpu.memory_space<hbm>>) target(%dma_start3A_228 : memref<125x128xf32, #tpu.memory_space<vmem>>) offsets(%dma_start3A_231 : memref<125xi32, #tpu.memory_space<vmem>>) semaphore(%arg11 : memref<!tpu.dma_semaphore, #tpu.memory_space<semaphore_mem>>)
        %dma_start3A_235 = arith.constant 0 : i32
        %dma_start3A_236 = arith.constant 0 : i32
        %dma_start3A_237 = arith.constant 0 : i32
        %dma_start3A_238 = tpu.memref_slice %arg10[%dma_start3A_235, %dma_start3A_236, %dma_start3A_237] : memref<2x125x128xf32, #tpu.memory_space<vmem>> -> memref<1x125x128xf32, #tpu.memory_space<vmem>>
        %dma_start3A_239 = tpu.memref_squeeze %dma_start3A_238 : memref<1x125x128xf32, #tpu.memory_space<vmem>> -> memref<125x128xf32, #tpu.memory_space<vmem>>
        %dma_start3A_240 = arith.constant 0 : i32
        %dma_start3A_241 = tpu.memref_slice %arg8[%add3A_223, %dma_start3A_240] : memref<20x125xi32, #tpu.memory_space<vmem>> -> memref<1x125xi32, #tpu.memory_space<vmem>>
        %dma_start3A_242 = tpu.memref_squeeze %dma_start3A_241 : memref<1x125xi32, #tpu.memory_space<vmem>> -> memref<125xi32, #tpu.memory_space<vmem>>
        %dma_start3A_243 = arith.constant 0 : i32
        %dma_start3A_244 = arith.constant 0 : i32
        %dma_start3A_245 = tpu.memref_slice %arg2[%dma_start3A_243, %dma_start3A_244] : memref<10000x128xf32, #tpu.memory_space<hbm>> -> memref<10000x128xf32, #tpu.memory_space<hbm>>
        tpu.enqueue_indirect_dma source(%dma_start3A_245 : memref<10000x128xf32, #tpu.memory_space<hbm>>) target(%dma_start3A_239 : memref<125x128xf32, #tpu.memory_space<vmem>>) offsets(%dma_start3A_242 : memref<125xi32, #tpu.memory_space<vmem>>) semaphore(%arg13 : memref<!tpu.dma_semaphore, #tpu.memory_space<semaphore_mem>>)
      } else {
      }
      %mul3A_187 = arith.constant 2500 : i32
      %mul3A_188 = arith.muli %add3A, %mul3A_187 : i32
      %mul3A_189 = arith.constant 125 : i32
      %mul3A_190 = arith.muli %add3A_157, %mul3A_189 : i32
      %add3A_191 = arith.addi %mul3A_188, %mul3A_190 : i32
      %dma_start3A_192 = arith.constant 1 : i32
      %dma_start3A_193 = arith.constant 0 : i32
      %dma_start3A_194 = arith.constant 0 : i32
      %dma_start3A_195 = tpu.memref_slice %arg9[%dma_start3A_192, %dma_start3A_193, %dma_start3A_194] : memref<2x125x128xf32, #tpu.memory_space<vmem>> -> memref<1x125x128xf32, #tpu.memory_space<vmem>>
      %dma_start3A_196 = tpu.memref_squeeze %dma_start3A_195 : memref<1x125x128xf32, #tpu.memory_space<vmem>> -> memref<125x128xf32, #tpu.memory_space<vmem>>
      %dma_start3A_197 = arith.constant 0 : i32
      %dma_start3A_198 = tpu.memref_slice %arg5[%add3A_191, %dma_start3A_197] : memref<80000x128xf32, #tpu.memory_space<hbm>> -> memref<125x128xf32, #tpu.memory_space<hbm>>
      %dma_start3A_199 = arith.constant 0 : i32
      %dma_start3A_200 = tpu.memref_slice %arg5[%add3A_191, %dma_start3A_199] : memref<80000x128xf32, #tpu.memory_space<hbm>> -> memref<125x128xf32, #tpu.memory_space<hbm>>
      %dma_start3A_201 = arith.constant 0 : i32
      %dma_start3A_202 = arith.constant 0 : i32
      %dma_start3A_203 = tpu.memref_slice %arg9[%dma_start3A_192, %dma_start3A_201, %dma_start3A_202] : memref<2x125x128xf32, #tpu.memory_space<vmem>> -> memref<1x125x128xf32, #tpu.memory_space<vmem>>
      %dma_start3A_204 = tpu.memref_squeeze %dma_start3A_203 : memref<1x125x128xf32, #tpu.memory_space<vmem>> -> memref<125x128xf32, #tpu.memory_space<vmem>>
      tpu.enqueue_dma source(%dma_start3A_204 : memref<125x128xf32, #tpu.memory_space<vmem>>) target(%dma_start3A_200 : memref<125x128xf32, #tpu.memory_space<hbm>>) target_semaphore(%arg16 : memref<!tpu.dma_semaphore, #tpu.memory_space<semaphore_mem>>)
      %dma_start3A_205 = arith.constant 1 : i32
      %dma_start3A_206 = arith.constant 0 : i32
      %dma_start3A_207 = arith.constant 0 : i32
      %dma_start3A_208 = tpu.memref_slice %arg10[%dma_start3A_205, %dma_start3A_206, %dma_start3A_207] : memref<2x125x128xf32, #tpu.memory_space<vmem>> -> memref<1x125x128xf32, #tpu.memory_space<vmem>>
      %dma_start3A_209 = tpu.memref_squeeze %dma_start3A_208 : memref<1x125x128xf32, #tpu.memory_space<vmem>> -> memref<125x128xf32, #tpu.memory_space<vmem>>
      %dma_start3A_210 = arith.constant 0 : i32
      %dma_start3A_211 = tpu.memref_slice %arg6[%add3A_191, %dma_start3A_210] : memref<80000x128xf32, #tpu.memory_space<hbm>> -> memref<125x128xf32, #tpu.memory_space<hbm>>
      %dma_start3A_212 = arith.constant 0 : i32
      %dma_start3A_213 = tpu.memref_slice %arg6[%add3A_191, %dma_start3A_212] : memref<80000x128xf32, #tpu.memory_space<hbm>> -> memref<125x128xf32, #tpu.memory_space<hbm>>
      %dma_start3A_214 = arith.constant 0 : i32
      %dma_start3A_215 = arith.constant 0 : i32
      %dma_start3A_216 = tpu.memref_slice %arg10[%dma_start3A_205, %dma_start3A_214, %dma_start3A_215] : memref<2x125x128xf32, #tpu.memory_space<vmem>> -> memref<1x125x128xf32, #tpu.memory_space<vmem>>
      %dma_start3A_217 = tpu.memref_squeeze %dma_start3A_216 : memref<1x125x128xf32, #tpu.memory_space<vmem>> -> memref<125x128xf32, #tpu.memory_space<vmem>>
      tpu.enqueue_dma source(%dma_start3A_217 : memref<125x128xf32, #tpu.memory_space<vmem>>) target(%dma_start3A_213 : memref<125x128xf32, #tpu.memory_space<hbm>>) target_semaphore(%arg18 : memref<!tpu.dma_semaphore, #tpu.memory_space<semaphore_mem>>)
    }
    %scan3A_32 = arith.constant 10 : i32
    %mul3A_33 = arith.constant 2500 : i32
    %mul3A_34 = arith.muli %add3A, %mul3A_33 : i32
    %add3A_35 = arith.constant 2250 : i32
    %add3A_36 = arith.addi %mul3A_34, %add3A_35 : i32
    %dma_wait3A = arith.constant 0 : i32
    %dma_wait3A_37 = arith.constant 0 : i32
    %dma_wait3A_38 = arith.constant 0 : i32
    %dma_wait3A_39 = tpu.memref_slice %arg9[%dma_wait3A, %dma_wait3A_37, %dma_wait3A_38] : memref<2x125x128xf32, #tpu.memory_space<vmem>> -> memref<1x125x128xf32, #tpu.memory_space<vmem>>
    %dma_wait3A_40 = tpu.memref_squeeze %dma_wait3A_39 : memref<1x125x128xf32, #tpu.memory_space<vmem>> -> memref<125x128xf32, #tpu.memory_space<vmem>>
    %dma_wait3A_41 = arith.constant 0 : i32
    %dma_wait3A_42 = tpu.memref_slice %arg5[%add3A_36, %dma_wait3A_41] : memref<80000x128xf32, #tpu.memory_space<hbm>> -> memref<125x128xf32, #tpu.memory_space<hbm>>
    %dma_wait3A_43 = arith.constant 0 : i32
    %dma_wait3A_44 = tpu.memref_slice %arg5[%add3A_36, %dma_wait3A_43] : memref<80000x128xf32, #tpu.memory_space<hbm>> -> memref<125x128xf32, #tpu.memory_space<hbm>>
    %dma_wait3A_45 = arith.constant 0 : i32
    %dma_wait3A_46 = arith.constant 0 : i32
    %dma_wait3A_47 = tpu.memref_slice %arg9[%dma_wait3A, %dma_wait3A_45, %dma_wait3A_46] : memref<2x125x128xf32, #tpu.memory_space<vmem>> -> memref<1x125x128xf32, #tpu.memory_space<vmem>>
    %dma_wait3A_48 = tpu.memref_squeeze %dma_wait3A_47 : memref<1x125x128xf32, #tpu.memory_space<vmem>> -> memref<125x128xf32, #tpu.memory_space<vmem>>
    tpu.wait_dma2 semaphore(%arg15 : memref<!tpu.dma_semaphore, #tpu.memory_space<semaphore_mem>>) src(%dma_wait3A_48 : memref<125x128xf32, #tpu.memory_space<vmem>>) dst(%dma_wait3A_44 : memref<125x128xf32, #tpu.memory_space<hbm>>)
    %dma_wait3A_49 = arith.constant 0 : i32
    %dma_wait3A_50 = arith.constant 0 : i32
    %dma_wait3A_51 = arith.constant 0 : i32
    %dma_wait3A_52 = tpu.memref_slice %arg10[%dma_wait3A_49, %dma_wait3A_50, %dma_wait3A_51] : memref<2x125x128xf32, #tpu.memory_space<vmem>> -> memref<1x125x128xf32, #tpu.memory_space<vmem>>
    %dma_wait3A_53 = tpu.memref_squeeze %dma_wait3A_52 : memref<1x125x128xf32, #tpu.memory_space<vmem>> -> memref<125x128xf32, #tpu.memory_space<vmem>>
    %dma_wait3A_54 = arith.constant 0 : i32
    %dma_wait3A_55 = tpu.memref_slice %arg6[%add3A_36, %dma_wait3A_54] : memref<80000x128xf32, #tpu.memory_space<hbm>> -> memref<125x128xf32, #tpu.memory_space<hbm>>
    %dma_wait3A_56 = arith.constant 0 : i32
    %dma_wait3A_57 = tpu.memref_slice %arg6[%add3A_36, %dma_wait3A_56] : memref<80000x128xf32, #tpu.memory_space<hbm>> -> memref<125x128xf32, #tpu.memory_space<hbm>>
    %dma_wait3A_58 = arith.constant 0 : i32
    %dma_wait3A_59 = arith.constant 0 : i32
    %dma_wait3A_60 = tpu.memref_slice %arg10[%dma_wait3A_49, %dma_wait3A_58, %dma_wait3A_59] : memref<2x125x128xf32, #tpu.memory_space<vmem>> -> memref<1x125x128xf32, #tpu.memory_space<vmem>>
    %dma_wait3A_61 = tpu.memref_squeeze %dma_wait3A_60 : memref<1x125x128xf32, #tpu.memory_space<vmem>> -> memref<125x128xf32, #tpu.memory_space<vmem>>
    tpu.wait_dma2 semaphore(%arg17 : memref<!tpu.dma_semaphore, #tpu.memory_space<semaphore_mem>>) src(%dma_wait3A_61 : memref<125x128xf32, #tpu.memory_space<vmem>>) dst(%dma_wait3A_57 : memref<125x128xf32, #tpu.memory_space<hbm>>)
    %mul3A_62 = arith.constant 2500 : i32
    %mul3A_63 = arith.muli %add3A, %mul3A_62 : i32
    %add3A_64 = arith.constant 2375 : i32
    %add3A_65 = arith.addi %mul3A_63, %add3A_64 : i32
    %dma_wait3A_66 = arith.constant 1 : i32
    %dma_wait3A_67 = arith.constant 0 : i32
    %dma_wait3A_68 = arith.constant 0 : i32
    %dma_wait3A_69 = tpu.memref_slice %arg9[%dma_wait3A_66, %dma_wait3A_67, %dma_wait3A_68] : memref<2x125x128xf32, #tpu.memory_space<vmem>> -> memref<1x125x128xf32, #tpu.memory_space<vmem>>
    %dma_wait3A_70 = tpu.memref_squeeze %dma_wait3A_69 : memref<1x125x128xf32, #tpu.memory_space<vmem>> -> memref<125x128xf32, #tpu.memory_space<vmem>>
    %dma_wait3A_71 = arith.constant 0 : i32
    %dma_wait3A_72 = tpu.memref_slice %arg5[%add3A_65, %dma_wait3A_71] : memref<80000x128xf32, #tpu.memory_space<hbm>> -> memref<125x128xf32, #tpu.memory_space<hbm>>
    %dma_wait3A_73 = arith.constant 0 : i32
    %dma_wait3A_74 = tpu.memref_slice %arg5[%add3A_65, %dma_wait3A_73] : memref<80000x128xf32, #tpu.memory_space<hbm>> -> memref<125x128xf32, #tpu.memory_space<hbm>>
    %dma_wait3A_75 = arith.constant 0 : i32
    %dma_wait3A_76 = arith.constant 0 : i32
    %dma_wait3A_77 = tpu.memref_slice %arg9[%dma_wait3A_66, %dma_wait3A_75, %dma_wait3A_76] : memref<2x125x128xf32, #tpu.memory_space<vmem>> -> memref<1x125x128xf32, #tpu.memory_space<vmem>>
    %dma_wait3A_78 = tpu.memref_squeeze %dma_wait3A_77 : memref<1x125x128xf32, #tpu.memory_space<vmem>> -> memref<125x128xf32, #tpu.memory_space<vmem>>
    tpu.wait_dma2 semaphore(%arg16 : memref<!tpu.dma_semaphore, #tpu.memory_space<semaphore_mem>>) src(%dma_wait3A_78 : memref<125x128xf32, #tpu.memory_space<vmem>>) dst(%dma_wait3A_74 : memref<125x128xf32, #tpu.memory_space<hbm>>)
    %dma_wait3A_79 = arith.constant 1 : i32
    %dma_wait3A_80 = arith.constant 0 : i32
    %dma_wait3A_81 = arith.constant 0 : i32
    %dma_wait3A_82 = tpu.memref_slice %arg10[%dma_wait3A_79, %dma_wait3A_80, %dma_wait3A_81] : memref<2x125x128xf32, #tpu.memory_space<vmem>> -> memref<1x125x128xf32, #tpu.memory_space<vmem>>
    %dma_wait3A_83 = tpu.memref_squeeze %dma_wait3A_82 : memref<1x125x128xf32, #tpu.memory_space<vmem>> -> memref<125x128xf32, #tpu.memory_space<vmem>>
    %dma_wait3A_84 = arith.constant 0 : i32
    %dma_wait3A_85 = tpu.memref_slice %arg6[%add3A_65, %dma_wait3A_84] : memref<80000x128xf32, #tpu.memory_space<hbm>> -> memref<125x128xf32, #tpu.memory_space<hbm>>
    %dma_wait3A_86 = arith.constant 0 : i32
    %dma_wait3A_87 = tpu.memref_slice %arg6[%add3A_65, %dma_wait3A_86] : memref<80000x128xf32, #tpu.memory_space<hbm>> -> memref<125x128xf32, #tpu.memory_space<hbm>>
    %dma_wait3A_88 = arith.constant 0 : i32
    %dma_wait3A_89 = arith.constant 0 : i32
    %dma_wait3A_90 = tpu.memref_slice %arg10[%dma_wait3A_79, %dma_wait3A_88, %dma_wait3A_89] : memref<2x125x128xf32, #tpu.memory_space<vmem>> -> memref<1x125x128xf32, #tpu.memory_space<vmem>>
    %dma_wait3A_91 = tpu.memref_squeeze %dma_wait3A_90 : memref<1x125x128xf32, #tpu.memory_space<vmem>> -> memref<125x128xf32, #tpu.memory_space<vmem>>
    tpu.wait_dma2 semaphore(%arg18 : memref<!tpu.dma_semaphore, #tpu.memory_space<semaphore_mem>>) src(%dma_wait3A_91 : memref<125x128xf32, #tpu.memory_space<vmem>>) dst(%dma_wait3A_87 : memref<125x128xf32, #tpu.memory_space<hbm>>)
    return
  }
}

module attributes {stable_mosaic.version = 14 : i64} {
  func.func @_dinv_body(%arg0: i32, %arg1: memref<32x1024xf32, #tpu.memory_space<vmem>>, %arg2: memref<1024xf32, #tpu.memory_space<vmem>>) attributes {dimension_semantics = [#tpu.dimension_semantics<arbitrary>], iteration_bounds = array<i64: 10>, scalar_prefetch = 0 : i64, scratch_operands = 0 : i64, tpu.core_type = #tpu.core_type<tc>, window_params = [{transform_indices = @transform_0, window_bounds = array<i64: 32, 1024>}, {transform_indices = @transform_1, window_bounds = array<i64: 1024>}]} {
    %get3A = arith.constant 0 : index
    %get3A_0 = arith.constant 0 : index
    %get3A_1 = vector.load %arg1[%get3A, %get3A_0] : memref<32x1024xf32, #tpu.memory_space<vmem>>, vector<32x1024xf32>
    %reduce_sum3A = arith.constant dense<0.000000e+00> : vector<1024xf32>
    %reduce_sum3A_2 = vector.multi_reduction <add>, %get3A_1, %reduce_sum3A [0] : vector<32x1024xf32> to vector<1024xf32>
    %add3A = arith.constant 1.000000e+00 : f32
    %add3A_3 = vector.broadcast %add3A : f32 to vector<1024xf32>
    %add3A_4 = arith.addf %reduce_sum3A_2, %add3A_3 : vector<1024xf32>
    %rsqrt3A = math.rsqrt %add3A_4 : vector<1024xf32>
    %swap3A = arith.constant 0 : index
    %swap3A_5 = vector.load %arg2[%swap3A] : memref<1024xf32, #tpu.memory_space<vmem>>, vector<1024xf32>
    tpu.vector_store %arg2[%swap3A], %rsqrt3A {strides = array<i32>} : memref<1024xf32, #tpu.memory_space<vmem>>, vector<1024xf32>,
    return
  }
  func.func @transform_0(%arg0: i32) -> (i32, i32) {
    %c0_i32 = arith.constant 0 : i32
    %c0_i32_0 = arith.constant 0 : i32
    return %c0_i32, %arg0 : i32, i32
  }
  func.func @transform_1(%arg0: i32) -> i32 {
    %c0_i32 = arith.constant 0 : i32
    return %arg0 : i32
  }
}

module attributes {stable_mosaic.version = 14 : i64} {
  func.func @_y_body(%arg0: i32, %arg1: memref<400x128xf32, #tpu.memory_space<vmem>>, %arg2: memref<128x128xf32, #tpu.memory_space<vmem>>, %arg3: memref<400x1xf32, #tpu.memory_space<vmem>>, %arg4: memref<400x128xf32, #tpu.memory_space<vmem>>) attributes {dimension_semantics = [#tpu.dimension_semantics<arbitrary>], iteration_bounds = array<i64: 25>, scalar_prefetch = 0 : i64, scratch_operands = 0 : i64, tpu.core_type = #tpu.core_type<tc>, window_params = [{transform_indices = @transform_0, window_bounds = array<i64: 400, 128>}, {pipeline_mode = #tpu.pipeline_mode<synchronous>, transform_indices = @transform_1, window_bounds = array<i64: 128, 128>}, {transform_indices = @transform_2, window_bounds = array<i64: 400, 1>}, {transform_indices = @transform_3, window_bounds = array<i64: 400, 128>}]} {
    %get3A = arith.constant 0 : index
    %get3A_0 = arith.constant 0 : index
    %get3A_1 = vector.load %arg1[%get3A, %get3A_0] : memref<400x128xf32, #tpu.memory_space<vmem>>, vector<400x128xf32>
    %get3A_2 = arith.constant 0 : index
    %get3A_3 = arith.constant 0 : index
    %get3A_4 = vector.load %arg2[%get3A_2, %get3A_3] : memref<128x128xf32, #tpu.memory_space<vmem>>, vector<128x128xf32>
    %dot_general3A = arith.constant dense<0.000000e+00> : vector<400x128xf32>
    %dot_general3A_5 = tpu.matmul %get3A_1, %get3A_4, %dot_general3A {dimension_numbers = #tpu.dot_dimension_numbers<[1], [0], [0], [1], [0, 0, 1, 1], [], []>, transpose_lhs_hint = false} : vector<400x128xf32>, vector<128x128xf32>, vector<400x128xf32> -> vector<400x128xf32>
    %get3A_6 = arith.constant 0 : index
    %get3A_7 = arith.constant 0 : index
    %get3A_8 = vector.load %arg3[%get3A_6, %get3A_7] : memref<400x1xf32, #tpu.memory_space<vmem>>, vector<400x1xf32>
    %mul3A = vector.broadcast %get3A_8 : vector<400x1xf32> to vector<400x128xf32>
    %mul3A_9 = arith.mulf %dot_general3A_5, %mul3A : vector<400x128xf32>
    %swap3A = arith.constant 0 : index
    %swap3A_10 = arith.constant 0 : index
    %swap3A_11 = vector.load %arg4[%swap3A, %swap3A_10] : memref<400x128xf32, #tpu.memory_space<vmem>>, vector<400x128xf32>
    tpu.vector_store %arg4[%swap3A, %swap3A_10], %mul3A_9 {strides = array<i32>} : memref<400x128xf32, #tpu.memory_space<vmem>>, vector<400x128xf32>,
    return
  }
  func.func @transform_0(%arg0: i32) -> (i32, i32) {
    %c0_i32 = arith.constant 0 : i32
    %c0_i32_0 = arith.constant 0 : i32
    return %arg0, %c0_i32 : i32, i32
  }
  func.func @transform_1(%arg0: i32) -> (i32, i32) {
    %c0_i32 = arith.constant 0 : i32
    %c0_i32_0 = arith.constant 0 : i32
    %c0_i32_1 = arith.constant 0 : i32
    return %c0_i32, %c0_i32_0 : i32, i32
  }
  func.func @transform_2(%arg0: i32) -> (i32, i32) {
    %c0_i32 = arith.constant 0 : i32
    %c0_i32_0 = arith.constant 0 : i32
    return %arg0, %c0_i32 : i32, i32
  }
  func.func @transform_3(%arg0: i32) -> (i32, i32) {
    %c0_i32 = arith.constant 0 : i32
    %c0_i32_0 = arith.constant 0 : i32
    return %arg0, %c0_i32 : i32, i32
  }
}

module attributes {stable_mosaic.version = 14 : i64} {
  func.func @_layer1_body(%arg0: i32, %arg1: memref<2x400x128xf32, #tpu.memory_space<vmem>>, %arg2: memref<400x128xf32, #tpu.memory_space<vmem>>, %arg3: memref<400x1xf32, #tpu.memory_space<vmem>>, %arg4: memref<1x128xf32, #tpu.memory_space<vmem>>, %arg5: memref<128x128xf32, #tpu.memory_space<vmem>>, %arg6: memref<400x128xf32, #tpu.memory_space<vmem>>) attributes {dimension_semantics = [#tpu.dimension_semantics<arbitrary>], iteration_bounds = array<i64: 25>, scalar_prefetch = 0 : i64, scratch_operands = 0 : i64, tpu.core_type = #tpu.core_type<tc>, window_params = [{transform_indices = @transform_0, window_bounds = array<i64: 2, 400, 128>}, {transform_indices = @transform_1, window_bounds = array<i64: 400, 128>}, {transform_indices = @transform_2, window_bounds = array<i64: 400, 1>}, {pipeline_mode = #tpu.pipeline_mode<synchronous>, transform_indices = @transform_3, window_bounds = array<i64: 1, 128>}, {pipeline_mode = #tpu.pipeline_mode<synchronous>, transform_indices = @transform_4, window_bounds = array<i64: 128, 128>}, {transform_indices = @transform_5, window_bounds = array<i64: 400, 128>}]} {
    %get3A = arith.constant 0 : index
    %get3A_0 = arith.constant 0 : index
    %get3A_1 = arith.constant 0 : index
    %get3A_2 = vector.load %arg1[%get3A, %get3A_0, %get3A_1] : memref<2x400x128xf32, #tpu.memory_space<vmem>>, vector<1x400x128xf32>
    %get3A_3 = vector.shape_cast %get3A_2 : vector<1x400x128xf32> to vector<400x128xf32>
    %get3A_4 = arith.constant 1 : index
    %get3A_5 = arith.constant 0 : index
    %get3A_6 = arith.constant 0 : index
    %get3A_7 = vector.load %arg1[%get3A_4, %get3A_5, %get3A_6] : memref<2x400x128xf32, #tpu.memory_space<vmem>>, vector<1x400x128xf32>
    %get3A_8 = vector.shape_cast %get3A_7 : vector<1x400x128xf32> to vector<400x128xf32>
    %add3A = arith.addf %get3A_3, %get3A_8 : vector<400x128xf32>
    %get3A_9 = arith.constant 0 : index
    %get3A_10 = arith.constant 0 : index
    %get3A_11 = vector.load %arg3[%get3A_9, %get3A_10] : memref<400x1xf32, #tpu.memory_space<vmem>>, vector<400x1xf32>
    %get3A_12 = arith.constant 0 : index
    %get3A_13 = arith.constant 0 : index
    %get3A_14 = vector.load %arg2[%get3A_12, %get3A_13] : memref<400x128xf32, #tpu.memory_space<vmem>>, vector<400x128xf32>
    %add3A_15 = arith.addf %add3A, %get3A_14 : vector<400x128xf32>
    %mul3A = vector.broadcast %get3A_11 : vector<400x1xf32> to vector<400x128xf32>
    %mul3A_16 = arith.mulf %mul3A, %add3A_15 : vector<400x128xf32>
    %get3A_17 = arith.constant 0 : index
    %get3A_18 = arith.constant 0 : index
    %get3A_19 = vector.load %arg4[%get3A_17, %get3A_18] : memref<1x128xf32, #tpu.memory_space<vmem>>, vector<1x128xf32>
    %add3A_20 = vector.broadcast %get3A_19 : vector<1x128xf32> to vector<400x128xf32>
    %add3A_21 = arith.addf %mul3A_16, %add3A_20 : vector<400x128xf32>
    %max3A = arith.constant 0.000000e+00 : f32
    %max3A_22 = vector.broadcast %max3A : f32 to vector<400x128xf32>
    %max3A_23 = arith.maximumf %add3A_21, %max3A_22 : vector<400x128xf32>
    %get3A_24 = arith.constant 0 : index
    %get3A_25 = arith.constant 0 : index
    %get3A_26 = vector.load %arg5[%get3A_24, %get3A_25] : memref<128x128xf32, #tpu.memory_space<vmem>>, vector<128x128xf32>
    %dot_general3A = arith.constant dense<0.000000e+00> : vector<400x128xf32>
    %dot_general3A_27 = tpu.matmul %max3A_23, %get3A_26, %dot_general3A {dimension_numbers = #tpu.dot_dimension_numbers<[1], [0], [0], [1], [0, 0, 1, 1], [], []>, transpose_lhs_hint = false} : vector<400x128xf32>, vector<128x128xf32>, vector<400x128xf32> -> vector<400x128xf32>
    %get3A_28 = arith.constant 0 : index
    %get3A_29 = arith.constant 0 : index
    %get3A_30 = vector.load %arg3[%get3A_28, %get3A_29] : memref<400x1xf32, #tpu.memory_space<vmem>>, vector<400x1xf32>
    %mul3A_31 = vector.broadcast %get3A_30 : vector<400x1xf32> to vector<400x128xf32>
    %mul3A_32 = arith.mulf %dot_general3A_27, %mul3A_31 : vector<400x128xf32>
    %swap3A = arith.constant 0 : index
    %swap3A_33 = arith.constant 0 : index
    %swap3A_34 = vector.load %arg6[%swap3A, %swap3A_33] : memref<400x128xf32, #tpu.memory_space<vmem>>, vector<400x128xf32>
    tpu.vector_store %arg6[%swap3A, %swap3A_33], %mul3A_32 {strides = array<i32>} : memref<400x128xf32, #tpu.memory_space<vmem>>, vector<400x128xf32>,
    return
  }
  func.func @transform_0(%arg0: i32) -> (i32, i32, i32) {
    %c0_i32 = arith.constant 0 : i32
    %c0_i32_0 = arith.constant 0 : i32
    %c0_i32_1 = arith.constant 0 : i32
    return %c0_i32, %arg0, %c0_i32_0 : i32, i32, i32
  }
  func.func @transform_1(%arg0: i32) -> (i32, i32) {
    %c0_i32 = arith.constant 0 : i32
    %c0_i32_0 = arith.constant 0 : i32
    return %arg0, %c0_i32 : i32, i32
  }
  func.func @transform_2(%arg0: i32) -> (i32, i32) {
    %c0_i32 = arith.constant 0 : i32
    %c0_i32_0 = arith.constant 0 : i32
    return %arg0, %c0_i32 : i32, i32
  }
  func.func @transform_3(%arg0: i32) -> (i32, i32) {
    %c0_i32 = arith.constant 0 : i32
    %c0_i32_0 = arith.constant 0 : i32
    %c0_i32_1 = arith.constant 0 : i32
    return %c0_i32, %c0_i32_0 : i32, i32
  }
  func.func @transform_4(%arg0: i32) -> (i32, i32) {
    %c0_i32 = arith.constant 0 : i32
    %c0_i32_0 = arith.constant 0 : i32
    %c0_i32_1 = arith.constant 0 : i32
    return %c0_i32, %c0_i32_0 : i32, i32
  }
  func.func @transform_5(%arg0: i32) -> (i32, i32) {
    %c0_i32 = arith.constant 0 : i32
    %c0_i32_0 = arith.constant 0 : i32
    return %arg0, %c0_i32 : i32, i32
  }
}

module attributes {stable_mosaic.version = 14 : i64} {
  func.func @_layer2_body(%arg0: i32, %arg1: memref<2x400x128xf32, #tpu.memory_space<vmem>>, %arg2: memref<400x128xf32, #tpu.memory_space<vmem>>, %arg3: memref<400x1xf32, #tpu.memory_space<vmem>>, %arg4: memref<1x128xf32, #tpu.memory_space<vmem>>, %arg5: memref<400x128xf32, #tpu.memory_space<vmem>>) attributes {dimension_semantics = [#tpu.dimension_semantics<arbitrary>], iteration_bounds = array<i64: 25>, scalar_prefetch = 0 : i64, scratch_operands = 0 : i64, tpu.core_type = #tpu.core_type<tc>, window_params = [{transform_indices = @transform_0, window_bounds = array<i64: 2, 400, 128>}, {transform_indices = @transform_1, window_bounds = array<i64: 400, 128>}, {transform_indices = @transform_2, window_bounds = array<i64: 400, 1>}, {pipeline_mode = #tpu.pipeline_mode<synchronous>, transform_indices = @transform_3, window_bounds = array<i64: 1, 128>}, {transform_indices = @transform_4, window_bounds = array<i64: 400, 128>}]} {
    %get3A = arith.constant 0 : index
    %get3A_0 = arith.constant 0 : index
    %get3A_1 = arith.constant 0 : index
    %get3A_2 = vector.load %arg1[%get3A, %get3A_0, %get3A_1] : memref<2x400x128xf32, #tpu.memory_space<vmem>>, vector<1x400x128xf32>
    %get3A_3 = vector.shape_cast %get3A_2 : vector<1x400x128xf32> to vector<400x128xf32>
    %get3A_4 = arith.constant 1 : index
    %get3A_5 = arith.constant 0 : index
    %get3A_6 = arith.constant 0 : index
    %get3A_7 = vector.load %arg1[%get3A_4, %get3A_5, %get3A_6] : memref<2x400x128xf32, #tpu.memory_space<vmem>>, vector<1x400x128xf32>
    %get3A_8 = vector.shape_cast %get3A_7 : vector<1x400x128xf32> to vector<400x128xf32>
    %add3A = arith.addf %get3A_3, %get3A_8 : vector<400x128xf32>
    %get3A_9 = arith.constant 0 : index
    %get3A_10 = arith.constant 0 : index
    %get3A_11 = vector.load %arg3[%get3A_9, %get3A_10] : memref<400x1xf32, #tpu.memory_space<vmem>>, vector<400x1xf32>
    %get3A_12 = arith.constant 0 : index
    %get3A_13 = arith.constant 0 : index
    %get3A_14 = vector.load %arg2[%get3A_12, %get3A_13] : memref<400x128xf32, #tpu.memory_space<vmem>>, vector<400x128xf32>
    %add3A_15 = arith.addf %add3A, %get3A_14 : vector<400x128xf32>
    %mul3A = vector.broadcast %get3A_11 : vector<400x1xf32> to vector<400x128xf32>
    %mul3A_16 = arith.mulf %mul3A, %add3A_15 : vector<400x128xf32>
    %get3A_17 = arith.constant 0 : index
    %get3A_18 = arith.constant 0 : index
    %get3A_19 = vector.load %arg4[%get3A_17, %get3A_18] : memref<1x128xf32, #tpu.memory_space<vmem>>, vector<1x128xf32>
    %add3A_20 = vector.broadcast %get3A_19 : vector<1x128xf32> to vector<400x128xf32>
    %add3A_21 = arith.addf %mul3A_16, %add3A_20 : vector<400x128xf32>
    %swap3A = arith.constant 0 : index
    %swap3A_22 = arith.constant 0 : index
    %swap3A_23 = vector.load %arg5[%swap3A, %swap3A_22] : memref<400x128xf32, #tpu.memory_space<vmem>>, vector<400x128xf32>
    tpu.vector_store %arg5[%swap3A, %swap3A_22], %add3A_21 {strides = array<i32>} : memref<400x128xf32, #tpu.memory_space<vmem>>, vector<400x128xf32>,
    return
  }
  func.func @transform_0(%arg0: i32) -> (i32, i32, i32) {
    %c0_i32 = arith.constant 0 : i32
    %c0_i32_0 = arith.constant 0 : i32
    %c0_i32_1 = arith.constant 0 : i32
    return %c0_i32, %arg0, %c0_i32_0 : i32, i32, i32
  }
  func.func @transform_1(%arg0: i32) -> (i32, i32) {
    %c0_i32 = arith.constant 0 : i32
    %c0_i32_0 = arith.constant 0 : i32
    return %arg0, %c0_i32 : i32, i32
  }
  func.func @transform_2(%arg0: i32) -> (i32, i32) {
    %c0_i32 = arith.constant 0 : i32
    %c0_i32_0 = arith.constant 0 : i32
    return %arg0, %c0_i32 : i32, i32
  }
  func.func @transform_3(%arg0: i32) -> (i32, i32) {
    %c0_i32 = arith.constant 0 : i32
    %c0_i32_0 = arith.constant 0 : i32
    %c0_i32_1 = arith.constant 0 : i32
    return %c0_i32, %c0_i32_0 : i32, i32
  }
  func.func @transform_4(%arg0: i32) -> (i32, i32) {
    %c0_i32 = arith.constant 0 : i32
    %c0_i32_0 = arith.constant 0 : i32
    return %arg0, %c0_i32 : i32, i32
  }
}

module attributes {stable_mosaic.version = 14 : i64} {
  func.func @_rowdot_body(%arg0: i32, %arg1: memref<2048x128xf32, #tpu.memory_space<vmem>>, %arg2: memref<2048x128xf32, #tpu.memory_space<vmem>>, %arg3: memref<2048xf32, #tpu.memory_space<vmem>>) attributes {dimension_semantics = [#tpu.dimension_semantics<arbitrary>], iteration_bounds = array<i64: 40>, scalar_prefetch = 0 : i64, scratch_operands = 0 : i64, tpu.core_type = #tpu.core_type<tc>, window_params = [{transform_indices = @transform_0, window_bounds = array<i64: 2048, 128>}, {transform_indices = @transform_1, window_bounds = array<i64: 2048, 128>}, {transform_indices = @transform_2, window_bounds = array<i64: 2048>}]} {
    %get3A = arith.constant 0 : index
    %get3A_0 = arith.constant 0 : index
    %get3A_1 = vector.load %arg1[%get3A, %get3A_0] : memref<2048x128xf32, #tpu.memory_space<vmem>>, vector<2048x128xf32>
    %get3A_2 = arith.constant 0 : index
    %get3A_3 = arith.constant 0 : index
    %get3A_4 = vector.load %arg2[%get3A_2, %get3A_3] : memref<2048x128xf32, #tpu.memory_space<vmem>>, vector<2048x128xf32>
    %mul3A = arith.mulf %get3A_1, %get3A_4 : vector<2048x128xf32>
    %reduce_sum3A = arith.constant dense<0.000000e+00> : vector<2048xf32>
    %reduce_sum3A_5 = vector.multi_reduction <add>, %mul3A, %reduce_sum3A [1] : vector<2048x128xf32> to vector<2048xf32>
    %swap3A = arith.constant 0 : index
    %swap3A_6 = vector.load %arg3[%swap3A] : memref<2048xf32, #tpu.memory_space<vmem>>, vector<2048xf32>
    tpu.vector_store %arg3[%swap3A], %reduce_sum3A_5 {strides = array<i32>} : memref<2048xf32, #tpu.memory_space<vmem>>, vector<2048xf32>,
    return
  }
  func.func @transform_0(%arg0: i32) -> (i32, i32) {
    %c0_i32 = arith.constant 0 : i32
    %c0_i32_0 = arith.constant 0 : i32
    return %arg0, %c0_i32 : i32, i32
  }
  func.func @transform_1(%arg0: i32) -> (i32, i32) {
    %c0_i32 = arith.constant 0 : i32
    %c0_i32_0 = arith.constant 0 : i32
    return %arg0, %c0_i32 : i32, i32
  }
  func.func @transform_2(%arg0: i32) -> i32 {
    %c0_i32 = arith.constant 0 : i32
    return %arg0 : i32
  }
}

</mosaic_0001>

<sc_bundles>
// kernel: kernel.17.cloned.1.call-start
scs
__scs_entry_jumppad:
0x0: {  	(pc) =	sbr.rel $0x88, $3  }
0x1: {  	(tag) =	ssettag $0x0;
	lr =	simm.s32 $0x1  }
0x2: {  	[smem:$0x3F9B] =	sst lr;
	_ =	strace $0xD0000000  }
0x3: {  	_ = 	snop  }
0x4: {  	_ = 	snop  }
0x5: {  	_ = 	snop  }
0x6: {  	_ = 	snop  }
0x7: {  	_ = 	snop  }
__scs_overlays_trampoline_lowered:
0x8: {  	[smem:$0x3FAA] =	sst s0  }
0x9: {  	[smem:$0x3FAB] =	sst s1  }
0xa: {  	[smem:$0x3FAC] =	sst s2  }
0xb: {  	[smem:$0x3FAD] =	sst s3  }
0xc: {  	[smem:$0x3FAE] =	sst s4  }
0xd: {  	[smem:$0x3FAF] =	sst s5  }
0xe: {  	[smem:$0x3FB0] =	sst s6  }
0xf: {  	[smem:$0x3FB1] =	sst s7  }
0x10: {  	[smem:$0x3FB2] =	sst s8  }
0x11: {  	[smem:$0x3FB3] =	sst s9;
	s0 =	simm.s32 @!p0 $0x0  }
0x12: {  	s1 =	sld [smem:$0x3F99];
	s0 =	simm.s32 @p0 $0x1  }
0x13: {  	[smem:$0x3FB4] =	sst s0;
	s0 =	simm.s32 @!p1 $0x0  }
0x14: {  	s2 =	sld [smem:$0x3F98];
	s0 =	simm.s32 @p1 $0x1  }
0x15: {  	[smem:$0x3FB5] =	sst s0;
	s0 =	simm.s32 @!p2 $0x0  }
0x16: {  	s3 =	sld [smem:$0x3FDB];
	s0 =	simm.s32 @p2 $0x1  }
0x17: {  	s4 =	simm.s32 $0x1BF5;
	[smem:$0x3FB7] =	sst s0  }
0x18: {  	s0 =	sld [smem:$0x3F9A];
	_ =	swait.ge [sflag:s4], $0x0  }
0x19: {  	s7 =	sld [smem:$0x3F9B]  }
0x1a: {  	s8 =	sadd.s32 $0xFFFFE003, lr  }
0x1b: {  	s9 =	sadd.s32 $0xFFFFFEF7, lr;
	s5 =	simm.s32 $0xFFFFFFFF;
	p2 =	slt.u32 s8, $0xFFFFF086  }
0x1c: {  	p1 =	slt.u32 s9, $0xF7A;
	s5 =	simm.s32 @!p2 $0x0  }
0x1d: {  	s5 =	simm.s32 @p1 $0x1;
	p0 =	seq.s32 s7, s2  }
0x1e: {  	s7 =	smul.u32 @!p0 $0xF7A, s2;
	p2 =	seq.s32 @!p0 s5, $0x0  }
0x1f: {  	s9 =	smul.u32 $0xF7A, s1;
	s8 =	simm.s32 @!p0 $0x1BF5;
	p2 =	por !p2, p0  }
0x20: {  	[sflag:s8] =	ssyncset.s32 @!p0 $0xFFFFF086;
	s6 =	sadd.s32 @!p0 s3, s7;
	s7 =	simm.s32 @!p0 $0x108  }
0x21: {  	s3 =	sadd.s32 s3, s9;
	s6 =	sadd.s32 @!p0 $0x88, s6;
	s7 =	simm.s32 @p2 $0x1082  }
0x22: {  	[simem:s7], [sflag:s8] =	dma.local @!p0 [hbm:s6], $0xF7A  }
0x23: {  	s9 =	sor.u32 $0xD0000000, s2;
	s6 =	simm.s32 $0x108;
	_ =	swait.ge @!p0 [sflag:s8], $0x0  }
0x24: {  	s3 =	sadd.s32 $0x88, s3;
	s6 =	simm.s32 @!p1 $0x1082;
	[sflag:s4] =	ssyncset.s32 $0xFFFFF086  }
0x25: {  	[simem:s6], [sflag:s4] =	dma.local [hbm:s3], $0xF7A  }
0x26: {  	[smem:$0x3F9B] =	sst s1;
	(tag) =	ssettag s2;
	_ =	strace s9  }
0x27: {  	s1 =	sld [smem:$0x3FAB]  }
0x28: {  	s2 =	sld [smem:$0x3FAC]  }
0x29: {  	s4 =	sld [smem:$0x3FAE]  }
0x2a: {  	p0 =	seq.s32 s5, $0x0;
	s5 =	sld [smem:$0x3FAF]  }
0x2b: {  	s6 =	sld [smem:$0x3FB0]  }
0x2c: {  	s7 =	sld [smem:$0x3FB1]  }
0x2d: {  	s3 =	simm.s32 $0x108;
	s8 =	sld [smem:$0x3FB2]  }
0x2e: {  	s3 =	simm.s32 @!p0 $0x1082;
	s9 =	sld [smem:$0x3FB3]  }
0x2f: {  	lr =	sadd.s32 s0, s3;
	s0 =	sld [smem:$0x3FAA]  }
0x30: {  	s3 =	sld [smem:$0x3FAD]  }
0x31: {  	[smem:$0x3FB6] =	sst s10  }
0x32: {  	s10 =	sld [smem:$0x3FB4];
	_ =	sdelay $0x3  }
0x33: {  	p0 =	seq.s32 s10, $0x1;
	s10 =	sld [smem:$0x3FB6];
	_ =	sdelay $0x3  }
0x34: {  	[smem:$0x3FB6] =	sst s10  }
0x35: {  	s10 =	sld [smem:$0x3FB5];
	_ =	sdelay $0x3  }
0x36: {  	p1 =	seq.s32 s10, $0x1;
	s10 =	sld [smem:$0x3FB6];
	_ =	sdelay $0x3  }
0x37: {  	[smem:$0x3FB6] =	sst s10  }
0x38: {  	s10 =	sld [smem:$0x3FB7]  }
0x39: {  	_ = 	snop;
	(pc) =	sbr.ind lr, $3  }
0x3a: {  	_ = 	snop  }
0x3b: {  	_ = 	snop  }
0x3c: {  	p2 =	seq.s32 s10, $0x1;
	s10 =	sld [smem:$0x3FB6]  }
0x3d: {  	_ =	shalt  }
0x3e: {  	_ =	shalt  }
0x3f: {  	_ =	shalt  }
0x40: {  	_ =	shalt  }
0x41: {  	_ =	shalt  }
0x42: {  	_ =	shalt  }
0x43: {  	_ =	shalt  }
0x44: {  	_ =	shalt  }
0x45: {  	_ =	shalt  }
0x46: {  	_ =	shalt  }
0x47: {  	_ =	shalt  }
0x48: {  	_ =	shalt  }
0x49: {  	_ =	shalt  }
0x4a: {  	_ =	shalt  }
0x4b: {  	_ =	shalt  }
0x4c: {  	_ =	shalt  }
0x4d: {  	_ =	shalt  }
0x4e: {  	_ =	shalt  }
0x4f: {  	_ =	shalt  }
0x50: {  	_ =	shalt  }
0x51: {  	_ =	shalt  }
0x52: {  	_ =	shalt  }
0x53: {  	_ =	shalt  }
0x54: {  	_ =	shalt  }
0x55: {  	_ =	shalt  }
0x56: {  	_ =	shalt  }
0x57: {  	_ =	shalt  }
0x58: {  	_ =	shalt  }
0x59: {  	_ =	shalt  }
0x5a: {  	_ =	shalt  }
0x5b: {  	_ =	shalt  }
0x5c: {  	_ =	shalt  }
0x5d: {  	_ =	shalt  }
0x5e: {  	_ =	shalt  }
0x5f: {  	_ =	shalt  }
0x60: {  	_ =	shalt  }
0x61: {  	_ =	shalt  }
0x62: {  	_ =	shalt  }
0x63: {  	_ =	shalt  }
0x64: {  	_ =	shalt  }
0x65: {  	_ =	shalt  }
0x66: {  	_ =	shalt  }
0x67: {  	_ =	shalt  }
0x68: {  	_ =	shalt  }
0x69: {  	_ =	shalt  }
0x6a: {  	_ =	shalt  }
0x6b: {  	_ =	shalt  }
0x6c: {  	_ =	shalt  }
0x6d: {  	_ =	shalt  }
0x6e: {  	_ =	shalt  }
0x6f: {  	_ =	shalt  }
0x70: {  	_ =	shalt  }
0x71: {  	_ =	shalt  }
0x72: {  	_ =	shalt  }
0x73: {  	_ =	shalt  }
0x74: {  	_ =	shalt  }
0x75: {  	_ =	shalt  }
0x76: {  	_ =	shalt  }
0x77: {  	_ =	shalt  }
0x78: {  	_ =	shalt  }
0x79: {  	_ =	shalt  }
0x7a: {  	_ =	shalt  }
0x7b: {  	_ =	shalt  }
0x7c: {  	_ =	shalt  }
0x7d: {  	_ =	shalt  }
0x7e: {  	_ =	shalt  }
0x7f: {  	_ =	shalt  }
0x80: {  	_ =	shalt  }
0x81: {  	_ =	shalt  }
0x82: {  	_ =	shalt  }
0x83: {  	_ =	shalt  }
0x84: {  	_ =	shalt  }
0x85: {  	_ =	shalt  }
0x86: {  	_ =	shalt  }
0x87: {  	_ =	shalt  }
.Lfunc_end0:
.L_simem_size_0:
called_computation_lowered:
.L_overlay_start_0:
0x88: {  	s2 =	sld [smem:$0x3FD9]  }
0x89: {  	s3 =	sld [smem:$0x3FFE];
	_ =	sdelay $0x1  }
0x8a: {  	s1 =	srdreg.scid  }
0x8b: {  	s0 =	sand.u32 $0x1, s1  }
0x8c: {  	s17 =	sshll.u32 s0, $0xA;
	s2 =	sadd.s32 s3, s2  }
0x8d: {  	s2 =	sadd.s32 s2, s17  }
0x8e: {  	[smem:$0x3FC2] =	sst s2  }
0x8f: {  	_ = 	snop  }
0x90: {  	s2 =	sld [smem:$0x3FD0];
	(tm) =	ssettm $0x1  }
0x91: {  	s18 =	sld [smem:$0x3FFB];
	_ =	sdelay $0x3  }
0x92: {  	_ =	strace s18  }
0x93: {  	s3 =	sld [smem:$0x3FFC];
	_ =	sdelay $0x3  }
0x94: {  	_ =	strace s3  }
0x95: {  	s3 =	sld [smem:$0x3FFD];
	_ =	sdelay $0x3  }
0x96: {  	_ =	strace s3  }
0x97: {  	_ =	strace $0x8FFFFFFF  }
0x98: {  	s19 =	sld [smem:$0x3FDB];
	_ =	sdelay $0x1  }
0x99: {  	s4 =	simm.s32 $_scs_section_size  }
0x9a: {  	s5 =	simm.s32 $_size__tile_overlayer_lowered;
	s6 =	simm.s32 $_tile_overlayer_lowered  }
0x9b: {  	s22 =	simm.s32 $0x1BFF;
	s21 =	sshll.u32 s6, $0x1;
	s3 =	sadd.s32 s4, s19  }
0x9c: {  	s7 =	simm.s32 $0x0;
	s20 =	sshll.u32 s5, $0x1;
	s5 =	sadd.s32 s21, s3  }
0x9d: {  	[timem:s7], [sflag:s22] =	dma.local [hbm:s5], s20  }
0x9e: {  	_ =	swait.ge [sflag:s22], s20  }
0x9f: {  	s4 =	ssub.s32 $0x0, s20;
	[sflag:s22] =	ssyncset.done $0x0  }
0xa0: {  	[sflag:s22] =	ssyncadd.s32 s4;
	_ =	sdelay $0x1  }
0xa1: {  	s23 =	simm.s32 $0x1B8B  }
0xa2: {  	_ =	swait.ge [sflag:s23], $0x1  }
0xa3: {  	[sflag:s23] =	ssyncset.done $0x0  }
0xa4: {  	s25 =	simm.s32 $0x1B8E;
	s24 =	sld [smem:$0x3FFE];
	[sflag:s23] =	ssyncadd.s32 $0xFFFFFFFF  }
0xa5: {  	s26 =	simm.s32 $execute0_lowered;
	[smem:$0x3FD2] =	sst s25  }
0xa6: {  	s5 =	sshll.u32 s26, $0x1;
	_ =	strace $0x80000046;
	[dreg:$0x1] =	wrdreg $0xFFFFFFFF  }
0xa7: {  	s28 =	simm.s32 $_size_execute0_lowered;
	s3 =	sadd.s32 s3, s5;
	[dreg:$0x0] =	wrdreg $0x0  }
0xa8: {  	s5 =	sshll.u32 s28, $0x1;
	[dreg:$0x2] =	wrdreg s3  }
0xa9: {  	[dreg:$0x3] =	wrdreg s5  }
0xaa: {  	[dreg:$0x4] =	wrdreg $0xC0  }
0xab: {  	_ =	task [dreg:s7], $0x5FFFF  }
0xac: {  	[dreg:$0x1] =	wrdreg $0xFFFFFFFF  }
0xad: {  	[dreg:$0x0] =	wrdreg $0x60  }
0xae: {  	[dreg:$0x2] =	wrdreg s2  }
0xaf: {  	[dreg:$0x3] =	wrdreg s24  }
0xb0: {  	[dreg:$0x4] =	wrdreg $0x9  }
0xb1: {  	_ =	task.clear_ibuf [dreg:s7], $0x5FFFF;
	_ =	strace $0x90000046  }
0xb2: {  	s29 =	simm.s32 $0x9;
	_ =	strace $0x80000048  }
0xb3: {  	_ =	swait.ge [sflag:s29], $0x1  }
0xb4: {  	[sflag:s29] =	ssyncadd.s32 $0xFFFFFFFF  }
0xb5: {  	_ =	strace $0x90000048  }
0xb6: {  	_ =	sfence  }
0xb7: {  	s30 =	sld [smem:$0x0];
	_ =	sdelay $0x2  }
0xb8: {  	s31 =	sshll.u32 s1, $0xD;
	s1 =	sshrl.u32 s1, $0x2  }
0xb9: {  	s3 =	sand.u32 $0x4000, s31;
	s1 =	sadd.s32 s1, s30  }
0xba: {  	s0 =	sor.u32 s3, s0;
	s1 =	sshll.u32 s1, $0x11  }
0xbb: {  	s0 =	sor.u32 s1, s0  }
0xbc: {  	s0 =	sadd.s32 $0x8F2B, s0  }
0xbd: {  	[sflag:s0] =	ssyncadd.remote.s32 $0x1  }
0xbe: {  	_ =	sfence.sel $0xFFFF  }
0xbf: {  	[dreg:$0x0] =	wrdreg $0xFFFFFFFF;
	(pc) =	sbr.abs _section_cstart, $3  }
0xc0: {  	[dreg:$0x1] =	wrdreg $0xFFFFFFFF  }
0xc1: {  	_ =	task.clear_ibuf [dreg:s7], $0x2FFFF;
	_ =	strace $0x9FFFFFFF  }
0xc2: {  	(tm) =	ssettm $0x7FFFFFFF  }
0xc3: {  	_ =	shalt  }
tec
execute0_lowered:
.L_overlay_start_1:
0x0: {  	(tag) =	ssettag $0x1  }
0x1: {  	s3 =	rddreg [dreg:$0x0]  }
0x2: {  	s1 =	srdreg.scid;
	s0 =	stileid.u32  }
0x3: {  	s4 =	rddreg [dreg:$0x1];
	s5 =	sand.u32 $0x1, s1;
	s2 =	sshll.u32 s0, $0x1  }
0x4: {  	s1 =	rddreg [dreg:$0x2];
	s6 =	sor.u32 s5, s2  }
0x5: {  	s2 =	simm.s32 $0x0;
	s5 =	ssub.s32 $0x2, s5;
	s7 =	smul.u32 $0x500, s6  }
0x6: {  	[smem:$0x7FF] =	sst s2;
	s8 =	sshrl.u32 s5, $0x1;
	s6 =	smul.u32 $0x4E2, s6  }
0x7: {  	_ =	strace $0x80000047;
	s5 =	ssub.s32 s5, s8;
	s8 =	simm.s32 $0x0  }
0x8: {  	s4 =	sadd.s32 s7, s4;
	s3 =	sadd.s32 s3, s6;
	s5 =	smax.u32 s5, $0x1  }
0x9: {  	v0 =	vimm.f32 $0.0e+00;
	v1 =	vimm.f32 $1.000000000e+00;
	s6 =	simm.s32 $0x1;
	s7 =	simm.s32 $0x2710;
	s4 =	sadd.s32 $0x4600, s4  }
.LBB2_1:
0xa: {  	[tilespmem:s2], [sflag:$0x1] =	stream.linear.gather [hbm4b:s3+s2], $0x2710, $0x38;
	[tilespmem:$0x4F10] =	vst v63  }
0xb: {  	_ =	swait.ge [sflag:s6], $0x2710  }
0xc: {  	[sflag:s6] =	ssyncset.done $0x0  }
0xd: {  	s9 =	simm.s32 $0x0;
	[sflag:s6] =	ssyncadd.s32 $0xFFFFD8F0  }
.LBB2_2:
0xe: {  	p0 =	sne.s32 s9, $0x9FC0  }
.Ltmp0:
0xf: {  	_ = 	snop;
	(pc) =	sbr.rel @p0 .LBB2_2-.Ltmp0, $3  }
0x10: {  	_ =	sdelay $0x1  }
0x11: {  	s10 =	sshra.s32 s9, $0x2  }
0x12: {  	s9 =	sadd.s32 $0x40, s9;
	[tilespmem:s10+$0x2710] =	vst v0  }
0x13: {  	s10 =	simm.s32 $0x0;
	s9 =	simm.s32 $0x40  }
.LBB2_4:
0x14: {  	p0 =	sne.s32 s9, $0x9C00;
	v2 =	vld [tilespmem:s10+$0x0];
	_ =	sdelay $0x3  }
.Ltmp1:
0x15: {  	(pc) =	sbr.rel @p0 .LBB2_4-.Ltmp1, $2  }
0x16: {  	_ =	sdelay $0x2  }
0x17: {  	s10 =	sshra.s32 s9, $0x2;
	s9 =	sadd.s32 $0x40, s9;
	[tilespmem:v2+s7+$0x0] =	vst.idx.add.f32.msk $0xffff, v1  }
0x18: {  	v2 =	vld [tilespmem:s10+$0x0];
	_ =	sdelay $0x5  }
0x19: {  	s8 =	sadd.s32 $0x1, s8  }
0x1a: {  	p0 =	sne.s32 s8, s5  }
.Ltmp2:
0x1b: {  	[tilespmem:v2+s7+$0x0] =	vst.idx.add.f32.msk $0xffff, v1;
	(pc) =	sbr.rel @p0 .LBB2_1-.Ltmp2, $4  }
0x1c: {  	[hbm4b:s4+s2] =	stream.linear.scatter [tilespmem:s7], [sflag:$0x1], $0x2800, $0x38;
	[tilespmem:$0x4F10] =	vst v63  }
0x1d: {  	_ =	swait.ge [sflag:s6], $0x2800  }
0x1e: {  	[sflag:s6] =	ssyncset.done $0x0  }
0x1f: {  	[sflag:s6] =	ssyncadd.s32 $0xFFFFD800  }
0x20: {  	_ =	sfence.sel $0x180000  }
0x21: {  	[bflag:$0x0] =	sbarrier.arrive $0xFFFF  }
0x22: {  	p0 =	sne.s32 s0, $0x0;
	_ =	strace $0x90000047  }
0x23: {  	s0 =	sadd.s32 @!p0 $0x100000, s1;
	[bflag:$0x2] =	sbarrier.arrive $0xFFFF  }
0x24: {  	[sflag:s0] =	ssyncadd.tile.s32 @!p0 $0x1;
	_ =	shalt  }
.Lfunc_end2:
_tile_overlayer_lowered:
.L_overlay_start_2:
0x25: {  	(tag) =	ssettag $0x2  }
0x26: {  	s0 =	rddreg [dreg:$0x0];
	s2 =	stileid.u32  }
0x27: {  	s1 =	rddreg [dreg:$0x1];
	p0 =	sne.s32 s2, $0x0  }
0x28: {  	s3 =	rddreg [dreg:$0x2];
	[bflag:$0x3] =	sbarrier.arrive $0xFFFF;
	s2 =	simm.s32 @!p0 $0x1C01  }
0x29: {  	[timem:s3], [sflag:s2] =	dma.local @!p0 [hbm:s0], s1  }
0x2a: {  	s0 =	simm.s32 @!p0 $0x1  }
0x2b: {  	_ =	swait.ge @!p0 [sflag:s0], s1  }
0x2c: {  	s1 =	ssub.s32 @!p0 $0x0, s1;
	[sflag:s0] =	ssyncset.done @!p0 $0x0  }
0x2d: {  	[sflag:s0] =	ssyncadd.s32 @!p0 s1  }
0x2e: {  	[bflag:$0x3] =	sbarrier.arrive $0xFFFF  }
0x2f: {  	_ =	shalt  }

// kernel: kernel.20.cloned.1.call-start
scs
__scs_entry_jumppad:
0x0: {  	(pc) =	sbr.rel $0x88, $3  }
0x1: {  	(tag) =	ssettag $0x0;
	lr =	simm.s32 $0x1  }
0x2: {  	[smem:$0x3F9B] =	sst lr;
	_ =	strace $0xD0000000  }
0x3: {  	_ = 	snop  }
0x4: {  	_ = 	snop  }
0x5: {  	_ = 	snop  }
0x6: {  	_ = 	snop  }
0x7: {  	_ = 	snop  }
__scs_overlays_trampoline_lowered:
0x8: {  	[smem:$0x3FAA] =	sst s0  }
0x9: {  	[smem:$0x3FAB] =	sst s1  }
0xa: {  	[smem:$0x3FAC] =	sst s2  }
0xb: {  	[smem:$0x3FAD] =	sst s3  }
0xc: {  	[smem:$0x3FAE] =	sst s4  }
0xd: {  	[smem:$0x3FAF] =	sst s5  }
0xe: {  	[smem:$0x3FB0] =	sst s6  }
0xf: {  	[smem:$0x3FB1] =	sst s7  }
0x10: {  	[smem:$0x3FB2] =	sst s8  }
0x11: {  	[smem:$0x3FB3] =	sst s9;
	s0 =	simm.s32 @!p0 $0x0  }
0x12: {  	s1 =	sld [smem:$0x3F99];
	s0 =	simm.s32 @p0 $0x1  }
0x13: {  	[smem:$0x3FB4] =	sst s0;
	s0 =	simm.s32 @!p1 $0x0  }
0x14: {  	s2 =	sld [smem:$0x3F98];
	s0 =	simm.s32 @p1 $0x1  }
0x15: {  	[smem:$0x3FB5] =	sst s0;
	s0 =	simm.s32 @!p2 $0x0  }
0x16: {  	s3 =	sld [smem:$0x3FDB];
	s0 =	simm.s32 @p2 $0x1  }
0x17: {  	s4 =	simm.s32 $0x1BF5;
	[smem:$0x3FB7] =	sst s0  }
0x18: {  	s0 =	sld [smem:$0x3F9A];
	_ =	swait.ge [sflag:s4], $0x0  }
0x19: {  	s7 =	sld [smem:$0x3F9B]  }
0x1a: {  	s8 =	sadd.s32 $0xFFFFE003, lr  }
0x1b: {  	s9 =	sadd.s32 $0xFFFFFEF7, lr;
	s5 =	simm.s32 $0xFFFFFFFF;
	p2 =	slt.u32 s8, $0xFFFFF086  }
0x1c: {  	p1 =	slt.u32 s9, $0xF7A;
	s5 =	simm.s32 @!p2 $0x0  }
0x1d: {  	s5 =	simm.s32 @p1 $0x1;
	p0 =	seq.s32 s7, s2  }
0x1e: {  	s7 =	smul.u32 @!p0 $0xF7A, s2;
	p2 =	seq.s32 @!p0 s5, $0x0  }
0x1f: {  	s9 =	smul.u32 $0xF7A, s1;
	s8 =	simm.s32 @!p0 $0x1BF5;
	p2 =	por !p2, p0  }
0x20: {  	[sflag:s8] =	ssyncset.s32 @!p0 $0xFFFFF086;
	s6 =	sadd.s32 @!p0 s3, s7;
	s7 =	simm.s32 @!p0 $0x108  }
0x21: {  	s3 =	sadd.s32 s3, s9;
	s6 =	sadd.s32 @!p0 $0x88, s6;
	s7 =	simm.s32 @p2 $0x1082  }
0x22: {  	[simem:s7], [sflag:s8] =	dma.local @!p0 [hbm:s6], $0xF7A  }
0x23: {  	s9 =	sor.u32 $0xD0000000, s2;
	s6 =	simm.s32 $0x108;
	_ =	swait.ge @!p0 [sflag:s8], $0x0  }
0x24: {  	s3 =	sadd.s32 $0x88, s3;
	s6 =	simm.s32 @!p1 $0x1082;
	[sflag:s4] =	ssyncset.s32 $0xFFFFF086  }
0x25: {  	[simem:s6], [sflag:s4] =	dma.local [hbm:s3], $0xF7A  }
0x26: {  	[smem:$0x3F9B] =	sst s1;
	(tag) =	ssettag s2;
	_ =	strace s9  }
0x27: {  	s1 =	sld [smem:$0x3FAB]  }
0x28: {  	s2 =	sld [smem:$0x3FAC]  }
0x29: {  	s4 =	sld [smem:$0x3FAE]  }
0x2a: {  	p0 =	seq.s32 s5, $0x0;
	s5 =	sld [smem:$0x3FAF]  }
0x2b: {  	s6 =	sld [smem:$0x3FB0]  }
0x2c: {  	s7 =	sld [smem:$0x3FB1]  }
0x2d: {  	s3 =	simm.s32 $0x108;
	s8 =	sld [smem:$0x3FB2]  }
0x2e: {  	s3 =	simm.s32 @!p0 $0x1082;
	s9 =	sld [smem:$0x3FB3]  }
0x2f: {  	lr =	sadd.s32 s0, s3;
	s0 =	sld [smem:$0x3FAA]  }
0x30: {  	s3 =	sld [smem:$0x3FAD]  }
0x31: {  	[smem:$0x3FB6] =	sst s10  }
0x32: {  	s10 =	sld [smem:$0x3FB4];
	_ =	sdelay $0x3  }
0x33: {  	p0 =	seq.s32 s10, $0x1;
	s10 =	sld [smem:$0x3FB6];
	_ =	sdelay $0x3  }
0x34: {  	[smem:$0x3FB6] =	sst s10  }
0x35: {  	s10 =	sld [smem:$0x3FB5];
	_ =	sdelay $0x3  }
0x36: {  	p1 =	seq.s32 s10, $0x1;
	s10 =	sld [smem:$0x3FB6];
	_ =	sdelay $0x3  }
0x37: {  	[smem:$0x3FB6] =	sst s10  }
0x38: {  	s10 =	sld [smem:$0x3FB7]  }
0x39: {  	_ = 	snop;
	(pc) =	sbr.ind lr, $3  }
0x3a: {  	_ = 	snop  }
0x3b: {  	_ = 	snop  }
0x3c: {  	p2 =	seq.s32 s10, $0x1;
	s10 =	sld [smem:$0x3FB6]  }
0x3d: {  	_ =	shalt  }
0x3e: {  	_ =	shalt  }
0x3f: {  	_ =	shalt  }
0x40: {  	_ =	shalt  }
0x41: {  	_ =	shalt  }
0x42: {  	_ =	shalt  }
0x43: {  	_ =	shalt  }
0x44: {  	_ =	shalt  }
0x45: {  	_ =	shalt  }
0x46: {  	_ =	shalt  }
0x47: {  	_ =	shalt  }
0x48: {  	_ =	shalt  }
0x49: {  	_ =	shalt  }
0x4a: {  	_ =	shalt  }
0x4b: {  	_ =	shalt  }
0x4c: {  	_ =	shalt  }
0x4d: {  	_ =	shalt  }
0x4e: {  	_ =	shalt  }
0x4f: {  	_ =	shalt  }
0x50: {  	_ =	shalt  }
0x51: {  	_ =	shalt  }
0x52: {  	_ =	shalt  }
0x53: {  	_ =	shalt  }
0x54: {  	_ =	shalt  }
0x55: {  	_ =	shalt  }
0x56: {  	_ =	shalt  }
0x57: {  	_ =	shalt  }
0x58: {  	_ =	shalt  }
0x59: {  	_ =	shalt  }
0x5a: {  	_ =	shalt  }
0x5b: {  	_ =	shalt  }
0x5c: {  	_ =	shalt  }
0x5d: {  	_ =	shalt  }
0x5e: {  	_ =	shalt  }
0x5f: {  	_ =	shalt  }
0x60: {  	_ =	shalt  }
0x61: {  	_ =	shalt  }
0x62: {  	_ =	shalt  }
0x63: {  	_ =	shalt  }
0x64: {  	_ =	shalt  }
0x65: {  	_ =	shalt  }
0x66: {  	_ =	shalt  }
0x67: {  	_ =	shalt  }
0x68: {  	_ =	shalt  }
0x69: {  	_ =	shalt  }
0x6a: {  	_ =	shalt  }
0x6b: {  	_ =	shalt  }
0x6c: {  	_ =	shalt  }
0x6d: {  	_ =	shalt  }
0x6e: {  	_ =	shalt  }
0x6f: {  	_ =	shalt  }
0x70: {  	_ =	shalt  }
0x71: {  	_ =	shalt  }
0x72: {  	_ =	shalt  }
0x73: {  	_ =	shalt  }
0x74: {  	_ =	shalt  }
0x75: {  	_ =	shalt  }
0x76: {  	_ =	shalt  }
0x77: {  	_ =	shalt  }
0x78: {  	_ =	shalt  }
0x79: {  	_ =	shalt  }
0x7a: {  	_ =	shalt  }
0x7b: {  	_ =	shalt  }
0x7c: {  	_ =	shalt  }
0x7d: {  	_ =	shalt  }
0x7e: {  	_ =	shalt  }
0x7f: {  	_ =	shalt  }
0x80: {  	_ =	shalt  }
0x81: {  	_ =	shalt  }
0x82: {  	_ =	shalt  }
0x83: {  	_ =	shalt  }
0x84: {  	_ =	shalt  }
0x85: {  	_ =	shalt  }
0x86: {  	_ =	shalt  }
0x87: {  	_ =	shalt  }
.Lfunc_end0:
.L_simem_size_0:
called_computation.1_lowered:
.L_overlay_start_0:
0x88: {  	s2 =	sld [smem:$0x3FD9]  }
0x89: {  	s3 =	sld [smem:$0x3FFE];
	_ =	sdelay $0x1  }
0x8a: {  	s1 =	srdreg.scid  }
0x8b: {  	s0 =	sand.u32 $0x1, s1  }
0x8c: {  	s16 =	sshll.u32 s0, $0xA;
	s2 =	sadd.s32 s3, s2  }
0x8d: {  	s2 =	sadd.s32 s2, s16  }
0x8e: {  	[smem:$0x3FC2] =	sst s2  }
0x8f: {  	_ = 	snop  }
0x90: {  	(tm) =	ssettm $0x1  }
0x91: {  	s17 =	sld [smem:$0x3FFB];
	_ =	sdelay $0x3  }
0x92: {  	_ =	strace s17  }
0x93: {  	s2 =	sld [smem:$0x3FFC];
	_ =	sdelay $0x3  }
0x94: {  	_ =	strace s2  }
0x95: {  	s2 =	sld [smem:$0x3FFD];
	_ =	sdelay $0x3  }
0x96: {  	_ =	strace s2  }
0x97: {  	_ =	strace $0x8FFFFFFF  }
0x98: {  	s18 =	sld [smem:$0x3FDB];
	_ =	sdelay $0x1  }
0x99: {  	s19 =	simm.s32 $_scs_section_size  }
0x9a: {  	s4 =	simm.s32 $_size__tile_overlayer_lowered;
	s5 =	simm.s32 $_tile_overlayer_lowered  }
0x9b: {  	s22 =	simm.s32 $0x1BFF;
	s21 =	sshll.u32 s5, $0x1;
	s2 =	sadd.s32 s19, s18  }
0x9c: {  	s6 =	simm.s32 $0x0;
	s20 =	sshll.u32 s4, $0x1;
	s4 =	sadd.s32 s21, s2  }
0x9d: {  	[timem:s6], [sflag:s22] =	dma.local [hbm:s4], s20  }
0x9e: {  	_ =	swait.ge [sflag:s22], s20  }
0x9f: {  	s3 =	ssub.s32 $0x0, s20;
	[sflag:s22] =	ssyncset.done $0x0  }
0xa0: {  	[sflag:s22] =	ssyncadd.s32 s3;
	_ =	sdelay $0x1  }
0xa1: {  	s23 =	simm.s32 $0x1B8B  }
0xa2: {  	_ =	swait.ge [sflag:s23], $0x1  }
0xa3: {  	[sflag:s23] =	ssyncset.done $0x0  }
0xa4: {  	s25 =	simm.s32 $0x1B8E;
	s24 =	sld [smem:$0x3FFE];
	[sflag:s23] =	ssyncadd.s32 $0xFFFFFFFF  }
0xa5: {  	s26 =	simm.s32 $execute0_lowered;
	[smem:$0x3FD2] =	sst s25  }
0xa6: {  	s4 =	sshll.u32 s26, $0x1;
	_ =	strace $0x80000049;
	[dreg:$0x1] =	wrdreg $0xFFFFFFFF  }
0xa7: {  	s28 =	simm.s32 $_size_execute0_lowered;
	s2 =	sadd.s32 s2, s4;
	[dreg:$0x0] =	wrdreg $0x0  }
0xa8: {  	s4 =	sshll.u32 s28, $0x1;
	[dreg:$0x2] =	wrdreg s2  }
0xa9: {  	[dreg:$0x3] =	wrdreg s4  }
0xaa: {  	[dreg:$0x4] =	wrdreg $0xC0  }
0xab: {  	_ =	task [dreg:s6], $0x5FFFF  }
0xac: {  	[dreg:$0x1] =	wrdreg $0xFFFFFFFF  }
0xad: {  	[dreg:$0x0] =	wrdreg $0x60  }
0xae: {  	[dreg:$0x2] =	wrdreg s24  }
0xaf: {  	[dreg:$0x3] =	wrdreg $0xB5400  }
0xb0: {  	[dreg:$0x4] =	wrdreg $0x9  }
0xb1: {  	_ =	task.clear_ibuf [dreg:s6], $0x5FFFF;
	_ =	strace $0x90000049  }
0xb2: {  	s29 =	simm.s32 $0x9;
	_ =	strace $0x8000004B  }
0xb3: {  	_ =	swait.ge [sflag:s29], $0x1  }
0xb4: {  	[sflag:s29] =	ssyncadd.s32 $0xFFFFFFFF  }
0xb5: {  	_ =	strace $0x9000004B  }
0xb6: {  	_ =	sfence  }
0xb7: {  	s30 =	sld [smem:$0x0];
	_ =	sdelay $0x2  }
0xb8: {  	s31 =	sshll.u32 s1, $0xD;
	s1 =	sshrl.u32 s1, $0x2  }
0xb9: {  	s3 =	sand.u32 $0x4000, s31;
	s1 =	sadd.s32 s1, s30  }
0xba: {  	s0 =	sor.u32 s3, s0;
	s1 =	sshll.u32 s1, $0x11  }
0xbb: {  	s0 =	sor.u32 s1, s0  }
0xbc: {  	s0 =	sadd.s32 $0x8F2B, s0  }
0xbd: {  	[sflag:s0] =	ssyncadd.remote.s32 $0x1  }
0xbe: {  	_ =	sfence.sel $0xFFFF  }
0xbf: {  	[dreg:$0x0] =	wrdreg $0xFFFFFFFF;
	(pc) =	sbr.abs _section_cstart, $3  }
0xc0: {  	[dreg:$0x1] =	wrdreg $0xFFFFFFFF  }
0xc1: {  	_ =	task.clear_ibuf [dreg:s6], $0x2FFFF;
	_ =	strace $0x9FFFFFFF  }
0xc2: {  	(tm) =	ssettm $0x7FFFFFFF  }
0xc3: {  	_ =	shalt  }
tec
execute0_lowered:
.L_overlay_start_1:
0x0: {  	(tag) =	ssettag $0x1  }
0x1: {  	s0 =	rddreg [dreg:$0x0]  }
0x2: {  	s1 =	srdreg.scid;
	s14 =	stileid.u32  }
0x3: {  	s2 =	sand.u32 $0x1, s1;
	s3 =	sshll.u32 s14, $0x1;
	s4 =	smul.u32 $0x14000, s14  }
0x4: {  	s1 =	simm.s32 $0x0;
	s6 =	sadd.s32 $0x4A000, s0;
	s3 =	sor.u32 s2, s3  }
0x5: {  	s5 =	smul.u32 $0x140000, s2;
	[smem:$0x7FF] =	sst s1;
	s2 =	ssub.s32 $0x2, s2  }
0x6: {  	s3 =	smul.u32 $0x514, s3;
	s7 =	sshrl.u32 s2, $0x1;
	s9 =	sadd.s32 $0x4000, s4  }
0x7: {  	s11 =	sadd.s32 $0x6000, s4;
	s13 =	sadd.s32 $0xA000, s4;
	s8 =	sadd.s32 s5, s4  }
0x8: {  	s2 =	ssub.s32 s2, s7;
	s10 =	sadd.s32 s5, s9;
	s18 =	sadd.s32 s5, s11  }
0x9: {  	s12 =	sadd.s32 s5, s13;
	s15 =	sshrl.u32 s8, $0x3;
	s8 =	sor.u32 $0x2000, s4  }
0xa: {  	s17 =	sshrl.u32 s10, $0x3;
	s19 =	sshrl.u32 s18, $0x3;
	s10 =	sadd.s32 $0x8000, s4  }
0xb: {  	s21 =	sshrl.u32 s12, $0x3;
	s18 =	sadd.s32 $0x10000, s4;
	s12 =	rddreg [dreg:$0x1]  }
0xc: {  	s3 =	sadd.s32 s3, s0;
	s7 =	sadd.s32 s6, s15;
	s16 =	sadd.s32 s5, s8  }
0xd: {  	s20 =	sadd.s32 s5, s10;
	[dreg:$0x3] =	wrdreg s7;
	s7 =	sshrl.u32 s16, $0x3  }
0xe: {  	s15 =	sadd.s32 $0xC000, s4;
	s25 =	sadd.s32 s5, s18;
	s7 =	sadd.s32 s6, s7  }
0xf: {  	s22 =	sadd.s32 s5, s15;
	[dreg:$0x4] =	wrdreg s7;
	s7 =	sadd.s32 s6, s17  }
0x10: {  	s16 =	sadd.s32 $0xE000, s4;
	[dreg:$0x5] =	wrdreg s7;
	s7 =	sadd.s32 s6, s19  }
0x11: {  	s23 =	sshrl.u32 s22, $0x3;
	[dreg:$0x6] =	wrdreg s7;
	s7 =	sshrl.u32 s20, $0x3  }
0x12: {  	s24 =	sadd.s32 s5, s16;
	s19 =	sadd.s32 $0x12000, s4;
	s7 =	sadd.s32 s6, s7  }
0x13: {  	s5 =	sadd.s32 s5, s19;
	[dreg:$0x7] =	wrdreg s7;
	s7 =	sadd.s32 s6, s21  }
0x14: {  	s5 =	sshrl.u32 s5, $0x3;
	[dreg:$0x8] =	wrdreg s7;
	s7 =	sadd.s32 s6, s23  }
0x15: {  	s5 =	sadd.s32 s6, s5;
	[dreg:$0x9] =	wrdreg s7;
	s7 =	sshrl.u32 s24, $0x3  }
0x16: {  	s26 =	sshrl.u32 s25, $0x3;
	[dreg:$0xc] =	wrdreg s5;
	s7 =	sadd.s32 s6, s7  }
0x17: {  	s28 =	sadd.s32 s18, s12;
	[dreg:$0xa] =	wrdreg s7;
	s7 =	sadd.s32 s6, s26  }
0x18: {  	s18 =	simm.s32 $0x3;
	[dreg:$0xb] =	wrdreg s7;
	s7 =	sadd.s32 $0xE600, s3  }
0x19: {  	s17 =	sadd.s32 $0x18A00, s3;
	_ =	strace $0x8000004A;
	[dreg:$0xd] =	wrdreg s7  }
0x1a: {  	s25 =	sadd.s32 s11, s12;
	s21 =	sadd.s32 s4, s12;
	[dreg:$0xe] =	wrdreg s17  }
0x1b: {  	s11 =	simm.s32 $0x64;
	s22 =	smax.u32 s2, $0x1;
	[dreg:$0xf] =	wrdreg s21  }
0x1c: {  	s29 =	sadd.s32 s19, s12;
	s23 =	sadd.s32 s8, s12;
	[dreg:$0x10] =	wrdreg s22  }
0x1d: {  	s19 =	simm.s32 $0x4;
	s24 =	sadd.s32 s9, s12;
	[dreg:$0x11] =	wrdreg s23  }
0x1e: {  	s8 =	simm.s32 $0x28A0;
	s6 =	smul.u32 $0x50000, s14;
	[dreg:$0x12] =	wrdreg s24  }
0x1f: {  	s9 =	simm.s32 $0x5140;
	s26 =	sadd.s32 s10, s12;
	[dreg:$0x13] =	wrdreg s25  }
0x20: {  	s14 =	sadd.s32 $0x22E00, s0;
	s20 =	sshrl.u32 s6, $0x2;
	[dreg:$0x14] =	wrdreg s26  }
0x21: {  	s24 =	sadd.s32 s13, s12;
	s25 =	sadd.s32 s15, s12;
	s26 =	sadd.s32 s16, s12  }
0x22: {  	s7 =	simm.s32 $0x5;
	s13 =	simm.s32 $0x1;
	s15 =	simm.s32 $0x8340  }
0x23: {  	s16 =	simm.s32 $0x2;
	s17 =	sadd.s32 s20, s12;
	s20 =	simm.s32 $0x0  }
0x24: {  	s30 =	sadd.s32 $0x2000, s17;
	s31 =	sadd.s32 $0x4000, s17;
	s10 =	sadd.s32 $0x6000, s17  }
0x25: {  	s0 =	sadd.s32 $0x8000, s17;
	s2 =	sadd.s32 $0xA000, s17;
	s3 =	sadd.s32 $0xC000, s17  }
0x26: {  	v0 =	vimm.f32 $0.0e+00;
	s4 =	sadd.s32 $0xE000, s17;
	s5 =	sadd.s32 $0x10000, s17;
	s6 =	sadd.s32 $0x12000, s17  }
.LBB2_1:
0x27: {  	s21 =	rddreg [dreg:$0xd]  }
0x28: {  	[tilespmem:s1], [sflag:$0x5] =	stream.linear.gather [hbm4b:s21+s1], $0x28A0, $0x38;
	[tilespmem:$0x1F540] =	vst v63  }
0x29: {  	_ =	swait.ge [sflag:s7], $0x28A0  }
0x2a: {  	[sflag:s7] =	ssyncset.done $0x0  }
0x2b: {  	s23 =	rddreg [dreg:$0xe];
	[sflag:s7] =	ssyncadd.s32 $0xFFFFD760  }
0x2c: {  	[tilespmem:s8], [sflag:$0x5] =	stream.linear.gather [hbm4b:s23+s1], $0x28A0, $0x38;
	[tilespmem:$0x1F540] =	vst v63  }
0x2d: {  	_ =	swait.ge [sflag:s7], $0x28A0  }
0x2e: {  	[sflag:s7] =	ssyncset.done $0x0  }
0x2f: {  	s22 =	simm.s32 $0x200;
	s21 =	simm.s32 $0x0;
	[sflag:s7] =	ssyncadd.s32 $0xFFFFD760  }
.LBB2_2:
0x30: {  	p0 =	sne.s32 s22, $0x7E00;
	[tilespmem:s21+$0x51B0] =	vst v0  }
0x31: {  	[tilespmem:s21+$0x5140] =	vst v0  }
0x32: {  	[tilespmem:s21+$0x5150] =	vst v0  }
.Ltmp0:
0x33: {  	[tilespmem:s21+$0x5160] =	vst v0;
	(pc) =	sbr.rel @p0 .LBB2_2-.Ltmp0, $4  }
0x34: {  	[tilespmem:s21+$0x5170] =	vst v0  }
0x35: {  	[tilespmem:s21+$0x5180] =	vst v0  }
0x36: {  	[tilespmem:s21+$0x5190] =	vst v0  }
0x37: {  	[tilespmem:s21+$0x51A0] =	vst v0;
	s21 =	sshra.s32 s22, $0x2;
	s22 =	sadd.s32 $0x200, s22  }
0x38: {  	[tilespmem:s21+$0x51B0] =	vst v0  }
0x39: {  	[tilespmem:s21+$0x5140] =	vst v0  }
0x3a: {  	[tilespmem:s21+$0x5150] =	vst v0  }
0x3b: {  	[tilespmem:s21+$0x5160] =	vst v0  }
0x3c: {  	[tilespmem:s21+$0x5170] =	vst v0  }
0x3d: {  	[tilespmem:s21+$0x5180] =	vst v0  }
0x3e: {  	[tilespmem:s21+$0x5190] =	vst v0  }
0x3f: {  	[tilespmem:s21+$0x51A0] =	vst v0  }
0x40: {  	[spmem:s17] =	stream.linear.scatter [tilespmem:s9], [sflag:$0x5], $0x2000, $0x38;
	[tilespmem:$0x1F540] =	vst v63  }
0x41: {  	_ =	swait.ge [sflag:s7], $0x2000  }
0x42: {  	[sflag:s7] =	ssyncset.done $0x0  }
0x43: {  	[sflag:s7] =	ssyncadd.s32 $0xFFFFE000  }
0x44: {  	[spmem:s30] =	stream.linear.scatter [tilespmem:s9], [sflag:$0x5], $0x2000, $0x38;
	[tilespmem:$0x1F540] =	vst v63  }
0x45: {  	_ =	swait.ge [sflag:s7], $0x2000  }
0x46: {  	[sflag:s7] =	ssyncset.done $0x0  }
0x47: {  	[sflag:s7] =	ssyncadd.s32 $0xFFFFE000  }
0x48: {  	[spmem:s31] =	stream.linear.scatter [tilespmem:s9], [sflag:$0x5], $0x2000, $0x38;
	[tilespmem:$0x1F540] =	vst v63  }
0x49: {  	_ =	swait.ge [sflag:s7], $0x2000  }
0x4a: {  	[sflag:s7] =	ssyncset.done $0x0  }
0x4b: {  	[sflag:s7] =	ssyncadd.s32 $0xFFFFE000  }
0x4c: {  	[spmem:s10] =	stream.linear.scatter [tilespmem:s9], [sflag:$0x5], $0x2000, $0x38;
	[tilespmem:$0x1F540] =	vst v63  }
0x4d: {  	_ =	swait.ge [sflag:s7], $0x2000  }
0x4e: {  	[sflag:s7] =	ssyncset.done $0x0  }
0x4f: {  	[sflag:s7] =	ssyncadd.s32 $0xFFFFE000  }
0x50: {  	[spmem:s0] =	stream.linear.scatter [tilespmem:s9], [sflag:$0x5], $0x2000, $0x38;
	[tilespmem:$0x1F540] =	vst v63  }
0x51: {  	_ =	swait.ge [sflag:s7], $0x2000  }
0x52: {  	[sflag:s7] =	ssyncset.done $0x0  }
0x53: {  	[sflag:s7] =	ssyncadd.s32 $0xFFFFE000  }
0x54: {  	[spmem:s2] =	stream.linear.scatter [tilespmem:s9], [sflag:$0x5], $0x2000, $0x38;
	[tilespmem:$0x1F540] =	vst v63  }
0x55: {  	_ =	swait.ge [sflag:s7], $0x2000  }
0x56: {  	[sflag:s7] =	ssyncset.done $0x0  }
0x57: {  	[sflag:s7] =	ssyncadd.s32 $0xFFFFE000  }
0x58: {  	[spmem:s3] =	stream.linear.scatter [tilespmem:s9], [sflag:$0x5], $0x2000, $0x38;
	[tilespmem:$0x1F540] =	vst v63  }
0x59: {  	_ =	swait.ge [sflag:s7], $0x2000  }
0x5a: {  	[sflag:s7] =	ssyncset.done $0x0  }
0x5b: {  	[sflag:s7] =	ssyncadd.s32 $0xFFFFE000  }
0x5c: {  	[spmem:s4] =	stream.linear.scatter [tilespmem:s9], [sflag:$0x5], $0x2000, $0x38;
	[tilespmem:$0x1F540] =	vst v63  }
0x5d: {  	_ =	swait.ge [sflag:s7], $0x2000  }
0x5e: {  	[sflag:s7] =	ssyncset.done $0x0  }
0x5f: {  	[sflag:s7] =	ssyncadd.s32 $0xFFFFE000  }
0x60: {  	[spmem:s5] =	stream.linear.scatter [tilespmem:s9], [sflag:$0x5], $0x2000, $0x38;
	[tilespmem:$0x1F540] =	vst v63  }
0x61: {  	_ =	swait.ge [sflag:s7], $0x2000  }
0x62: {  	[sflag:s7] =	ssyncset.done $0x0  }
0x63: {  	[sflag:s7] =	ssyncadd.s32 $0xFFFFE000  }
0x64: {  	[spmem:s6] =	stream.linear.scatter [tilespmem:s9], [sflag:$0x5], $0x2000, $0x38;
	[tilespmem:$0x1F540] =	vst v63  }
0x65: {  	_ =	swait.ge [sflag:s7], $0x2000  }
0x66: {  	[sflag:s7] =	ssyncset.done $0x0  }
0x67: {  	[sflag:s7] =	ssyncadd.s32 $0xFFFFE000  }
0x68: {  	[bflag:$0x0] =	sbarrier.arrive $0xFFFF  }
0x69: {  	[tilespmem:s9], [sflag:$0x1] =	stream.indirect.gather [hbm4b:s14+s11], $0x80, s1, s11, $0xb8;
	[tilespmem:$0x1F540] =	vst v63  }
0x6a: {  	_ =	swait.ge [sflag:s13], $0x3200  }
0x6b: {  	[sflag:s13] =	ssyncset.done $0x0  }
0x6c: {  	s23 =	simm.s32 $0x68;
	[sflag:s13] =	ssyncadd.s32 $0xFFFFCE00  }
0x6d: {  	[tilespmem:s15], [sflag:$0x2] =	stream.indirect.gather [hbm4b:s14+s11], $0x80, s23, s11, $0xb8;
	[tilespmem:$0x1F540] =	vst v63  }
0x6e: {  	_ = 	snop  }
0x6f: {  	[spmem:s12] =	stream.indirect.scatter.add.f32 [tilespmem:s9], [sflag:$0x3], $0x80, s8, s11, $0xb8;
	[tilespmem:$0x1F540] =	vst v63  }
0x70: {  	_ =	swait.ge [sflag:s16], $0x3200  }
0x71: {  	[sflag:s16] =	ssyncset.done $0x0  }
0x72: {  	[sflag:s16] =	ssyncadd.s32 $0xFFFFCE00  }
0x73: {  	_ =	swait.ge [sflag:s18], $0x3200  }
0x74: {  	[sflag:s18] =	ssyncset.done $0x0  }
0x75: {  	s22 =	simm.s32 $0xD0;
	[sflag:s18] =	ssyncadd.s32 $0xFFFFCE00  }
0x76: {  	[tilespmem:s9], [sflag:$0x1] =	stream.indirect.gather [hbm4b:s14+s11], $0x80, s22, s11, $0xb8;
	[tilespmem:$0x1F540] =	vst v63  }
0x77: {  	s23 =	simm.s32 $0x2908  }
0x78: {  	[spmem:s12] =	stream.indirect.scatter.add.f32 [tilespmem:s15], [sflag:$0x4], $0x80, s23, s11, $0xb8;
	[tilespmem:$0x1F540] =	vst v63  }
0x79: {  	_ =	swait.ge [sflag:s13], $0x3200  }
0x7a: {  	[sflag:s13] =	ssyncset.done $0x0  }
0x7b: {  	[sflag:s13] =	ssyncadd.s32 $0xFFFFCE00  }
0x7c: {  	_ =	swait.ge [sflag:s19], $0x3200  }
0x7d: {  	[sflag:s19] =	ssyncset.done $0x0  }
0x7e: {  	s22 =	simm.s32 $0x138;
	[sflag:s19] =	ssyncadd.s32 $0xFFFFCE00  }
0x7f: {  	[tilespmem:s15], [sflag:$0x2] =	stream.indirect.gather [hbm4b:s14+s11], $0x80, s22, s11, $0xb8;
	[tilespmem:$0x1F540] =	vst v63  }
0x80: {  	s23 =	simm.s32 $0x2970  }
0x81: {  	[spmem:s12] =	stream.indirect.scatter.add.f32 [tilespmem:s9], [sflag:$0x3], $0x80, s23, s11, $0xb8;
	[tilespmem:$0x1F540] =	vst v63  }
0x82: {  	_ =	swait.ge [sflag:s16], $0x3200  }
0x83: {  	[sflag:s16] =	ssyncset.done $0x0  }
0x84: {  	[sflag:s16] =	ssyncadd.s32 $0xFFFFCE00  }
0x85: {  	_ =	swait.ge [sflag:s18], $0x3200  }
0x86: {  	[sflag:s18] =	ssyncset.done $0x0  }
0x87: {  	s22 =	simm.s32 $0x1A0;
	[sflag:s18] =	ssyncadd.s32 $0xFFFFCE00  }
0x88: {  	[tilespmem:s9], [sflag:$0x1] =	stream.indirect.gather [hbm4b:s14+s11], $0x80, s22, s11, $0xb8;
	[tilespmem:$0x1F540] =	vst v63  }
0x89: {  	s23 =	simm.s32 $0x29D8  }
0x8a: {  	[spmem:s12] =	stream.indirect.scatter.add.f32 [tilespmem:s15], [sflag:$0x4], $0x80, s23, s11, $0xb8;
	[tilespmem:$0x1F540] =	vst v63  }
0x8b: {  	_ =	swait.ge [sflag:s13], $0x3200  }
0x8c: {  	[sflag:s13] =	ssyncset.done $0x0  }
0x8d: {  	[sflag:s13] =	ssyncadd.s32 $0xFFFFCE00  }
0x8e: {  	_ =	swait.ge [sflag:s19], $0x3200  }
0x8f: {  	[sflag:s19] =	ssyncset.done $0x0  }
0x90: {  	s22 =	simm.s32 $0x208;
	[sflag:s19] =	ssyncadd.s32 $0xFFFFCE00  }
0x91: {  	[tilespmem:s15], [sflag:$0x2] =	stream.indirect.gather [hbm4b:s14+s11], $0x80, s22, s11, $0xb8;
	[tilespmem:$0x1F540] =	vst v63  }
0x92: {  	s23 =	simm.s32 $0x2A40  }
0x93: {  	[spmem:s12] =	stream.indirect.scatter.add.f32 [tilespmem:s9], [sflag:$0x3], $0x80, s23, s11, $0xb8;
	[tilespmem:$0x1F540] =	vst v63  }
0x94: {  	_ =	swait.ge [sflag:s16], $0x3200  }
0x95: {  	s21 =	simm.s32 $0xFFFF6740;
	[sflag:s16] =	ssyncset.done $0x0  }
.LBB2_4:
0x96: {  	[sflag:s16] =	ssyncadd.s32 $0xFFFFCE00;
	s22 =	smov.u32 s21;
	s21 =	sadd.s32 $0x340, s21  }
0x97: {  	p0 =	sne.s32 s21, $0x0  }
0x98: {  	_ =	swait.ge [sflag:s18], $0x3200  }
0x99: {  	s22 =	sshra.s32 s22, $0x2;
	[sflag:s18] =	ssyncset.done $0x0  }
0x9a: {  	s23 =	sadd.s32 $0x28A0, s22;
	[sflag:s18] =	ssyncadd.s32 $0xFFFFCE00  }
0x9b: {  	[tilespmem:s9], [sflag:$0x1] =	stream.indirect.gather [hbm4b:s14+s11], $0x80, s23, s11, $0xb8;
	[tilespmem:$0x1F540] =	vst v63  }
0x9c: {  	s23 =	sadd.s32 $0x50D8, s22  }
0x9d: {  	[spmem:s12] =	stream.indirect.scatter.add.f32 [tilespmem:s15], [sflag:$0x4], $0x80, s23, s11, $0xb8;
	[tilespmem:$0x1F540] =	vst v63  }
0x9e: {  	_ =	swait.ge [sflag:s13], $0x3200  }
0x9f: {  	[sflag:s13] =	ssyncset.done $0x0  }
0xa0: {  	[sflag:s13] =	ssyncadd.s32 $0xFFFFCE00  }
0xa1: {  	_ =	swait.ge [sflag:s19], $0x3200  }
0xa2: {  	[sflag:s19] =	ssyncset.done $0x0  }
0xa3: {  	s23 =	sadd.s32 $0x2908, s22;
	[sflag:s19] =	ssyncadd.s32 $0xFFFFCE00  }
0xa4: {  	[tilespmem:s15], [sflag:$0x2] =	stream.indirect.gather [hbm4b:s14+s11], $0x80, s23, s11, $0xb8;
	[tilespmem:$0x1F540] =	vst v63  }
.Ltmp1:
0xa5: {  	_ = 	snop;
	(pc) =	sbr.rel @p0 .LBB2_4-.Ltmp1, $4  }
0xa6: {  	s22 =	sadd.s32 $0x5140, s22  }
0xa7: {  	[spmem:s12] =	stream.indirect.scatter.add.f32 [tilespmem:s9], [sflag:$0x3], $0x80, s22, s11, $0xb8;
	[tilespmem:$0x1F540] =	vst v63  }
0xa8: {  	_ =	swait.ge [sflag:s16], $0x3200  }
0xa9: {  	[sflag:s16] =	ssyncset.done $0x0  }
0xaa: {  	s21 =	sshra.s32 s21, $0x2  }
0xab: {  	[sflag:s16] =	ssyncadd.s32 $0xFFFFCE00;
	s21 =	sadd.s32 $0x50D8, s21  }
0xac: {  	[spmem:s12] =	stream.indirect.scatter.add.f32 [tilespmem:s15], [sflag:$0x4], $0x80, s21, s11, $0xb8;
	[tilespmem:$0x1F540] =	vst v63  }
0xad: {  	_ =	swait.ge [sflag:s18], $0x3200  }
0xae: {  	[sflag:s18] =	ssyncset.done $0x0  }
0xaf: {  	[sflag:s18] =	ssyncadd.s32 $0xFFFFCE00  }
0xb0: {  	_ =	swait.ge [sflag:s19], $0x3200  }
0xb1: {  	[sflag:s19] =	ssyncset.done $0x0  }
0xb2: {  	[sflag:s19] =	ssyncadd.s32 $0xFFFFCE00  }
0xb3: {  	[bflag:$0x0] =	sbarrier.arrive $0xFFFF  }
0xb4: {  	s22 =	rddreg [dreg:$0xf]  }
0xb5: {  	[tilespmem:s9], [sflag:$0x5] =	stream.linear.gather [spmem:s22], $0x2000, $0x38;
	[tilespmem:$0x1F540] =	vst v63  }
0xb6: {  	_ =	swait.ge [sflag:s7], $0x2000  }
0xb7: {  	[sflag:s7] =	ssyncset.done $0x0  }
0xb8: {  	s23 =	rddreg [dreg:$0x3];
	[sflag:s7] =	ssyncadd.s32 $0xFFFFE000  }
0xb9: {  	[hbm4b:s23+s1] =	stream.linear.scatter [tilespmem:s9], [sflag:$0x5], $0x2000, $0x38;
	[tilespmem:$0x1F540] =	vst v63  }
0xba: {  	_ =	swait.ge [sflag:s7], $0x2000  }
0xbb: {  	[sflag:s7] =	ssyncset.done $0x0  }
0xbc: {  	s22 =	rddreg [dreg:$0x11];
	[sflag:s7] =	ssyncadd.s32 $0xFFFFE000  }
0xbd: {  	[tilespmem:s9], [sflag:$0x5] =	stream.linear.gather [spmem:s22], $0x2000, $0x38;
	[tilespmem:$0x1F540] =	vst v63  }
0xbe: {  	_ =	swait.ge [sflag:s7], $0x2000  }
0xbf: {  	[sflag:s7] =	ssyncset.done $0x0  }
0xc0: {  	s23 =	rddreg [dreg:$0x4];
	[sflag:s7] =	ssyncadd.s32 $0xFFFFE000  }
0xc1: {  	[hbm4b:s23+s1] =	stream.linear.scatter [tilespmem:s9], [sflag:$0x5], $0x2000, $0x38;
	[tilespmem:$0x1F540] =	vst v63  }
0xc2: {  	_ =	swait.ge [sflag:s7], $0x2000  }
0xc3: {  	[sflag:s7] =	ssyncset.done $0x0  }
0xc4: {  	s22 =	rddreg [dreg:$0x12];
	[sflag:s7] =	ssyncadd.s32 $0xFFFFE000  }
0xc5: {  	[tilespmem:s9], [sflag:$0x5] =	stream.linear.gather [spmem:s22], $0x2000, $0x38;
	[tilespmem:$0x1F540] =	vst v63  }
0xc6: {  	_ =	swait.ge [sflag:s7], $0x2000  }
0xc7: {  	[sflag:s7] =	ssyncset.done $0x0  }
0xc8: {  	s23 =	rddreg [dreg:$0x5];
	[sflag:s7] =	ssyncadd.s32 $0xFFFFE000  }
0xc9: {  	[hbm4b:s23+s1] =	stream.linear.scatter [tilespmem:s9], [sflag:$0x5], $0x2000, $0x38;
	[tilespmem:$0x1F540] =	vst v63  }
0xca: {  	_ =	swait.ge [sflag:s7], $0x2000  }
0xcb: {  	[sflag:s7] =	ssyncset.done $0x0  }
0xcc: {  	s22 =	rddreg [dreg:$0x13];
	[sflag:s7] =	ssyncadd.s32 $0xFFFFE000  }
0xcd: {  	[tilespmem:s9], [sflag:$0x5] =	stream.linear.gather [spmem:s22], $0x2000, $0x38;
	[tilespmem:$0x1F540] =	vst v63  }
0xce: {  	_ =	swait.ge [sflag:s7], $0x2000  }
0xcf: {  	[sflag:s7] =	ssyncset.done $0x0  }
0xd0: {  	s23 =	rddreg [dreg:$0x6];
	[sflag:s7] =	ssyncadd.s32 $0xFFFFE000  }
0xd1: {  	[hbm4b:s23+s1] =	stream.linear.scatter [tilespmem:s9], [sflag:$0x5], $0x2000, $0x38;
	[tilespmem:$0x1F540] =	vst v63  }
0xd2: {  	_ =	swait.ge [sflag:s7], $0x2000  }
0xd3: {  	[sflag:s7] =	ssyncset.done $0x0  }
0xd4: {  	s22 =	rddreg [dreg:$0x14];
	[sflag:s7] =	ssyncadd.s32 $0xFFFFE000  }
0xd5: {  	[tilespmem:s9], [sflag:$0x5] =	stream.linear.gather [spmem:s22], $0x2000, $0x38;
	[tilespmem:$0x1F540] =	vst v63  }
0xd6: {  	_ =	swait.ge [sflag:s7], $0x2000  }
0xd7: {  	[sflag:s7] =	ssyncset.done $0x0  }
0xd8: {  	s23 =	rddreg [dreg:$0x7];
	[sflag:s7] =	ssyncadd.s32 $0xFFFFE000  }
0xd9: {  	[hbm4b:s23+s1] =	stream.linear.scatter [tilespmem:s9], [sflag:$0x5], $0x2000, $0x38;
	[tilespmem:$0x1F540] =	vst v63  }
0xda: {  	_ =	swait.ge [sflag:s7], $0x2000  }
0xdb: {  	[sflag:s7] =	ssyncset.done $0x0  }
0xdc: {  	[sflag:s7] =	ssyncadd.s32 $0xFFFFE000  }
0xdd: {  	[tilespmem:s9], [sflag:$0x5] =	stream.linear.gather [spmem:s24], $0x2000, $0x38;
	[tilespmem:$0x1F540] =	vst v63  }
0xde: {  	_ =	swait.ge [sflag:s7], $0x2000  }
0xdf: {  	[sflag:s7] =	ssyncset.done $0x0  }
0xe0: {  	s22 =	rddreg [dreg:$0x8];
	[sflag:s7] =	ssyncadd.s32 $0xFFFFE000  }
0xe1: {  	[hbm4b:s22+s1] =	stream.linear.scatter [tilespmem:s9], [sflag:$0x5], $0x2000, $0x38;
	[tilespmem:$0x1F540] =	vst v63  }
0xe2: {  	_ =	swait.ge [sflag:s7], $0x2000  }
0xe3: {  	[sflag:s7] =	ssyncset.done $0x0  }
0xe4: {  	[sflag:s7] =	ssyncadd.s32 $0xFFFFE000  }
0xe5: {  	[tilespmem:s9], [sflag:$0x5] =	stream.linear.gather [spmem:s25], $0x2000, $0x38;
	[tilespmem:$0x1F540] =	vst v63  }
0xe6: {  	_ =	swait.ge [sflag:s7], $0x2000  }
0xe7: {  	[sflag:s7] =	ssyncset.done $0x0  }
0xe8: {  	s23 =	rddreg [dreg:$0x9];
	[sflag:s7] =	ssyncadd.s32 $0xFFFFE000  }
0xe9: {  	[hbm4b:s23+s1] =	stream.linear.scatter [tilespmem:s9], [sflag:$0x5], $0x2000, $0x38;
	[tilespmem:$0x1F540] =	vst v63  }
0xea: {  	_ =	swait.ge [sflag:s7], $0x2000  }
0xeb: {  	[sflag:s7] =	ssyncset.done $0x0  }
0xec: {  	[sflag:s7] =	ssyncadd.s32 $0xFFFFE000  }
0xed: {  	[tilespmem:s9], [sflag:$0x5] =	stream.linear.gather [spmem:s26], $0x2000, $0x38;
	[tilespmem:$0x1F540] =	vst v63  }
0xee: {  	_ =	swait.ge [sflag:s7], $0x2000  }
0xef: {  	[sflag:s7] =	ssyncset.done $0x0  }
0xf0: {  	s22 =	rddreg [dreg:$0xa];
	[sflag:s7] =	ssyncadd.s32 $0xFFFFE000  }
0xf1: {  	[hbm4b:s22+s1] =	stream.linear.scatter [tilespmem:s9], [sflag:$0x5], $0x2000, $0x38;
	[tilespmem:$0x1F540] =	vst v63  }
0xf2: {  	_ =	swait.ge [sflag:s7], $0x2000  }
0xf3: {  	[sflag:s7] =	ssyncset.done $0x0  }
0xf4: {  	[sflag:s7] =	ssyncadd.s32 $0xFFFFE000  }
0xf5: {  	[tilespmem:s9], [sflag:$0x5] =	stream.linear.gather [spmem:s28], $0x2000, $0x38;
	[tilespmem:$0x1F540] =	vst v63  }
0xf6: {  	_ =	swait.ge [sflag:s7], $0x2000  }
0xf7: {  	[sflag:s7] =	ssyncset.done $0x0  }
0xf8: {  	s23 =	rddreg [dreg:$0xb];
	[sflag:s7] =	ssyncadd.s32 $0xFFFFE000  }
0xf9: {  	[hbm4b:s23+s1] =	stream.linear.scatter [tilespmem:s9], [sflag:$0x5], $0x2000, $0x38;
	[tilespmem:$0x1F540] =	vst v63  }
0xfa: {  	_ =	swait.ge [sflag:s7], $0x2000  }
0xfb: {  	[sflag:s7] =	ssyncset.done $0x0  }
0xfc: {  	[sflag:s7] =	ssyncadd.s32 $0xFFFFE000  }
0xfd: {  	[tilespmem:s9], [sflag:$0x5] =	stream.linear.gather [spmem:s29], $0x2000, $0x38;
	[tilespmem:$0x1F540] =	vst v63  }
0xfe: {  	_ =	swait.ge [sflag:s7], $0x2000  }
0xff: {  	[sflag:s7] =	ssyncset.done $0x0  }
0x100: {  	s22 =	rddreg [dreg:$0xc];
	[sflag:s7] =	ssyncadd.s32 $0xFFFFE000  }
0x101: {  	[hbm4b:s22+s1] =	stream.linear.scatter [tilespmem:s9], [sflag:$0x5], $0x2000, $0x38;
	[tilespmem:$0x1F540] =	vst v63  }
0x102: {  	_ =	swait.ge [sflag:s7], $0x2000  }
0x103: {  	s20 =	sadd.s32 $0x1, s20;
	s23 =	rddreg [dreg:$0x10]  }
0x104: {  	p0 =	sne.s32 s20, s23  }
.Ltmp2:
0x105: {  	_ = 	snop;
	(pc) =	sbr.rel @p0 .LBB2_1-.Ltmp2, $3  }
0x106: {  	_ =	sdelay $0x1  }
0x107: {  	[sflag:s7] =	ssyncset.done $0x0  }
0x108: {  	[sflag:s7] =	ssyncadd.s32 $0xFFFFE000  }
0x109: {  	_ =	sfence.sel $0x180000  }
0x10a: {  	[bflag:$0x0] =	sbarrier.arrive $0xFFFF  }
0x10b: {  	_ =	strace $0x9000004A  }
0x10c: {  	s0 =	stileid.u32;
	[bflag:$0x2] =	sbarrier.arrive $0xFFFF  }
0x10d: {  	p0 =	sne.s32 s0, $0x0;
	s0 =	rddreg [dreg:$0x2]  }
0x10e: {  	s0 =	sadd.s32 @!p0 $0x100000, s0  }
0x10f: {  	[sflag:s0] =	ssyncadd.tile.s32 @!p0 $0x1;
	_ =	shalt  }
.Lfunc_end2:
_tile_overlayer_lowered:
.L_overlay_start_2:
0x110: {  	(tag) =	ssettag $0x2  }
0x111: {  	s0 =	rddreg [dreg:$0x0];
	s2 =	stileid.u32  }
0x112: {  	s1 =	rddreg [dreg:$0x1];
	p0 =	sne.s32 s2, $0x0  }
0x113: {  	s3 =	rddreg [dreg:$0x2];
	[bflag:$0x3] =	sbarrier.arrive $0xFFFF;
	s2 =	simm.s32 @!p0 $0x1C05  }
0x114: {  	[timem:s3], [sflag:s2] =	dma.local @!p0 [hbm:s0], s1  }
0x115: {  	s0 =	simm.s32 @!p0 $0x5  }
0x116: {  	_ =	swait.ge @!p0 [sflag:s0], s1  }
0x117: {  	s1 =	ssub.s32 @!p0 $0x0, s1;
	[sflag:s0] =	ssyncset.done @!p0 $0x0  }
0x118: {  	[sflag:s0] =	ssyncadd.s32 @!p0 s1  }
0x119: {  	[bflag:$0x3] =	sbarrier.arrive $0xFFFF  }
0x11a: {  	_ =	shalt  }

// kernel: kernel.23.cloned.1.call-start
scs
__scs_entry_jumppad:
0x0: {  	(pc) =	sbr.rel $0x88, $3  }
0x1: {  	(tag) =	ssettag $0x0;
	lr =	simm.s32 $0x1  }
0x2: {  	[smem:$0x3F9B] =	sst lr;
	_ =	strace $0xD0000000  }
0x3: {  	_ = 	snop  }
0x4: {  	_ = 	snop  }
0x5: {  	_ = 	snop  }
0x6: {  	_ = 	snop  }
0x7: {  	_ = 	snop  }
__scs_overlays_trampoline_lowered:
0x8: {  	[smem:$0x3FAA] =	sst s0  }
0x9: {  	[smem:$0x3FAB] =	sst s1  }
0xa: {  	[smem:$0x3FAC] =	sst s2  }
0xb: {  	[smem:$0x3FAD] =	sst s3  }
0xc: {  	[smem:$0x3FAE] =	sst s4  }
0xd: {  	[smem:$0x3FAF] =	sst s5  }
0xe: {  	[smem:$0x3FB0] =	sst s6  }
0xf: {  	[smem:$0x3FB1] =	sst s7  }
0x10: {  	[smem:$0x3FB2] =	sst s8  }
0x11: {  	[smem:$0x3FB3] =	sst s9;
	s0 =	simm.s32 @!p0 $0x0  }
0x12: {  	s1 =	sld [smem:$0x3F99];
	s0 =	simm.s32 @p0 $0x1  }
0x13: {  	[smem:$0x3FB4] =	sst s0;
	s0 =	simm.s32 @!p1 $0x0  }
0x14: {  	s2 =	sld [smem:$0x3F98];
	s0 =	simm.s32 @p1 $0x1  }
0x15: {  	[smem:$0x3FB5] =	sst s0;
	s0 =	simm.s32 @!p2 $0x0  }
0x16: {  	s3 =	sld [smem:$0x3FDB];
	s0 =	simm.s32 @p2 $0x1  }
0x17: {  	s4 =	simm.s32 $0x1BF5;
	[smem:$0x3FB7] =	sst s0  }
0x18: {  	s0 =	sld [smem:$0x3F9A];
	_ =	swait.ge [sflag:s4], $0x0  }
0x19: {  	s7 =	sld [smem:$0x3F9B]  }
0x1a: {  	s8 =	sadd.s32 $0xFFFFE003, lr  }
0x1b: {  	s9 =	sadd.s32 $0xFFFFFEF7, lr;
	s5 =	simm.s32 $0xFFFFFFFF;
	p2 =	slt.u32 s8, $0xFFFFF086  }
0x1c: {  	p1 =	slt.u32 s9, $0xF7A;
	s5 =	simm.s32 @!p2 $0x0  }
0x1d: {  	s5 =	simm.s32 @p1 $0x1;
	p0 =	seq.s32 s7, s2  }
0x1e: {  	s7 =	smul.u32 @!p0 $0xF7A, s2;
	p2 =	seq.s32 @!p0 s5, $0x0  }
0x1f: {  	s9 =	smul.u32 $0xF7A, s1;
	s8 =	simm.s32 @!p0 $0x1BF5;
	p2 =	por !p2, p0  }
0x20: {  	[sflag:s8] =	ssyncset.s32 @!p0 $0xFFFFF086;
	s6 =	sadd.s32 @!p0 s3, s7;
	s7 =	simm.s32 @!p0 $0x108  }
0x21: {  	s3 =	sadd.s32 s3, s9;
	s6 =	sadd.s32 @!p0 $0x88, s6;
	s7 =	simm.s32 @p2 $0x1082  }
0x22: {  	[simem:s7], [sflag:s8] =	dma.local @!p0 [hbm:s6], $0xF7A  }
0x23: {  	s9 =	sor.u32 $0xD0000000, s2;
	s6 =	simm.s32 $0x108;
	_ =	swait.ge @!p0 [sflag:s8], $0x0  }
0x24: {  	s3 =	sadd.s32 $0x88, s3;
	s6 =	simm.s32 @!p1 $0x1082;
	[sflag:s4] =	ssyncset.s32 $0xFFFFF086  }
0x25: {  	[simem:s6], [sflag:s4] =	dma.local [hbm:s3], $0xF7A  }
0x26: {  	[smem:$0x3F9B] =	sst s1;
	(tag) =	ssettag s2;
	_ =	strace s9  }
0x27: {  	s1 =	sld [smem:$0x3FAB]  }
0x28: {  	s2 =	sld [smem:$0x3FAC]  }
0x29: {  	s4 =	sld [smem:$0x3FAE]  }
0x2a: {  	p0 =	seq.s32 s5, $0x0;
	s5 =	sld [smem:$0x3FAF]  }
0x2b: {  	s6 =	sld [smem:$0x3FB0]  }
0x2c: {  	s7 =	sld [smem:$0x3FB1]  }
0x2d: {  	s3 =	simm.s32 $0x108;
	s8 =	sld [smem:$0x3FB2]  }
0x2e: {  	s3 =	simm.s32 @!p0 $0x1082;
	s9 =	sld [smem:$0x3FB3]  }
0x2f: {  	lr =	sadd.s32 s0, s3;
	s0 =	sld [smem:$0x3FAA]  }
0x30: {  	s3 =	sld [smem:$0x3FAD]  }
0x31: {  	[smem:$0x3FB6] =	sst s10  }
0x32: {  	s10 =	sld [smem:$0x3FB4];
	_ =	sdelay $0x3  }
0x33: {  	p0 =	seq.s32 s10, $0x1;
	s10 =	sld [smem:$0x3FB6];
	_ =	sdelay $0x3  }
0x34: {  	[smem:$0x3FB6] =	sst s10  }
0x35: {  	s10 =	sld [smem:$0x3FB5];
	_ =	sdelay $0x3  }
0x36: {  	p1 =	seq.s32 s10, $0x1;
	s10 =	sld [smem:$0x3FB6];
	_ =	sdelay $0x3  }
0x37: {  	[smem:$0x3FB6] =	sst s10  }
0x38: {  	s10 =	sld [smem:$0x3FB7]  }
0x39: {  	_ = 	snop;
	(pc) =	sbr.ind lr, $3  }
0x3a: {  	_ = 	snop  }
0x3b: {  	_ = 	snop  }
0x3c: {  	p2 =	seq.s32 s10, $0x1;
	s10 =	sld [smem:$0x3FB6]  }
0x3d: {  	_ =	shalt  }
0x3e: {  	_ =	shalt  }
0x3f: {  	_ =	shalt  }
0x40: {  	_ =	shalt  }
0x41: {  	_ =	shalt  }
0x42: {  	_ =	shalt  }
0x43: {  	_ =	shalt  }
0x44: {  	_ =	shalt  }
0x45: {  	_ =	shalt  }
0x46: {  	_ =	shalt  }
0x47: {  	_ =	shalt  }
0x48: {  	_ =	shalt  }
0x49: {  	_ =	shalt  }
0x4a: {  	_ =	shalt  }
0x4b: {  	_ =	shalt  }
0x4c: {  	_ =	shalt  }
0x4d: {  	_ =	shalt  }
0x4e: {  	_ =	shalt  }
0x4f: {  	_ =	shalt  }
0x50: {  	_ =	shalt  }
0x51: {  	_ =	shalt  }
0x52: {  	_ =	shalt  }
0x53: {  	_ =	shalt  }
0x54: {  	_ =	shalt  }
0x55: {  	_ =	shalt  }
0x56: {  	_ =	shalt  }
0x57: {  	_ =	shalt  }
0x58: {  	_ =	shalt  }
0x59: {  	_ =	shalt  }
0x5a: {  	_ =	shalt  }
0x5b: {  	_ =	shalt  }
0x5c: {  	_ =	shalt  }
0x5d: {  	_ =	shalt  }
0x5e: {  	_ =	shalt  }
0x5f: {  	_ =	shalt  }
0x60: {  	_ =	shalt  }
0x61: {  	_ =	shalt  }
0x62: {  	_ =	shalt  }
0x63: {  	_ =	shalt  }
0x64: {  	_ =	shalt  }
0x65: {  	_ =	shalt  }
0x66: {  	_ =	shalt  }
0x67: {  	_ =	shalt  }
0x68: {  	_ =	shalt  }
0x69: {  	_ =	shalt  }
0x6a: {  	_ =	shalt  }
0x6b: {  	_ =	shalt  }
0x6c: {  	_ =	shalt  }
0x6d: {  	_ =	shalt  }
0x6e: {  	_ =	shalt  }
0x6f: {  	_ =	shalt  }
0x70: {  	_ =	shalt  }
0x71: {  	_ =	shalt  }
0x72: {  	_ =	shalt  }
0x73: {  	_ =	shalt  }
0x74: {  	_ =	shalt  }
0x75: {  	_ =	shalt  }
0x76: {  	_ =	shalt  }
0x77: {  	_ =	shalt  }
0x78: {  	_ =	shalt  }
0x79: {  	_ =	shalt  }
0x7a: {  	_ =	shalt  }
0x7b: {  	_ =	shalt  }
0x7c: {  	_ =	shalt  }
0x7d: {  	_ =	shalt  }
0x7e: {  	_ =	shalt  }
0x7f: {  	_ =	shalt  }
0x80: {  	_ =	shalt  }
0x81: {  	_ =	shalt  }
0x82: {  	_ =	shalt  }
0x83: {  	_ =	shalt  }
0x84: {  	_ =	shalt  }
0x85: {  	_ =	shalt  }
0x86: {  	_ =	shalt  }
0x87: {  	_ =	shalt  }
.Lfunc_end0:
.L_simem_size_0:
called_computation.2_lowered:
.L_overlay_start_0:
0x88: {  	s2 =	sld [smem:$0x3FD9]  }
0x89: {  	s3 =	sld [smem:$0x3FFE];
	_ =	sdelay $0x1  }
0x8a: {  	s1 =	srdreg.scid  }
0x8b: {  	s0 =	sand.u32 $0x1, s1  }
0x8c: {  	s16 =	sshll.u32 s0, $0xA;
	s2 =	sadd.s32 s3, s2  }
0x8d: {  	s2 =	sadd.s32 s2, s16  }
0x8e: {  	[smem:$0x3FC2] =	sst s2  }
0x8f: {  	_ = 	snop  }
0x90: {  	(tm) =	ssettm $0x1  }
0x91: {  	s17 =	sld [smem:$0x3FFB];
	_ =	sdelay $0x3  }
0x92: {  	_ =	strace s17  }
0x93: {  	s2 =	sld [smem:$0x3FFC];
	_ =	sdelay $0x3  }
0x94: {  	_ =	strace s2  }
0x95: {  	s2 =	sld [smem:$0x3FFD];
	_ =	sdelay $0x3  }
0x96: {  	_ =	strace s2  }
0x97: {  	_ =	strace $0x8FFFFFFF  }
0x98: {  	s18 =	sld [smem:$0x3FDB];
	_ =	sdelay $0x1  }
0x99: {  	s19 =	simm.s32 $_scs_section_size  }
0x9a: {  	s4 =	simm.s32 $_size__tile_overlayer_lowered;
	s5 =	simm.s32 $_tile_overlayer_lowered  }
0x9b: {  	s22 =	simm.s32 $0x1BFF;
	s21 =	sshll.u32 s5, $0x1;
	s2 =	sadd.s32 s19, s18  }
0x9c: {  	s6 =	simm.s32 $0x0;
	s20 =	sshll.u32 s4, $0x1;
	s4 =	sadd.s32 s21, s2  }
0x9d: {  	[timem:s6], [sflag:s22] =	dma.local [hbm:s4], s20  }
0x9e: {  	_ =	swait.ge [sflag:s22], s20  }
0x9f: {  	s3 =	ssub.s32 $0x0, s20;
	[sflag:s22] =	ssyncset.done $0x0  }
0xa0: {  	[sflag:s22] =	ssyncadd.s32 s3;
	_ =	sdelay $0x1  }
0xa1: {  	s23 =	simm.s32 $0x1B8B  }
0xa2: {  	_ =	swait.ge [sflag:s23], $0x1  }
0xa3: {  	[sflag:s23] =	ssyncset.done $0x0  }
0xa4: {  	s25 =	simm.s32 $0x1B8E;
	s24 =	sld [smem:$0x3FFE];
	[sflag:s23] =	ssyncadd.s32 $0xFFFFFFFF  }
0xa5: {  	s26 =	simm.s32 $execute0_lowered;
	[smem:$0x3FD2] =	sst s25  }
0xa6: {  	s4 =	sshll.u32 s26, $0x1;
	_ =	strace $0x8000004C;
	[dreg:$0x1] =	wrdreg $0xFFFFFFFF  }
0xa7: {  	s28 =	simm.s32 $_size_execute0_lowered;
	s2 =	sadd.s32 s2, s4;
	[dreg:$0x0] =	wrdreg $0x0  }
0xa8: {  	s4 =	sshll.u32 s28, $0x1;
	[dreg:$0x2] =	wrdreg s2  }
0xa9: {  	[dreg:$0x3] =	wrdreg s4  }
0xaa: {  	[dreg:$0x4] =	wrdreg $0xC0  }
0xab: {  	_ =	task [dreg:s6], $0x5FFFF  }
0xac: {  	[dreg:$0x1] =	wrdreg $0xFFFFFFFF  }
0xad: {  	[dreg:$0x0] =	wrdreg $0x60  }
0xae: {  	[dreg:$0x2] =	wrdreg s24  }
0xaf: {  	[dreg:$0x3] =	wrdreg $0xB5400  }
0xb0: {  	[dreg:$0x4] =	wrdreg $0x9  }
0xb1: {  	_ =	task.clear_ibuf [dreg:s6], $0x5FFFF;
	_ =	strace $0x9000004C  }
0xb2: {  	s29 =	simm.s32 $0x9;
	_ =	strace $0x8000004E  }
0xb3: {  	_ =	swait.ge [sflag:s29], $0x1  }
0xb4: {  	[sflag:s29] =	ssyncadd.s32 $0xFFFFFFFF  }
0xb5: {  	_ =	strace $0x9000004E  }
0xb6: {  	_ =	sfence  }
0xb7: {  	s30 =	sld [smem:$0x0];
	_ =	sdelay $0x2  }
0xb8: {  	s31 =	sshll.u32 s1, $0xD;
	s1 =	sshrl.u32 s1, $0x2  }
0xb9: {  	s3 =	sand.u32 $0x4000, s31;
	s1 =	sadd.s32 s1, s30  }
0xba: {  	s0 =	sor.u32 s3, s0;
	s1 =	sshll.u32 s1, $0x11  }
0xbb: {  	s0 =	sor.u32 s1, s0  }
0xbc: {  	s0 =	sadd.s32 $0x8F2B, s0  }
0xbd: {  	[sflag:s0] =	ssyncadd.remote.s32 $0x1  }
0xbe: {  	_ =	sfence.sel $0xFFFF  }
0xbf: {  	[dreg:$0x0] =	wrdreg $0xFFFFFFFF;
	(pc) =	sbr.abs _section_cstart, $3  }
0xc0: {  	[dreg:$0x1] =	wrdreg $0xFFFFFFFF  }
0xc1: {  	_ =	task.clear_ibuf [dreg:s6], $0x2FFFF;
	_ =	strace $0x9FFFFFFF  }
0xc2: {  	(tm) =	ssettm $0x7FFFFFFF  }
0xc3: {  	_ =	shalt  }
tec
execute0_lowered:
.L_overlay_start_1:
0x0: {  	(tag) =	ssettag $0x1  }
0x1: {  	s0 =	rddreg [dreg:$0x0]  }
0x2: {  	s1 =	srdreg.scid;
	s14 =	stileid.u32  }
0x3: {  	s2 =	sand.u32 $0x1, s1;
	s3 =	sshll.u32 s14, $0x1;
	s4 =	smul.u32 $0x14000, s14  }
0x4: {  	s1 =	simm.s32 $0x0;
	s6 =	sadd.s32 $0x4A000, s0;
	s3 =	sor.u32 s2, s3  }
0x5: {  	s5 =	smul.u32 $0x140000, s2;
	[smem:$0x7FF] =	sst s1;
	s2 =	ssub.s32 $0x2, s2  }
0x6: {  	s3 =	smul.u32 $0x514, s3;
	s7 =	sshrl.u32 s2, $0x1;
	s9 =	sadd.s32 $0x4000, s4  }
0x7: {  	s11 =	sadd.s32 $0x6000, s4;
	s13 =	sadd.s32 $0xA000, s4;
	s8 =	sadd.s32 s5, s4  }
0x8: {  	s2 =	ssub.s32 s2, s7;
	s10 =	sadd.s32 s5, s9;
	s18 =	sadd.s32 s5, s11  }
0x9: {  	s12 =	sadd.s32 s5, s13;
	s15 =	sshrl.u32 s8, $0x3;
	s8 =	sor.u32 $0x2000, s4  }
0xa: {  	s17 =	sshrl.u32 s10, $0x3;
	s19 =	sshrl.u32 s18, $0x3;
	s10 =	sadd.s32 $0x8000, s4  }
0xb: {  	s21 =	sshrl.u32 s12, $0x3;
	s18 =	sadd.s32 $0x10000, s4;
	s12 =	rddreg [dreg:$0x1]  }
0xc: {  	s3 =	sadd.s32 s3, s0;
	s7 =	sadd.s32 s6, s15;
	s16 =	sadd.s32 s5, s8  }
0xd: {  	s20 =	sadd.s32 s5, s10;
	[dreg:$0x3] =	wrdreg s7;
	s7 =	sshrl.u32 s16, $0x3  }
0xe: {  	s15 =	sadd.s32 $0xC000, s4;
	s25 =	sadd.s32 s5, s18;
	s7 =	sadd.s32 s6, s7  }
0xf: {  	s22 =	sadd.s32 s5, s15;
	[dreg:$0x4] =	wrdreg s7;
	s7 =	sadd.s32 s6, s17  }
0x10: {  	s16 =	sadd.s32 $0xE000, s4;
	[dreg:$0x5] =	wrdreg s7;
	s7 =	sadd.s32 s6, s19  }
0x11: {  	s23 =	sshrl.u32 s22, $0x3;
	[dreg:$0x6] =	wrdreg s7;
	s7 =	sshrl.u32 s20, $0x3  }
0x12: {  	s24 =	sadd.s32 s5, s16;
	s19 =	sadd.s32 $0x12000, s4;
	s7 =	sadd.s32 s6, s7  }
0x13: {  	s5 =	sadd.s32 s5, s19;
	[dreg:$0x7] =	wrdreg s7;
	s7 =	sadd.s32 s6, s21  }
0x14: {  	s5 =	sshrl.u32 s5, $0x3;
	[dreg:$0x8] =	wrdreg s7;
	s7 =	sadd.s32 s6, s23  }
0x15: {  	s5 =	sadd.s32 s6, s5;
	[dreg:$0x9] =	wrdreg s7;
	s7 =	sshrl.u32 s24, $0x3  }
0x16: {  	s26 =	sshrl.u32 s25, $0x3;
	[dreg:$0xc] =	wrdreg s5;
	s7 =	sadd.s32 s6, s7  }
0x17: {  	s28 =	sadd.s32 s18, s12;
	[dreg:$0xa] =	wrdreg s7;
	s7 =	sadd.s32 s6, s26  }
0x18: {  	s18 =	simm.s32 $0x3;
	[dreg:$0xb] =	wrdreg s7;
	s7 =	sadd.s32 $0xE600, s3  }
0x19: {  	s17 =	sadd.s32 $0x18A00, s3;
	_ =	strace $0x8000004D;
	[dreg:$0xd] =	wrdreg s7  }
0x1a: {  	s25 =	sadd.s32 s11, s12;
	s21 =	sadd.s32 s4, s12;
	[dreg:$0xe] =	wrdreg s17  }
0x1b: {  	s11 =	simm.s32 $0x64;
	s22 =	smax.u32 s2, $0x1;
	[dreg:$0xf] =	wrdreg s21  }
0x1c: {  	s29 =	sadd.s32 s19, s12;
	s23 =	sadd.s32 s8, s12;
	[dreg:$0x10] =	wrdreg s22  }
0x1d: {  	s19 =	simm.s32 $0x4;
	s24 =	sadd.s32 s9, s12;
	[dreg:$0x11] =	wrdreg s23  }
0x1e: {  	s8 =	simm.s32 $0x28A0;
	s6 =	smul.u32 $0x50000, s14;
	[dreg:$0x12] =	wrdreg s24  }
0x1f: {  	s9 =	simm.s32 $0x5140;
	s26 =	sadd.s32 s10, s12;
	[dreg:$0x13] =	wrdreg s25  }
0x20: {  	s14 =	sadd.s32 $0x22E00, s0;
	s20 =	sshrl.u32 s6, $0x2;
	[dreg:$0x14] =	wrdreg s26  }
0x21: {  	s24 =	sadd.s32 s13, s12;
	s25 =	sadd.s32 s15, s12;
	s26 =	sadd.s32 s16, s12  }
0x22: {  	s7 =	simm.s32 $0x5;
	s13 =	simm.s32 $0x1;
	s15 =	simm.s32 $0x8340  }
0x23: {  	s16 =	simm.s32 $0x2;
	s17 =	sadd.s32 s20, s12;
	s20 =	simm.s32 $0x0  }
0x24: {  	s30 =	sadd.s32 $0x2000, s17;
	s31 =	sadd.s32 $0x4000, s17;
	s10 =	sadd.s32 $0x6000, s17  }
0x25: {  	s0 =	sadd.s32 $0x8000, s17;
	s2 =	sadd.s32 $0xA000, s17;
	s3 =	sadd.s32 $0xC000, s17  }
0x26: {  	v0 =	vimm.f32 $0.0e+00;
	s4 =	sadd.s32 $0xE000, s17;
	s5 =	sadd.s32 $0x10000, s17;
	s6 =	sadd.s32 $0x12000, s17  }
.LBB2_1:
0x27: {  	s21 =	rddreg [dreg:$0xd]  }
0x28: {  	[tilespmem:s1], [sflag:$0x5] =	stream.linear.gather [hbm4b:s21+s1], $0x28A0, $0x38;
	[tilespmem:$0x1F540] =	vst v63  }
0x29: {  	_ =	swait.ge [sflag:s7], $0x28A0  }
0x2a: {  	[sflag:s7] =	ssyncset.done $0x0  }
0x2b: {  	s23 =	rddreg [dreg:$0xe];
	[sflag:s7] =	ssyncadd.s32 $0xFFFFD760  }
0x2c: {  	[tilespmem:s8], [sflag:$0x5] =	stream.linear.gather [hbm4b:s23+s1], $0x28A0, $0x38;
	[tilespmem:$0x1F540] =	vst v63  }
0x2d: {  	_ =	swait.ge [sflag:s7], $0x28A0  }
0x2e: {  	[sflag:s7] =	ssyncset.done $0x0  }
0x2f: {  	s22 =	simm.s32 $0x200;
	s21 =	simm.s32 $0x0;
	[sflag:s7] =	ssyncadd.s32 $0xFFFFD760  }
.LBB2_2:
0x30: {  	p0 =	sne.s32 s22, $0x7E00;
	[tilespmem:s21+$0x51B0] =	vst v0  }
0x31: {  	[tilespmem:s21+$0x5140] =	vst v0  }
0x32: {  	[tilespmem:s21+$0x5150] =	vst v0  }
.Ltmp0:
0x33: {  	[tilespmem:s21+$0x5160] =	vst v0;
	(pc) =	sbr.rel @p0 .LBB2_2-.Ltmp0, $4  }
0x34: {  	[tilespmem:s21+$0x5170] =	vst v0  }
0x35: {  	[tilespmem:s21+$0x5180] =	vst v0  }
0x36: {  	[tilespmem:s21+$0x5190] =	vst v0  }
0x37: {  	[tilespmem:s21+$0x51A0] =	vst v0;
	s21 =	sshra.s32 s22, $0x2;
	s22 =	sadd.s32 $0x200, s22  }
0x38: {  	[tilespmem:s21+$0x51B0] =	vst v0  }
0x39: {  	[tilespmem:s21+$0x5140] =	vst v0  }
0x3a: {  	[tilespmem:s21+$0x5150] =	vst v0  }
0x3b: {  	[tilespmem:s21+$0x5160] =	vst v0  }
0x3c: {  	[tilespmem:s21+$0x5170] =	vst v0  }
0x3d: {  	[tilespmem:s21+$0x5180] =	vst v0  }
0x3e: {  	[tilespmem:s21+$0x5190] =	vst v0  }
0x3f: {  	[tilespmem:s21+$0x51A0] =	vst v0  }
0x40: {  	[spmem:s17] =	stream.linear.scatter [tilespmem:s9], [sflag:$0x5], $0x2000, $0x38;
	[tilespmem:$0x1F540] =	vst v63  }
0x41: {  	_ =	swait.ge [sflag:s7], $0x2000  }
0x42: {  	[sflag:s7] =	ssyncset.done $0x0  }
0x43: {  	[sflag:s7] =	ssyncadd.s32 $0xFFFFE000  }
0x44: {  	[spmem:s30] =	stream.linear.scatter [tilespmem:s9], [sflag:$0x5], $0x2000, $0x38;
	[tilespmem:$0x1F540] =	vst v63  }
0x45: {  	_ =	swait.ge [sflag:s7], $0x2000  }
0x46: {  	[sflag:s7] =	ssyncset.done $0x0  }
0x47: {  	[sflag:s7] =	ssyncadd.s32 $0xFFFFE000  }
0x48: {  	[spmem:s31] =	stream.linear.scatter [tilespmem:s9], [sflag:$0x5], $0x2000, $0x38;
	[tilespmem:$0x1F540] =	vst v63  }
0x49: {  	_ =	swait.ge [sflag:s7], $0x2000  }
0x4a: {  	[sflag:s7] =	ssyncset.done $0x0  }
0x4b: {  	[sflag:s7] =	ssyncadd.s32 $0xFFFFE000  }
0x4c: {  	[spmem:s10] =	stream.linear.scatter [tilespmem:s9], [sflag:$0x5], $0x2000, $0x38;
	[tilespmem:$0x1F540] =	vst v63  }
0x4d: {  	_ =	swait.ge [sflag:s7], $0x2000  }
0x4e: {  	[sflag:s7] =	ssyncset.done $0x0  }
0x4f: {  	[sflag:s7] =	ssyncadd.s32 $0xFFFFE000  }
0x50: {  	[spmem:s0] =	stream.linear.scatter [tilespmem:s9], [sflag:$0x5], $0x2000, $0x38;
	[tilespmem:$0x1F540] =	vst v63  }
0x51: {  	_ =	swait.ge [sflag:s7], $0x2000  }
0x52: {  	[sflag:s7] =	ssyncset.done $0x0  }
0x53: {  	[sflag:s7] =	ssyncadd.s32 $0xFFFFE000  }
0x54: {  	[spmem:s2] =	stream.linear.scatter [tilespmem:s9], [sflag:$0x5], $0x2000, $0x38;
	[tilespmem:$0x1F540] =	vst v63  }
0x55: {  	_ =	swait.ge [sflag:s7], $0x2000  }
0x56: {  	[sflag:s7] =	ssyncset.done $0x0  }
0x57: {  	[sflag:s7] =	ssyncadd.s32 $0xFFFFE000  }
0x58: {  	[spmem:s3] =	stream.linear.scatter [tilespmem:s9], [sflag:$0x5], $0x2000, $0x38;
	[tilespmem:$0x1F540] =	vst v63  }
0x59: {  	_ =	swait.ge [sflag:s7], $0x2000  }
0x5a: {  	[sflag:s7] =	ssyncset.done $0x0  }
0x5b: {  	[sflag:s7] =	ssyncadd.s32 $0xFFFFE000  }
0x5c: {  	[spmem:s4] =	stream.linear.scatter [tilespmem:s9], [sflag:$0x5], $0x2000, $0x38;
	[tilespmem:$0x1F540] =	vst v63  }
0x5d: {  	_ =	swait.ge [sflag:s7], $0x2000  }
0x5e: {  	[sflag:s7] =	ssyncset.done $0x0  }
0x5f: {  	[sflag:s7] =	ssyncadd.s32 $0xFFFFE000  }
0x60: {  	[spmem:s5] =	stream.linear.scatter [tilespmem:s9], [sflag:$0x5], $0x2000, $0x38;
	[tilespmem:$0x1F540] =	vst v63  }
0x61: {  	_ =	swait.ge [sflag:s7], $0x2000  }
0x62: {  	[sflag:s7] =	ssyncset.done $0x0  }
0x63: {  	[sflag:s7] =	ssyncadd.s32 $0xFFFFE000  }
0x64: {  	[spmem:s6] =	stream.linear.scatter [tilespmem:s9], [sflag:$0x5], $0x2000, $0x38;
	[tilespmem:$0x1F540] =	vst v63  }
0x65: {  	_ =	swait.ge [sflag:s7], $0x2000  }
0x66: {  	[sflag:s7] =	ssyncset.done $0x0  }
0x67: {  	[sflag:s7] =	ssyncadd.s32 $0xFFFFE000  }
0x68: {  	[bflag:$0x0] =	sbarrier.arrive $0xFFFF  }
0x69: {  	[tilespmem:s9], [sflag:$0x1] =	stream.indirect.gather [hbm4b:s14+s11], $0x80, s1, s11, $0xb8;
	[tilespmem:$0x1F540] =	vst v63  }
0x6a: {  	_ =	swait.ge [sflag:s13], $0x3200  }
0x6b: {  	[sflag:s13] =	ssyncset.done $0x0  }
0x6c: {  	s23 =	simm.s32 $0x68;
	[sflag:s13] =	ssyncadd.s32 $0xFFFFCE00  }
0x6d: {  	[tilespmem:s15], [sflag:$0x2] =	stream.indirect.gather [hbm4b:s14+s11], $0x80, s23, s11, $0xb8;
	[tilespmem:$0x1F540] =	vst v63  }
0x6e: {  	_ = 	snop  }
0x6f: {  	[spmem:s12] =	stream.indirect.scatter.add.f32 [tilespmem:s9], [sflag:$0x3], $0x80, s8, s11, $0xb8;
	[tilespmem:$0x1F540] =	vst v63  }
0x70: {  	_ =	swait.ge [sflag:s16], $0x3200  }
0x71: {  	[sflag:s16] =	ssyncset.done $0x0  }
0x72: {  	[sflag:s16] =	ssyncadd.s32 $0xFFFFCE00  }
0x73: {  	_ =	swait.ge [sflag:s18], $0x3200  }
0x74: {  	[sflag:s18] =	ssyncset.done $0x0  }
0x75: {  	s22 =	simm.s32 $0xD0;
	[sflag:s18] =	ssyncadd.s32 $0xFFFFCE00  }
0x76: {  	[tilespmem:s9], [sflag:$0x1] =	stream.indirect.gather [hbm4b:s14+s11], $0x80, s22, s11, $0xb8;
	[tilespmem:$0x1F540] =	vst v63  }
0x77: {  	s23 =	simm.s32 $0x2908  }
0x78: {  	[spmem:s12] =	stream.indirect.scatter.add.f32 [tilespmem:s15], [sflag:$0x4], $0x80, s23, s11, $0xb8;
	[tilespmem:$0x1F540] =	vst v63  }
0x79: {  	_ =	swait.ge [sflag:s13], $0x3200  }
0x7a: {  	[sflag:s13] =	ssyncset.done $0x0  }
0x7b: {  	[sflag:s13] =	ssyncadd.s32 $0xFFFFCE00  }
0x7c: {  	_ =	swait.ge [sflag:s19], $0x3200  }
0x7d: {  	[sflag:s19] =	ssyncset.done $0x0  }
0x7e: {  	s22 =	simm.s32 $0x138;
	[sflag:s19] =	ssyncadd.s32 $0xFFFFCE00  }
0x7f: {  	[tilespmem:s15], [sflag:$0x2] =	stream.indirect.gather [hbm4b:s14+s11], $0x80, s22, s11, $0xb8;
	[tilespmem:$0x1F540] =	vst v63  }
0x80: {  	s23 =	simm.s32 $0x2970  }
0x81: {  	[spmem:s12] =	stream.indirect.scatter.add.f32 [tilespmem:s9], [sflag:$0x3], $0x80, s23, s11, $0xb8;
	[tilespmem:$0x1F540] =	vst v63  }
0x82: {  	_ =	swait.ge [sflag:s16], $0x3200  }
0x83: {  	[sflag:s16] =	ssyncset.done $0x0  }
0x84: {  	[sflag:s16] =	ssyncadd.s32 $0xFFFFCE00  }
0x85: {  	_ =	swait.ge [sflag:s18], $0x3200  }
0x86: {  	[sflag:s18] =	ssyncset.done $0x0  }
0x87: {  	s22 =	simm.s32 $0x1A0;
	[sflag:s18] =	ssyncadd.s32 $0xFFFFCE00  }
0x88: {  	[tilespmem:s9], [sflag:$0x1] =	stream.indirect.gather [hbm4b:s14+s11], $0x80, s22, s11, $0xb8;
	[tilespmem:$0x1F540] =	vst v63  }
0x89: {  	s23 =	simm.s32 $0x29D8  }
0x8a: {  	[spmem:s12] =	stream.indirect.scatter.add.f32 [tilespmem:s15], [sflag:$0x4], $0x80, s23, s11, $0xb8;
	[tilespmem:$0x1F540] =	vst v63  }
0x8b: {  	_ =	swait.ge [sflag:s13], $0x3200  }
0x8c: {  	[sflag:s13] =	ssyncset.done $0x0  }
0x8d: {  	[sflag:s13] =	ssyncadd.s32 $0xFFFFCE00  }
0x8e: {  	_ =	swait.ge [sflag:s19], $0x3200  }
0x8f: {  	[sflag:s19] =	ssyncset.done $0x0  }
0x90: {  	s22 =	simm.s32 $0x208;
	[sflag:s19] =	ssyncadd.s32 $0xFFFFCE00  }
0x91: {  	[tilespmem:s15], [sflag:$0x2] =	stream.indirect.gather [hbm4b:s14+s11], $0x80, s22, s11, $0xb8;
	[tilespmem:$0x1F540] =	vst v63  }
0x92: {  	s23 =	simm.s32 $0x2A40  }
0x93: {  	[spmem:s12] =	stream.indirect.scatter.add.f32 [tilespmem:s9], [sflag:$0x3], $0x80, s23, s11, $0xb8;
	[tilespmem:$0x1F540] =	vst v63  }
0x94: {  	_ =	swait.ge [sflag:s16], $0x3200  }
0x95: {  	s21 =	simm.s32 $0xFFFF6740;
	[sflag:s16] =	ssyncset.done $0x0  }
.LBB2_4:
0x96: {  	[sflag:s16] =	ssyncadd.s32 $0xFFFFCE00;
	s22 =	smov.u32 s21;
	s21 =	sadd.s32 $0x340, s21  }
0x97: {  	p0 =	sne.s32 s21, $0x0  }
0x98: {  	_ =	swait.ge [sflag:s18], $0x3200  }
0x99: {  	s22 =	sshra.s32 s22, $0x2;
	[sflag:s18] =	ssyncset.done $0x0  }
0x9a: {  	s23 =	sadd.s32 $0x28A0, s22;
	[sflag:s18] =	ssyncadd.s32 $0xFFFFCE00  }
0x9b: {  	[tilespmem:s9], [sflag:$0x1] =	stream.indirect.gather [hbm4b:s14+s11], $0x80, s23, s11, $0xb8;
	[tilespmem:$0x1F540] =	vst v63  }
0x9c: {  	s23 =	sadd.s32 $0x50D8, s22  }
0x9d: {  	[spmem:s12] =	stream.indirect.scatter.add.f32 [tilespmem:s15], [sflag:$0x4], $0x80, s23, s11, $0xb8;
	[tilespmem:$0x1F540] =	vst v63  }
0x9e: {  	_ =	swait.ge [sflag:s13], $0x3200  }
0x9f: {  	[sflag:s13] =	ssyncset.done $0x0  }
0xa0: {  	[sflag:s13] =	ssyncadd.s32 $0xFFFFCE00  }
0xa1: {  	_ =	swait.ge [sflag:s19], $0x3200  }
0xa2: {  	[sflag:s19] =	ssyncset.done $0x0  }
0xa3: {  	s23 =	sadd.s32 $0x2908, s22;
	[sflag:s19] =	ssyncadd.s32 $0xFFFFCE00  }
0xa4: {  	[tilespmem:s15], [sflag:$0x2] =	stream.indirect.gather [hbm4b:s14+s11], $0x80, s23, s11, $0xb8;
	[tilespmem:$0x1F540] =	vst v63  }
.Ltmp1:
0xa5: {  	_ = 	snop;
	(pc) =	sbr.rel @p0 .LBB2_4-.Ltmp1, $4  }
0xa6: {  	s22 =	sadd.s32 $0x5140, s22  }
0xa7: {  	[spmem:s12] =	stream.indirect.scatter.add.f32 [tilespmem:s9], [sflag:$0x3], $0x80, s22, s11, $0xb8;
	[tilespmem:$0x1F540] =	vst v63  }
0xa8: {  	_ =	swait.ge [sflag:s16], $0x3200  }
0xa9: {  	[sflag:s16] =	ssyncset.done $0x0  }
0xaa: {  	s21 =	sshra.s32 s21, $0x2  }
0xab: {  	[sflag:s16] =	ssyncadd.s32 $0xFFFFCE00;
	s21 =	sadd.s32 $0x50D8, s21  }
0xac: {  	[spmem:s12] =	stream.indirect.scatter.add.f32 [tilespmem:s15], [sflag:$0x4], $0x80, s21, s11, $0xb8;
	[tilespmem:$0x1F540] =	vst v63  }
0xad: {  	_ =	swait.ge [sflag:s18], $0x3200  }
0xae: {  	[sflag:s18] =	ssyncset.done $0x0  }
0xaf: {  	[sflag:s18] =	ssyncadd.s32 $0xFFFFCE00  }
0xb0: {  	_ =	swait.ge [sflag:s19], $0x3200  }
0xb1: {  	[sflag:s19] =	ssyncset.done $0x0  }
0xb2: {  	[sflag:s19] =	ssyncadd.s32 $0xFFFFCE00  }
0xb3: {  	[bflag:$0x0] =	sbarrier.arrive $0xFFFF  }
0xb4: {  	s22 =	rddreg [dreg:$0xf]  }
0xb5: {  	[tilespmem:s9], [sflag:$0x5] =	stream.linear.gather [spmem:s22], $0x2000, $0x38;
	[tilespmem:$0x1F540] =	vst v63  }
0xb6: {  	_ =	swait.ge [sflag:s7], $0x2000  }
0xb7: {  	[sflag:s7] =	ssyncset.done $0x0  }
0xb8: {  	s23 =	rddreg [dreg:$0x3];
	[sflag:s7] =	ssyncadd.s32 $0xFFFFE000  }
0xb9: {  	[hbm4b:s23+s1] =	stream.linear.scatter [tilespmem:s9], [sflag:$0x5], $0x2000, $0x38;
	[tilespmem:$0x1F540] =	vst v63  }
0xba: {  	_ =	swait.ge [sflag:s7], $0x2000  }
0xbb: {  	[sflag:s7] =	ssyncset.done $0x0  }
0xbc: {  	s22 =	rddreg [dreg:$0x11];
	[sflag:s7] =	ssyncadd.s32 $0xFFFFE000  }
0xbd: {  	[tilespmem:s9], [sflag:$0x5] =	stream.linear.gather [spmem:s22], $0x2000, $0x38;
	[tilespmem:$0x1F540] =	vst v63  }
0xbe: {  	_ =	swait.ge [sflag:s7], $0x2000  }
0xbf: {  	[sflag:s7] =	ssyncset.done $0x0  }
0xc0: {  	s23 =	rddreg [dreg:$0x4];
	[sflag:s7] =	ssyncadd.s32 $0xFFFFE000  }
0xc1: {  	[hbm4b:s23+s1] =	stream.linear.scatter [tilespmem:s9], [sflag:$0x5], $0x2000, $0x38;
	[tilespmem:$0x1F540] =	vst v63  }
0xc2: {  	_ =	swait.ge [sflag:s7], $0x2000  }
0xc3: {  	[sflag:s7] =	ssyncset.done $0x0  }
0xc4: {  	s22 =	rddreg [dreg:$0x12];
	[sflag:s7] =	ssyncadd.s32 $0xFFFFE000  }
0xc5: {  	[tilespmem:s9], [sflag:$0x5] =	stream.linear.gather [spmem:s22], $0x2000, $0x38;
	[tilespmem:$0x1F540] =	vst v63  }
0xc6: {  	_ =	swait.ge [sflag:s7], $0x2000  }
0xc7: {  	[sflag:s7] =	ssyncset.done $0x0  }
0xc8: {  	s23 =	rddreg [dreg:$0x5];
	[sflag:s7] =	ssyncadd.s32 $0xFFFFE000  }
0xc9: {  	[hbm4b:s23+s1] =	stream.linear.scatter [tilespmem:s9], [sflag:$0x5], $0x2000, $0x38;
	[tilespmem:$0x1F540] =	vst v63  }
0xca: {  	_ =	swait.ge [sflag:s7], $0x2000  }
0xcb: {  	[sflag:s7] =	ssyncset.done $0x0  }
0xcc: {  	s22 =	rddreg [dreg:$0x13];
	[sflag:s7] =	ssyncadd.s32 $0xFFFFE000  }
0xcd: {  	[tilespmem:s9], [sflag:$0x5] =	stream.linear.gather [spmem:s22], $0x2000, $0x38;
	[tilespmem:$0x1F540] =	vst v63  }
0xce: {  	_ =	swait.ge [sflag:s7], $0x2000  }
0xcf: {  	[sflag:s7] =	ssyncset.done $0x0  }
0xd0: {  	s23 =	rddreg [dreg:$0x6];
	[sflag:s7] =	ssyncadd.s32 $0xFFFFE000  }
0xd1: {  	[hbm4b:s23+s1] =	stream.linear.scatter [tilespmem:s9], [sflag:$0x5], $0x2000, $0x38;
	[tilespmem:$0x1F540] =	vst v63  }
0xd2: {  	_ =	swait.ge [sflag:s7], $0x2000  }
0xd3: {  	[sflag:s7] =	ssyncset.done $0x0  }
0xd4: {  	s22 =	rddreg [dreg:$0x14];
	[sflag:s7] =	ssyncadd.s32 $0xFFFFE000  }
0xd5: {  	[tilespmem:s9], [sflag:$0x5] =	stream.linear.gather [spmem:s22], $0x2000, $0x38;
	[tilespmem:$0x1F540] =	vst v63  }
0xd6: {  	_ =	swait.ge [sflag:s7], $0x2000  }
0xd7: {  	[sflag:s7] =	ssyncset.done $0x0  }
0xd8: {  	s23 =	rddreg [dreg:$0x7];
	[sflag:s7] =	ssyncadd.s32 $0xFFFFE000  }
0xd9: {  	[hbm4b:s23+s1] =	stream.linear.scatter [tilespmem:s9], [sflag:$0x5], $0x2000, $0x38;
	[tilespmem:$0x1F540] =	vst v63  }
0xda: {  	_ =	swait.ge [sflag:s7], $0x2000  }
0xdb: {  	[sflag:s7] =	ssyncset.done $0x0  }
0xdc: {  	[sflag:s7] =	ssyncadd.s32 $0xFFFFE000  }
0xdd: {  	[tilespmem:s9], [sflag:$0x5] =	stream.linear.gather [spmem:s24], $0x2000, $0x38;
	[tilespmem:$0x1F540] =	vst v63  }
0xde: {  	_ =	swait.ge [sflag:s7], $0x2000  }
0xdf: {  	[sflag:s7] =	ssyncset.done $0x0  }
0xe0: {  	s22 =	rddreg [dreg:$0x8];
	[sflag:s7] =	ssyncadd.s32 $0xFFFFE000  }
0xe1: {  	[hbm4b:s22+s1] =	stream.linear.scatter [tilespmem:s9], [sflag:$0x5], $0x2000, $0x38;
	[tilespmem:$0x1F540] =	vst v63  }
0xe2: {  	_ =	swait.ge [sflag:s7], $0x2000  }
0xe3: {  	[sflag:s7] =	ssyncset.done $0x0  }
0xe4: {  	[sflag:s7] =	ssyncadd.s32 $0xFFFFE000  }
0xe5: {  	[tilespmem:s9], [sflag:$0x5] =	stream.linear.gather [spmem:s25], $0x2000, $0x38;
	[tilespmem:$0x1F540] =	vst v63  }
0xe6: {  	_ =	swait.ge [sflag:s7], $0x2000  }
0xe7: {  	[sflag:s7] =	ssyncset.done $0x0  }
0xe8: {  	s23 =	rddreg [dreg:$0x9];
	[sflag:s7] =	ssyncadd.s32 $0xFFFFE000  }
0xe9: {  	[hbm4b:s23+s1] =	stream.linear.scatter [tilespmem:s9], [sflag:$0x5], $0x2000, $0x38;
	[tilespmem:$0x1F540] =	vst v63  }
0xea: {  	_ =	swait.ge [sflag:s7], $0x2000  }
0xeb: {  	[sflag:s7] =	ssyncset.done $0x0  }
0xec: {  	[sflag:s7] =	ssyncadd.s32 $0xFFFFE000  }
0xed: {  	[tilespmem:s9], [sflag:$0x5] =	stream.linear.gather [spmem:s26], $0x2000, $0x38;
	[tilespmem:$0x1F540] =	vst v63  }
0xee: {  	_ =	swait.ge [sflag:s7], $0x2000  }
0xef: {  	[sflag:s7] =	ssyncset.done $0x0  }
0xf0: {  	s22 =	rddreg [dreg:$0xa];
	[sflag:s7] =	ssyncadd.s32 $0xFFFFE000  }
0xf1: {  	[hbm4b:s22+s1] =	stream.linear.scatter [tilespmem:s9], [sflag:$0x5], $0x2000, $0x38;
	[tilespmem:$0x1F540] =	vst v63  }
0xf2: {  	_ =	swait.ge [sflag:s7], $0x2000  }
0xf3: {  	[sflag:s7] =	ssyncset.done $0x0  }
0xf4: {  	[sflag:s7] =	ssyncadd.s32 $0xFFFFE000  }
0xf5: {  	[tilespmem:s9], [sflag:$0x5] =	stream.linear.gather [spmem:s28], $0x2000, $0x38;
	[tilespmem:$0x1F540] =	vst v63  }
0xf6: {  	_ =	swait.ge [sflag:s7], $0x2000  }
0xf7: {  	[sflag:s7] =	ssyncset.done $0x0  }
0xf8: {  	s23 =	rddreg [dreg:$0xb];
	[sflag:s7] =	ssyncadd.s32 $0xFFFFE000  }
0xf9: {  	[hbm4b:s23+s1] =	stream.linear.scatter [tilespmem:s9], [sflag:$0x5], $0x2000, $0x38;
	[tilespmem:$0x1F540] =	vst v63  }
0xfa: {  	_ =	swait.ge [sflag:s7], $0x2000  }
0xfb: {  	[sflag:s7] =	ssyncset.done $0x0  }
0xfc: {  	[sflag:s7] =	ssyncadd.s32 $0xFFFFE000  }
0xfd: {  	[tilespmem:s9], [sflag:$0x5] =	stream.linear.gather [spmem:s29], $0x2000, $0x38;
	[tilespmem:$0x1F540] =	vst v63  }
0xfe: {  	_ =	swait.ge [sflag:s7], $0x2000  }
0xff: {  	[sflag:s7] =	ssyncset.done $0x0  }
0x100: {  	s22 =	rddreg [dreg:$0xc];
	[sflag:s7] =	ssyncadd.s32 $0xFFFFE000  }
0x101: {  	[hbm4b:s22+s1] =	stream.linear.scatter [tilespmem:s9], [sflag:$0x5], $0x2000, $0x38;
	[tilespmem:$0x1F540] =	vst v63  }
0x102: {  	_ =	swait.ge [sflag:s7], $0x2000  }
0x103: {  	s20 =	sadd.s32 $0x1, s20;
	s23 =	rddreg [dreg:$0x10]  }
0x104: {  	p0 =	sne.s32 s20, s23  }
.Ltmp2:
0x105: {  	_ = 	snop;
	(pc) =	sbr.rel @p0 .LBB2_1-.Ltmp2, $3  }
0x106: {  	_ =	sdelay $0x1  }
0x107: {  	[sflag:s7] =	ssyncset.done $0x0  }
0x108: {  	[sflag:s7] =	ssyncadd.s32 $0xFFFFE000  }
0x109: {  	_ =	sfence.sel $0x180000  }
0x10a: {  	[bflag:$0x0] =	sbarrier.arrive $0xFFFF  }
0x10b: {  	_ =	strace $0x9000004D  }
0x10c: {  	s0 =	stileid.u32;
	[bflag:$0x2] =	sbarrier.arrive $0xFFFF  }
0x10d: {  	p0 =	sne.s32 s0, $0x0;
	s0 =	rddreg [dreg:$0x2]  }
0x10e: {  	s0 =	sadd.s32 @!p0 $0x100000, s0  }
0x10f: {  	[sflag:s0] =	ssyncadd.tile.s32 @!p0 $0x1;
	_ =	shalt  }
.Lfunc_end2:
_tile_overlayer_lowered:
.L_overlay_start_2:
0x110: {  	(tag) =	ssettag $0x2  }
0x111: {  	s0 =	rddreg [dreg:$0x0];
	s2 =	stileid.u32  }
0x112: {  	s1 =	rddreg [dreg:$0x1];
	p0 =	sne.s32 s2, $0x0  }
0x113: {  	s3 =	rddreg [dreg:$0x2];
	[bflag:$0x3] =	sbarrier.arrive $0xFFFF;
	s2 =	simm.s32 @!p0 $0x1C05  }
0x114: {  	[timem:s3], [sflag:s2] =	dma.local @!p0 [hbm:s0], s1  }
0x115: {  	s0 =	simm.s32 @!p0 $0x5  }
0x116: {  	_ =	swait.ge @!p0 [sflag:s0], s1  }
0x117: {  	s1 =	ssub.s32 @!p0 $0x0, s1;
	[sflag:s0] =	ssyncset.done @!p0 $0x0  }
0x118: {  	[sflag:s0] =	ssyncadd.s32 @!p0 s1  }
0x119: {  	[bflag:$0x3] =	sbarrier.arrive $0xFFFF  }
0x11a: {  	_ =	shalt  }

// kernel: kernel.26.cloned.1.call-start
scs
__scs_entry_jumppad:
0x0: {  	(pc) =	sbr.rel $0x88, $3  }
0x1: {  	(tag) =	ssettag $0x0;
	lr =	simm.s32 $0x1  }
0x2: {  	[smem:$0x3F9B] =	sst lr;
	_ =	strace $0xD0000000  }
0x3: {  	_ = 	snop  }
0x4: {  	_ = 	snop  }
0x5: {  	_ = 	snop  }
0x6: {  	_ = 	snop  }
0x7: {  	_ = 	snop  }
__scs_overlays_trampoline_lowered:
0x8: {  	[smem:$0x3FAA] =	sst s0  }
0x9: {  	[smem:$0x3FAB] =	sst s1  }
0xa: {  	[smem:$0x3FAC] =	sst s2  }
0xb: {  	[smem:$0x3FAD] =	sst s3  }
0xc: {  	[smem:$0x3FAE] =	sst s4  }
0xd: {  	[smem:$0x3FAF] =	sst s5  }
0xe: {  	[smem:$0x3FB0] =	sst s6  }
0xf: {  	[smem:$0x3FB1] =	sst s7  }
0x10: {  	[smem:$0x3FB2] =	sst s8  }
0x11: {  	[smem:$0x3FB3] =	sst s9;
	s0 =	simm.s32 @!p0 $0x0  }
0x12: {  	s1 =	sld [smem:$0x3F99];
	s0 =	simm.s32 @p0 $0x1  }
0x13: {  	[smem:$0x3FB4] =	sst s0;
	s0 =	simm.s32 @!p1 $0x0  }
0x14: {  	s2 =	sld [smem:$0x3F98];
	s0 =	simm.s32 @p1 $0x1  }
0x15: {  	[smem:$0x3FB5] =	sst s0;
	s0 =	simm.s32 @!p2 $0x0  }
0x16: {  	s3 =	sld [smem:$0x3FDB];
	s0 =	simm.s32 @p2 $0x1  }
0x17: {  	s4 =	simm.s32 $0x1BF5;
	[smem:$0x3FB7] =	sst s0  }
0x18: {  	s0 =	sld [smem:$0x3F9A];
	_ =	swait.ge [sflag:s4], $0x0  }
0x19: {  	s7 =	sld [smem:$0x3F9B]  }
0x1a: {  	s8 =	sadd.s32 $0xFFFFE003, lr  }
0x1b: {  	s9 =	sadd.s32 $0xFFFFFEF7, lr;
	s5 =	simm.s32 $0xFFFFFFFF;
	p2 =	slt.u32 s8, $0xFFFFF086  }
0x1c: {  	p1 =	slt.u32 s9, $0xF7A;
	s5 =	simm.s32 @!p2 $0x0  }
0x1d: {  	s5 =	simm.s32 @p1 $0x1;
	p0 =	seq.s32 s7, s2  }
0x1e: {  	s7 =	smul.u32 @!p0 $0xF7A, s2;
	p2 =	seq.s32 @!p0 s5, $0x0  }
0x1f: {  	s9 =	smul.u32 $0xF7A, s1;
	s8 =	simm.s32 @!p0 $0x1BF5;
	p2 =	por !p2, p0  }
0x20: {  	[sflag:s8] =	ssyncset.s32 @!p0 $0xFFFFF086;
	s6 =	sadd.s32 @!p0 s3, s7;
	s7 =	simm.s32 @!p0 $0x108  }
0x21: {  	s3 =	sadd.s32 s3, s9;
	s6 =	sadd.s32 @!p0 $0x88, s6;
	s7 =	simm.s32 @p2 $0x1082  }
0x22: {  	[simem:s7], [sflag:s8] =	dma.local @!p0 [hbm:s6], $0xF7A  }
0x23: {  	s9 =	sor.u32 $0xD0000000, s2;
	s6 =	simm.s32 $0x108;
	_ =	swait.ge @!p0 [sflag:s8], $0x0  }
0x24: {  	s3 =	sadd.s32 $0x88, s3;
	s6 =	simm.s32 @!p1 $0x1082;
	[sflag:s4] =	ssyncset.s32 $0xFFFFF086  }
0x25: {  	[simem:s6], [sflag:s4] =	dma.local [hbm:s3], $0xF7A  }
0x26: {  	[smem:$0x3F9B] =	sst s1;
	(tag) =	ssettag s2;
	_ =	strace s9  }
0x27: {  	s1 =	sld [smem:$0x3FAB]  }
0x28: {  	s2 =	sld [smem:$0x3FAC]  }
0x29: {  	s4 =	sld [smem:$0x3FAE]  }
0x2a: {  	p0 =	seq.s32 s5, $0x0;
	s5 =	sld [smem:$0x3FAF]  }
0x2b: {  	s6 =	sld [smem:$0x3FB0]  }
0x2c: {  	s7 =	sld [smem:$0x3FB1]  }
0x2d: {  	s3 =	simm.s32 $0x108;
	s8 =	sld [smem:$0x3FB2]  }
0x2e: {  	s3 =	simm.s32 @!p0 $0x1082;
	s9 =	sld [smem:$0x3FB3]  }
0x2f: {  	lr =	sadd.s32 s0, s3;
	s0 =	sld [smem:$0x3FAA]  }
0x30: {  	s3 =	sld [smem:$0x3FAD]  }
0x31: {  	[smem:$0x3FB6] =	sst s10  }
0x32: {  	s10 =	sld [smem:$0x3FB4];
	_ =	sdelay $0x3  }
0x33: {  	p0 =	seq.s32 s10, $0x1;
	s10 =	sld [smem:$0x3FB6];
	_ =	sdelay $0x3  }
0x34: {  	[smem:$0x3FB6] =	sst s10  }
0x35: {  	s10 =	sld [smem:$0x3FB5];
	_ =	sdelay $0x3  }
0x36: {  	p1 =	seq.s32 s10, $0x1;
	s10 =	sld [smem:$0x3FB6];
	_ =	sdelay $0x3  }
0x37: {  	[smem:$0x3FB6] =	sst s10  }
0x38: {  	s10 =	sld [smem:$0x3FB7]  }
0x39: {  	_ = 	snop;
	(pc) =	sbr.ind lr, $3  }
0x3a: {  	_ = 	snop  }
0x3b: {  	_ = 	snop  }
0x3c: {  	p2 =	seq.s32 s10, $0x1;
	s10 =	sld [smem:$0x3FB6]  }
0x3d: {  	_ =	shalt  }
0x3e: {  	_ =	shalt  }
0x3f: {  	_ =	shalt  }
0x40: {  	_ =	shalt  }
0x41: {  	_ =	shalt  }
0x42: {  	_ =	shalt  }
0x43: {  	_ =	shalt  }
0x44: {  	_ =	shalt  }
0x45: {  	_ =	shalt  }
0x46: {  	_ =	shalt  }
0x47: {  	_ =	shalt  }
0x48: {  	_ =	shalt  }
0x49: {  	_ =	shalt  }
0x4a: {  	_ =	shalt  }
0x4b: {  	_ =	shalt  }
0x4c: {  	_ =	shalt  }
0x4d: {  	_ =	shalt  }
0x4e: {  	_ =	shalt  }
0x4f: {  	_ =	shalt  }
0x50: {  	_ =	shalt  }
0x51: {  	_ =	shalt  }
0x52: {  	_ =	shalt  }
0x53: {  	_ =	shalt  }
0x54: {  	_ =	shalt  }
0x55: {  	_ =	shalt  }
0x56: {  	_ =	shalt  }
0x57: {  	_ =	shalt  }
0x58: {  	_ =	shalt  }
0x59: {  	_ =	shalt  }
0x5a: {  	_ =	shalt  }
0x5b: {  	_ =	shalt  }
0x5c: {  	_ =	shalt  }
0x5d: {  	_ =	shalt  }
0x5e: {  	_ =	shalt  }
0x5f: {  	_ =	shalt  }
0x60: {  	_ =	shalt  }
0x61: {  	_ =	shalt  }
0x62: {  	_ =	shalt  }
0x63: {  	_ =	shalt  }
0x64: {  	_ =	shalt  }
0x65: {  	_ =	shalt  }
0x66: {  	_ =	shalt  }
0x67: {  	_ =	shalt  }
0x68: {  	_ =	shalt  }
0x69: {  	_ =	shalt  }
0x6a: {  	_ =	shalt  }
0x6b: {  	_ =	shalt  }
0x6c: {  	_ =	shalt  }
0x6d: {  	_ =	shalt  }
0x6e: {  	_ =	shalt  }
0x6f: {  	_ =	shalt  }
0x70: {  	_ =	shalt  }
0x71: {  	_ =	shalt  }
0x72: {  	_ =	shalt  }
0x73: {  	_ =	shalt  }
0x74: {  	_ =	shalt  }
0x75: {  	_ =	shalt  }
0x76: {  	_ =	shalt  }
0x77: {  	_ =	shalt  }
0x78: {  	_ =	shalt  }
0x79: {  	_ =	shalt  }
0x7a: {  	_ =	shalt  }
0x7b: {  	_ =	shalt  }
0x7c: {  	_ =	shalt  }
0x7d: {  	_ =	shalt  }
0x7e: {  	_ =	shalt  }
0x7f: {  	_ =	shalt  }
0x80: {  	_ =	shalt  }
0x81: {  	_ =	shalt  }
0x82: {  	_ =	shalt  }
0x83: {  	_ =	shalt  }
0x84: {  	_ =	shalt  }
0x85: {  	_ =	shalt  }
0x86: {  	_ =	shalt  }
0x87: {  	_ =	shalt  }
.Lfunc_end0:
.L_simem_size_0:
called_computation.3_lowered:
.L_overlay_start_0:
0x88: {  	s2 =	sld [smem:$0x3FD9]  }
0x89: {  	s3 =	sld [smem:$0x3FFE];
	_ =	sdelay $0x1  }
0x8a: {  	s1 =	srdreg.scid  }
0x8b: {  	s0 =	sand.u32 $0x1, s1  }
0x8c: {  	s17 =	sshll.u32 s0, $0xA;
	s2 =	sadd.s32 s3, s2  }
0x8d: {  	s2 =	sadd.s32 s2, s17  }
0x8e: {  	[smem:$0x3FC2] =	sst s2  }
0x8f: {  	_ = 	snop  }
0x90: {  	(tm) =	ssettm $0x1  }
0x91: {  	s18 =	sld [smem:$0x3FFB];
	_ =	sdelay $0x3  }
0x92: {  	_ =	strace s18  }
0x93: {  	s2 =	sld [smem:$0x3FFC];
	_ =	sdelay $0x3  }
0x94: {  	_ =	strace s2  }
0x95: {  	s2 =	sld [smem:$0x3FFD];
	_ =	sdelay $0x3  }
0x96: {  	_ =	strace s2  }
0x97: {  	_ =	strace $0x8FFFFFFF  }
0x98: {  	s19 =	sld [smem:$0x3FDB];
	_ =	sdelay $0x1  }
0x99: {  	s20 =	simm.s32 $_scs_section_size  }
0x9a: {  	s4 =	simm.s32 $_size__tile_overlayer_lowered;
	s5 =	simm.s32 $_tile_overlayer_lowered  }
0x9b: {  	s6 =	simm.s32 $0x1BFF;
	s21 =	sshll.u32 s5, $0x1;
	s3 =	sadd.s32 s20, s19  }
0x9c: {  	s22 =	simm.s32 $0x0;
	s4 =	sshll.u32 s4, $0x1;
	s5 =	sadd.s32 s21, s3  }
0x9d: {  	[timem:s22], [sflag:s6] =	dma.local [hbm:s5], s4  }
0x9e: {  	_ =	swait.ge [sflag:s6], s4  }
0x9f: {  	s4 =	ssub.s32 $0x0, s4;
	[sflag:s6] =	ssyncset.done $0x0  }
0xa0: {  	[sflag:s6] =	ssyncadd.s32 s4;
	_ =	sdelay $0x1  }
0xa1: {  	s23 =	simm.s32 $0x1B8B  }
0xa2: {  	_ =	swait.ge [sflag:s23], $0x1  }
0xa3: {  	[sflag:s23] =	ssyncset.done $0x0  }
0xa4: {  	[sflag:s23] =	ssyncadd.s32 $0xFFFFFFFF  }
0xa5: {  	s4 =	sld [smem:$0x0]  }
0xa6: {  	s5 =	sand.u32 $0xFFFFFFFE, s1  }
0xa7: {  	p0 =	sne.s32 s1, s5  }
0xa8: {  	s5 =	sshll.u32 @p0 s5, $0xE  }
0xa9: {  	s5 =	sadd.s32 @p0 $0x11B8D, s5;
	s6 =	sshll.u32 @p0 s4, $0x11  }
0xaa: {  	s5 =	sor.u32 @p0 s6, s5  }
0xab: {  	[sflag:s5] =	ssyncadd.remote.s32 @p0 $0x1;
	_ =	sdelay $0x1  }
0xac: {  	s5 =	simm.s32 @p0 $0x1B8D  }
0xad: {  	_ =	swait.eq @p0 [sflag:s5], $0x1  }
0xae: {  	[sflag:s5] =	ssyncadd.s32 @p0 $0xFFFFFFFF  }
0xaf: {  	s6 =	sshll.u32 @!p0 s1, $0xE  }
0xb0: {  	s6 =	sor.u32 @!p0 $0x4000, s6;
	s5 =	simm.s32 @!p0 $0x1B8D  }
0xb1: {  	s4 =	sshll.u32 @!p0 s4, $0x11;
	s6 =	sadd.s32 @!p0 $0x11B8D, s6;
	_ =	swait.eq @!p0 [sflag:s5], $0x1  }
0xb2: {  	s4 =	sor.u32 @!p0 s4, s6;
	[sflag:s5] =	ssyncadd.s32 @!p0 $0xFFFFFFFF  }
0xb3: {  	s25 =	simm.s32 $0x1B8E;
	s24 =	sld [smem:$0x3FFE];
	[sflag:s4] =	ssyncadd.remote.s32 @!p0 $0x1  }
0xb4: {  	s26 =	simm.s32 $execute0_lowered;
	[smem:$0x3FD2] =	sst s25  }
0xb5: {  	s5 =	sshll.u32 s26, $0x1;
	_ =	strace $0x80000058;
	[dreg:$0x1] =	wrdreg $0xFFFFFFFF  }
0xb6: {  	s28 =	simm.s32 $_size_execute0_lowered;
	s3 =	sadd.s32 s3, s5;
	[dreg:$0x0] =	wrdreg $0x0  }
0xb7: {  	s5 =	sshll.u32 s28, $0x1;
	[dreg:$0x2] =	wrdreg s3  }
0xb8: {  	[dreg:$0x3] =	wrdreg s5  }
0xb9: {  	[dreg:$0x4] =	wrdreg $0xC0  }
0xba: {  	_ =	task [dreg:s22], $0x5FFFF  }
0xbb: {  	[dreg:$0x1] =	wrdreg $0xFFFFFFFF  }
0xbc: {  	[dreg:$0x0] =	wrdreg $0x60  }
0xbd: {  	[dreg:$0x2] =	wrdreg s24  }
0xbe: {  	[dreg:$0x3] =	wrdreg $0x9  }
0xbf: {  	_ =	task.clear_ibuf [dreg:s22], $0x4FFFF;
	_ =	strace $0x90000058  }
0xc0: {  	s29 =	simm.s32 $0x9;
	_ =	strace $0x8000005A  }
0xc1: {  	_ =	swait.ge [sflag:s29], $0x1  }
0xc2: {  	[sflag:s29] =	ssyncadd.s32 $0xFFFFFFFF  }
0xc3: {  	_ =	strace $0x9000005A  }
0xc4: {  	_ =	sfence  }
0xc5: {  	s30 =	sld [smem:$0x0];
	_ =	sdelay $0x2  }
0xc6: {  	s31 =	sshll.u32 s1, $0xD;
	s1 =	sshrl.u32 s1, $0x2  }
0xc7: {  	s4 =	sand.u32 $0x4000, s31;
	s1 =	sadd.s32 s1, s30  }
0xc8: {  	s0 =	sor.u32 s4, s0;
	s1 =	sshll.u32 s1, $0x11  }
0xc9: {  	s0 =	sor.u32 s1, s0  }
0xca: {  	s0 =	sadd.s32 $0x8F2B, s0  }
0xcb: {  	[sflag:s0] =	ssyncadd.remote.s32 $0x1  }
0xcc: {  	_ =	sfence.sel $0xFFFF  }
0xcd: {  	[dreg:$0x0] =	wrdreg $0xFFFFFFFF;
	(pc) =	sbr.abs _section_cstart, $3  }
0xce: {  	[dreg:$0x1] =	wrdreg $0xFFFFFFFF  }
0xcf: {  	_ =	task.clear_ibuf [dreg:s22], $0x2FFFF;
	_ =	strace $0x9FFFFFFF  }
0xd0: {  	(tm) =	ssettm $0x7FFFFFFF  }
0xd1: {  	_ =	shalt  }
tec
execute0_lowered:
.L_overlay_start_1:
0x0: {  	(tag) =	ssettag $0x1  }
0x1: {  	s0 =	srdreg.scid  }
0x2: {  	s10 =	stileid.u32;
	s1 =	rddreg [dreg:$0x0];
	s2 =	simm.s32 $0x0  }
0x3: {  	s28 =	simm.s32 $0x5280;
	s30 =	simm.s32 $0xCF80;
	s31 =	simm.s32 $0x2  }
0x4: {  	s29 =	simm.s32 $0x6;
	s0 =	sand.u32 $0x1, s0;
	s20 =	smul.u32 $0x13880, s10  }
0x5: {  	s3 =	sshll.u32 s10, $0x1;
	[smem:$0x7FF] =	sst s2;
	s23 =	smul.u32 $0x1388, s10  }
0x6: {  	s5 =	sadd.s32 $0x8C8800, s1;
	s6 =	sor.u32 s0, s3;
	s25 =	smul.u32 $0x9C4, s0  }
0x7: {  	_ =	strace $0x80000059;
	s7 =	ssub.s32 $0x2, s0;
	s0 =	smul.u32 $0x9C40, s0  }
0x8: {  	s3 =	sadd.s32 $0x6E00, s1;
	s4 =	smul.u32 $0x140, s6;
	s9 =	sshrl.u32 s7, $0x1  }
0x9: {  	s6 =	smul.u32 $0x9C40, s6;
	s15 =	ssub.s32 s7, s9;
	s26 =	sadd.s32 s25, s23  }
0xa: {  	s0 =	sadd.s32 s0, s20;
	s20 =	simm.s32 $0xA00;
	s23 =	simm.s32 $0x9100  }
0xb: {  	s25 =	simm.s32 $0x3;
	s7 =	simm.s32 $0x0;
	s8 =	sadd.s32 s4, s1  }
0xc: {  	s4 =	sadd.s32 $0x790000, s1;
	s1 =	smax.u32 s15, $0x1;
	s19 =	sadd.s32 $0x7D0, s6  }
0xd: {  	s21 =	sadd.s32 s5, s6;
	s24 =	sadd.s32 $0x8CA0, s6;
	[dreg:$0x4] =	wrdreg s1  }
0xe: {  	s16 =	sadd.s32 $0x78B000, s8;
	s17 =	sadd.s32 $0x78D800, s8;
	[dreg:$0x6] =	wrdreg s21  }
0xf: {  	s18 =	sadd.s32 s4, s6;
	s22 =	sadd.s32 s4, s19;
	[dreg:$0x2] =	wrdreg s16  }
0x10: {  	s1 =	sadd.s32 s5, s19;
	s13 =	sadd.s32 s4, s24;
	[dreg:$0x3] =	wrdreg s17  }
0x11: {  	s6 =	sadd.s32 $0x9470, s6;
	s14 =	sadd.s32 s5, s24;
	[dreg:$0x5] =	wrdreg s18  }
0x12: {  	s19 =	simm.s32 $0x9;
	s21 =	simm.s32 $0x7D;
	[dreg:$0x7] =	wrdreg s22  }
0x13: {  	s24 =	simm.s32 $0x1;
	[dreg:$0x8] =	wrdreg s1;
	s15 =	sadd.s32 s4, s6  }
0x14: {  	s16 =	sadd.s32 s5, s6;
	s1 =	sshll.u32 s26, $0x4;
	s17 =	sadd.s32 $0xFA0, s0  }
0x15: {  	s22 =	simm.s32 $0x1400;
	s0 =	simm.s32 $0x5;
	s26 =	simm.s32 $0x7  }
0x16: {  	s6 =	simm.s32 $0x8;
	s18 =	sadd.s32 $0x1770, s1;
	s1 =	simm.s32 $0x4  }
.LBB2_1:
0x17: {  	s8 =	rddreg [dreg:$0x2]  }
0x18: {  	[tilespmem:s2], [sflag:$0x9] =	stream.linear.gather [hbm4b:s8+s2], $0xA00, $0x38;
	[tilespmem:$0x10E00] =	vst v63  }
0x19: {  	_ =	swait.ge [sflag:s19], $0xA00  }
0x1a: {  	[sflag:s19] =	ssyncset.done $0x0  }
0x1b: {  	s9 =	rddreg [dreg:$0x3];
	[sflag:s19] =	ssyncadd.s32 $0xFFFFF600  }
0x1c: {  	[tilespmem:s20], [sflag:$0x9] =	stream.linear.gather [hbm4b:s9+s2], $0xA00, $0x38;
	[tilespmem:$0x10E00] =	vst v63  }
0x1d: {  	_ =	swait.ge [sflag:s19], $0xA00  }
0x1e: {  	[sflag:s19] =	ssyncset.done $0x0  }
0x1f: {  	[sflag:s19] =	ssyncadd.s32 $0xFFFFF600  }
0x20: {  	[tilespmem:s22], [sflag:$0x1] =	stream.indirect.gather [hbm4b:s3+s21], $0x80, s2, s21, $0xb8;
	[tilespmem:$0x10E00] =	vst v63  }
0x21: {  	_ = 	snop  }
0x22: {  	[tilespmem:s23], [sflag:$0x3] =	stream.indirect.gather [hbm4b:s3+s21], $0x80, s20, s21, $0xb8;
	[tilespmem:$0x10E00] =	vst v63  }
0x23: {  	_ =	swait.ge [sflag:s24], $0x3E80  }
0x24: {  	[sflag:s24] =	ssyncset.done $0x0  }
0x25: {  	[sflag:s24] =	ssyncadd.s32 $0xFFFFC180  }
0x26: {  	_ =	swait.ge [sflag:s25], $0x3E80  }
0x27: {  	[sflag:s25] =	ssyncset.done $0x0  }
0x28: {  	s10 =	simm.s32 $0x80;
	[sflag:s25] =	ssyncadd.s32 $0xFFFFC180  }
0x29: {  	[tilespmem:s28], [sflag:$0x2] =	stream.indirect.gather [hbm4b:s3+s21], $0x80, s10, s21, $0xb8;
	[tilespmem:$0x10E00] =	vst v63  }
0x2a: {  	s11 =	simm.s32 $0xA80  }
0x2b: {  	[tilespmem:s30], [sflag:$0x4] =	stream.indirect.gather [hbm4b:s3+s21], $0x80, s11, s21, $0xb8;
	[tilespmem:$0x10E00] =	vst v63  }
0x2c: {  	s12 =	rddreg [dreg:$0x5]  }
0x2d: {  	[hbm4b:s12+s2] =	stream.linear.scatter [tilespmem:s22], [sflag:$0x5], $0x3E80, $0x38;
	[tilespmem:$0x10E00] =	vst v63  }
0x2e: {  	s9 =	rddreg [dreg:$0x6]  }
0x2f: {  	[hbm4b:s9+s2] =	stream.linear.scatter [tilespmem:s23], [sflag:$0x7], $0x3E80, $0x38;
	[tilespmem:$0x10E00] =	vst v63  }
0x30: {  	_ =	swait.ge [sflag:s31], $0x3E80  }
0x31: {  	[sflag:s31] =	ssyncset.done $0x0  }
0x32: {  	[sflag:s31] =	ssyncadd.s32 $0xFFFFC180  }
0x33: {  	_ =	swait.ge [sflag:s1], $0x3E80  }
0x34: {  	[sflag:s1] =	ssyncset.done $0x0  }
0x35: {  	[sflag:s1] =	ssyncadd.s32 $0xFFFFC180  }
0x36: {  	_ =	swait.ge [sflag:s0], $0x3E80  }
0x37: {  	[sflag:s0] =	ssyncset.done $0x0  }
0x38: {  	[sflag:s0] =	ssyncadd.s32 $0xFFFFC180  }
0x39: {  	_ =	swait.ge [sflag:s26], $0x3E80  }
0x3a: {  	[sflag:s26] =	ssyncset.done $0x0  }
0x3b: {  	s10 =	simm.s32 $0x100;
	[sflag:s26] =	ssyncadd.s32 $0xFFFFC180  }
0x3c: {  	[tilespmem:s22], [sflag:$0x1] =	stream.indirect.gather [hbm4b:s3+s21], $0x80, s10, s21, $0xb8;
	[tilespmem:$0x10E00] =	vst v63  }
0x3d: {  	s11 =	simm.s32 $0xB00  }
0x3e: {  	[tilespmem:s23], [sflag:$0x3] =	stream.indirect.gather [hbm4b:s3+s21], $0x80, s11, s21, $0xb8;
	[tilespmem:$0x10E00] =	vst v63  }
0x3f: {  	s12 =	rddreg [dreg:$0x7]  }
0x40: {  	[hbm4b:s12+s2] =	stream.linear.scatter [tilespmem:s28], [sflag:$0x6], $0x3E80, $0x38;
	[tilespmem:$0x10E00] =	vst v63  }
0x41: {  	s9 =	rddreg [dreg:$0x8]  }
0x42: {  	[hbm4b:s9+s2] =	stream.linear.scatter [tilespmem:s30], [sflag:$0x8], $0x3E80, $0x38;
	[tilespmem:$0x10E00] =	vst v63  }
0x43: {  	_ =	swait.ge [sflag:s24], $0x3E80  }
0x44: {  	[sflag:s24] =	ssyncset.done $0x0  }
0x45: {  	[sflag:s24] =	ssyncadd.s32 $0xFFFFC180  }
0x46: {  	_ =	swait.ge [sflag:s25], $0x3E80  }
0x47: {  	[sflag:s25] =	ssyncset.done $0x0  }
0x48: {  	[sflag:s25] =	ssyncadd.s32 $0xFFFFC180  }
0x49: {  	_ =	swait.ge [sflag:s29], $0x3E80  }
0x4a: {  	[sflag:s29] =	ssyncset.done $0x0  }
0x4b: {  	[sflag:s29] =	ssyncadd.s32 $0xFFFFC180  }
0x4c: {  	_ =	swait.ge [sflag:s6], $0x3E80  }
0x4d: {  	[sflag:s6] =	ssyncset.done $0x0  }
0x4e: {  	s10 =	simm.s32 $0x180;
	[sflag:s6] =	ssyncadd.s32 $0xFFFFC180  }
0x4f: {  	[tilespmem:s28], [sflag:$0x2] =	stream.indirect.gather [hbm4b:s3+s21], $0x80, s10, s21, $0xb8;
	[tilespmem:$0x10E00] =	vst v63  }
0x50: {  	s11 =	simm.s32 $0xB80  }
0x51: {  	[tilespmem:s30], [sflag:$0x4] =	stream.indirect.gather [hbm4b:s3+s21], $0x80, s11, s21, $0xb8;
	[tilespmem:$0x10E00] =	vst v63  }
0x52: {  	s12 =	sadd.s32 s17, s4  }
0x53: {  	[hbm4b:s12+s2] =	stream.linear.scatter [tilespmem:s22], [sflag:$0x5], $0x3E80, $0x38;
	[tilespmem:$0x10E00] =	vst v63  }
0x54: {  	s9 =	sadd.s32 s17, s5  }
0x55: {  	[hbm4b:s9+s2] =	stream.linear.scatter [tilespmem:s23], [sflag:$0x7], $0x3E80, $0x38;
	[tilespmem:$0x10E00] =	vst v63  }
0x56: {  	_ =	swait.ge [sflag:s31], $0x3E80  }
0x57: {  	[sflag:s31] =	ssyncset.done $0x0  }
0x58: {  	[sflag:s31] =	ssyncadd.s32 $0xFFFFC180  }
0x59: {  	_ =	swait.ge [sflag:s1], $0x3E80  }
0x5a: {  	[sflag:s1] =	ssyncset.done $0x0  }
0x5b: {  	[sflag:s1] =	ssyncadd.s32 $0xFFFFC180  }
0x5c: {  	_ =	swait.ge [sflag:s0], $0x3E80  }
0x5d: {  	[sflag:s0] =	ssyncset.done $0x0  }
0x5e: {  	[sflag:s0] =	ssyncadd.s32 $0xFFFFC180  }
0x5f: {  	_ =	swait.ge [sflag:s26], $0x3E80  }
0x60: {  	[sflag:s26] =	ssyncset.done $0x0  }
0x61: {  	s10 =	simm.s32 $0x200;
	[sflag:s26] =	ssyncadd.s32 $0xFFFFC180  }
0x62: {  	[tilespmem:s22], [sflag:$0x1] =	stream.indirect.gather [hbm4b:s3+s21], $0x80, s10, s21, $0xb8;
	[tilespmem:$0x10E00] =	vst v63  }
0x63: {  	s8 =	simm.s32 $0x400;
	s11 =	simm.s32 $0xC00;
	s12 =	sadd.s32 s18, s4  }
0x64: {  	[tilespmem:s23], [sflag:$0x3] =	stream.indirect.gather [hbm4b:s3+s21], $0x80, s11, s21, $0xb8;
	[tilespmem:$0x10E00] =	vst v63  }
0x65: {  	s9 =	sadd.s32 $0xFA0, s17;
	s10 =	sadd.s32 $0xFA0, s18;
	s11 =	sadd.s32 s18, s5  }
0x66: {  	[hbm4b:s12+s2] =	stream.linear.scatter [tilespmem:s28], [sflag:$0x6], $0x3E80, $0x38;
	[tilespmem:$0x10E00] =	vst v63  }
.LBB2_2:
0x67: {  	[hbm4b:s11+s2] =	stream.linear.scatter [tilespmem:s30], [sflag:$0x8], $0x3E80, $0x38;
	[tilespmem:$0x10E00] =	vst v63  }
0x68: {  	s11 =	smov.u32 s8  }
0x69: {  	p0 =	sne.s32 s8, $0x1C00;
	s8 =	sadd.s32 $0x400, s8;
	_ =	swait.ge [sflag:s24], $0x3E80  }
0x6a: {  	[sflag:s24] =	ssyncset.done $0x0  }
0x6b: {  	[sflag:s24] =	ssyncadd.s32 $0xFFFFC180  }
0x6c: {  	_ =	swait.ge [sflag:s25], $0x3E80  }
0x6d: {  	[sflag:s25] =	ssyncset.done $0x0  }
0x6e: {  	[sflag:s25] =	ssyncadd.s32 $0xFFFFC180  }
0x6f: {  	_ =	swait.ge [sflag:s29], $0x3E80  }
0x70: {  	[sflag:s29] =	ssyncset.done $0x0  }
0x71: {  	[sflag:s29] =	ssyncadd.s32 $0xFFFFC180  }
0x72: {  	_ =	swait.ge [sflag:s6], $0x3E80  }
0x73: {  	s11 =	sshra.s32 s11, $0x2;
	[sflag:s6] =	ssyncset.done $0x0  }
0x74: {  	s12 =	sadd.s32 $0x180, s11;
	[sflag:s6] =	ssyncadd.s32 $0xFFFFC180  }
0x75: {  	[tilespmem:s28], [sflag:$0x2] =	stream.indirect.gather [hbm4b:s3+s21], $0x80, s12, s21, $0xb8;
	[tilespmem:$0x10E00] =	vst v63  }
0x76: {  	s12 =	sadd.s32 $0xB80, s11  }
0x77: {  	[tilespmem:s30], [sflag:$0x4] =	stream.indirect.gather [hbm4b:s3+s21], $0x80, s12, s21, $0xb8;
	[tilespmem:$0x10E00] =	vst v63  }
0x78: {  	s12 =	sadd.s32 s9, s4  }
0x79: {  	[hbm4b:s12+s2] =	stream.linear.scatter [tilespmem:s22], [sflag:$0x5], $0x3E80, $0x38;
	[tilespmem:$0x10E00] =	vst v63  }
0x7a: {  	s12 =	sadd.s32 s9, s5  }
0x7b: {  	[hbm4b:s12+s2] =	stream.linear.scatter [tilespmem:s23], [sflag:$0x7], $0x3E80, $0x38;
	[tilespmem:$0x10E00] =	vst v63  }
0x7c: {  	_ =	swait.ge [sflag:s31], $0x3E80  }
0x7d: {  	[sflag:s31] =	ssyncset.done $0x0  }
0x7e: {  	[sflag:s31] =	ssyncadd.s32 $0xFFFFC180  }
0x7f: {  	_ =	swait.ge [sflag:s1], $0x3E80  }
0x80: {  	[sflag:s1] =	ssyncset.done $0x0  }
0x81: {  	[sflag:s1] =	ssyncadd.s32 $0xFFFFC180  }
0x82: {  	_ =	swait.ge [sflag:s0], $0x3E80  }
0x83: {  	[sflag:s0] =	ssyncset.done $0x0  }
0x84: {  	[sflag:s0] =	ssyncadd.s32 $0xFFFFC180  }
0x85: {  	_ =	swait.ge [sflag:s26], $0x3E80  }
0x86: {  	[sflag:s26] =	ssyncset.done $0x0  }
0x87: {  	s12 =	sadd.s32 $0x200, s11;
	[sflag:s26] =	ssyncadd.s32 $0xFFFFC180  }
0x88: {  	[tilespmem:s22], [sflag:$0x1] =	stream.indirect.gather [hbm4b:s3+s21], $0x80, s12, s21, $0xb8;
	[tilespmem:$0x10E00] =	vst v63  }
.Ltmp0:
0x89: {  	s11 =	sadd.s32 $0xC00, s11;
	(pc) =	sbr.rel @p0 .LBB2_2-.Ltmp0, $4  }
0x8a: {  	[tilespmem:s23], [sflag:$0x3] =	stream.indirect.gather [hbm4b:s3+s21], $0x80, s11, s21, $0xb8;
	[tilespmem:$0x10E00] =	vst v63  }
0x8b: {  	s11 =	sadd.s32 s10, s4  }
0x8c: {  	[hbm4b:s11+s2] =	stream.linear.scatter [tilespmem:s28], [sflag:$0x6], $0x3E80, $0x38;
	[tilespmem:$0x10E00] =	vst v63  }
0x8d: {  	s9 =	sadd.s32 $0xFA0, s9;
	s11 =	sadd.s32 s10, s5;
	s10 =	sadd.s32 $0xFA0, s10  }
0x8e: {  	[hbm4b:s11+s2] =	stream.linear.scatter [tilespmem:s30], [sflag:$0x8], $0x3E80, $0x38;
	[tilespmem:$0x10E00] =	vst v63  }
0x8f: {  	_ =	swait.ge [sflag:s24], $0x3E80  }
0x90: {  	[sflag:s24] =	ssyncset.done $0x0  }
0x91: {  	[sflag:s24] =	ssyncadd.s32 $0xFFFFC180  }
0x92: {  	_ =	swait.ge [sflag:s25], $0x3E80  }
0x93: {  	[sflag:s25] =	ssyncset.done $0x0  }
0x94: {  	[sflag:s25] =	ssyncadd.s32 $0xFFFFC180  }
0x95: {  	_ =	swait.ge [sflag:s29], $0x3E80  }
0x96: {  	[sflag:s29] =	ssyncset.done $0x0  }
0x97: {  	[sflag:s29] =	ssyncadd.s32 $0xFFFFC180  }
0x98: {  	_ =	swait.ge [sflag:s6], $0x3E80  }
0x99: {  	[sflag:s6] =	ssyncset.done $0x0  }
0x9a: {  	s8 =	simm.s32 $0x980;
	[sflag:s6] =	ssyncadd.s32 $0xFFFFC180  }
0x9b: {  	[tilespmem:s28], [sflag:$0x2] =	stream.indirect.gather [hbm4b:s3+s21], $0x80, s8, s21, $0xb8;
	[tilespmem:$0x10E00] =	vst v63  }
0x9c: {  	s11 =	simm.s32 $0x1380  }
0x9d: {  	[tilespmem:s30], [sflag:$0x4] =	stream.indirect.gather [hbm4b:s3+s21], $0x80, s11, s21, $0xb8;
	[tilespmem:$0x10E00] =	vst v63  }
0x9e: {  	_ = 	snop  }
0x9f: {  	[hbm4b:s13+s2] =	stream.linear.scatter [tilespmem:s22], [sflag:$0x5], $0x3E80, $0x38;
	[tilespmem:$0x10E00] =	vst v63  }
0xa0: {  	_ = 	snop  }
0xa1: {  	[hbm4b:s14+s2] =	stream.linear.scatter [tilespmem:s23], [sflag:$0x7], $0x3E80, $0x38;
	[tilespmem:$0x10E00] =	vst v63  }
0xa2: {  	_ =	swait.ge [sflag:s31], $0x3E80  }
0xa3: {  	[sflag:s31] =	ssyncset.done $0x0  }
0xa4: {  	[sflag:s31] =	ssyncadd.s32 $0xFFFFC180  }
0xa5: {  	_ =	swait.ge [sflag:s1], $0x3E80  }
0xa6: {  	[sflag:s1] =	ssyncset.done $0x0  }
0xa7: {  	[sflag:s1] =	ssyncadd.s32 $0xFFFFC180  }
0xa8: {  	[hbm4b:s15+s2] =	stream.linear.scatter [tilespmem:s28], [sflag:$0x6], $0x3E80, $0x38;
	[tilespmem:$0x10E00] =	vst v63  }
0xa9: {  	_ = 	snop  }
0xaa: {  	[hbm4b:s16+s2] =	stream.linear.scatter [tilespmem:s30], [sflag:$0x8], $0x3E80, $0x38;
	[tilespmem:$0x10E00] =	vst v63  }
0xab: {  	_ =	swait.ge [sflag:s0], $0x3E80  }
0xac: {  	[sflag:s0] =	ssyncset.done $0x0  }
0xad: {  	[sflag:s0] =	ssyncadd.s32 $0xFFFFC180  }
0xae: {  	_ =	swait.ge [sflag:s26], $0x3E80  }
0xaf: {  	[sflag:s26] =	ssyncset.done $0x0  }
0xb0: {  	[sflag:s26] =	ssyncadd.s32 $0xFFFFC180  }
0xb1: {  	_ =	swait.ge [sflag:s29], $0x3E80  }
0xb2: {  	[sflag:s29] =	ssyncset.done $0x0  }
0xb3: {  	[sflag:s29] =	ssyncadd.s32 $0xFFFFC180  }
0xb4: {  	_ =	swait.ge [sflag:s6], $0x3E80  }
0xb5: {  	s7 =	sadd.s32 $0x1, s7;
	s12 =	rddreg [dreg:$0x4]  }
0xb6: {  	p0 =	sne.s32 s7, s12  }
.Ltmp1:
0xb7: {  	_ = 	snop;
	(pc) =	sbr.rel @p0 .LBB2_1-.Ltmp1, $3  }
0xb8: {  	_ =	sdelay $0x1  }
0xb9: {  	[sflag:s6] =	ssyncset.done $0x0  }
0xba: {  	[sflag:s6] =	ssyncadd.s32 $0xFFFFC180  }
0xbb: {  	_ =	sfence.sel $0x180000  }
0xbc: {  	[bflag:$0x0] =	sbarrier.arrive $0xFFFF  }
0xbd: {  	_ =	strace $0x90000059  }
0xbe: {  	s0 =	stileid.u32;
	[bflag:$0x2] =	sbarrier.arrive $0xFFFF  }
0xbf: {  	p0 =	sne.s32 s0, $0x0;
	s0 =	rddreg [dreg:$0x1]  }
0xc0: {  	s0 =	sadd.s32 @!p0 $0x100000, s0  }
0xc1: {  	[sflag:s0] =	ssyncadd.tile.s32 @!p0 $0x1;
	_ =	shalt  }
.Lfunc_end2:
_tile_overlayer_lowered:
.L_overlay_start_2:
0xc2: {  	(tag) =	ssettag $0x2  }
0xc3: {  	s0 =	rddreg [dreg:$0x0];
	s2 =	stileid.u32  }
0xc4: {  	s1 =	rddreg [dreg:$0x1];
	p0 =	sne.s32 s2, $0x0  }
0xc5: {  	s3 =	rddreg [dreg:$0x2];
	[bflag:$0x3] =	sbarrier.arrive $0xFFFF;
	s2 =	simm.s32 @!p0 $0x1C09  }
0xc6: {  	[timem:s3], [sflag:s2] =	dma.local @!p0 [hbm:s0], s1  }
0xc7: {  	s0 =	simm.s32 @!p0 $0x9  }
0xc8: {  	_ =	swait.ge @!p0 [sflag:s0], s1  }
0xc9: {  	s1 =	ssub.s32 @!p0 $0x0, s1;
	[sflag:s0] =	ssyncset.done @!p0 $0x0  }
0xca: {  	[sflag:s0] =	ssyncadd.s32 @!p0 s1  }
0xcb: {  	[bflag:$0x3] =	sbarrier.arrive $0xFFFF  }
0xcc: {  	_ =	shalt  }

// kernel: kernel.29.cloned.1.call-start
scs
__scs_entry_jumppad:
0x0: {  	(pc) =	sbr.rel $0x88, $3  }
0x1: {  	(tag) =	ssettag $0x0;
	lr =	simm.s32 $0x1  }
0x2: {  	[smem:$0x3F9B] =	sst lr;
	_ =	strace $0xD0000000  }
0x3: {  	_ = 	snop  }
0x4: {  	_ = 	snop  }
0x5: {  	_ = 	snop  }
0x6: {  	_ = 	snop  }
0x7: {  	_ = 	snop  }
__scs_overlays_trampoline_lowered:
0x8: {  	[smem:$0x3FAA] =	sst s0  }
0x9: {  	[smem:$0x3FAB] =	sst s1  }
0xa: {  	[smem:$0x3FAC] =	sst s2  }
0xb: {  	[smem:$0x3FAD] =	sst s3  }
0xc: {  	[smem:$0x3FAE] =	sst s4  }
0xd: {  	[smem:$0x3FAF] =	sst s5  }
0xe: {  	[smem:$0x3FB0] =	sst s6  }
0xf: {  	[smem:$0x3FB1] =	sst s7  }
0x10: {  	[smem:$0x3FB2] =	sst s8  }
0x11: {  	[smem:$0x3FB3] =	sst s9;
	s0 =	simm.s32 @!p0 $0x0  }
0x12: {  	s1 =	sld [smem:$0x3F99];
	s0 =	simm.s32 @p0 $0x1  }
0x13: {  	[smem:$0x3FB4] =	sst s0;
	s0 =	simm.s32 @!p1 $0x0  }
0x14: {  	s2 =	sld [smem:$0x3F98];
	s0 =	simm.s32 @p1 $0x1  }
0x15: {  	[smem:$0x3FB5] =	sst s0;
	s0 =	simm.s32 @!p2 $0x0  }
0x16: {  	s3 =	sld [smem:$0x3FDB];
	s0 =	simm.s32 @p2 $0x1  }
0x17: {  	s4 =	simm.s32 $0x1BF5;
	[smem:$0x3FB7] =	sst s0  }
0x18: {  	s0 =	sld [smem:$0x3F9A];
	_ =	swait.ge [sflag:s4], $0x0  }
0x19: {  	s7 =	sld [smem:$0x3F9B]  }
0x1a: {  	s8 =	sadd.s32 $0xFFFFE003, lr  }
0x1b: {  	s9 =	sadd.s32 $0xFFFFFEF7, lr;
	s5 =	simm.s32 $0xFFFFFFFF;
	p2 =	slt.u32 s8, $0xFFFFF086  }
0x1c: {  	p1 =	slt.u32 s9, $0xF7A;
	s5 =	simm.s32 @!p2 $0x0  }
0x1d: {  	s5 =	simm.s32 @p1 $0x1;
	p0 =	seq.s32 s7, s2  }
0x1e: {  	s7 =	smul.u32 @!p0 $0xF7A, s2;
	p2 =	seq.s32 @!p0 s5, $0x0  }
0x1f: {  	s9 =	smul.u32 $0xF7A, s1;
	s8 =	simm.s32 @!p0 $0x1BF5;
	p2 =	por !p2, p0  }
0x20: {  	[sflag:s8] =	ssyncset.s32 @!p0 $0xFFFFF086;
	s6 =	sadd.s32 @!p0 s3, s7;
	s7 =	simm.s32 @!p0 $0x108  }
0x21: {  	s3 =	sadd.s32 s3, s9;
	s6 =	sadd.s32 @!p0 $0x88, s6;
	s7 =	simm.s32 @p2 $0x1082  }
0x22: {  	[simem:s7], [sflag:s8] =	dma.local @!p0 [hbm:s6], $0xF7A  }
0x23: {  	s9 =	sor.u32 $0xD0000000, s2;
	s6 =	simm.s32 $0x108;
	_ =	swait.ge @!p0 [sflag:s8], $0x0  }
0x24: {  	s3 =	sadd.s32 $0x88, s3;
	s6 =	simm.s32 @!p1 $0x1082;
	[sflag:s4] =	ssyncset.s32 $0xFFFFF086  }
0x25: {  	[simem:s6], [sflag:s4] =	dma.local [hbm:s3], $0xF7A  }
0x26: {  	[smem:$0x3F9B] =	sst s1;
	(tag) =	ssettag s2;
	_ =	strace s9  }
0x27: {  	s1 =	sld [smem:$0x3FAB]  }
0x28: {  	s2 =	sld [smem:$0x3FAC]  }
0x29: {  	s4 =	sld [smem:$0x3FAE]  }
0x2a: {  	p0 =	seq.s32 s5, $0x0;
	s5 =	sld [smem:$0x3FAF]  }
0x2b: {  	s6 =	sld [smem:$0x3FB0]  }
0x2c: {  	s7 =	sld [smem:$0x3FB1]  }
0x2d: {  	s3 =	simm.s32 $0x108;
	s8 =	sld [smem:$0x3FB2]  }
0x2e: {  	s3 =	simm.s32 @!p0 $0x1082;
	s9 =	sld [smem:$0x3FB3]  }
0x2f: {  	lr =	sadd.s32 s0, s3;
	s0 =	sld [smem:$0x3FAA]  }
0x30: {  	s3 =	sld [smem:$0x3FAD]  }
0x31: {  	[smem:$0x3FB6] =	sst s10  }
0x32: {  	s10 =	sld [smem:$0x3FB4];
	_ =	sdelay $0x3  }
0x33: {  	p0 =	seq.s32 s10, $0x1;
	s10 =	sld [smem:$0x3FB6];
	_ =	sdelay $0x3  }
0x34: {  	[smem:$0x3FB6] =	sst s10  }
0x35: {  	s10 =	sld [smem:$0x3FB5];
	_ =	sdelay $0x3  }
0x36: {  	p1 =	seq.s32 s10, $0x1;
	s10 =	sld [smem:$0x3FB6];
	_ =	sdelay $0x3  }
0x37: {  	[smem:$0x3FB6] =	sst s10  }
0x38: {  	s10 =	sld [smem:$0x3FB7]  }
0x39: {  	_ = 	snop;
	(pc) =	sbr.ind lr, $3  }
0x3a: {  	_ = 	snop  }
0x3b: {  	_ = 	snop  }
0x3c: {  	p2 =	seq.s32 s10, $0x1;
	s10 =	sld [smem:$0x3FB6]  }
0x3d: {  	_ =	shalt  }
0x3e: {  	_ =	shalt  }
0x3f: {  	_ =	shalt  }
0x40: {  	_ =	shalt  }
0x41: {  	_ =	shalt  }
0x42: {  	_ =	shalt  }
0x43: {  	_ =	shalt  }
0x44: {  	_ =	shalt  }
0x45: {  	_ =	shalt  }
0x46: {  	_ =	shalt  }
0x47: {  	_ =	shalt  }
0x48: {  	_ =	shalt  }
0x49: {  	_ =	shalt  }
0x4a: {  	_ =	shalt  }
0x4b: {  	_ =	shalt  }
0x4c: {  	_ =	shalt  }
0x4d: {  	_ =	shalt  }
0x4e: {  	_ =	shalt  }
0x4f: {  	_ =	shalt  }
0x50: {  	_ =	shalt  }
0x51: {  	_ =	shalt  }
0x52: {  	_ =	shalt  }
0x53: {  	_ =	shalt  }
0x54: {  	_ =	shalt  }
0x55: {  	_ =	shalt  }
0x56: {  	_ =	shalt  }
0x57: {  	_ =	shalt  }
0x58: {  	_ =	shalt  }
0x59: {  	_ =	shalt  }
0x5a: {  	_ =	shalt  }
0x5b: {  	_ =	shalt  }
0x5c: {  	_ =	shalt  }
0x5d: {  	_ =	shalt  }
0x5e: {  	_ =	shalt  }
0x5f: {  	_ =	shalt  }
0x60: {  	_ =	shalt  }
0x61: {  	_ =	shalt  }
0x62: {  	_ =	shalt  }
0x63: {  	_ =	shalt  }
0x64: {  	_ =	shalt  }
0x65: {  	_ =	shalt  }
0x66: {  	_ =	shalt  }
0x67: {  	_ =	shalt  }
0x68: {  	_ =	shalt  }
0x69: {  	_ =	shalt  }
0x6a: {  	_ =	shalt  }
0x6b: {  	_ =	shalt  }
0x6c: {  	_ =	shalt  }
0x6d: {  	_ =	shalt  }
0x6e: {  	_ =	shalt  }
0x6f: {  	_ =	shalt  }
0x70: {  	_ =	shalt  }
0x71: {  	_ =	shalt  }
0x72: {  	_ =	shalt  }
0x73: {  	_ =	shalt  }
0x74: {  	_ =	shalt  }
0x75: {  	_ =	shalt  }
0x76: {  	_ =	shalt  }
0x77: {  	_ =	shalt  }
0x78: {  	_ =	shalt  }
0x79: {  	_ =	shalt  }
0x7a: {  	_ =	shalt  }
0x7b: {  	_ =	shalt  }
0x7c: {  	_ =	shalt  }
0x7d: {  	_ =	shalt  }
0x7e: {  	_ =	shalt  }
0x7f: {  	_ =	shalt  }
0x80: {  	_ =	shalt  }
0x81: {  	_ =	shalt  }
0x82: {  	_ =	shalt  }
0x83: {  	_ =	shalt  }
0x84: {  	_ =	shalt  }
0x85: {  	_ =	shalt  }
0x86: {  	_ =	shalt  }
0x87: {  	_ =	shalt  }
.Lfunc_end0:
.L_simem_size_0:
called_computation.4_lowered:
.L_overlay_start_0:
0x88: {  	s2 =	sld [smem:$0x3FD9]  }
0x89: {  	s3 =	sld [smem:$0x3FFE];
	_ =	sdelay $0x1  }
0x8a: {  	s1 =	srdreg.scid  }
0x8b: {  	s0 =	sand.u32 $0x1, s1  }
0x8c: {  	s17 =	sshll.u32 s0, $0xA;
	s2 =	sadd.s32 s3, s2  }
0x8d: {  	s2 =	sadd.s32 s2, s17  }
0x8e: {  	[smem:$0x3FC2] =	sst s2  }
0x8f: {  	_ = 	snop  }
0x90: {  	(tm) =	ssettm $0x1  }
0x91: {  	s18 =	sld [smem:$0x3FFB];
	_ =	sdelay $0x3  }
0x92: {  	_ =	strace s18  }
0x93: {  	s2 =	sld [smem:$0x3FFC];
	_ =	sdelay $0x3  }
0x94: {  	_ =	strace s2  }
0x95: {  	s2 =	sld [smem:$0x3FFD];
	_ =	sdelay $0x3  }
0x96: {  	_ =	strace s2  }
0x97: {  	_ =	strace $0x8FFFFFFF  }
0x98: {  	s19 =	sld [smem:$0x3FDB];
	_ =	sdelay $0x1  }
0x99: {  	s20 =	simm.s32 $_scs_section_size  }
0x9a: {  	s4 =	simm.s32 $_size__tile_overlayer_lowered;
	s5 =	simm.s32 $_tile_overlayer_lowered  }
0x9b: {  	s6 =	simm.s32 $0x1BFF;
	s21 =	sshll.u32 s5, $0x1;
	s3 =	sadd.s32 s20, s19  }
0x9c: {  	s22 =	simm.s32 $0x0;
	s4 =	sshll.u32 s4, $0x1;
	s5 =	sadd.s32 s21, s3  }
0x9d: {  	[timem:s22], [sflag:s6] =	dma.local [hbm:s5], s4  }
0x9e: {  	_ =	swait.ge [sflag:s6], s4  }
0x9f: {  	s4 =	ssub.s32 $0x0, s4;
	[sflag:s6] =	ssyncset.done $0x0  }
0xa0: {  	[sflag:s6] =	ssyncadd.s32 s4;
	_ =	sdelay $0x1  }
0xa1: {  	s23 =	simm.s32 $0x1B8B  }
0xa2: {  	_ =	swait.ge [sflag:s23], $0x1  }
0xa3: {  	[sflag:s23] =	ssyncset.done $0x0  }
0xa4: {  	[sflag:s23] =	ssyncadd.s32 $0xFFFFFFFF  }
0xa5: {  	s4 =	sld [smem:$0x0]  }
0xa6: {  	s5 =	sand.u32 $0xFFFFFFFE, s1  }
0xa7: {  	p0 =	sne.s32 s1, s5  }
0xa8: {  	s5 =	sshll.u32 @p0 s5, $0xE  }
0xa9: {  	s5 =	sadd.s32 @p0 $0x11B8D, s5;
	s6 =	sshll.u32 @p0 s4, $0x11  }
0xaa: {  	s5 =	sor.u32 @p0 s6, s5  }
0xab: {  	[sflag:s5] =	ssyncadd.remote.s32 @p0 $0x1;
	_ =	sdelay $0x1  }
0xac: {  	s5 =	simm.s32 @p0 $0x1B8D  }
0xad: {  	_ =	swait.eq @p0 [sflag:s5], $0x1  }
0xae: {  	[sflag:s5] =	ssyncadd.s32 @p0 $0xFFFFFFFF  }
0xaf: {  	s6 =	sshll.u32 @!p0 s1, $0xE  }
0xb0: {  	s6 =	sor.u32 @!p0 $0x4000, s6;
	s5 =	simm.s32 @!p0 $0x1B8D  }
0xb1: {  	s4 =	sshll.u32 @!p0 s4, $0x11;
	s6 =	sadd.s32 @!p0 $0x11B8D, s6;
	_ =	swait.eq @!p0 [sflag:s5], $0x1  }
0xb2: {  	s4 =	sor.u32 @!p0 s4, s6;
	[sflag:s5] =	ssyncadd.s32 @!p0 $0xFFFFFFFF  }
0xb3: {  	s25 =	simm.s32 $0x1B8E;
	s24 =	sld [smem:$0x3FFE];
	[sflag:s4] =	ssyncadd.remote.s32 @!p0 $0x1  }
0xb4: {  	s26 =	simm.s32 $execute0_lowered;
	[smem:$0x3FD2] =	sst s25  }
0xb5: {  	s5 =	sshll.u32 s26, $0x1;
	_ =	strace $0x80000055;
	[dreg:$0x1] =	wrdreg $0xFFFFFFFF  }
0xb6: {  	s28 =	simm.s32 $_size_execute0_lowered;
	s3 =	sadd.s32 s3, s5;
	[dreg:$0x0] =	wrdreg $0x0  }
0xb7: {  	s5 =	sshll.u32 s28, $0x1;
	[dreg:$0x2] =	wrdreg s3  }
0xb8: {  	[dreg:$0x3] =	wrdreg s5  }
0xb9: {  	[dreg:$0x4] =	wrdreg $0xC0  }
0xba: {  	_ =	task [dreg:s22], $0x5FFFF  }
0xbb: {  	[dreg:$0x1] =	wrdreg $0xFFFFFFFF  }
0xbc: {  	[dreg:$0x0] =	wrdreg $0x60  }
0xbd: {  	[dreg:$0x2] =	wrdreg s24  }
0xbe: {  	[dreg:$0x3] =	wrdreg $0xA  }
0xbf: {  	_ =	task.clear_ibuf [dreg:s22], $0x4FFFF;
	_ =	strace $0x90000055  }
0xc0: {  	s29 =	simm.s32 $0xA;
	_ =	strace $0x80000057  }
0xc1: {  	_ =	swait.ge [sflag:s29], $0x1  }
0xc2: {  	[sflag:s29] =	ssyncadd.s32 $0xFFFFFFFF  }
0xc3: {  	_ =	strace $0x90000057  }
0xc4: {  	_ =	sfence  }
0xc5: {  	s30 =	sld [smem:$0x0];
	_ =	sdelay $0x2  }
0xc6: {  	s31 =	sshll.u32 s1, $0xD;
	s1 =	sshrl.u32 s1, $0x2  }
0xc7: {  	s4 =	sand.u32 $0x4000, s31;
	s1 =	sadd.s32 s1, s30  }
0xc8: {  	s0 =	sor.u32 s4, s0;
	s1 =	sshll.u32 s1, $0x11  }
0xc9: {  	s0 =	sor.u32 s1, s0  }
0xca: {  	s0 =	sadd.s32 $0x8F2B, s0  }
0xcb: {  	[sflag:s0] =	ssyncadd.remote.s32 $0x1  }
0xcc: {  	_ =	sfence.sel $0xFFFF  }
0xcd: {  	[dreg:$0x0] =	wrdreg $0xFFFFFFFF;
	(pc) =	sbr.abs _section_cstart, $3  }
0xce: {  	[dreg:$0x1] =	wrdreg $0xFFFFFFFF  }
0xcf: {  	_ =	task.clear_ibuf [dreg:s22], $0x2FFFF;
	_ =	strace $0x9FFFFFFF  }
0xd0: {  	(tm) =	ssettm $0x7FFFFFFF  }
0xd1: {  	_ =	shalt  }
tec
execute0_lowered:
.L_overlay_start_1:
0x0: {  	(tag) =	ssettag $0x1  }
0x1: {  	s0 =	srdreg.scid  }
0x2: {  	s10 =	stileid.u32;
	s1 =	rddreg [dreg:$0x0];
	s2 =	simm.s32 $0x0  }
0x3: {  	s28 =	simm.s32 $0x5280;
	s30 =	simm.s32 $0xCF80;
	s31 =	simm.s32 $0x2  }
0x4: {  	s29 =	simm.s32 $0x6;
	s0 =	sand.u32 $0x1, s0;
	s20 =	smul.u32 $0x13880, s10  }
0x5: {  	s3 =	sshll.u32 s10, $0x1;
	[smem:$0x7FF] =	sst s2;
	s23 =	smul.u32 $0x1388, s10  }
0x6: {  	s5 =	sadd.s32 $0x652800, s1;
	s6 =	sor.u32 s0, s3;
	s25 =	smul.u32 $0x9C4, s0  }
0x7: {  	_ =	strace $0x80000056;
	s7 =	ssub.s32 $0x2, s0;
	s0 =	smul.u32 $0x9C40, s0  }
0x8: {  	s3 =	sadd.s32 $0x6E00, s1;
	s4 =	smul.u32 $0x140, s6;
	s9 =	sshrl.u32 s7, $0x1  }
0x9: {  	s6 =	smul.u32 $0x9C40, s6;
	s15 =	ssub.s32 s7, s9;
	s26 =	sadd.s32 s25, s23  }
0xa: {  	s0 =	sadd.s32 s0, s20;
	s20 =	simm.s32 $0xA00;
	s23 =	simm.s32 $0x9100  }
0xb: {  	s25 =	simm.s32 $0x3;
	s7 =	simm.s32 $0x0;
	s8 =	sadd.s32 s4, s1  }
0xc: {  	s4 =	sadd.s32 $0x51A000, s1;
	s1 =	smax.u32 s15, $0x1;
	s19 =	sadd.s32 $0x7D0, s6  }
0xd: {  	s21 =	sadd.s32 s5, s6;
	s24 =	sadd.s32 $0x8CA0, s6;
	[dreg:$0x4] =	wrdreg s1  }
0xe: {  	s16 =	sadd.s32 $0x515000, s8;
	s17 =	sadd.s32 $0x517800, s8;
	[dreg:$0x6] =	wrdreg s21  }
0xf: {  	s18 =	sadd.s32 s4, s6;
	s22 =	sadd.s32 s4, s19;
	[dreg:$0x2] =	wrdreg s16  }
0x10: {  	s1 =	sadd.s32 s5, s19;
	s13 =	sadd.s32 s4, s24;
	[dreg:$0x3] =	wrdreg s17  }
0x11: {  	s6 =	sadd.s32 $0x9470, s6;
	s14 =	sadd.s32 s5, s24;
	[dreg:$0x5] =	wrdreg s18  }
0x12: {  	s19 =	simm.s32 $0x9;
	s21 =	simm.s32 $0x7D;
	[dreg:$0x7] =	wrdreg s22  }
0x13: {  	s24 =	simm.s32 $0x1;
	[dreg:$0x8] =	wrdreg s1;
	s15 =	sadd.s32 s4, s6  }
0x14: {  	s16 =	sadd.s32 s5, s6;
	s1 =	sshll.u32 s26, $0x4;
	s17 =	sadd.s32 $0xFA0, s0  }
0x15: {  	s22 =	simm.s32 $0x1400;
	s0 =	simm.s32 $0x5;
	s26 =	simm.s32 $0x7  }
0x16: {  	s6 =	simm.s32 $0x8;
	s18 =	sadd.s32 $0x1770, s1;
	s1 =	simm.s32 $0x4  }
.LBB2_1:
0x17: {  	s8 =	rddreg [dreg:$0x2]  }
0x18: {  	[tilespmem:s2], [sflag:$0x9] =	stream.linear.gather [hbm4b:s8+s2], $0xA00, $0x38;
	[tilespmem:$0x10E00] =	vst v63  }
0x19: {  	_ =	swait.ge [sflag:s19], $0xA00  }
0x1a: {  	[sflag:s19] =	ssyncset.done $0x0  }
0x1b: {  	s9 =	rddreg [dreg:$0x3];
	[sflag:s19] =	ssyncadd.s32 $0xFFFFF600  }
0x1c: {  	[tilespmem:s20], [sflag:$0x9] =	stream.linear.gather [hbm4b:s9+s2], $0xA00, $0x38;
	[tilespmem:$0x10E00] =	vst v63  }
0x1d: {  	_ =	swait.ge [sflag:s19], $0xA00  }
0x1e: {  	[sflag:s19] =	ssyncset.done $0x0  }
0x1f: {  	[sflag:s19] =	ssyncadd.s32 $0xFFFFF600  }
0x20: {  	[tilespmem:s22], [sflag:$0x1] =	stream.indirect.gather [hbm4b:s3+s21], $0x80, s2, s21, $0xb8;
	[tilespmem:$0x10E00] =	vst v63  }
0x21: {  	_ = 	snop  }
0x22: {  	[tilespmem:s23], [sflag:$0x3] =	stream.indirect.gather [hbm4b:s3+s21], $0x80, s20, s21, $0xb8;
	[tilespmem:$0x10E00] =	vst v63  }
0x23: {  	_ =	swait.ge [sflag:s24], $0x3E80  }
0x24: {  	[sflag:s24] =	ssyncset.done $0x0  }
0x25: {  	[sflag:s24] =	ssyncadd.s32 $0xFFFFC180  }
0x26: {  	_ =	swait.ge [sflag:s25], $0x3E80  }
0x27: {  	[sflag:s25] =	ssyncset.done $0x0  }
0x28: {  	s10 =	simm.s32 $0x80;
	[sflag:s25] =	ssyncadd.s32 $0xFFFFC180  }
0x29: {  	[tilespmem:s28], [sflag:$0x2] =	stream.indirect.gather [hbm4b:s3+s21], $0x80, s10, s21, $0xb8;
	[tilespmem:$0x10E00] =	vst v63  }
0x2a: {  	s11 =	simm.s32 $0xA80  }
0x2b: {  	[tilespmem:s30], [sflag:$0x4] =	stream.indirect.gather [hbm4b:s3+s21], $0x80, s11, s21, $0xb8;
	[tilespmem:$0x10E00] =	vst v63  }
0x2c: {  	s12 =	rddreg [dreg:$0x5]  }
0x2d: {  	[hbm4b:s12+s2] =	stream.linear.scatter [tilespmem:s22], [sflag:$0x5], $0x3E80, $0x38;
	[tilespmem:$0x10E00] =	vst v63  }
0x2e: {  	s9 =	rddreg [dreg:$0x6]  }
0x2f: {  	[hbm4b:s9+s2] =	stream.linear.scatter [tilespmem:s23], [sflag:$0x7], $0x3E80, $0x38;
	[tilespmem:$0x10E00] =	vst v63  }
0x30: {  	_ =	swait.ge [sflag:s31], $0x3E80  }
0x31: {  	[sflag:s31] =	ssyncset.done $0x0  }
0x32: {  	[sflag:s31] =	ssyncadd.s32 $0xFFFFC180  }
0x33: {  	_ =	swait.ge [sflag:s1], $0x3E80  }
0x34: {  	[sflag:s1] =	ssyncset.done $0x0  }
0x35: {  	[sflag:s1] =	ssyncadd.s32 $0xFFFFC180  }
0x36: {  	_ =	swait.ge [sflag:s0], $0x3E80  }
0x37: {  	[sflag:s0] =	ssyncset.done $0x0  }
0x38: {  	[sflag:s0] =	ssyncadd.s32 $0xFFFFC180  }
0x39: {  	_ =	swait.ge [sflag:s26], $0x3E80  }
0x3a: {  	[sflag:s26] =	ssyncset.done $0x0  }
0x3b: {  	s10 =	simm.s32 $0x100;
	[sflag:s26] =	ssyncadd.s32 $0xFFFFC180  }
0x3c: {  	[tilespmem:s22], [sflag:$0x1] =	stream.indirect.gather [hbm4b:s3+s21], $0x80, s10, s21, $0xb8;
	[tilespmem:$0x10E00] =	vst v63  }
0x3d: {  	s11 =	simm.s32 $0xB00  }
0x3e: {  	[tilespmem:s23], [sflag:$0x3] =	stream.indirect.gather [hbm4b:s3+s21], $0x80, s11, s21, $0xb8;
	[tilespmem:$0x10E00] =	vst v63  }
0x3f: {  	s12 =	rddreg [dreg:$0x7]  }
0x40: {  	[hbm4b:s12+s2] =	stream.linear.scatter [tilespmem:s28], [sflag:$0x6], $0x3E80, $0x38;
	[tilespmem:$0x10E00] =	vst v63  }
0x41: {  	s9 =	rddreg [dreg:$0x8]  }
0x42: {  	[hbm4b:s9+s2] =	stream.linear.scatter [tilespmem:s30], [sflag:$0x8], $0x3E80, $0x38;
	[tilespmem:$0x10E00] =	vst v63  }
0x43: {  	_ =	swait.ge [sflag:s24], $0x3E80  }
0x44: {  	[sflag:s24] =	ssyncset.done $0x0  }
0x45: {  	[sflag:s24] =	ssyncadd.s32 $0xFFFFC180  }
0x46: {  	_ =	swait.ge [sflag:s25], $0x3E80  }
0x47: {  	[sflag:s25] =	ssyncset.done $0x0  }
0x48: {  	[sflag:s25] =	ssyncadd.s32 $0xFFFFC180  }
0x49: {  	_ =	swait.ge [sflag:s29], $0x3E80  }
0x4a: {  	[sflag:s29] =	ssyncset.done $0x0  }
0x4b: {  	[sflag:s29] =	ssyncadd.s32 $0xFFFFC180  }
0x4c: {  	_ =	swait.ge [sflag:s6], $0x3E80  }
0x4d: {  	[sflag:s6] =	ssyncset.done $0x0  }
0x4e: {  	s10 =	simm.s32 $0x180;
	[sflag:s6] =	ssyncadd.s32 $0xFFFFC180  }
0x4f: {  	[tilespmem:s28], [sflag:$0x2] =	stream.indirect.gather [hbm4b:s3+s21], $0x80, s10, s21, $0xb8;
	[tilespmem:$0x10E00] =	vst v63  }
0x50: {  	s11 =	simm.s32 $0xB80  }
0x51: {  	[tilespmem:s30], [sflag:$0x4] =	stream.indirect.gather [hbm4b:s3+s21], $0x80, s11, s21, $0xb8;
	[tilespmem:$0x10E00] =	vst v63  }
0x52: {  	s12 =	sadd.s32 s17, s4  }
0x53: {  	[hbm4b:s12+s2] =	stream.linear.scatter [tilespmem:s22], [sflag:$0x5], $0x3E80, $0x38;
	[tilespmem:$0x10E00] =	vst v63  }
0x54: {  	s9 =	sadd.s32 s17, s5  }
0x55: {  	[hbm4b:s9+s2] =	stream.linear.scatter [tilespmem:s23], [sflag:$0x7], $0x3E80, $0x38;
	[tilespmem:$0x10E00] =	vst v63  }
0x56: {  	_ =	swait.ge [sflag:s31], $0x3E80  }
0x57: {  	[sflag:s31] =	ssyncset.done $0x0  }
0x58: {  	[sflag:s31] =	ssyncadd.s32 $0xFFFFC180  }
0x59: {  	_ =	swait.ge [sflag:s1], $0x3E80  }
0x5a: {  	[sflag:s1] =	ssyncset.done $0x0  }
0x5b: {  	[sflag:s1] =	ssyncadd.s32 $0xFFFFC180  }
0x5c: {  	_ =	swait.ge [sflag:s0], $0x3E80  }
0x5d: {  	[sflag:s0] =	ssyncset.done $0x0  }
0x5e: {  	[sflag:s0] =	ssyncadd.s32 $0xFFFFC180  }
0x5f: {  	_ =	swait.ge [sflag:s26], $0x3E80  }
0x60: {  	[sflag:s26] =	ssyncset.done $0x0  }
0x61: {  	s10 =	simm.s32 $0x200;
	[sflag:s26] =	ssyncadd.s32 $0xFFFFC180  }
0x62: {  	[tilespmem:s22], [sflag:$0x1] =	stream.indirect.gather [hbm4b:s3+s21], $0x80, s10, s21, $0xb8;
	[tilespmem:$0x10E00] =	vst v63  }
0x63: {  	s8 =	simm.s32 $0x400;
	s11 =	simm.s32 $0xC00;
	s12 =	sadd.s32 s18, s4  }
0x64: {  	[tilespmem:s23], [sflag:$0x3] =	stream.indirect.gather [hbm4b:s3+s21], $0x80, s11, s21, $0xb8;
	[tilespmem:$0x10E00] =	vst v63  }
0x65: {  	s9 =	sadd.s32 $0xFA0, s17;
	s10 =	sadd.s32 $0xFA0, s18;
	s11 =	sadd.s32 s18, s5  }
0x66: {  	[hbm4b:s12+s2] =	stream.linear.scatter [tilespmem:s28], [sflag:$0x6], $0x3E80, $0x38;
	[tilespmem:$0x10E00] =	vst v63  }
.LBB2_2:
0x67: {  	[hbm4b:s11+s2] =	stream.linear.scatter [tilespmem:s30], [sflag:$0x8], $0x3E80, $0x38;
	[tilespmem:$0x10E00] =	vst v63  }
0x68: {  	s11 =	smov.u32 s8  }
0x69: {  	p0 =	sne.s32 s8, $0x1C00;
	s8 =	sadd.s32 $0x400, s8;
	_ =	swait.ge [sflag:s24], $0x3E80  }
0x6a: {  	[sflag:s24] =	ssyncset.done $0x0  }
0x6b: {  	[sflag:s24] =	ssyncadd.s32 $0xFFFFC180  }
0x6c: {  	_ =	swait.ge [sflag:s25], $0x3E80  }
0x6d: {  	[sflag:s25] =	ssyncset.done $0x0  }
0x6e: {  	[sflag:s25] =	ssyncadd.s32 $0xFFFFC180  }
0x6f: {  	_ =	swait.ge [sflag:s29], $0x3E80  }
0x70: {  	[sflag:s29] =	ssyncset.done $0x0  }
0x71: {  	[sflag:s29] =	ssyncadd.s32 $0xFFFFC180  }
0x72: {  	_ =	swait.ge [sflag:s6], $0x3E80  }
0x73: {  	s11 =	sshra.s32 s11, $0x2;
	[sflag:s6] =	ssyncset.done $0x0  }
0x74: {  	s12 =	sadd.s32 $0x180, s11;
	[sflag:s6] =	ssyncadd.s32 $0xFFFFC180  }
0x75: {  	[tilespmem:s28], [sflag:$0x2] =	stream.indirect.gather [hbm4b:s3+s21], $0x80, s12, s21, $0xb8;
	[tilespmem:$0x10E00] =	vst v63  }
0x76: {  	s12 =	sadd.s32 $0xB80, s11  }
0x77: {  	[tilespmem:s30], [sflag:$0x4] =	stream.indirect.gather [hbm4b:s3+s21], $0x80, s12, s21, $0xb8;
	[tilespmem:$0x10E00] =	vst v63  }
0x78: {  	s12 =	sadd.s32 s9, s4  }
0x79: {  	[hbm4b:s12+s2] =	stream.linear.scatter [tilespmem:s22], [sflag:$0x5], $0x3E80, $0x38;
	[tilespmem:$0x10E00] =	vst v63  }
0x7a: {  	s12 =	sadd.s32 s9, s5  }
0x7b: {  	[hbm4b:s12+s2] =	stream.linear.scatter [tilespmem:s23], [sflag:$0x7], $0x3E80, $0x38;
	[tilespmem:$0x10E00] =	vst v63  }
0x7c: {  	_ =	swait.ge [sflag:s31], $0x3E80  }
0x7d: {  	[sflag:s31] =	ssyncset.done $0x0  }
0x7e: {  	[sflag:s31] =	ssyncadd.s32 $0xFFFFC180  }
0x7f: {  	_ =	swait.ge [sflag:s1], $0x3E80  }
0x80: {  	[sflag:s1] =	ssyncset.done $0x0  }
0x81: {  	[sflag:s1] =	ssyncadd.s32 $0xFFFFC180  }
0x82: {  	_ =	swait.ge [sflag:s0], $0x3E80  }
0x83: {  	[sflag:s0] =	ssyncset.done $0x0  }
0x84: {  	[sflag:s0] =	ssyncadd.s32 $0xFFFFC180  }
0x85: {  	_ =	swait.ge [sflag:s26], $0x3E80  }
0x86: {  	[sflag:s26] =	ssyncset.done $0x0  }
0x87: {  	s12 =	sadd.s32 $0x200, s11;
	[sflag:s26] =	ssyncadd.s32 $0xFFFFC180  }
0x88: {  	[tilespmem:s22], [sflag:$0x1] =	stream.indirect.gather [hbm4b:s3+s21], $0x80, s12, s21, $0xb8;
	[tilespmem:$0x10E00] =	vst v63  }
.Ltmp0:
0x89: {  	s11 =	sadd.s32 $0xC00, s11;
	(pc) =	sbr.rel @p0 .LBB2_2-.Ltmp0, $4  }
0x8a: {  	[tilespmem:s23], [sflag:$0x3] =	stream.indirect.gather [hbm4b:s3+s21], $0x80, s11, s21, $0xb8;
	[tilespmem:$0x10E00] =	vst v63  }
0x8b: {  	s11 =	sadd.s32 s10, s4  }
0x8c: {  	[hbm4b:s11+s2] =	stream.linear.scatter [tilespmem:s28], [sflag:$0x6], $0x3E80, $0x38;
	[tilespmem:$0x10E00] =	vst v63  }
0x8d: {  	s9 =	sadd.s32 $0xFA0, s9;
	s11 =	sadd.s32 s10, s5;
	s10 =	sadd.s32 $0xFA0, s10  }
0x8e: {  	[hbm4b:s11+s2] =	stream.linear.scatter [tilespmem:s30], [sflag:$0x8], $0x3E80, $0x38;
	[tilespmem:$0x10E00] =	vst v63  }
0x8f: {  	_ =	swait.ge [sflag:s24], $0x3E80  }
0x90: {  	[sflag:s24] =	ssyncset.done $0x0  }
0x91: {  	[sflag:s24] =	ssyncadd.s32 $0xFFFFC180  }
0x92: {  	_ =	swait.ge [sflag:s25], $0x3E80  }
0x93: {  	[sflag:s25] =	ssyncset.done $0x0  }
0x94: {  	[sflag:s25] =	ssyncadd.s32 $0xFFFFC180  }
0x95: {  	_ =	swait.ge [sflag:s29], $0x3E80  }
0x96: {  	[sflag:s29] =	ssyncset.done $0x0  }
0x97: {  	[sflag:s29] =	ssyncadd.s32 $0xFFFFC180  }
0x98: {  	_ =	swait.ge [sflag:s6], $0x3E80  }
0x99: {  	[sflag:s6] =	ssyncset.done $0x0  }
0x9a: {  	s8 =	simm.s32 $0x980;
	[sflag:s6] =	ssyncadd.s32 $0xFFFFC180  }
0x9b: {  	[tilespmem:s28], [sflag:$0x2] =	stream.indirect.gather [hbm4b:s3+s21], $0x80, s8, s21, $0xb8;
	[tilespmem:$0x10E00] =	vst v63  }
0x9c: {  	s11 =	simm.s32 $0x1380  }
0x9d: {  	[tilespmem:s30], [sflag:$0x4] =	stream.indirect.gather [hbm4b:s3+s21], $0x80, s11, s21, $0xb8;
	[tilespmem:$0x10E00] =	vst v63  }
0x9e: {  	_ = 	snop  }
0x9f: {  	[hbm4b:s13+s2] =	stream.linear.scatter [tilespmem:s22], [sflag:$0x5], $0x3E80, $0x38;
	[tilespmem:$0x10E00] =	vst v63  }
0xa0: {  	_ = 	snop  }
0xa1: {  	[hbm4b:s14+s2] =	stream.linear.scatter [tilespmem:s23], [sflag:$0x7], $0x3E80, $0x38;
	[tilespmem:$0x10E00] =	vst v63  }
0xa2: {  	_ =	swait.ge [sflag:s31], $0x3E80  }
0xa3: {  	[sflag:s31] =	ssyncset.done $0x0  }
0xa4: {  	[sflag:s31] =	ssyncadd.s32 $0xFFFFC180  }
0xa5: {  	_ =	swait.ge [sflag:s1], $0x3E80  }
0xa6: {  	[sflag:s1] =	ssyncset.done $0x0  }
0xa7: {  	[sflag:s1] =	ssyncadd.s32 $0xFFFFC180  }
0xa8: {  	[hbm4b:s15+s2] =	stream.linear.scatter [tilespmem:s28], [sflag:$0x6], $0x3E80, $0x38;
	[tilespmem:$0x10E00] =	vst v63  }
0xa9: {  	_ = 	snop  }
0xaa: {  	[hbm4b:s16+s2] =	stream.linear.scatter [tilespmem:s30], [sflag:$0x8], $0x3E80, $0x38;
	[tilespmem:$0x10E00] =	vst v63  }
0xab: {  	_ =	swait.ge [sflag:s0], $0x3E80  }
0xac: {  	[sflag:s0] =	ssyncset.done $0x0  }
0xad: {  	[sflag:s0] =	ssyncadd.s32 $0xFFFFC180  }
0xae: {  	_ =	swait.ge [sflag:s26], $0x3E80  }
0xaf: {  	[sflag:s26] =	ssyncset.done $0x0  }
0xb0: {  	[sflag:s26] =	ssyncadd.s32 $0xFFFFC180  }
0xb1: {  	_ =	swait.ge [sflag:s29], $0x3E80  }
0xb2: {  	[sflag:s29] =	ssyncset.done $0x0  }
0xb3: {  	[sflag:s29] =	ssyncadd.s32 $0xFFFFC180  }
0xb4: {  	_ =	swait.ge [sflag:s6], $0x3E80  }
0xb5: {  	s7 =	sadd.s32 $0x1, s7;
	s12 =	rddreg [dreg:$0x4]  }
0xb6: {  	p0 =	sne.s32 s7, s12  }
.Ltmp1:
0xb7: {  	_ = 	snop;
	(pc) =	sbr.rel @p0 .LBB2_1-.Ltmp1, $3  }
0xb8: {  	_ =	sdelay $0x1  }
0xb9: {  	[sflag:s6] =	ssyncset.done $0x0  }
0xba: {  	[sflag:s6] =	ssyncadd.s32 $0xFFFFC180  }
0xbb: {  	_ =	sfence.sel $0x180000  }
0xbc: {  	[bflag:$0x0] =	sbarrier.arrive $0xFFFF  }
0xbd: {  	_ =	strace $0x90000056  }
0xbe: {  	s0 =	stileid.u32;
	[bflag:$0x2] =	sbarrier.arrive $0xFFFF  }
0xbf: {  	p0 =	sne.s32 s0, $0x0;
	s0 =	rddreg [dreg:$0x1]  }
0xc0: {  	s0 =	sadd.s32 @!p0 $0x100000, s0  }
0xc1: {  	[sflag:s0] =	ssyncadd.tile.s32 @!p0 $0x1;
	_ =	shalt  }
.Lfunc_end2:
_tile_overlayer_lowered:
.L_overlay_start_2:
0xc2: {  	(tag) =	ssettag $0x2  }
0xc3: {  	s0 =	rddreg [dreg:$0x0];
	s2 =	stileid.u32  }
0xc4: {  	s1 =	rddreg [dreg:$0x1];
	p0 =	sne.s32 s2, $0x0  }
0xc5: {  	s3 =	rddreg [dreg:$0x2];
	[bflag:$0x3] =	sbarrier.arrive $0xFFFF;
	s2 =	simm.s32 @!p0 $0x1C09  }
0xc6: {  	[timem:s3], [sflag:s2] =	dma.local @!p0 [hbm:s0], s1  }
0xc7: {  	s0 =	simm.s32 @!p0 $0x9  }
0xc8: {  	_ =	swait.ge @!p0 [sflag:s0], s1  }
0xc9: {  	s1 =	ssub.s32 @!p0 $0x0, s1;
	[sflag:s0] =	ssyncset.done @!p0 $0x0  }
0xca: {  	[sflag:s0] =	ssyncadd.s32 @!p0 s1  }
0xcb: {  	[bflag:$0x3] =	sbarrier.arrive $0xFFFF  }
0xcc: {  	_ =	shalt  }

// kernel: kernel.32.cloned.1.call-start
scs
__scs_entry_jumppad:
0x0: {  	(pc) =	sbr.rel $0x88, $3  }
0x1: {  	(tag) =	ssettag $0x0;
	lr =	simm.s32 $0x1  }
0x2: {  	[smem:$0x3F9B] =	sst lr;
	_ =	strace $0xD0000000  }
0x3: {  	_ = 	snop  }
0x4: {  	_ = 	snop  }
0x5: {  	_ = 	snop  }
0x6: {  	_ = 	snop  }
0x7: {  	_ = 	snop  }
__scs_overlays_trampoline_lowered:
0x8: {  	[smem:$0x3FAA] =	sst s0  }
0x9: {  	[smem:$0x3FAB] =	sst s1  }
0xa: {  	[smem:$0x3FAC] =	sst s2  }
0xb: {  	[smem:$0x3FAD] =	sst s3  }
0xc: {  	[smem:$0x3FAE] =	sst s4  }
0xd: {  	[smem:$0x3FAF] =	sst s5  }
0xe: {  	[smem:$0x3FB0] =	sst s6  }
0xf: {  	[smem:$0x3FB1] =	sst s7  }
0x10: {  	[smem:$0x3FB2] =	sst s8  }
0x11: {  	[smem:$0x3FB3] =	sst s9;
	s0 =	simm.s32 @!p0 $0x0  }
0x12: {  	s1 =	sld [smem:$0x3F99];
	s0 =	simm.s32 @p0 $0x1  }
0x13: {  	[smem:$0x3FB4] =	sst s0;
	s0 =	simm.s32 @!p1 $0x0  }
0x14: {  	s2 =	sld [smem:$0x3F98];
	s0 =	simm.s32 @p1 $0x1  }
0x15: {  	[smem:$0x3FB5] =	sst s0;
	s0 =	simm.s32 @!p2 $0x0  }
0x16: {  	s3 =	sld [smem:$0x3FDB];
	s0 =	simm.s32 @p2 $0x1  }
0x17: {  	s4 =	simm.s32 $0x1BF5;
	[smem:$0x3FB7] =	sst s0  }
0x18: {  	s0 =	sld [smem:$0x3F9A];
	_ =	swait.ge [sflag:s4], $0x0  }
0x19: {  	s7 =	sld [smem:$0x3F9B]  }
0x1a: {  	s8 =	sadd.s32 $0xFFFFE003, lr  }
0x1b: {  	s9 =	sadd.s32 $0xFFFFFEF7, lr;
	s5 =	simm.s32 $0xFFFFFFFF;
	p2 =	slt.u32 s8, $0xFFFFF086  }
0x1c: {  	p1 =	slt.u32 s9, $0xF7A;
	s5 =	simm.s32 @!p2 $0x0  }
0x1d: {  	s5 =	simm.s32 @p1 $0x1;
	p0 =	seq.s32 s7, s2  }
0x1e: {  	s7 =	smul.u32 @!p0 $0xF7A, s2;
	p2 =	seq.s32 @!p0 s5, $0x0  }
0x1f: {  	s9 =	smul.u32 $0xF7A, s1;
	s8 =	simm.s32 @!p0 $0x1BF5;
	p2 =	por !p2, p0  }
0x20: {  	[sflag:s8] =	ssyncset.s32 @!p0 $0xFFFFF086;
	s6 =	sadd.s32 @!p0 s3, s7;
	s7 =	simm.s32 @!p0 $0x108  }
0x21: {  	s3 =	sadd.s32 s3, s9;
	s6 =	sadd.s32 @!p0 $0x88, s6;
	s7 =	simm.s32 @p2 $0x1082  }
0x22: {  	[simem:s7], [sflag:s8] =	dma.local @!p0 [hbm:s6], $0xF7A  }
0x23: {  	s9 =	sor.u32 $0xD0000000, s2;
	s6 =	simm.s32 $0x108;
	_ =	swait.ge @!p0 [sflag:s8], $0x0  }
0x24: {  	s3 =	sadd.s32 $0x88, s3;
	s6 =	simm.s32 @!p1 $0x1082;
	[sflag:s4] =	ssyncset.s32 $0xFFFFF086  }
0x25: {  	[simem:s6], [sflag:s4] =	dma.local [hbm:s3], $0xF7A  }
0x26: {  	[smem:$0x3F9B] =	sst s1;
	(tag) =	ssettag s2;
	_ =	strace s9  }
0x27: {  	s1 =	sld [smem:$0x3FAB]  }
0x28: {  	s2 =	sld [smem:$0x3FAC]  }
0x29: {  	s4 =	sld [smem:$0x3FAE]  }
0x2a: {  	p0 =	seq.s32 s5, $0x0;
	s5 =	sld [smem:$0x3FAF]  }
0x2b: {  	s6 =	sld [smem:$0x3FB0]  }
0x2c: {  	s7 =	sld [smem:$0x3FB1]  }
0x2d: {  	s3 =	simm.s32 $0x108;
	s8 =	sld [smem:$0x3FB2]  }
0x2e: {  	s3 =	simm.s32 @!p0 $0x1082;
	s9 =	sld [smem:$0x3FB3]  }
0x2f: {  	lr =	sadd.s32 s0, s3;
	s0 =	sld [smem:$0x3FAA]  }
0x30: {  	s3 =	sld [smem:$0x3FAD]  }
0x31: {  	[smem:$0x3FB6] =	sst s10  }
0x32: {  	s10 =	sld [smem:$0x3FB4];
	_ =	sdelay $0x3  }
0x33: {  	p0 =	seq.s32 s10, $0x1;
	s10 =	sld [smem:$0x3FB6];
	_ =	sdelay $0x3  }
0x34: {  	[smem:$0x3FB6] =	sst s10  }
0x35: {  	s10 =	sld [smem:$0x3FB5];
	_ =	sdelay $0x3  }
0x36: {  	p1 =	seq.s32 s10, $0x1;
	s10 =	sld [smem:$0x3FB6];
	_ =	sdelay $0x3  }
0x37: {  	[smem:$0x3FB6] =	sst s10  }
0x38: {  	s10 =	sld [smem:$0x3FB7]  }
0x39: {  	_ = 	snop;
	(pc) =	sbr.ind lr, $3  }
0x3a: {  	_ = 	snop  }
0x3b: {  	_ = 	snop  }
0x3c: {  	p2 =	seq.s32 s10, $0x1;
	s10 =	sld [smem:$0x3FB6]  }
0x3d: {  	_ =	shalt  }
0x3e: {  	_ =	shalt  }
0x3f: {  	_ =	shalt  }
0x40: {  	_ =	shalt  }
0x41: {  	_ =	shalt  }
0x42: {  	_ =	shalt  }
0x43: {  	_ =	shalt  }
0x44: {  	_ =	shalt  }
0x45: {  	_ =	shalt  }
0x46: {  	_ =	shalt  }
0x47: {  	_ =	shalt  }
0x48: {  	_ =	shalt  }
0x49: {  	_ =	shalt  }
0x4a: {  	_ =	shalt  }
0x4b: {  	_ =	shalt  }
0x4c: {  	_ =	shalt  }
0x4d: {  	_ =	shalt  }
0x4e: {  	_ =	shalt  }
0x4f: {  	_ =	shalt  }
0x50: {  	_ =	shalt  }
0x51: {  	_ =	shalt  }
0x52: {  	_ =	shalt  }
0x53: {  	_ =	shalt  }
0x54: {  	_ =	shalt  }
0x55: {  	_ =	shalt  }
0x56: {  	_ =	shalt  }
0x57: {  	_ =	shalt  }
0x58: {  	_ =	shalt  }
0x59: {  	_ =	shalt  }
0x5a: {  	_ =	shalt  }
0x5b: {  	_ =	shalt  }
0x5c: {  	_ =	shalt  }
0x5d: {  	_ =	shalt  }
0x5e: {  	_ =	shalt  }
0x5f: {  	_ =	shalt  }
0x60: {  	_ =	shalt  }
0x61: {  	_ =	shalt  }
0x62: {  	_ =	shalt  }
0x63: {  	_ =	shalt  }
0x64: {  	_ =	shalt  }
0x65: {  	_ =	shalt  }
0x66: {  	_ =	shalt  }
0x67: {  	_ =	shalt  }
0x68: {  	_ =	shalt  }
0x69: {  	_ =	shalt  }
0x6a: {  	_ =	shalt  }
0x6b: {  	_ =	shalt  }
0x6c: {  	_ =	shalt  }
0x6d: {  	_ =	shalt  }
0x6e: {  	_ =	shalt  }
0x6f: {  	_ =	shalt  }
0x70: {  	_ =	shalt  }
0x71: {  	_ =	shalt  }
0x72: {  	_ =	shalt  }
0x73: {  	_ =	shalt  }
0x74: {  	_ =	shalt  }
0x75: {  	_ =	shalt  }
0x76: {  	_ =	shalt  }
0x77: {  	_ =	shalt  }
0x78: {  	_ =	shalt  }
0x79: {  	_ =	shalt  }
0x7a: {  	_ =	shalt  }
0x7b: {  	_ =	shalt  }
0x7c: {  	_ =	shalt  }
0x7d: {  	_ =	shalt  }
0x7e: {  	_ =	shalt  }
0x7f: {  	_ =	shalt  }
0x80: {  	_ =	shalt  }
0x81: {  	_ =	shalt  }
0x82: {  	_ =	shalt  }
0x83: {  	_ =	shalt  }
0x84: {  	_ =	shalt  }
0x85: {  	_ =	shalt  }
0x86: {  	_ =	shalt  }
0x87: {  	_ =	shalt  }
.Lfunc_end0:
.L_simem_size_0:
called_computation.5_lowered:
.L_overlay_start_0:
0x88: {  	s2 =	sld [smem:$0x3FD9]  }
0x89: {  	s3 =	sld [smem:$0x3FFE];
	_ =	sdelay $0x1  }
0x8a: {  	s1 =	srdreg.scid  }
0x8b: {  	s0 =	sand.u32 $0x1, s1  }
0x8c: {  	s17 =	sshll.u32 s0, $0xA;
	s2 =	sadd.s32 s3, s2  }
0x8d: {  	s2 =	sadd.s32 s2, s17  }
0x8e: {  	[smem:$0x3FC2] =	sst s2  }
0x8f: {  	_ = 	snop  }
0x90: {  	(tm) =	ssettm $0x1  }
0x91: {  	s18 =	sld [smem:$0x3FFB];
	_ =	sdelay $0x3  }
0x92: {  	_ =	strace s18  }
0x93: {  	s2 =	sld [smem:$0x3FFC];
	_ =	sdelay $0x3  }
0x94: {  	_ =	strace s2  }
0x95: {  	s2 =	sld [smem:$0x3FFD];
	_ =	sdelay $0x3  }
0x96: {  	_ =	strace s2  }
0x97: {  	_ =	strace $0x8FFFFFFF  }
0x98: {  	s19 =	sld [smem:$0x3FDB];
	_ =	sdelay $0x1  }
0x99: {  	s20 =	simm.s32 $_scs_section_size  }
0x9a: {  	s4 =	simm.s32 $_size__tile_overlayer_lowered;
	s5 =	simm.s32 $_tile_overlayer_lowered  }
0x9b: {  	s6 =	simm.s32 $0x1BFF;
	s21 =	sshll.u32 s5, $0x1;
	s3 =	sadd.s32 s20, s19  }
0x9c: {  	s22 =	simm.s32 $0x0;
	s4 =	sshll.u32 s4, $0x1;
	s5 =	sadd.s32 s21, s3  }
0x9d: {  	[timem:s22], [sflag:s6] =	dma.local [hbm:s5], s4  }
0x9e: {  	_ =	swait.ge [sflag:s6], s4  }
0x9f: {  	s4 =	ssub.s32 $0x0, s4;
	[sflag:s6] =	ssyncset.done $0x0  }
0xa0: {  	[sflag:s6] =	ssyncadd.s32 s4;
	_ =	sdelay $0x1  }
0xa1: {  	s23 =	simm.s32 $0x1B8B  }
0xa2: {  	_ =	swait.ge [sflag:s23], $0x1  }
0xa3: {  	[sflag:s23] =	ssyncset.done $0x0  }
0xa4: {  	[sflag:s23] =	ssyncadd.s32 $0xFFFFFFFF  }
0xa5: {  	s4 =	sld [smem:$0x0]  }
0xa6: {  	s5 =	sand.u32 $0xFFFFFFFE, s1  }
0xa7: {  	p0 =	sne.s32 s1, s5  }
0xa8: {  	s5 =	sshll.u32 @p0 s5, $0xE  }
0xa9: {  	s5 =	sadd.s32 @p0 $0x11B8D, s5;
	s6 =	sshll.u32 @p0 s4, $0x11  }
0xaa: {  	s5 =	sor.u32 @p0 s6, s5  }
0xab: {  	[sflag:s5] =	ssyncadd.remote.s32 @p0 $0x1;
	_ =	sdelay $0x1  }
0xac: {  	s5 =	simm.s32 @p0 $0x1B8D  }
0xad: {  	_ =	swait.eq @p0 [sflag:s5], $0x1  }
0xae: {  	[sflag:s5] =	ssyncadd.s32 @p0 $0xFFFFFFFF  }
0xaf: {  	s6 =	sshll.u32 @!p0 s1, $0xE  }
0xb0: {  	s6 =	sor.u32 @!p0 $0x4000, s6;
	s5 =	simm.s32 @!p0 $0x1B8D  }
0xb1: {  	s4 =	sshll.u32 @!p0 s4, $0x11;
	s6 =	sadd.s32 @!p0 $0x11B8D, s6;
	_ =	swait.eq @!p0 [sflag:s5], $0x1  }
0xb2: {  	s4 =	sor.u32 @!p0 s4, s6;
	[sflag:s5] =	ssyncadd.s32 @!p0 $0xFFFFFFFF  }
0xb3: {  	s25 =	simm.s32 $0x1B8E;
	s24 =	sld [smem:$0x3FFE];
	[sflag:s4] =	ssyncadd.remote.s32 @!p0 $0x1  }
0xb4: {  	s26 =	simm.s32 $execute0_lowered;
	[smem:$0x3FD2] =	sst s25  }
0xb5: {  	s5 =	sshll.u32 s26, $0x1;
	_ =	strace $0x80000052;
	[dreg:$0x1] =	wrdreg $0xFFFFFFFF  }
0xb6: {  	s28 =	simm.s32 $_size_execute0_lowered;
	s3 =	sadd.s32 s3, s5;
	[dreg:$0x0] =	wrdreg $0x0  }
0xb7: {  	s5 =	sshll.u32 s28, $0x1;
	[dreg:$0x2] =	wrdreg s3  }
0xb8: {  	[dreg:$0x3] =	wrdreg s5  }
0xb9: {  	[dreg:$0x4] =	wrdreg $0xC0  }
0xba: {  	_ =	task [dreg:s22], $0x5FFFF  }
0xbb: {  	[dreg:$0x1] =	wrdreg $0xFFFFFFFF  }
0xbc: {  	[dreg:$0x0] =	wrdreg $0x60  }
0xbd: {  	[dreg:$0x2] =	wrdreg s24  }
0xbe: {  	[dreg:$0x3] =	wrdreg $0xB  }
0xbf: {  	_ =	task.clear_ibuf [dreg:s22], $0x4FFFF;
	_ =	strace $0x90000052  }
0xc0: {  	s29 =	simm.s32 $0xB;
	_ =	strace $0x80000054  }
0xc1: {  	_ =	swait.ge [sflag:s29], $0x1  }
0xc2: {  	[sflag:s29] =	ssyncadd.s32 $0xFFFFFFFF  }
0xc3: {  	_ =	strace $0x90000054  }
0xc4: {  	_ =	sfence  }
0xc5: {  	s30 =	sld [smem:$0x0];
	_ =	sdelay $0x2  }
0xc6: {  	s31 =	sshll.u32 s1, $0xD;
	s1 =	sshrl.u32 s1, $0x2  }
0xc7: {  	s4 =	sand.u32 $0x4000, s31;
	s1 =	sadd.s32 s1, s30  }
0xc8: {  	s0 =	sor.u32 s4, s0;
	s1 =	sshll.u32 s1, $0x11  }
0xc9: {  	s0 =	sor.u32 s1, s0  }
0xca: {  	s0 =	sadd.s32 $0x8F2B, s0  }
0xcb: {  	[sflag:s0] =	ssyncadd.remote.s32 $0x1  }
0xcc: {  	_ =	sfence.sel $0xFFFF  }
0xcd: {  	[dreg:$0x0] =	wrdreg $0xFFFFFFFF;
	(pc) =	sbr.abs _section_cstart, $3  }
0xce: {  	[dreg:$0x1] =	wrdreg $0xFFFFFFFF  }
0xcf: {  	_ =	task.clear_ibuf [dreg:s22], $0x2FFFF;
	_ =	strace $0x9FFFFFFF  }
0xd0: {  	(tm) =	ssettm $0x7FFFFFFF  }
0xd1: {  	_ =	shalt  }
tec
execute0_lowered:
.L_overlay_start_1:
0x0: {  	(tag) =	ssettag $0x1  }
0x1: {  	s0 =	srdreg.scid  }
0x2: {  	s10 =	stileid.u32;
	s1 =	rddreg [dreg:$0x0];
	s2 =	simm.s32 $0x0  }
0x3: {  	s28 =	simm.s32 $0x5280;
	s30 =	simm.s32 $0xCF80;
	s31 =	simm.s32 $0x2  }
0x4: {  	s29 =	simm.s32 $0x6;
	s0 =	sand.u32 $0x1, s0;
	s20 =	smul.u32 $0x13880, s10  }
0x5: {  	s3 =	sshll.u32 s10, $0x1;
	[smem:$0x7FF] =	sst s2;
	s23 =	smul.u32 $0x1388, s10  }
0x6: {  	s5 =	sadd.s32 $0x3DC800, s1;
	s6 =	sor.u32 s0, s3;
	s25 =	smul.u32 $0x9C4, s0  }
0x7: {  	_ =	strace $0x80000053;
	s7 =	ssub.s32 $0x2, s0;
	s0 =	smul.u32 $0x9C40, s0  }
0x8: {  	s3 =	sadd.s32 $0x6E00, s1;
	s4 =	smul.u32 $0x140, s6;
	s9 =	sshrl.u32 s7, $0x1  }
0x9: {  	s6 =	smul.u32 $0x9C40, s6;
	s15 =	ssub.s32 s7, s9;
	s26 =	sadd.s32 s25, s23  }
0xa: {  	s0 =	sadd.s32 s0, s20;
	s20 =	simm.s32 $0xA00;
	s23 =	simm.s32 $0x9100  }
0xb: {  	s25 =	simm.s32 $0x3;
	s7 =	simm.s32 $0x0;
	s8 =	sadd.s32 s4, s1  }
0xc: {  	s4 =	sadd.s32 $0x2A4000, s1;
	s1 =	smax.u32 s15, $0x1;
	s19 =	sadd.s32 $0x7D0, s6  }
0xd: {  	s21 =	sadd.s32 s5, s6;
	s24 =	sadd.s32 $0x8CA0, s6;
	[dreg:$0x4] =	wrdreg s1  }
0xe: {  	s16 =	sadd.s32 $0x29F000, s8;
	s17 =	sadd.s32 $0x2A1800, s8;
	[dreg:$0x6] =	wrdreg s21  }
0xf: {  	s18 =	sadd.s32 s4, s6;
	s22 =	sadd.s32 s4, s19;
	[dreg:$0x2] =	wrdreg s16  }
0x10: {  	s1 =	sadd.s32 s5, s19;
	s13 =	sadd.s32 s4, s24;
	[dreg:$0x3] =	wrdreg s17  }
0x11: {  	s6 =	sadd.s32 $0x9470, s6;
	s14 =	sadd.s32 s5, s24;
	[dreg:$0x5] =	wrdreg s18  }
0x12: {  	s19 =	simm.s32 $0x9;
	s21 =	simm.s32 $0x7D;
	[dreg:$0x7] =	wrdreg s22  }
0x13: {  	s24 =	simm.s32 $0x1;
	[dreg:$0x8] =	wrdreg s1;
	s15 =	sadd.s32 s4, s6  }
0x14: {  	s16 =	sadd.s32 s5, s6;
	s1 =	sshll.u32 s26, $0x4;
	s17 =	sadd.s32 $0xFA0, s0  }
0x15: {  	s22 =	simm.s32 $0x1400;
	s0 =	simm.s32 $0x5;
	s26 =	simm.s32 $0x7  }
0x16: {  	s6 =	simm.s32 $0x8;
	s18 =	sadd.s32 $0x1770, s1;
	s1 =	simm.s32 $0x4  }
.LBB2_1:
0x17: {  	s8 =	rddreg [dreg:$0x2]  }
0x18: {  	[tilespmem:s2], [sflag:$0x9] =	stream.linear.gather [hbm4b:s8+s2], $0xA00, $0x38;
	[tilespmem:$0x10E00] =	vst v63  }
0x19: {  	_ =	swait.ge [sflag:s19], $0xA00  }
0x1a: {  	[sflag:s19] =	ssyncset.done $0x0  }
0x1b: {  	s9 =	rddreg [dreg:$0x3];
	[sflag:s19] =	ssyncadd.s32 $0xFFFFF600  }
0x1c: {  	[tilespmem:s20], [sflag:$0x9] =	stream.linear.gather [hbm4b:s9+s2], $0xA00, $0x38;
	[tilespmem:$0x10E00] =	vst v63  }
0x1d: {  	_ =	swait.ge [sflag:s19], $0xA00  }
0x1e: {  	[sflag:s19] =	ssyncset.done $0x0  }
0x1f: {  	[sflag:s19] =	ssyncadd.s32 $0xFFFFF600  }
0x20: {  	[tilespmem:s22], [sflag:$0x1] =	stream.indirect.gather [hbm4b:s3+s21], $0x80, s2, s21, $0xb8;
	[tilespmem:$0x10E00] =	vst v63  }
0x21: {  	_ = 	snop  }
0x22: {  	[tilespmem:s23], [sflag:$0x3] =	stream.indirect.gather [hbm4b:s3+s21], $0x80, s20, s21, $0xb8;
	[tilespmem:$0x10E00] =	vst v63  }
0x23: {  	_ =	swait.ge [sflag:s24], $0x3E80  }
0x24: {  	[sflag:s24] =	ssyncset.done $0x0  }
0x25: {  	[sflag:s24] =	ssyncadd.s32 $0xFFFFC180  }
0x26: {  	_ =	swait.ge [sflag:s25], $0x3E80  }
0x27: {  	[sflag:s25] =	ssyncset.done $0x0  }
0x28: {  	s10 =	simm.s32 $0x80;
	[sflag:s25] =	ssyncadd.s32 $0xFFFFC180  }
0x29: {  	[tilespmem:s28], [sflag:$0x2] =	stream.indirect.gather [hbm4b:s3+s21], $0x80, s10, s21, $0xb8;
	[tilespmem:$0x10E00] =	vst v63  }
0x2a: {  	s11 =	simm.s32 $0xA80  }
0x2b: {  	[tilespmem:s30], [sflag:$0x4] =	stream.indirect.gather [hbm4b:s3+s21], $0x80, s11, s21, $0xb8;
	[tilespmem:$0x10E00] =	vst v63  }
0x2c: {  	s12 =	rddreg [dreg:$0x5]  }
0x2d: {  	[hbm4b:s12+s2] =	stream.linear.scatter [tilespmem:s22], [sflag:$0x5], $0x3E80, $0x38;
	[tilespmem:$0x10E00] =	vst v63  }
0x2e: {  	s9 =	rddreg [dreg:$0x6]  }
0x2f: {  	[hbm4b:s9+s2] =	stream.linear.scatter [tilespmem:s23], [sflag:$0x7], $0x3E80, $0x38;
	[tilespmem:$0x10E00] =	vst v63  }
0x30: {  	_ =	swait.ge [sflag:s31], $0x3E80  }
0x31: {  	[sflag:s31] =	ssyncset.done $0x0  }
0x32: {  	[sflag:s31] =	ssyncadd.s32 $0xFFFFC180  }
0x33: {  	_ =	swait.ge [sflag:s1], $0x3E80  }
0x34: {  	[sflag:s1] =	ssyncset.done $0x0  }
0x35: {  	[sflag:s1] =	ssyncadd.s32 $0xFFFFC180  }
0x36: {  	_ =	swait.ge [sflag:s0], $0x3E80  }
0x37: {  	[sflag:s0] =	ssyncset.done $0x0  }
0x38: {  	[sflag:s0] =	ssyncadd.s32 $0xFFFFC180  }
0x39: {  	_ =	swait.ge [sflag:s26], $0x3E80  }
0x3a: {  	[sflag:s26] =	ssyncset.done $0x0  }
0x3b: {  	s10 =	simm.s32 $0x100;
	[sflag:s26] =	ssyncadd.s32 $0xFFFFC180  }
0x3c: {  	[tilespmem:s22], [sflag:$0x1] =	stream.indirect.gather [hbm4b:s3+s21], $0x80, s10, s21, $0xb8;
	[tilespmem:$0x10E00] =	vst v63  }
0x3d: {  	s11 =	simm.s32 $0xB00  }
0x3e: {  	[tilespmem:s23], [sflag:$0x3] =	stream.indirect.gather [hbm4b:s3+s21], $0x80, s11, s21, $0xb8;
	[tilespmem:$0x10E00] =	vst v63  }
0x3f: {  	s12 =	rddreg [dreg:$0x7]  }
0x40: {  	[hbm4b:s12+s2] =	stream.linear.scatter [tilespmem:s28], [sflag:$0x6], $0x3E80, $0x38;
	[tilespmem:$0x10E00] =	vst v63  }
0x41: {  	s9 =	rddreg [dreg:$0x8]  }
0x42: {  	[hbm4b:s9+s2] =	stream.linear.scatter [tilespmem:s30], [sflag:$0x8], $0x3E80, $0x38;
	[tilespmem:$0x10E00] =	vst v63  }
0x43: {  	_ =	swait.ge [sflag:s24], $0x3E80  }
0x44: {  	[sflag:s24] =	ssyncset.done $0x0  }
0x45: {  	[sflag:s24] =	ssyncadd.s32 $0xFFFFC180  }
0x46: {  	_ =	swait.ge [sflag:s25], $0x3E80  }
0x47: {  	[sflag:s25] =	ssyncset.done $0x0  }
0x48: {  	[sflag:s25] =	ssyncadd.s32 $0xFFFFC180  }
0x49: {  	_ =	swait.ge [sflag:s29], $0x3E80  }
0x4a: {  	[sflag:s29] =	ssyncset.done $0x0  }
0x4b: {  	[sflag:s29] =	ssyncadd.s32 $0xFFFFC180  }
0x4c: {  	_ =	swait.ge [sflag:s6], $0x3E80  }
0x4d: {  	[sflag:s6] =	ssyncset.done $0x0  }
0x4e: {  	s10 =	simm.s32 $0x180;
	[sflag:s6] =	ssyncadd.s32 $0xFFFFC180  }
0x4f: {  	[tilespmem:s28], [sflag:$0x2] =	stream.indirect.gather [hbm4b:s3+s21], $0x80, s10, s21, $0xb8;
	[tilespmem:$0x10E00] =	vst v63  }
0x50: {  	s11 =	simm.s32 $0xB80  }
0x51: {  	[tilespmem:s30], [sflag:$0x4] =	stream.indirect.gather [hbm4b:s3+s21], $0x80, s11, s21, $0xb8;
	[tilespmem:$0x10E00] =	vst v63  }
0x52: {  	s12 =	sadd.s32 s17, s4  }
0x53: {  	[hbm4b:s12+s2] =	stream.linear.scatter [tilespmem:s22], [sflag:$0x5], $0x3E80, $0x38;
	[tilespmem:$0x10E00] =	vst v63  }
0x54: {  	s9 =	sadd.s32 s17, s5  }
0x55: {  	[hbm4b:s9+s2] =	stream.linear.scatter [tilespmem:s23], [sflag:$0x7], $0x3E80, $0x38;
	[tilespmem:$0x10E00] =	vst v63  }
0x56: {  	_ =	swait.ge [sflag:s31], $0x3E80  }
0x57: {  	[sflag:s31] =	ssyncset.done $0x0  }
0x58: {  	[sflag:s31] =	ssyncadd.s32 $0xFFFFC180  }
0x59: {  	_ =	swait.ge [sflag:s1], $0x3E80  }
0x5a: {  	[sflag:s1] =	ssyncset.done $0x0  }
0x5b: {  	[sflag:s1] =	ssyncadd.s32 $0xFFFFC180  }
0x5c: {  	_ =	swait.ge [sflag:s0], $0x3E80  }
0x5d: {  	[sflag:s0] =	ssyncset.done $0x0  }
0x5e: {  	[sflag:s0] =	ssyncadd.s32 $0xFFFFC180  }
0x5f: {  	_ =	swait.ge [sflag:s26], $0x3E80  }
0x60: {  	[sflag:s26] =	ssyncset.done $0x0  }
0x61: {  	s10 =	simm.s32 $0x200;
	[sflag:s26] =	ssyncadd.s32 $0xFFFFC180  }
0x62: {  	[tilespmem:s22], [sflag:$0x1] =	stream.indirect.gather [hbm4b:s3+s21], $0x80, s10, s21, $0xb8;
	[tilespmem:$0x10E00] =	vst v63  }
0x63: {  	s8 =	simm.s32 $0x400;
	s11 =	simm.s32 $0xC00;
	s12 =	sadd.s32 s18, s4  }
0x64: {  	[tilespmem:s23], [sflag:$0x3] =	stream.indirect.gather [hbm4b:s3+s21], $0x80, s11, s21, $0xb8;
	[tilespmem:$0x10E00] =	vst v63  }
0x65: {  	s9 =	sadd.s32 $0xFA0, s17;
	s10 =	sadd.s32 $0xFA0, s18;
	s11 =	sadd.s32 s18, s5  }
0x66: {  	[hbm4b:s12+s2] =	stream.linear.scatter [tilespmem:s28], [sflag:$0x6], $0x3E80, $0x38;
	[tilespmem:$0x10E00] =	vst v63  }
.LBB2_2:
0x67: {  	[hbm4b:s11+s2] =	stream.linear.scatter [tilespmem:s30], [sflag:$0x8], $0x3E80, $0x38;
	[tilespmem:$0x10E00] =	vst v63  }
0x68: {  	s11 =	smov.u32 s8  }
0x69: {  	p0 =	sne.s32 s8, $0x1C00;
	s8 =	sadd.s32 $0x400, s8;
	_ =	swait.ge [sflag:s24], $0x3E80  }
0x6a: {  	[sflag:s24] =	ssyncset.done $0x0  }
0x6b: {  	[sflag:s24] =	ssyncadd.s32 $0xFFFFC180  }
0x6c: {  	_ =	swait.ge [sflag:s25], $0x3E80  }
0x6d: {  	[sflag:s25] =	ssyncset.done $0x0  }
0x6e: {  	[sflag:s25] =	ssyncadd.s32 $0xFFFFC180  }
0x6f: {  	_ =	swait.ge [sflag:s29], $0x3E80  }
0x70: {  	[sflag:s29] =	ssyncset.done $0x0  }
0x71: {  	[sflag:s29] =	ssyncadd.s32 $0xFFFFC180  }
0x72: {  	_ =	swait.ge [sflag:s6], $0x3E80  }
0x73: {  	s11 =	sshra.s32 s11, $0x2;
	[sflag:s6] =	ssyncset.done $0x0  }
0x74: {  	s12 =	sadd.s32 $0x180, s11;
	[sflag:s6] =	ssyncadd.s32 $0xFFFFC180  }
0x75: {  	[tilespmem:s28], [sflag:$0x2] =	stream.indirect.gather [hbm4b:s3+s21], $0x80, s12, s21, $0xb8;
	[tilespmem:$0x10E00] =	vst v63  }
0x76: {  	s12 =	sadd.s32 $0xB80, s11  }
0x77: {  	[tilespmem:s30], [sflag:$0x4] =	stream.indirect.gather [hbm4b:s3+s21], $0x80, s12, s21, $0xb8;
	[tilespmem:$0x10E00] =	vst v63  }
0x78: {  	s12 =	sadd.s32 s9, s4  }
0x79: {  	[hbm4b:s12+s2] =	stream.linear.scatter [tilespmem:s22], [sflag:$0x5], $0x3E80, $0x38;
	[tilespmem:$0x10E00] =	vst v63  }
0x7a: {  	s12 =	sadd.s32 s9, s5  }
0x7b: {  	[hbm4b:s12+s2] =	stream.linear.scatter [tilespmem:s23], [sflag:$0x7], $0x3E80, $0x38;
	[tilespmem:$0x10E00] =	vst v63  }
0x7c: {  	_ =	swait.ge [sflag:s31], $0x3E80  }
0x7d: {  	[sflag:s31] =	ssyncset.done $0x0  }
0x7e: {  	[sflag:s31] =	ssyncadd.s32 $0xFFFFC180  }
0x7f: {  	_ =	swait.ge [sflag:s1], $0x3E80  }
0x80: {  	[sflag:s1] =	ssyncset.done $0x0  }
0x81: {  	[sflag:s1] =	ssyncadd.s32 $0xFFFFC180  }
0x82: {  	_ =	swait.ge [sflag:s0], $0x3E80  }
0x83: {  	[sflag:s0] =	ssyncset.done $0x0  }
0x84: {  	[sflag:s0] =	ssyncadd.s32 $0xFFFFC180  }
0x85: {  	_ =	swait.ge [sflag:s26], $0x3E80  }
0x86: {  	[sflag:s26] =	ssyncset.done $0x0  }
0x87: {  	s12 =	sadd.s32 $0x200, s11;
	[sflag:s26] =	ssyncadd.s32 $0xFFFFC180  }
0x88: {  	[tilespmem:s22], [sflag:$0x1] =	stream.indirect.gather [hbm4b:s3+s21], $0x80, s12, s21, $0xb8;
	[tilespmem:$0x10E00] =	vst v63  }
.Ltmp0:
0x89: {  	s11 =	sadd.s32 $0xC00, s11;
	(pc) =	sbr.rel @p0 .LBB2_2-.Ltmp0, $4  }
0x8a: {  	[tilespmem:s23], [sflag:$0x3] =	stream.indirect.gather [hbm4b:s3+s21], $0x80, s11, s21, $0xb8;
	[tilespmem:$0x10E00] =	vst v63  }
0x8b: {  	s11 =	sadd.s32 s10, s4  }
0x8c: {  	[hbm4b:s11+s2] =	stream.linear.scatter [tilespmem:s28], [sflag:$0x6], $0x3E80, $0x38;
	[tilespmem:$0x10E00] =	vst v63  }
0x8d: {  	s9 =	sadd.s32 $0xFA0, s9;
	s11 =	sadd.s32 s10, s5;
	s10 =	sadd.s32 $0xFA0, s10  }
0x8e: {  	[hbm4b:s11+s2] =	stream.linear.scatter [tilespmem:s30], [sflag:$0x8], $0x3E80, $0x38;
	[tilespmem:$0x10E00] =	vst v63  }
0x8f: {  	_ =	swait.ge [sflag:s24], $0x3E80  }
0x90: {  	[sflag:s24] =	ssyncset.done $0x0  }
0x91: {  	[sflag:s24] =	ssyncadd.s32 $0xFFFFC180  }
0x92: {  	_ =	swait.ge [sflag:s25], $0x3E80  }
0x93: {  	[sflag:s25] =	ssyncset.done $0x0  }
0x94: {  	[sflag:s25] =	ssyncadd.s32 $0xFFFFC180  }
0x95: {  	_ =	swait.ge [sflag:s29], $0x3E80  }
0x96: {  	[sflag:s29] =	ssyncset.done $0x0  }
0x97: {  	[sflag:s29] =	ssyncadd.s32 $0xFFFFC180  }
0x98: {  	_ =	swait.ge [sflag:s6], $0x3E80  }
0x99: {  	[sflag:s6] =	ssyncset.done $0x0  }
0x9a: {  	s8 =	simm.s32 $0x980;
	[sflag:s6] =	ssyncadd.s32 $0xFFFFC180  }
0x9b: {  	[tilespmem:s28], [sflag:$0x2] =	stream.indirect.gather [hbm4b:s3+s21], $0x80, s8, s21, $0xb8;
	[tilespmem:$0x10E00] =	vst v63  }
0x9c: {  	s11 =	simm.s32 $0x1380  }
0x9d: {  	[tilespmem:s30], [sflag:$0x4] =	stream.indirect.gather [hbm4b:s3+s21], $0x80, s11, s21, $0xb8;
	[tilespmem:$0x10E00] =	vst v63  }
0x9e: {  	_ = 	snop  }
0x9f: {  	[hbm4b:s13+s2] =	stream.linear.scatter [tilespmem:s22], [sflag:$0x5], $0x3E80, $0x38;
	[tilespmem:$0x10E00] =	vst v63  }
0xa0: {  	_ = 	snop  }
0xa1: {  	[hbm4b:s14+s2] =	stream.linear.scatter [tilespmem:s23], [sflag:$0x7], $0x3E80, $0x38;
	[tilespmem:$0x10E00] =	vst v63  }
0xa2: {  	_ =	swait.ge [sflag:s31], $0x3E80  }
0xa3: {  	[sflag:s31] =	ssyncset.done $0x0  }
0xa4: {  	[sflag:s31] =	ssyncadd.s32 $0xFFFFC180  }
0xa5: {  	_ =	swait.ge [sflag:s1], $0x3E80  }
0xa6: {  	[sflag:s1] =	ssyncset.done $0x0  }
0xa7: {  	[sflag:s1] =	ssyncadd.s32 $0xFFFFC180  }
0xa8: {  	[hbm4b:s15+s2] =	stream.linear.scatter [tilespmem:s28], [sflag:$0x6], $0x3E80, $0x38;
	[tilespmem:$0x10E00] =	vst v63  }
0xa9: {  	_ = 	snop  }
0xaa: {  	[hbm4b:s16+s2] =	stream.linear.scatter [tilespmem:s30], [sflag:$0x8], $0x3E80, $0x38;
	[tilespmem:$0x10E00] =	vst v63  }
0xab: {  	_ =	swait.ge [sflag:s0], $0x3E80  }
0xac: {  	[sflag:s0] =	ssyncset.done $0x0  }
0xad: {  	[sflag:s0] =	ssyncadd.s32 $0xFFFFC180  }
0xae: {  	_ =	swait.ge [sflag:s26], $0x3E80  }
0xaf: {  	[sflag:s26] =	ssyncset.done $0x0  }
0xb0: {  	[sflag:s26] =	ssyncadd.s32 $0xFFFFC180  }
0xb1: {  	_ =	swait.ge [sflag:s29], $0x3E80  }
0xb2: {  	[sflag:s29] =	ssyncset.done $0x0  }
0xb3: {  	[sflag:s29] =	ssyncadd.s32 $0xFFFFC180  }
0xb4: {  	_ =	swait.ge [sflag:s6], $0x3E80  }
0xb5: {  	s7 =	sadd.s32 $0x1, s7;
	s12 =	rddreg [dreg:$0x4]  }
0xb6: {  	p0 =	sne.s32 s7, s12  }
.Ltmp1:
0xb7: {  	_ = 	snop;
	(pc) =	sbr.rel @p0 .LBB2_1-.Ltmp1, $3  }
0xb8: {  	_ =	sdelay $0x1  }
0xb9: {  	[sflag:s6] =	ssyncset.done $0x0  }
0xba: {  	[sflag:s6] =	ssyncadd.s32 $0xFFFFC180  }
0xbb: {  	_ =	sfence.sel $0x180000  }
0xbc: {  	[bflag:$0x0] =	sbarrier.arrive $0xFFFF  }
0xbd: {  	_ =	strace $0x90000053  }
0xbe: {  	s0 =	stileid.u32;
	[bflag:$0x2] =	sbarrier.arrive $0xFFFF  }
0xbf: {  	p0 =	sne.s32 s0, $0x0;
	s0 =	rddreg [dreg:$0x1]  }
0xc0: {  	s0 =	sadd.s32 @!p0 $0x100000, s0  }
0xc1: {  	[sflag:s0] =	ssyncadd.tile.s32 @!p0 $0x1;
	_ =	shalt  }
.Lfunc_end2:
_tile_overlayer_lowered:
.L_overlay_start_2:
0xc2: {  	(tag) =	ssettag $0x2  }
0xc3: {  	s0 =	rddreg [dreg:$0x0];
	s2 =	stileid.u32  }
0xc4: {  	s1 =	rddreg [dreg:$0x1];
	p0 =	sne.s32 s2, $0x0  }
0xc5: {  	s3 =	rddreg [dreg:$0x2];
	[bflag:$0x3] =	sbarrier.arrive $0xFFFF;
	s2 =	simm.s32 @!p0 $0x1C09  }
0xc6: {  	[timem:s3], [sflag:s2] =	dma.local @!p0 [hbm:s0], s1  }
0xc7: {  	s0 =	simm.s32 @!p0 $0x9  }
0xc8: {  	_ =	swait.ge @!p0 [sflag:s0], s1  }
0xc9: {  	s1 =	ssub.s32 @!p0 $0x0, s1;
	[sflag:s0] =	ssyncset.done @!p0 $0x0  }
0xca: {  	[sflag:s0] =	ssyncadd.s32 @!p0 s1  }
0xcb: {  	[bflag:$0x3] =	sbarrier.arrive $0xFFFF  }
0xcc: {  	_ =	shalt  }

// kernel: kernel.35.cloned.1.call-start
scs
__scs_entry_jumppad:
0x0: {  	(pc) =	sbr.rel $0x88, $3  }
0x1: {  	(tag) =	ssettag $0x0;
	lr =	simm.s32 $0x1  }
0x2: {  	[smem:$0x3F9B] =	sst lr;
	_ =	strace $0xD0000000  }
0x3: {  	_ = 	snop  }
0x4: {  	_ = 	snop  }
0x5: {  	_ = 	snop  }
0x6: {  	_ = 	snop  }
0x7: {  	_ = 	snop  }
__scs_overlays_trampoline_lowered:
0x8: {  	[smem:$0x3FAA] =	sst s0  }
0x9: {  	[smem:$0x3FAB] =	sst s1  }
0xa: {  	[smem:$0x3FAC] =	sst s2  }
0xb: {  	[smem:$0x3FAD] =	sst s3  }
0xc: {  	[smem:$0x3FAE] =	sst s4  }
0xd: {  	[smem:$0x3FAF] =	sst s5  }
0xe: {  	[smem:$0x3FB0] =	sst s6  }
0xf: {  	[smem:$0x3FB1] =	sst s7  }
0x10: {  	[smem:$0x3FB2] =	sst s8  }
0x11: {  	[smem:$0x3FB3] =	sst s9;
	s0 =	simm.s32 @!p0 $0x0  }
0x12: {  	s1 =	sld [smem:$0x3F99];
	s0 =	simm.s32 @p0 $0x1  }
0x13: {  	[smem:$0x3FB4] =	sst s0;
	s0 =	simm.s32 @!p1 $0x0  }
0x14: {  	s2 =	sld [smem:$0x3F98];
	s0 =	simm.s32 @p1 $0x1  }
0x15: {  	[smem:$0x3FB5] =	sst s0;
	s0 =	simm.s32 @!p2 $0x0  }
0x16: {  	s3 =	sld [smem:$0x3FDB];
	s0 =	simm.s32 @p2 $0x1  }
0x17: {  	s4 =	simm.s32 $0x1BF5;
	[smem:$0x3FB7] =	sst s0  }
0x18: {  	s0 =	sld [smem:$0x3F9A];
	_ =	swait.ge [sflag:s4], $0x0  }
0x19: {  	s7 =	sld [smem:$0x3F9B]  }
0x1a: {  	s8 =	sadd.s32 $0xFFFFE003, lr  }
0x1b: {  	s9 =	sadd.s32 $0xFFFFFEF7, lr;
	s5 =	simm.s32 $0xFFFFFFFF;
	p2 =	slt.u32 s8, $0xFFFFF086  }
0x1c: {  	p1 =	slt.u32 s9, $0xF7A;
	s5 =	simm.s32 @!p2 $0x0  }
0x1d: {  	s5 =	simm.s32 @p1 $0x1;
	p0 =	seq.s32 s7, s2  }
0x1e: {  	s7 =	smul.u32 @!p0 $0xF7A, s2;
	p2 =	seq.s32 @!p0 s5, $0x0  }
0x1f: {  	s9 =	smul.u32 $0xF7A, s1;
	s8 =	simm.s32 @!p0 $0x1BF5;
	p2 =	por !p2, p0  }
0x20: {  	[sflag:s8] =	ssyncset.s32 @!p0 $0xFFFFF086;
	s6 =	sadd.s32 @!p0 s3, s7;
	s7 =	simm.s32 @!p0 $0x108  }
0x21: {  	s3 =	sadd.s32 s3, s9;
	s6 =	sadd.s32 @!p0 $0x88, s6;
	s7 =	simm.s32 @p2 $0x1082  }
0x22: {  	[simem:s7], [sflag:s8] =	dma.local @!p0 [hbm:s6], $0xF7A  }
0x23: {  	s9 =	sor.u32 $0xD0000000, s2;
	s6 =	simm.s32 $0x108;
	_ =	swait.ge @!p0 [sflag:s8], $0x0  }
0x24: {  	s3 =	sadd.s32 $0x88, s3;
	s6 =	simm.s32 @!p1 $0x1082;
	[sflag:s4] =	ssyncset.s32 $0xFFFFF086  }
0x25: {  	[simem:s6], [sflag:s4] =	dma.local [hbm:s3], $0xF7A  }
0x26: {  	[smem:$0x3F9B] =	sst s1;
	(tag) =	ssettag s2;
	_ =	strace s9  }
0x27: {  	s1 =	sld [smem:$0x3FAB]  }
0x28: {  	s2 =	sld [smem:$0x3FAC]  }
0x29: {  	s4 =	sld [smem:$0x3FAE]  }
0x2a: {  	p0 =	seq.s32 s5, $0x0;
	s5 =	sld [smem:$0x3FAF]  }
0x2b: {  	s6 =	sld [smem:$0x3FB0]  }
0x2c: {  	s7 =	sld [smem:$0x3FB1]  }
0x2d: {  	s3 =	simm.s32 $0x108;
	s8 =	sld [smem:$0x3FB2]  }
0x2e: {  	s3 =	simm.s32 @!p0 $0x1082;
	s9 =	sld [smem:$0x3FB3]  }
0x2f: {  	lr =	sadd.s32 s0, s3;
	s0 =	sld [smem:$0x3FAA]  }
0x30: {  	s3 =	sld [smem:$0x3FAD]  }
0x31: {  	[smem:$0x3FB6] =	sst s10  }
0x32: {  	s10 =	sld [smem:$0x3FB4];
	_ =	sdelay $0x3  }
0x33: {  	p0 =	seq.s32 s10, $0x1;
	s10 =	sld [smem:$0x3FB6];
	_ =	sdelay $0x3  }
0x34: {  	[smem:$0x3FB6] =	sst s10  }
0x35: {  	s10 =	sld [smem:$0x3FB5];
	_ =	sdelay $0x3  }
0x36: {  	p1 =	seq.s32 s10, $0x1;
	s10 =	sld [smem:$0x3FB6];
	_ =	sdelay $0x3  }
0x37: {  	[smem:$0x3FB6] =	sst s10  }
0x38: {  	s10 =	sld [smem:$0x3FB7]  }
0x39: {  	_ = 	snop;
	(pc) =	sbr.ind lr, $3  }
0x3a: {  	_ = 	snop  }
0x3b: {  	_ = 	snop  }
0x3c: {  	p2 =	seq.s32 s10, $0x1;
	s10 =	sld [smem:$0x3FB6]  }
0x3d: {  	_ =	shalt  }
0x3e: {  	_ =	shalt  }
0x3f: {  	_ =	shalt  }
0x40: {  	_ =	shalt  }
0x41: {  	_ =	shalt  }
0x42: {  	_ =	shalt  }
0x43: {  	_ =	shalt  }
0x44: {  	_ =	shalt  }
0x45: {  	_ =	shalt  }
0x46: {  	_ =	shalt  }
0x47: {  	_ =	shalt  }
0x48: {  	_ =	shalt  }
0x49: {  	_ =	shalt  }
0x4a: {  	_ =	shalt  }
0x4b: {  	_ =	shalt  }
0x4c: {  	_ =	shalt  }
0x4d: {  	_ =	shalt  }
0x4e: {  	_ =	shalt  }
0x4f: {  	_ =	shalt  }
0x50: {  	_ =	shalt  }
0x51: {  	_ =	shalt  }
0x52: {  	_ =	shalt  }
0x53: {  	_ =	shalt  }
0x54: {  	_ =	shalt  }
0x55: {  	_ =	shalt  }
0x56: {  	_ =	shalt  }
0x57: {  	_ =	shalt  }
0x58: {  	_ =	shalt  }
0x59: {  	_ =	shalt  }
0x5a: {  	_ =	shalt  }
0x5b: {  	_ =	shalt  }
0x5c: {  	_ =	shalt  }
0x5d: {  	_ =	shalt  }
0x5e: {  	_ =	shalt  }
0x5f: {  	_ =	shalt  }
0x60: {  	_ =	shalt  }
0x61: {  	_ =	shalt  }
0x62: {  	_ =	shalt  }
0x63: {  	_ =	shalt  }
0x64: {  	_ =	shalt  }
0x65: {  	_ =	shalt  }
0x66: {  	_ =	shalt  }
0x67: {  	_ =	shalt  }
0x68: {  	_ =	shalt  }
0x69: {  	_ =	shalt  }
0x6a: {  	_ =	shalt  }
0x6b: {  	_ =	shalt  }
0x6c: {  	_ =	shalt  }
0x6d: {  	_ =	shalt  }
0x6e: {  	_ =	shalt  }
0x6f: {  	_ =	shalt  }
0x70: {  	_ =	shalt  }
0x71: {  	_ =	shalt  }
0x72: {  	_ =	shalt  }
0x73: {  	_ =	shalt  }
0x74: {  	_ =	shalt  }
0x75: {  	_ =	shalt  }
0x76: {  	_ =	shalt  }
0x77: {  	_ =	shalt  }
0x78: {  	_ =	shalt  }
0x79: {  	_ =	shalt  }
0x7a: {  	_ =	shalt  }
0x7b: {  	_ =	shalt  }
0x7c: {  	_ =	shalt  }
0x7d: {  	_ =	shalt  }
0x7e: {  	_ =	shalt  }
0x7f: {  	_ =	shalt  }
0x80: {  	_ =	shalt  }
0x81: {  	_ =	shalt  }
0x82: {  	_ =	shalt  }
0x83: {  	_ =	shalt  }
0x84: {  	_ =	shalt  }
0x85: {  	_ =	shalt  }
0x86: {  	_ =	shalt  }
0x87: {  	_ =	shalt  }
.Lfunc_end0:
.L_simem_size_0:
called_computation.6_lowered:
.L_overlay_start_0:
0x88: {  	s2 =	sld [smem:$0x3FD9]  }
0x89: {  	s3 =	sld [smem:$0x3FFE];
	_ =	sdelay $0x1  }
0x8a: {  	s1 =	srdreg.scid  }
0x8b: {  	s0 =	sand.u32 $0x1, s1  }
0x8c: {  	s17 =	sshll.u32 s0, $0xA;
	s2 =	sadd.s32 s3, s2  }
0x8d: {  	s2 =	sadd.s32 s2, s17  }
0x8e: {  	[smem:$0x3FC2] =	sst s2  }
0x8f: {  	_ = 	snop  }
0x90: {  	s2 =	sld [smem:$0x3FD0];
	(tm) =	ssettm $0x1  }
0x91: {  	s18 =	sld [smem:$0x3FFB];
	_ =	sdelay $0x3  }
0x92: {  	_ =	strace s18  }
0x93: {  	s3 =	sld [smem:$0x3FFC];
	_ =	sdelay $0x3  }
0x94: {  	_ =	strace s3  }
0x95: {  	s3 =	sld [smem:$0x3FFD];
	_ =	sdelay $0x3  }
0x96: {  	_ =	strace s3  }
0x97: {  	_ =	strace $0x8FFFFFFF  }
0x98: {  	s19 =	sld [smem:$0x3FDB];
	_ =	sdelay $0x1  }
0x99: {  	s4 =	simm.s32 $_scs_section_size  }
0x9a: {  	s5 =	simm.s32 $_size__tile_overlayer_lowered;
	s6 =	simm.s32 $_tile_overlayer_lowered  }
0x9b: {  	s22 =	simm.s32 $0x1BFF;
	s21 =	sshll.u32 s6, $0x1;
	s3 =	sadd.s32 s4, s19  }
0x9c: {  	s7 =	simm.s32 $0x0;
	s20 =	sshll.u32 s5, $0x1;
	s5 =	sadd.s32 s21, s3  }
0x9d: {  	[timem:s7], [sflag:s22] =	dma.local [hbm:s5], s20  }
0x9e: {  	_ =	swait.ge [sflag:s22], s20  }
0x9f: {  	s4 =	ssub.s32 $0x0, s20;
	[sflag:s22] =	ssyncset.done $0x0  }
0xa0: {  	[sflag:s22] =	ssyncadd.s32 s4;
	_ =	sdelay $0x1  }
0xa1: {  	s23 =	simm.s32 $0x1B8B  }
0xa2: {  	_ =	swait.ge [sflag:s23], $0x1  }
0xa3: {  	[sflag:s23] =	ssyncset.done $0x0  }
0xa4: {  	s25 =	simm.s32 $0x1B8E;
	s24 =	sld [smem:$0x3FFE];
	[sflag:s23] =	ssyncadd.s32 $0xFFFFFFFF  }
0xa5: {  	s26 =	simm.s32 $execute0_lowered;
	[smem:$0x3FD2] =	sst s25  }
0xa6: {  	s5 =	sshll.u32 s26, $0x1;
	_ =	strace $0x8000004F;
	[dreg:$0x1] =	wrdreg $0xFFFFFFFF  }
0xa7: {  	s28 =	simm.s32 $_size_execute0_lowered;
	s3 =	sadd.s32 s3, s5;
	[dreg:$0x0] =	wrdreg $0x0  }
0xa8: {  	s5 =	sshll.u32 s28, $0x1;
	[dreg:$0x2] =	wrdreg s3  }
0xa9: {  	[dreg:$0x3] =	wrdreg s5  }
0xaa: {  	[dreg:$0x4] =	wrdreg $0xC0  }
0xab: {  	_ =	task [dreg:s7], $0x5FFFF  }
0xac: {  	[dreg:$0x1] =	wrdreg $0xFFFFFFFF  }
0xad: {  	[dreg:$0x0] =	wrdreg $0x60  }
0xae: {  	[dreg:$0x2] =	wrdreg s24  }
0xaf: {  	[dreg:$0x3] =	wrdreg s2  }
0xb0: {  	[dreg:$0x4] =	wrdreg $0xC  }
0xb1: {  	_ =	task.clear_ibuf [dreg:s7], $0x5FFFF;
	_ =	strace $0x9000004F  }
0xb2: {  	s29 =	simm.s32 $0xC;
	_ =	strace $0x80000051  }
0xb3: {  	_ =	swait.ge [sflag:s29], $0x1  }
0xb4: {  	[sflag:s29] =	ssyncadd.s32 $0xFFFFFFFF  }
0xb5: {  	_ =	strace $0x90000051  }
0xb6: {  	_ =	sfence  }
0xb7: {  	s30 =	sld [smem:$0x0];
	_ =	sdelay $0x2  }
0xb8: {  	s31 =	sshll.u32 s1, $0xD;
	s1 =	sshrl.u32 s1, $0x2  }
0xb9: {  	s3 =	sand.u32 $0x4000, s31;
	s1 =	sadd.s32 s1, s30  }
0xba: {  	s0 =	sor.u32 s3, s0;
	s1 =	sshll.u32 s1, $0x11  }
0xbb: {  	s0 =	sor.u32 s1, s0  }
0xbc: {  	s0 =	sadd.s32 $0x8F2B, s0  }
0xbd: {  	[sflag:s0] =	ssyncadd.remote.s32 $0x1  }
0xbe: {  	_ =	sfence.sel $0xFFFF  }
0xbf: {  	[dreg:$0x0] =	wrdreg $0xFFFFFFFF;
	(pc) =	sbr.abs _section_cstart, $3  }
0xc0: {  	[dreg:$0x1] =	wrdreg $0xFFFFFFFF  }
0xc1: {  	_ =	task.clear_ibuf [dreg:s7], $0x2FFFF;
	_ =	strace $0x9FFFFFFF  }
0xc2: {  	(tm) =	ssettm $0x7FFFFFFF  }
0xc3: {  	_ =	shalt  }
tec
execute0_lowered:
.L_overlay_start_1:
0x0: {  	(tag) =	ssettag $0x1  }
0x1: {  	s0 =	rddreg [dreg:$0x0];
	s1 =	srdreg.scid  }
0x2: {  	s12 =	stileid.u32;
	s6 =	rddreg [dreg:$0x1];
	s2 =	simm.s32 $0x0  }
0x3: {  	s28 =	simm.s32 $0x5280;
	s30 =	simm.s32 $0xCF80;
	s31 =	simm.s32 $0x2  }
0x4: {  	s29 =	simm.s32 $0x6;
	s1 =	sand.u32 $0x1, s1;
	s20 =	smul.u32 $0x13880, s12  }
0x5: {  	s3 =	sshll.u32 s12, $0x1;
	[smem:$0x7FF] =	sst s2;
	s23 =	smul.u32 $0x1388, s12  }
0x6: {  	s4 =	sadd.s32 $0x2E000, s0;
	s5 =	sadd.s32 $0x166800, s0;
	s25 =	smul.u32 $0x9C4, s1  }
0x7: {  	s7 =	sor.u32 s1, s3;
	s9 =	ssub.s32 $0x2, s1;
	s1 =	smul.u32 $0x9C40, s1  }
0x8: {  	_ =	strace $0x80000050;
	s8 =	smul.u32 $0x140, s7;
	s11 =	sshrl.u32 s9, $0x1  }
0x9: {  	s3 =	sadd.s32 $0x6E00, s0;
	s7 =	smul.u32 $0x9C40, s7;
	s16 =	ssub.s32 s9, s11  }
0xa: {  	s26 =	sadd.s32 s25, s23;
	s1 =	sadd.s32 s1, s20;
	s20 =	simm.s32 $0xA00  }
0xb: {  	s23 =	simm.s32 $0x9100;
	s25 =	simm.s32 $0x3;
	s6 =	sadd.s32 s6, s8  }
0xc: {  	s10 =	sadd.s32 s8, s0;
	s0 =	smax.u32 s16, $0x1;
	[dreg:$0x3] =	wrdreg s6  }
0xd: {  	s18 =	sadd.s32 s4, s7;
	s19 =	sadd.s32 $0x7D0, s7;
	[dreg:$0x5] =	wrdreg s0  }
0xe: {  	s21 =	sadd.s32 s5, s7;
	s24 =	sadd.s32 $0x8CA0, s7;
	[dreg:$0x6] =	wrdreg s18  }
0xf: {  	s7 =	sadd.s32 $0x9470, s7;
	s17 =	sadd.s32 $0x4600, s10;
	[dreg:$0x7] =	wrdreg s21  }
0x10: {  	s22 =	sadd.s32 s4, s19;
	s0 =	sadd.s32 s5, s19;
	s13 =	sadd.s32 s4, s24  }
0x11: {  	s14 =	sadd.s32 s5, s24;
	s15 =	sadd.s32 s4, s7;
	s16 =	sadd.s32 s5, s7  }
0x12: {  	s19 =	simm.s32 $0x9;
	s21 =	simm.s32 $0x7D;
	[dreg:$0x4] =	wrdreg s17  }
0x13: {  	s24 =	simm.s32 $0x1;
	s6 =	simm.s32 $0x8;
	[dreg:$0x8] =	wrdreg s22  }
0x14: {  	s7 =	simm.s32 $0x0;
	[dreg:$0x9] =	wrdreg s0;
	s0 =	sshll.u32 s26, $0x4  }
0x15: {  	s17 =	sadd.s32 $0xFA0, s1;
	s22 =	simm.s32 $0x1400;
	s1 =	simm.s32 $0x4  }
0x16: {  	s26 =	simm.s32 $0x7;
	s18 =	sadd.s32 $0x1770, s0;
	s0 =	simm.s32 $0x5  }
.LBB2_1:
0x17: {  	s8 =	rddreg [dreg:$0x3]  }
0x18: {  	[tilespmem:s2], [sflag:$0x9] =	stream.linear.gather [hbm4b:s8+s2], $0xA00, $0x38;
	[tilespmem:$0x10E00] =	vst v63  }
0x19: {  	_ =	swait.ge [sflag:s19], $0xA00  }
0x1a: {  	[sflag:s19] =	ssyncset.done $0x0  }
0x1b: {  	s9 =	rddreg [dreg:$0x4];
	[sflag:s19] =	ssyncadd.s32 $0xFFFFF600  }
0x1c: {  	[tilespmem:s20], [sflag:$0x9] =	stream.linear.gather [hbm4b:s9+s2], $0xA00, $0x38;
	[tilespmem:$0x10E00] =	vst v63  }
0x1d: {  	_ =	swait.ge [sflag:s19], $0xA00  }
0x1e: {  	[sflag:s19] =	ssyncset.done $0x0  }
0x1f: {  	[sflag:s19] =	ssyncadd.s32 $0xFFFFF600  }
0x20: {  	[tilespmem:s22], [sflag:$0x1] =	stream.indirect.gather [hbm4b:s3+s21], $0x80, s2, s21, $0xb8;
	[tilespmem:$0x10E00] =	vst v63  }
0x21: {  	_ = 	snop  }
0x22: {  	[tilespmem:s23], [sflag:$0x3] =	stream.indirect.gather [hbm4b:s3+s21], $0x80, s20, s21, $0xb8;
	[tilespmem:$0x10E00] =	vst v63  }
0x23: {  	_ =	swait.ge [sflag:s24], $0x3E80  }
0x24: {  	[sflag:s24] =	ssyncset.done $0x0  }
0x25: {  	[sflag:s24] =	ssyncadd.s32 $0xFFFFC180  }
0x26: {  	_ =	swait.ge [sflag:s25], $0x3E80  }
0x27: {  	[sflag:s25] =	ssyncset.done $0x0  }
0x28: {  	s10 =	simm.s32 $0x80;
	[sflag:s25] =	ssyncadd.s32 $0xFFFFC180  }
0x29: {  	[tilespmem:s28], [sflag:$0x2] =	stream.indirect.gather [hbm4b:s3+s21], $0x80, s10, s21, $0xb8;
	[tilespmem:$0x10E00] =	vst v63  }
0x2a: {  	s11 =	simm.s32 $0xA80  }
0x2b: {  	[tilespmem:s30], [sflag:$0x4] =	stream.indirect.gather [hbm4b:s3+s21], $0x80, s11, s21, $0xb8;
	[tilespmem:$0x10E00] =	vst v63  }
0x2c: {  	s12 =	rddreg [dreg:$0x6]  }
0x2d: {  	[hbm4b:s12+s2] =	stream.linear.scatter [tilespmem:s22], [sflag:$0x5], $0x3E80, $0x38;
	[tilespmem:$0x10E00] =	vst v63  }
0x2e: {  	s9 =	rddreg [dreg:$0x7]  }
0x2f: {  	[hbm4b:s9+s2] =	stream.linear.scatter [tilespmem:s23], [sflag:$0x7], $0x3E80, $0x38;
	[tilespmem:$0x10E00] =	vst v63  }
0x30: {  	_ =	swait.ge [sflag:s31], $0x3E80  }
0x31: {  	[sflag:s31] =	ssyncset.done $0x0  }
0x32: {  	[sflag:s31] =	ssyncadd.s32 $0xFFFFC180  }
0x33: {  	_ =	swait.ge [sflag:s1], $0x3E80  }
0x34: {  	[sflag:s1] =	ssyncset.done $0x0  }
0x35: {  	[sflag:s1] =	ssyncadd.s32 $0xFFFFC180  }
0x36: {  	_ =	swait.ge [sflag:s0], $0x3E80  }
0x37: {  	[sflag:s0] =	ssyncset.done $0x0  }
0x38: {  	[sflag:s0] =	ssyncadd.s32 $0xFFFFC180  }
0x39: {  	_ =	swait.ge [sflag:s26], $0x3E80  }
0x3a: {  	[sflag:s26] =	ssyncset.done $0x0  }
0x3b: {  	s10 =	simm.s32 $0x100;
	[sflag:s26] =	ssyncadd.s32 $0xFFFFC180  }
0x3c: {  	[tilespmem:s22], [sflag:$0x1] =	stream.indirect.gather [hbm4b:s3+s21], $0x80, s10, s21, $0xb8;
	[tilespmem:$0x10E00] =	vst v63  }
0x3d: {  	s11 =	simm.s32 $0xB00  }
0x3e: {  	[tilespmem:s23], [sflag:$0x3] =	stream.indirect.gather [hbm4b:s3+s21], $0x80, s11, s21, $0xb8;
	[tilespmem:$0x10E00] =	vst v63  }
0x3f: {  	s12 =	rddreg [dreg:$0x8]  }
0x40: {  	[hbm4b:s12+s2] =	stream.linear.scatter [tilespmem:s28], [sflag:$0x6], $0x3E80, $0x38;
	[tilespmem:$0x10E00] =	vst v63  }
0x41: {  	s9 =	rddreg [dreg:$0x9]  }
0x42: {  	[hbm4b:s9+s2] =	stream.linear.scatter [tilespmem:s30], [sflag:$0x8], $0x3E80, $0x38;
	[tilespmem:$0x10E00] =	vst v63  }
0x43: {  	_ =	swait.ge [sflag:s24], $0x3E80  }
0x44: {  	[sflag:s24] =	ssyncset.done $0x0  }
0x45: {  	[sflag:s24] =	ssyncadd.s32 $0xFFFFC180  }
0x46: {  	_ =	swait.ge [sflag:s25], $0x3E80  }
0x47: {  	[sflag:s25] =	ssyncset.done $0x0  }
0x48: {  	[sflag:s25] =	ssyncadd.s32 $0xFFFFC180  }
0x49: {  	_ =	swait.ge [sflag:s29], $0x3E80  }
0x4a: {  	[sflag:s29] =	ssyncset.done $0x0  }
0x4b: {  	[sflag:s29] =	ssyncadd.s32 $0xFFFFC180  }
0x4c: {  	_ =	swait.ge [sflag:s6], $0x3E80  }
0x4d: {  	[sflag:s6] =	ssyncset.done $0x0  }
0x4e: {  	s10 =	simm.s32 $0x180;
	[sflag:s6] =	ssyncadd.s32 $0xFFFFC180  }
0x4f: {  	[tilespmem:s28], [sflag:$0x2] =	stream.indirect.gather [hbm4b:s3+s21], $0x80, s10, s21, $0xb8;
	[tilespmem:$0x10E00] =	vst v63  }
0x50: {  	s11 =	simm.s32 $0xB80  }
0x51: {  	[tilespmem:s30], [sflag:$0x4] =	stream.indirect.gather [hbm4b:s3+s21], $0x80, s11, s21, $0xb8;
	[tilespmem:$0x10E00] =	vst v63  }
0x52: {  	s12 =	sadd.s32 s17, s4  }
0x53: {  	[hbm4b:s12+s2] =	stream.linear.scatter [tilespmem:s22], [sflag:$0x5], $0x3E80, $0x38;
	[tilespmem:$0x10E00] =	vst v63  }
0x54: {  	s9 =	sadd.s32 s17, s5  }
0x55: {  	[hbm4b:s9+s2] =	stream.linear.scatter [tilespmem:s23], [sflag:$0x7], $0x3E80, $0x38;
	[tilespmem:$0x10E00] =	vst v63  }
0x56: {  	_ =	swait.ge [sflag:s31], $0x3E80  }
0x57: {  	[sflag:s31] =	ssyncset.done $0x0  }
0x58: {  	[sflag:s31] =	ssyncadd.s32 $0xFFFFC180  }
0x59: {  	_ =	swait.ge [sflag:s1], $0x3E80  }
0x5a: {  	[sflag:s1] =	ssyncset.done $0x0  }
0x5b: {  	[sflag:s1] =	ssyncadd.s32 $0xFFFFC180  }
0x5c: {  	_ =	swait.ge [sflag:s0], $0x3E80  }
0x5d: {  	[sflag:s0] =	ssyncset.done $0x0  }
0x5e: {  	[sflag:s0] =	ssyncadd.s32 $0xFFFFC180  }
0x5f: {  	_ =	swait.ge [sflag:s26], $0x3E80  }
0x60: {  	[sflag:s26] =	ssyncset.done $0x0  }
0x61: {  	s10 =	simm.s32 $0x200;
	[sflag:s26] =	ssyncadd.s32 $0xFFFFC180  }
0x62: {  	[tilespmem:s22], [sflag:$0x1] =	stream.indirect.gather [hbm4b:s3+s21], $0x80, s10, s21, $0xb8;
	[tilespmem:$0x10E00] =	vst v63  }
0x63: {  	s8 =	simm.s32 $0x400;
	s11 =	simm.s32 $0xC00;
	s12 =	sadd.s32 s18, s4  }
0x64: {  	[tilespmem:s23], [sflag:$0x3] =	stream.indirect.gather [hbm4b:s3+s21], $0x80, s11, s21, $0xb8;
	[tilespmem:$0x10E00] =	vst v63  }
0x65: {  	s9 =	sadd.s32 $0xFA0, s17;
	s10 =	sadd.s32 $0xFA0, s18;
	s11 =	sadd.s32 s18, s5  }
0x66: {  	[hbm4b:s12+s2] =	stream.linear.scatter [tilespmem:s28], [sflag:$0x6], $0x3E80, $0x38;
	[tilespmem:$0x10E00] =	vst v63  }
.LBB2_2:
0x67: {  	[hbm4b:s11+s2] =	stream.linear.scatter [tilespmem:s30], [sflag:$0x8], $0x3E80, $0x38;
	[tilespmem:$0x10E00] =	vst v63  }
0x68: {  	s11 =	smov.u32 s8  }
0x69: {  	p0 =	sne.s32 s8, $0x1C00;
	s8 =	sadd.s32 $0x400, s8;
	_ =	swait.ge [sflag:s24], $0x3E80  }
0x6a: {  	[sflag:s24] =	ssyncset.done $0x0  }
0x6b: {  	[sflag:s24] =	ssyncadd.s32 $0xFFFFC180  }
0x6c: {  	_ =	swait.ge [sflag:s25], $0x3E80  }
0x6d: {  	[sflag:s25] =	ssyncset.done $0x0  }
0x6e: {  	[sflag:s25] =	ssyncadd.s32 $0xFFFFC180  }
0x6f: {  	_ =	swait.ge [sflag:s29], $0x3E80  }
0x70: {  	[sflag:s29] =	ssyncset.done $0x0  }
0x71: {  	[sflag:s29] =	ssyncadd.s32 $0xFFFFC180  }
0x72: {  	_ =	swait.ge [sflag:s6], $0x3E80  }
0x73: {  	s11 =	sshra.s32 s11, $0x2;
	[sflag:s6] =	ssyncset.done $0x0  }
0x74: {  	s12 =	sadd.s32 $0x180, s11;
	[sflag:s6] =	ssyncadd.s32 $0xFFFFC180  }
0x75: {  	[tilespmem:s28], [sflag:$0x2] =	stream.indirect.gather [hbm4b:s3+s21], $0x80, s12, s21, $0xb8;
	[tilespmem:$0x10E00] =	vst v63  }
0x76: {  	s12 =	sadd.s32 $0xB80, s11  }
0x77: {  	[tilespmem:s30], [sflag:$0x4] =	stream.indirect.gather [hbm4b:s3+s21], $0x80, s12, s21, $0xb8;
	[tilespmem:$0x10E00] =	vst v63  }
0x78: {  	s12 =	sadd.s32 s9, s4  }
0x79: {  	[hbm4b:s12+s2] =	stream.linear.scatter [tilespmem:s22], [sflag:$0x5], $0x3E80, $0x38;
	[tilespmem:$0x10E00] =	vst v63  }
0x7a: {  	s12 =	sadd.s32 s9, s5  }
0x7b: {  	[hbm4b:s12+s2] =	stream.linear.scatter [tilespmem:s23], [sflag:$0x7], $0x3E80, $0x38;
	[tilespmem:$0x10E00] =	vst v63  }
0x7c: {  	_ =	swait.ge [sflag:s31], $0x3E80  }
0x7d: {  	[sflag:s31] =	ssyncset.done $0x0  }
0x7e: {  	[sflag:s31] =	ssyncadd.s32 $0xFFFFC180  }
0x7f: {  	_ =	swait.ge [sflag:s1], $0x3E80  }
0x80: {  	[sflag:s1] =	ssyncset.done $0x0  }
0x81: {  	[sflag:s1] =	ssyncadd.s32 $0xFFFFC180  }
0x82: {  	_ =	swait.ge [sflag:s0], $0x3E80  }
0x83: {  	[sflag:s0] =	ssyncset.done $0x0  }
0x84: {  	[sflag:s0] =	ssyncadd.s32 $0xFFFFC180  }
0x85: {  	_ =	swait.ge [sflag:s26], $0x3E80  }
0x86: {  	[sflag:s26] =	ssyncset.done $0x0  }
0x87: {  	s12 =	sadd.s32 $0x200, s11;
	[sflag:s26] =	ssyncadd.s32 $0xFFFFC180  }
0x88: {  	[tilespmem:s22], [sflag:$0x1] =	stream.indirect.gather [hbm4b:s3+s21], $0x80, s12, s21, $0xb8;
	[tilespmem:$0x10E00] =	vst v63  }
.Ltmp0:
0x89: {  	s11 =	sadd.s32 $0xC00, s11;
	(pc) =	sbr.rel @p0 .LBB2_2-.Ltmp0, $4  }
0x8a: {  	[tilespmem:s23], [sflag:$0x3] =	stream.indirect.gather [hbm4b:s3+s21], $0x80, s11, s21, $0xb8;
	[tilespmem:$0x10E00] =	vst v63  }
0x8b: {  	s11 =	sadd.s32 s10, s4  }
0x8c: {  	[hbm4b:s11+s2] =	stream.linear.scatter [tilespmem:s28], [sflag:$0x6], $0x3E80, $0x38;
	[tilespmem:$0x10E00] =	vst v63  }
0x8d: {  	s9 =	sadd.s32 $0xFA0, s9;
	s11 =	sadd.s32 s10, s5;
	s10 =	sadd.s32 $0xFA0, s10  }
0x8e: {  	[hbm4b:s11+s2] =	stream.linear.scatter [tilespmem:s30], [sflag:$0x8], $0x3E80, $0x38;
	[tilespmem:$0x10E00] =	vst v63  }
0x8f: {  	_ =	swait.ge [sflag:s24], $0x3E80  }
0x90: {  	[sflag:s24] =	ssyncset.done $0x0  }
0x91: {  	[sflag:s24] =	ssyncadd.s32 $0xFFFFC180  }
0x92: {  	_ =	swait.ge [sflag:s25], $0x3E80  }
0x93: {  	[sflag:s25] =	ssyncset.done $0x0  }
0x94: {  	[sflag:s25] =	ssyncadd.s32 $0xFFFFC180  }
0x95: {  	_ =	swait.ge [sflag:s29], $0x3E80  }
0x96: {  	[sflag:s29] =	ssyncset.done $0x0  }
0x97: {  	[sflag:s29] =	ssyncadd.s32 $0xFFFFC180  }
0x98: {  	_ =	swait.ge [sflag:s6], $0x3E80  }
0x99: {  	[sflag:s6] =	ssyncset.done $0x0  }
0x9a: {  	s8 =	simm.s32 $0x980;
	[sflag:s6] =	ssyncadd.s32 $0xFFFFC180  }
0x9b: {  	[tilespmem:s28], [sflag:$0x2] =	stream.indirect.gather [hbm4b:s3+s21], $0x80, s8, s21, $0xb8;
	[tilespmem:$0x10E00] =	vst v63  }
0x9c: {  	s11 =	simm.s32 $0x1380  }
0x9d: {  	[tilespmem:s30], [sflag:$0x4] =	stream.indirect.gather [hbm4b:s3+s21], $0x80, s11, s21, $0xb8;
	[tilespmem:$0x10E00] =	vst v63  }
0x9e: {  	_ = 	snop  }
0x9f: {  	[hbm4b:s13+s2] =	stream.linear.scatter [tilespmem:s22], [sflag:$0x5], $0x3E80, $0x38;
	[tilespmem:$0x10E00] =	vst v63  }
0xa0: {  	_ = 	snop  }
0xa1: {  	[hbm4b:s14+s2] =	stream.linear.scatter [tilespmem:s23], [sflag:$0x7], $0x3E80, $0x38;
	[tilespmem:$0x10E00] =	vst v63  }
0xa2: {  	_ =	swait.ge [sflag:s31], $0x3E80  }
0xa3: {  	[sflag:s31] =	ssyncset.done $0x0  }
0xa4: {  	[sflag:s31] =	ssyncadd.s32 $0xFFFFC180  }
0xa5: {  	_ =	swait.ge [sflag:s1], $0x3E80  }
0xa6: {  	[sflag:s1] =	ssyncset.done $0x0  }
0xa7: {  	[sflag:s1] =	ssyncadd.s32 $0xFFFFC180  }
0xa8: {  	[hbm4b:s15+s2] =	stream.linear.scatter [tilespmem:s28], [sflag:$0x6], $0x3E80, $0x38;
	[tilespmem:$0x10E00] =	vst v63  }
0xa9: {  	_ = 	snop  }
0xaa: {  	[hbm4b:s16+s2] =	stream.linear.scatter [tilespmem:s30], [sflag:$0x8], $0x3E80, $0x38;
	[tilespmem:$0x10E00] =	vst v63  }
0xab: {  	_ =	swait.ge [sflag:s0], $0x3E80  }
0xac: {  	[sflag:s0] =	ssyncset.done $0x0  }
0xad: {  	[sflag:s0] =	ssyncadd.s32 $0xFFFFC180  }
0xae: {  	_ =	swait.ge [sflag:s26], $0x3E80  }
0xaf: {  	[sflag:s26] =	ssyncset.done $0x0  }
0xb0: {  	[sflag:s26] =	ssyncadd.s32 $0xFFFFC180  }
0xb1: {  	_ =	swait.ge [sflag:s29], $0x3E80  }
0xb2: {  	[sflag:s29] =	ssyncset.done $0x0  }
0xb3: {  	[sflag:s29] =	ssyncadd.s32 $0xFFFFC180  }
0xb4: {  	_ =	swait.ge [sflag:s6], $0x3E80  }
0xb5: {  	s7 =	sadd.s32 $0x1, s7;
	s12 =	rddreg [dreg:$0x5]  }
0xb6: {  	p0 =	sne.s32 s7, s12  }
.Ltmp1:
0xb7: {  	_ = 	snop;
	(pc) =	sbr.rel @p0 .LBB2_1-.Ltmp1, $3  }
0xb8: {  	_ =	sdelay $0x1  }
0xb9: {  	[sflag:s6] =	ssyncset.done $0x0  }
0xba: {  	[sflag:s6] =	ssyncadd.s32 $0xFFFFC180  }
0xbb: {  	_ =	sfence.sel $0x180000  }
0xbc: {  	[bflag:$0x0] =	sbarrier.arrive $0xFFFF  }
0xbd: {  	_ =	strace $0x90000050  }
0xbe: {  	s0 =	stileid.u32;
	[bflag:$0x2] =	sbarrier.arrive $0xFFFF  }
0xbf: {  	p0 =	sne.s32 s0, $0x0;
	s0 =	rddreg [dreg:$0x2]  }
0xc0: {  	s0 =	sadd.s32 @!p0 $0x100000, s0  }
0xc1: {  	[sflag:s0] =	ssyncadd.tile.s32 @!p0 $0x1;
	_ =	shalt  }
.Lfunc_end2:
_tile_overlayer_lowered:
.L_overlay_start_2:
0xc2: {  	(tag) =	ssettag $0x2  }
0xc3: {  	s0 =	rddreg [dreg:$0x0];
	s2 =	stileid.u32  }
0xc4: {  	s1 =	rddreg [dreg:$0x1];
	p0 =	sne.s32 s2, $0x0  }
0xc5: {  	s3 =	rddreg [dreg:$0x2];
	[bflag:$0x3] =	sbarrier.arrive $0xFFFF;
	s2 =	simm.s32 @!p0 $0x1C09  }
0xc6: {  	[timem:s3], [sflag:s2] =	dma.local @!p0 [hbm:s0], s1  }
0xc7: {  	s0 =	simm.s32 @!p0 $0x9  }
0xc8: {  	_ =	swait.ge @!p0 [sflag:s0], s1  }
0xc9: {  	s1 =	ssub.s32 @!p0 $0x0, s1;
	[sflag:s0] =	ssyncset.done @!p0 $0x0  }
0xca: {  	[sflag:s0] =	ssyncadd.s32 @!p0 s1  }
0xcb: {  	[bflag:$0x3] =	sbarrier.arrive $0xFFFF  }
0xcc: {  	_ =	shalt  }

</sc_bundles>
